<compile_context>
chip_gen: v7x
topology: tpu7x:2x2x1
jax: 0.10.2.dev20260603
libtpu: 0.0.44.dev20260713+nightly
codegen_flags: <defaults>
</compile_context>

<pallas_src>
import functools

import jax
import jax.numpy as jnp
from jax import lax
from jax.experimental import pallas as pl
from jax.experimental.pallas import tpu as pltpu
from jax.experimental.pallas import tpu_sc as plsc

_N = 16384
_D = 128
_K = 20
_KP1 = _K + 1

_NC = 2
_NS = 16
_L = 16
_NW = _NC * _NS
_EX_PER_TILE = _N // _NW
_G = 16
_GROUPS = _EX_PER_TILE // _G
_ROWS = _G * _KP1
_IDX_PER_TILE = _EX_PER_TILE * _KP1
_HT_BLK = _D * _G
_CHUNK = 16
_NCHUNK = _ROWS // _CHUNK


def _sc_scores_kernel(table_hbm, idx_hbm, ht_hbm, pos_hbm, neg_hbm,
                      idx_v, rows_v0, rows_v1, ht_v0, ht_v1, pos_v, neg_v,
                      gsems, hsems, dsems):
    rows_bufs = (rows_v0, rows_v1)
    ht_bufs = (ht_v0, ht_v1)
    wid = lax.axis_index("s") * _NC + lax.axis_index("c")
    ex_base = wid * _EX_PER_TILE
    blk_base = wid * _GROUPS

    pltpu.sync_copy(idx_hbm.at[pl.ds(wid * _IDX_PER_TILE, _IDX_PER_TILE)],
                    idx_v)

    iota = lax.iota(jnp.int32, _L)
    row_base = iota * _KP1

    _NSTREAM = 160

    def _issue(g, b):
        goff = g * _ROWS
        for j in range(_NSTREAM // _CHUNK):
            pltpu.async_copy(
                table_hbm.at[idx_v.at[pl.ds(goff + j * _CHUNK, _CHUNK)]],
                rows_bufs[b].at[pl.ds(j * _CHUNK, _CHUNK)], gsems[b])

        @pl.loop(0, (_ROWS - _NSTREAM) // _L)
        def _rowgrp(sg):
            vec = idx_v[pl.ds(goff + _NSTREAM + sg * _L, _L)]
            for j in range(_L):
                pltpu.async_copy(table_hbm.at[vec[j]],
                                 rows_bufs[b].at[_NSTREAM + sg * _L + j],
                                 dsems[b])

        pltpu.async_copy(ht_hbm.at[pl.ds((blk_base + g) * _HT_BLK, _HT_BLK)],
                         ht_bufs[b], hsems[b])

    def _drain(g, b):
        goff = g * _ROWS
        for j in range(_NSTREAM // _CHUNK):
            pltpu.make_async_copy(
                table_hbm.at[idx_v.at[pl.ds(goff + j * _CHUNK, _CHUNK)]],
                rows_bufs[b].at[pl.ds(j * _CHUNK, _CHUNK)], gsems[b]).wait()
        pltpu.make_async_copy(
            table_hbm.at[pl.ds(0, _ROWS - _NSTREAM)],
            rows_bufs[b].at[pl.ds(_NSTREAM, _ROWS - _NSTREAM)],
            dsems[b]).wait()
        pltpu.make_async_copy(
            ht_hbm.at[pl.ds((blk_base + g) * _HT_BLK, _HT_BLK)],
            ht_bufs[b], hsems[b]).wait()

    _issue(0, 0)
    _issue(1, 1)

    @pl.loop(0, _GROUPS, step=2)
    def _groups(g0):
        for b in range(2):
            g = g0 + b
            _drain(g, b)

            def _dot_step(d, accs):
                hcol = ht_bufs[b][pl.ds(d * _L, _L)]
                dvec = jnp.full((_L,), d, jnp.int32)
                new = []
                for k in range(_KP1):
                    col = plsc.load_gather(rows_bufs[b], [row_base + k, dvec])
                    new.append(accs[k] + col * hcol)
                return tuple(new)

            accs = lax.fori_loop(
                0, _D, _dot_step,
                tuple(jnp.zeros((_L,), jnp.float32) for _ in range(_KP1)))

            @pl.when(g + 2 < _GROUPS)
            def _():
                _issue(g + 2, b)

            pos_v[...] = accs[0]
            for k in range(1, _KP1):
                neg_v[pl.ds((k - 1) * _L, _L)] = accs[k]
            pltpu.sync_copy(pos_v, pos_hbm.at[pl.ds(ex_base + g * _G, _G)])
            pltpu.sync_copy(neg_v,
                            neg_hbm.at[pl.ds((blk_base + g) * _G * _K,
                                             _G * _K)])


@functools.partial(
    pl.kernel,
    out_type=(
        jax.ShapeDtypeStruct((_N,), jnp.float32),
        jax.ShapeDtypeStruct((_N * _K,), jnp.float32),
    ),
    mesh=plsc.VectorSubcoreMesh(core_axis_name="c", subcore_axis_name="s",
                                num_cores=_NC, num_subcores=_NS),
    compiler_params=pltpu.CompilerParams(needs_layout_passes=False),
    scratch_types=[
        pltpu.VMEM((_IDX_PER_TILE,), jnp.int32),
        pltpu.VMEM((_ROWS, _D), jnp.float32),
        pltpu.VMEM((_ROWS, _D), jnp.float32),
        pltpu.VMEM((_HT_BLK,), jnp.float32),
        pltpu.VMEM((_HT_BLK,), jnp.float32),
        pltpu.VMEM((_G,), jnp.float32),
        pltpu.VMEM((_G * _K,), jnp.float32),
        (pltpu.SemaphoreType.DMA, pltpu.SemaphoreType.DMA),
        (pltpu.SemaphoreType.DMA, pltpu.SemaphoreType.DMA),
        (pltpu.SemaphoreType.DMA, pltpu.SemaphoreType.DMA),
    ],
)
def _sc_scores(table_hbm, idx_hbm, ht_hbm, pos_hbm, neg_hbm,
               idx_v, rows_v0, rows_v1, ht_v0, ht_v1, pos_v, neg_v,
               gsems, hsems, dsems):
    _sc_scores_kernel(table_hbm, idx_hbm, ht_hbm, pos_hbm, neg_hbm,
                      idx_v, rows_v0, rows_v1, ht_v0, ht_v1, pos_v, neg_v,
                      gsems, hsems, dsems)


def _tc_loss_body(pos_ref, neg_ref, out_ref):
    pos = pos_ref[...]
    neg = neg_ref[...]
    total = jnp.sum(jax.nn.log_sigmoid(pos))
    total = total + jnp.sum(jax.nn.log_sigmoid(-neg)) * (1.0 / _K)
    out_ref[0, 0] = -total


def kernel(hidden_state, label_idxex, neg_idxes, out_word_embeddings):
    idx_all = jnp.concatenate(
        [label_idxex.astype(jnp.int32)[:, None],
         neg_idxes.astype(jnp.int32)],
        axis=1).reshape(_N * _KP1)
    ht_flat = (hidden_state.reshape(_N // _G, _G, _D)
               .transpose(0, 2, 1).reshape(_N * _D))

    pos, neg = _sc_scores(out_word_embeddings, idx_all, ht_flat)

    loss = pl.pallas_call(
        _tc_loss_body,
        out_shape=jax.ShapeDtypeStruct((1, 1), jnp.float32),
        out_specs=pl.BlockSpec(memory_space=pltpu.SMEM),
    )(pos.reshape(_N // _D, _D), neg.reshape(_N * _K // _D, _D))
    return loss[0, 0]

# --- scband reference (transcript-rebuilt; emitter-appended) ---
"""Pipeline reference for scband-binary-log-loss-89678917140700 (READ-ONLY COPY).

The authoritative reference and input builder live on the scoring server;
editing this copy changes nothing except your own understanding.
"""

import jax, jax.numpy as jnp
import numpy as np

CORPUS_SIZE = 100000
HIDDEN_DIM = 128
NUM_NEG = 20
BATCH = 16384


def setup_inputs(seed: int = 0) -> dict:
    key = jax.random.key(seed)
    k1, k2, k3, k4 = jax.random.split(key, 4)
    hidden_state = jax.random.normal(k1, (BATCH, HIDDEN_DIM), dtype=jnp.float32)
    label_idxex = jax.random.randint(k2, (BATCH,), 0, CORPUS_SIZE, dtype=jnp.int64) if jax.config.jax_enable_x64 else jax.random.randint(k2, (BATCH,), 0, CORPUS_SIZE, dtype=jnp.int32)
    # negative samples drawn from neg_distr.sampling(num_neg_samples), one draw per example
    neg_idxes = jax.random.randint(k3, (BATCH, NUM_NEG), 0, CORPUS_SIZE, dtype=label_idxex.dtype)
    out_word_embeddings = jax.random.normal(k4, (CORPUS_SIZE, HIDDEN_DIM), dtype=jnp.float32) * 0.02
    return {
        "hidden_state": hidden_state,
        "label_idxex": label_idxex,
        "neg_idxes": neg_idxes,
        "out_word_embeddings": out_word_embeddings,
    }


def reference(hidden_state, label_idxex, neg_idxes, out_word_embeddings):
    # positive term: gather output embeddings for labels, row-wise dot with hidden state
    out_embeds = jnp.take(out_word_embeddings, label_idxex, axis=0)  # [N, D]
    scores = jnp.sum(hidden_state * out_embeds, axis=1)              # [N]
    sig_scores = jax.nn.log_sigmoid(scores)
    total_score = jnp.sum(sig_scores)
    # negative term: for each example i, dot its num_neg sampled embeddings with hidden[i]
    neg_embeds = jnp.take(out_word_embeddings, neg_idxes, axis=0)    # [N, K, D]
    neg_score = -jnp.einsum("nkd,nd->nk", neg_embeds, hidden_state)  # [N, K]
    neg_sig_scores = jnp.mean(jax.nn.log_sigmoid(neg_score), axis=1) # [N]
    total_score = total_score + jnp.sum(neg_sig_scores)
    return -total_score

if __name__ == "__main__":
    import jax
    _d = setup_inputs()
    print(jax.jit(kernel)(*tuple(_d.values())))

</pallas_src>

<mosaic_0001>
#map = affine_map<(d0, d1) -> (0, 0)>
#map1 = affine_map<(d0, d1) -> (0)>
module attributes {stable_mosaic.version = 14 : i64} {
  func.func @_sc_scores(%arg0: i32, %arg1: i32, %arg2: memref<100000x128xf32, #tpu.memory_space<hbm>>, %arg3: memref<344064xi32, #tpu.memory_space<hbm>>, %arg4: memref<2097152xf32, #tpu.memory_space<hbm>>, %arg5: memref<16384xf32, #tpu.memory_space<hbm>>, %arg6: memref<327680xf32, #tpu.memory_space<hbm>>, %arg7: memref<10752xi32, #tpu.memory_space<vmem>>, %arg8: memref<336x128xf32, #tpu.memory_space<vmem>>, %arg9: memref<336x128xf32, #tpu.memory_space<vmem>>, %arg10: memref<2048xf32, #tpu.memory_space<vmem>>, %arg11: memref<2048xf32, #tpu.memory_space<vmem>>, %arg12: memref<16xf32, #tpu.memory_space<vmem>>, %arg13: memref<320xf32, #tpu.memory_space<vmem>>, %arg14: memref<!tpu.dma_semaphore, #tpu.memory_space<semaphore_mem>>, %arg15: memref<!tpu.dma_semaphore, #tpu.memory_space<semaphore_mem>>, %arg16: memref<!tpu.dma_semaphore, #tpu.memory_space<semaphore_mem>>, %arg17: memref<!tpu.dma_semaphore, #tpu.memory_space<semaphore_mem>>, %arg18: memref<!tpu.dma_semaphore, #tpu.memory_space<semaphore_mem>>, %arg19: memref<!tpu.dma_semaphore, #tpu.memory_space<semaphore_mem>>) attributes {dimension_semantics = [#tpu.dimension_semantics<core_parallel>, #tpu.dimension_semantics<subcore_parallel>], iteration_bounds = array<i64: 2, 16>, scalar_prefetch = 0 : i64, scratch_operands = 13 : i64, tpu.core_type = #tpu.core_type<sc_vector_subcore>, window_params = [{transform_indices = #map}, {transform_indices = #map1}, {transform_indices = #map1}, {transform_indices = #map1}, {transform_indices = #map1}]} {
    %mul3A = arith.constant 2 : i32
    %mul3A_0 = arith.muli %arg1, %mul3A : i32
    %add3A = arith.addi %mul3A_0, %arg0 : i32
    %mul3A_1 = arith.constant 512 : i32
    %mul3A_2 = arith.muli %add3A, %mul3A_1 : i32
    %mul3A_3 = arith.constant 32 : i32
    %mul3A_4 = arith.muli %add3A, %mul3A_3 : i32
    %mul3A_5 = arith.constant 10752 : i32
    %mul3A_6 = arith.muli %add3A, %mul3A_5 : i32
    "tpu.region"() ({
      %run_scoped3A = tpu.sem_alloc : memref<!tpu.dma_semaphore, #tpu.memory_space<semaphore_mem>>
      %dma_start3A_195 = tpu.memref_slice %arg3[%mul3A_6] : memref<344064xi32, #tpu.memory_space<hbm>> -> memref<10752xi32, #tpu.memory_space<hbm>>
      %dma_start3A_196 = tpu.memref_slice %arg3[%mul3A_6] : memref<344064xi32, #tpu.memory_space<hbm>> -> memref<10752xi32, #tpu.memory_space<hbm>>
      tpu.enqueue_dma source(%dma_start3A_196 : memref<10752xi32, #tpu.memory_space<hbm>>) target(%arg7 : memref<10752xi32, #tpu.memory_space<vmem>>) target_semaphore(%run_scoped3A : memref<!tpu.dma_semaphore, #tpu.memory_space<semaphore_mem>>)
      %dma_wait3A = tpu.memref_slice %arg3[%mul3A_6] : memref<344064xi32, #tpu.memory_space<hbm>> -> memref<10752xi32, #tpu.memory_space<hbm>>
      %dma_wait3A_197 = tpu.memref_slice %arg3[%mul3A_6] : memref<344064xi32, #tpu.memory_space<hbm>> -> memref<10752xi32, #tpu.memory_space<hbm>>
      tpu.wait_dma2 semaphore(%run_scoped3A : memref<!tpu.dma_semaphore, #tpu.memory_space<semaphore_mem>>) src(%dma_wait3A_197 : memref<10752xi32, #tpu.memory_space<hbm>>) dst(%arg7 : memref<10752xi32, #tpu.memory_space<vmem>>)
      tpu.yield
    }) : () -> ()
    %iota3A = tpu.iota {dimensions = array<i32: 0>} : vector<16xi32>
    %mul3A_7 = arith.constant 21 : i32
    %mul3A_8 = vector.broadcast %mul3A_7 : i32 to vector<16xi32>
    %mul3A_9 = arith.muli %iota3A, %mul3A_8 : vector<16xi32>
    %dma_start3A = arith.constant 0 : i32
    %dma_start3A_10 = arith.constant 0 : i32
    %dma_start3A_11 = tpu.memref_slice %arg8[%dma_start3A, %dma_start3A_10] : memref<336x128xf32, #tpu.memory_space<vmem>> -> memref<16x128xf32, #tpu.memory_space<vmem>>
    %dma_start3A_12 = arith.constant 0 : i32
    %dma_start3A_13 = tpu.memref_slice %arg7[%dma_start3A_12] : memref<10752xi32, #tpu.memory_space<vmem>> -> memref<16xi32, #tpu.memory_space<vmem>>
    %dma_start3A_14 = arith.constant 0 : i32
    %dma_start3A_15 = arith.constant 0 : i32
    %dma_start3A_16 = tpu.memref_slice %arg2[%dma_start3A_14, %dma_start3A_15] : memref<100000x128xf32, #tpu.memory_space<hbm>> -> memref<100000x128xf32, #tpu.memory_space<hbm>>
    tpu.enqueue_indirect_dma source(%dma_start3A_16 : memref<100000x128xf32, #tpu.memory_space<hbm>>) target(%dma_start3A_11 : memref<16x128xf32, #tpu.memory_space<vmem>>) offsets(%dma_start3A_13 : memref<16xi32, #tpu.memory_space<vmem>>) semaphore(%arg14 : memref<!tpu.dma_semaphore, #tpu.memory_space<semaphore_mem>>)
    %dma_start3A_17 = arith.constant 16 : i32
    %dma_start3A_18 = arith.constant 0 : i32
    %dma_start3A_19 = tpu.memref_slice %arg8[%dma_start3A_17, %dma_start3A_18] : memref<336x128xf32, #tpu.memory_space<vmem>> -> memref<16x128xf32, #tpu.memory_space<vmem>>
    %dma_start3A_20 = arith.constant 16 : i32
    %dma_start3A_21 = tpu.memref_slice %arg7[%dma_start3A_20] : memref<10752xi32, #tpu.memory_space<vmem>> -> memref<16xi32, #tpu.memory_space<vmem>>
    %dma_start3A_22 = arith.constant 0 : i32
    %dma_start3A_23 = arith.constant 0 : i32
    %dma_start3A_24 = tpu.memref_slice %arg2[%dma_start3A_22, %dma_start3A_23] : memref<100000x128xf32, #tpu.memory_space<hbm>> -> memref<100000x128xf32, #tpu.memory_space<hbm>>
    tpu.enqueue_indirect_dma source(%dma_start3A_24 : memref<100000x128xf32, #tpu.memory_space<hbm>>) target(%dma_start3A_19 : memref<16x128xf32, #tpu.memory_space<vmem>>) offsets(%dma_start3A_21 : memref<16xi32, #tpu.memory_space<vmem>>) semaphore(%arg14 : memref<!tpu.dma_semaphore, #tpu.memory_space<semaphore_mem>>)
    %dma_start3A_25 = arith.constant 32 : i32
    %dma_start3A_26 = arith.constant 0 : i32
    %dma_start3A_27 = tpu.memref_slice %arg8[%dma_start3A_25, %dma_start3A_26] : memref<336x128xf32, #tpu.memory_space<vmem>> -> memref<16x128xf32, #tpu.memory_space<vmem>>
    %dma_start3A_28 = arith.constant 32 : i32
    %dma_start3A_29 = tpu.memref_slice %arg7[%dma_start3A_28] : memref<10752xi32, #tpu.memory_space<vmem>> -> memref<16xi32, #tpu.memory_space<vmem>>
    %dma_start3A_30 = arith.constant 0 : i32
    %dma_start3A_31 = arith.constant 0 : i32
    %dma_start3A_32 = tpu.memref_slice %arg2[%dma_start3A_30, %dma_start3A_31] : memref<100000x128xf32, #tpu.memory_space<hbm>> -> memref<100000x128xf32, #tpu.memory_space<hbm>>
    tpu.enqueue_indirect_dma source(%dma_start3A_32 : memref<100000x128xf32, #tpu.memory_space<hbm>>) target(%dma_start3A_27 : memref<16x128xf32, #tpu.memory_space<vmem>>) offsets(%dma_start3A_29 : memref<16xi32, #tpu.memory_space<vmem>>) semaphore(%arg14 : memref<!tpu.dma_semaphore, #tpu.memory_space<semaphore_mem>>)
    %dma_start3A_33 = arith.constant 48 : i32
    %dma_start3A_34 = arith.constant 0 : i32
    %dma_start3A_35 = tpu.memref_slice %arg8[%dma_start3A_33, %dma_start3A_34] : memref<336x128xf32, #tpu.memory_space<vmem>> -> memref<16x128xf32, #tpu.memory_space<vmem>>
    %dma_start3A_36 = arith.constant 48 : i32
    %dma_start3A_37 = tpu.memref_slice %arg7[%dma_start3A_36] : memref<10752xi32, #tpu.memory_space<vmem>> -> memref<16xi32, #tpu.memory_space<vmem>>
    %dma_start3A_38 = arith.constant 0 : i32
    %dma_start3A_39 = arith.constant 0 : i32
    %dma_start3A_40 = tpu.memref_slice %arg2[%dma_start3A_38, %dma_start3A_39] : memref<100000x128xf32, #tpu.memory_space<hbm>> -> memref<100000x128xf32, #tpu.memory_space<hbm>>
    tpu.enqueue_indirect_dma source(%dma_start3A_40 : memref<100000x128xf32, #tpu.memory_space<hbm>>) target(%dma_start3A_35 : memref<16x128xf32, #tpu.memory_space<vmem>>) offsets(%dma_start3A_37 : memref<16xi32, #tpu.memory_space<vmem>>) semaphore(%arg14 : memref<!tpu.dma_semaphore, #tpu.memory_space<semaphore_mem>>)
    %dma_start3A_41 = arith.constant 64 : i32
    %dma_start3A_42 = arith.constant 0 : i32
    %dma_start3A_43 = tpu.memref_slice %arg8[%dma_start3A_41, %dma_start3A_42] : memref<336x128xf32, #tpu.memory_space<vmem>> -> memref<16x128xf32, #tpu.memory_space<vmem>>
    %dma_start3A_44 = arith.constant 64 : i32
    %dma_start3A_45 = tpu.memref_slice %arg7[%dma_start3A_44] : memref<10752xi32, #tpu.memory_space<vmem>> -> memref<16xi32, #tpu.memory_space<vmem>>
    %dma_start3A_46 = arith.constant 0 : i32
    %dma_start3A_47 = arith.constant 0 : i32
    %dma_start3A_48 = tpu.memref_slice %arg2[%dma_start3A_46, %dma_start3A_47] : memref<100000x128xf32, #tpu.memory_space<hbm>> -> memref<100000x128xf32, #tpu.memory_space<hbm>>
    tpu.enqueue_indirect_dma source(%dma_start3A_48 : memref<100000x128xf32, #tpu.memory_space<hbm>>) target(%dma_start3A_43 : memref<16x128xf32, #tpu.memory_space<vmem>>) offsets(%dma_start3A_45 : memref<16xi32, #tpu.memory_space<vmem>>) semaphore(%arg14 : memref<!tpu.dma_semaphore, #tpu.memory_space<semaphore_mem>>)
    %dma_start3A_49 = arith.constant 80 : i32
    %dma_start3A_50 = arith.constant 0 : i32
    %dma_start3A_51 = tpu.memref_slice %arg8[%dma_start3A_49, %dma_start3A_50] : memref<336x128xf32, #tpu.memory_space<vmem>> -> memref<16x128xf32, #tpu.memory_space<vmem>>
    %dma_start3A_52 = arith.constant 80 : i32
    %dma_start3A_53 = tpu.memref_slice %arg7[%dma_start3A_52] : memref<10752xi32, #tpu.memory_space<vmem>> -> memref<16xi32, #tpu.memory_space<vmem>>
    %dma_start3A_54 = arith.constant 0 : i32
    %dma_start3A_55 = arith.constant 0 : i32
    %dma_start3A_56 = tpu.memref_slice %arg2[%dma_start3A_54, %dma_start3A_55] : memref<100000x128xf32, #tpu.memory_space<hbm>> -> memref<100000x128xf32, #tpu.memory_space<hbm>>
    tpu.enqueue_indirect_dma source(%dma_start3A_56 : memref<100000x128xf32, #tpu.memory_space<hbm>>) target(%dma_start3A_51 : memref<16x128xf32, #tpu.memory_space<vmem>>) offsets(%dma_start3A_53 : memref<16xi32, #tpu.memory_space<vmem>>) semaphore(%arg14 : memref<!tpu.dma_semaphore, #tpu.memory_space<semaphore_mem>>)
    %dma_start3A_57 = arith.constant 96 : i32
    %dma_start3A_58 = arith.constant 0 : i32
    %dma_start3A_59 = tpu.memref_slice %arg8[%dma_start3A_57, %dma_start3A_58] : memref<336x128xf32, #tpu.memory_space<vmem>> -> memref<16x128xf32, #tpu.memory_space<vmem>>
    %dma_start3A_60 = arith.constant 96 : i32
    %dma_start3A_61 = tpu.memref_slice %arg7[%dma_start3A_60] : memref<10752xi32, #tpu.memory_space<vmem>> -> memref<16xi32, #tpu.memory_space<vmem>>
    %dma_start3A_62 = arith.constant 0 : i32
    %dma_start3A_63 = arith.constant 0 : i32
    %dma_start3A_64 = tpu.memref_slice %arg2[%dma_start3A_62, %dma_start3A_63] : memref<100000x128xf32, #tpu.memory_space<hbm>> -> memref<100000x128xf32, #tpu.memory_space<hbm>>
    tpu.enqueue_indirect_dma source(%dma_start3A_64 : memref<100000x128xf32, #tpu.memory_space<hbm>>) target(%dma_start3A_59 : memref<16x128xf32, #tpu.memory_space<vmem>>) offsets(%dma_start3A_61 : memref<16xi32, #tpu.memory_space<vmem>>) semaphore(%arg14 : memref<!tpu.dma_semaphore, #tpu.memory_space<semaphore_mem>>)
    %dma_start3A_65 = arith.constant 112 : i32
    %dma_start3A_66 = arith.constant 0 : i32
    %dma_start3A_67 = tpu.memref_slice %arg8[%dma_start3A_65, %dma_start3A_66] : memref<336x128xf32, #tpu.memory_space<vmem>> -> memref<16x128xf32, #tpu.memory_space<vmem>>
    %dma_start3A_68 = arith.constant 112 : i32
    %dma_start3A_69 = tpu.memref_slice %arg7[%dma_start3A_68] : memref<10752xi32, #tpu.memory_space<vmem>> -> memref<16xi32, #tpu.memory_space<vmem>>
    %dma_start3A_70 = arith.constant 0 : i32
    %dma_start3A_71 = arith.constant 0 : i32
    %dma_start3A_72 = tpu.memref_slice %arg2[%dma_start3A_70, %dma_start3A_71] : memref<100000x128xf32, #tpu.memory_space<hbm>> -> memref<100000x128xf32, #tpu.memory_space<hbm>>
    tpu.enqueue_indirect_dma source(%dma_start3A_72 : memref<100000x128xf32, #tpu.memory_space<hbm>>) target(%dma_start3A_67 : memref<16x128xf32, #tpu.memory_space<vmem>>) offsets(%dma_start3A_69 : memref<16xi32, #tpu.memory_space<vmem>>) semaphore(%arg14 : memref<!tpu.dma_semaphore, #tpu.memory_space<semaphore_mem>>)
    %dma_start3A_73 = arith.constant 128 : i32
    %dma_start3A_74 = arith.constant 0 : i32
    %dma_start3A_75 = tpu.memref_slice %arg8[%dma_start3A_73, %dma_start3A_74] : memref<336x128xf32, #tpu.memory_space<vmem>> -> memref<16x128xf32, #tpu.memory_space<vmem>>
    %dma_start3A_76 = arith.constant 128 : i32
    %dma_start3A_77 = tpu.memref_slice %arg7[%dma_start3A_76] : memref<10752xi32, #tpu.memory_space<vmem>> -> memref<16xi32, #tpu.memory_space<vmem>>
    %dma_start3A_78 = arith.constant 0 : i32
    %dma_start3A_79 = arith.constant 0 : i32
    %dma_start3A_80 = tpu.memref_slice %arg2[%dma_start3A_78, %dma_start3A_79] : memref<100000x128xf32, #tpu.memory_space<hbm>> -> memref<100000x128xf32, #tpu.memory_space<hbm>>
    tpu.enqueue_indirect_dma source(%dma_start3A_80 : memref<100000x128xf32, #tpu.memory_space<hbm>>) target(%dma_start3A_75 : memref<16x128xf32, #tpu.memory_space<vmem>>) offsets(%dma_start3A_77 : memref<16xi32, #tpu.memory_space<vmem>>) semaphore(%arg14 : memref<!tpu.dma_semaphore, #tpu.memory_space<semaphore_mem>>)
    %dma_start3A_81 = arith.constant 144 : i32
    %dma_start3A_82 = arith.constant 0 : i32
    %dma_start3A_83 = tpu.memref_slice %arg8[%dma_start3A_81, %dma_start3A_82] : memref<336x128xf32, #tpu.memory_space<vmem>> -> memref<16x128xf32, #tpu.memory_space<vmem>>
    %dma_start3A_84 = arith.constant 144 : i32
    %dma_start3A_85 = tpu.memref_slice %arg7[%dma_start3A_84] : memref<10752xi32, #tpu.memory_space<vmem>> -> memref<16xi32, #tpu.memory_space<vmem>>
    %dma_start3A_86 = arith.constant 0 : i32
    %dma_start3A_87 = arith.constant 0 : i32
    %dma_start3A_88 = tpu.memref_slice %arg2[%dma_start3A_86, %dma_start3A_87] : memref<100000x128xf32, #tpu.memory_space<hbm>> -> memref<100000x128xf32, #tpu.memory_space<hbm>>
    tpu.enqueue_indirect_dma source(%dma_start3A_88 : memref<100000x128xf32, #tpu.memory_space<hbm>>) target(%dma_start3A_83 : memref<16x128xf32, #tpu.memory_space<vmem>>) offsets(%dma_start3A_85 : memref<16xi32, #tpu.memory_space<vmem>>) semaphore(%arg14 : memref<!tpu.dma_semaphore, #tpu.memory_space<semaphore_mem>>)
    %scan3A = arith.constant 0 : i32
    %scan3A_89 = arith.constant 11 : i32
    %scan3A_90 = arith.addi %scan3A, %scan3A_89 : i32
    %scan3A_91 = arith.constant 1 : i32
    scf.for %scan3A_195 = %scan3A to %scan3A_90 step %scan3A_91  : i32 {
      %mul3A_196 = arith.constant 1 : i32
      %mul3A_197 = arith.muli %scan3A_195, %mul3A_196 : i32
      %add3A_198 = arith.constant 0 : i32
      %add3A_199 = arith.addi %add3A_198, %mul3A_197 : i32
      %mul3A_200 = arith.constant 16 : i32
      %mul3A_201 = arith.muli %add3A_199, %mul3A_200 : i32
      %add3A_202 = arith.constant 160 : i32
      %add3A_203 = arith.addi %add3A_202, %mul3A_201 : i32
      %get3A = arith.index_cast %add3A_203 : i32 to index
      %get3A_204 = tpu.vector_load %arg7[%get3A] {strides = array<i32>} : memref<10752xi32, #tpu.memory_space<vmem>>, vector<16xi32>,
      %slice3A = vector.extract_strided_slice %get3A_204 {offsets = [0], sizes = [1], strides = [1]} : vector<16xi32> to vector<1xi32>
      %squeeze3A = vector.extract %slice3A[0] : i32 from vector<1xi32>
      %mul3A_205 = arith.constant 16 : i32
      %mul3A_206 = arith.muli %add3A_199, %mul3A_205 : i32
      %add3A_207 = arith.constant 160 : i32
      %add3A_208 = arith.addi %add3A_207, %mul3A_206 : i32
      %add3A_209 = arith.constant 0 : i32
      %add3A_210 = arith.addi %add3A_208, %add3A_209 : i32
      %dma_start3A_211 = arith.constant 0 : i32
      %dma_start3A_212 = tpu.memref_slice %arg8[%add3A_210, %dma_start3A_211] : memref<336x128xf32, #tpu.memory_space<vmem>> -> memref<1x128xf32, #tpu.memory_space<vmem>>
      %dma_start3A_213 = tpu.memref_squeeze %dma_start3A_212 : memref<1x128xf32, #tpu.memory_space<vmem>> -> memref<128xf32, #tpu.memory_space<vmem>>
      %dma_start3A_214 = arith.constant 0 : i32
      %dma_start3A_215 = tpu.memref_slice %arg2[%squeeze3A, %dma_start3A_214] : memref<100000x128xf32, #tpu.memory_space<hbm>> -> memref<1x128xf32, #tpu.memory_space<hbm>>
      %dma_start3A_216 = tpu.memref_squeeze %dma_start3A_215 : memref<1x128xf32, #tpu.memory_space<hbm>> -> memref<128xf32, #tpu.memory_space<hbm>>
      %dma_start3A_217 = arith.constant 0 : i32
      %dma_start3A_218 = tpu.memref_slice %arg8[%add3A_210, %dma_start3A_217] : memref<336x128xf32, #tpu.memory_space<vmem>> -> memref<1x128xf32, #tpu.memory_space<vmem>>
      %dma_start3A_219 = tpu.memref_squeeze %dma_start3A_218 : memref<1x128xf32, #tpu.memory_space<vmem>> -> memref<128xf32, #tpu.memory_space<vmem>>
      %dma_start3A_220 = arith.constant 0 : i32
      %dma_start3A_221 = tpu.memref_slice %arg2[%squeeze3A, %dma_start3A_220] : memref<100000x128xf32, #tpu.memory_space<hbm>> -> memref<1x128xf32, #tpu.memory_space<hbm>>
      %dma_start3A_222 = tpu.memref_squeeze %dma_start3A_221 : memref<1x128xf32, #tpu.memory_space<hbm>> -> memref<128xf32, #tpu.memory_space<hbm>>
      tpu.enqueue_dma source(%dma_start3A_222 : memref<128xf32, #tpu.memory_space<hbm>>) target(%dma_start3A_219 : memref<128xf32, #tpu.memory_space<vmem>>) target_semaphore(%arg18 : memref<!tpu.dma_semaphore, #tpu.memory_space<semaphore_mem>>)
      %slice3A_223 = vector.extract_strided_slice %get3A_204 {offsets = [1], sizes = [1], strides = [1]} : vector<16xi32> to vector<1xi32>
      %squeeze3A_224 = vector.extract %slice3A_223[0] : i32 from vector<1xi32>
      %mul3A_225 = arith.constant 16 : i32
      %mul3A_226 = arith.muli %add3A_199, %mul3A_225 : i32
      %add3A_227 = arith.constant 160 : i32
      %add3A_228 = arith.addi %add3A_227, %mul3A_226 : i32
      %add3A_229 = arith.constant 1 : i32
      %add3A_230 = arith.addi %add3A_228, %add3A_229 : i32
      %dma_start3A_231 = arith.constant 0 : i32
      %dma_start3A_232 = tpu.memref_slice %arg8[%add3A_230, %dma_start3A_231] : memref<336x128xf32, #tpu.memory_space<vmem>> -> memref<1x128xf32, #tpu.memory_space<vmem>>
      %dma_start3A_233 = tpu.memref_squeeze %dma_start3A_232 : memref<1x128xf32, #tpu.memory_space<vmem>> -> memref<128xf32, #tpu.memory_space<vmem>>
      %dma_start3A_234 = arith.constant 0 : i32
      %dma_start3A_235 = tpu.memref_slice %arg2[%squeeze3A_224, %dma_start3A_234] : memref<100000x128xf32, #tpu.memory_space<hbm>> -> memref<1x128xf32, #tpu.memory_space<hbm>>
      %dma_start3A_236 = tpu.memref_squeeze %dma_start3A_235 : memref<1x128xf32, #tpu.memory_space<hbm>> -> memref<128xf32, #tpu.memory_space<hbm>>
      %dma_start3A_237 = arith.constant 0 : i32
      %dma_start3A_238 = tpu.memref_slice %arg8[%add3A_230, %dma_start3A_237] : memref<336x128xf32, #tpu.memory_space<vmem>> -> memref<1x128xf32, #tpu.memory_space<vmem>>
      %dma_start3A_239 = tpu.memref_squeeze %dma_start3A_238 : memref<1x128xf32, #tpu.memory_space<vmem>> -> memref<128xf32, #tpu.memory_space<vmem>>
      %dma_start3A_240 = arith.constant 0 : i32
      %dma_start3A_241 = tpu.memref_slice %arg2[%squeeze3A_224, %dma_start3A_240] : memref<100000x128xf32, #tpu.memory_space<hbm>> -> memref<1x128xf32, #tpu.memory_space<hbm>>
      %dma_start3A_242 = tpu.memref_squeeze %dma_start3A_241 : memref<1x128xf32, #tpu.memory_space<hbm>> -> memref<128xf32, #tpu.memory_space<hbm>>
      tpu.enqueue_dma source(%dma_start3A_242 : memref<128xf32, #tpu.memory_space<hbm>>) target(%dma_start3A_239 : memref<128xf32, #tpu.memory_space<vmem>>) target_semaphore(%arg18 : memref<!tpu.dma_semaphore, #tpu.memory_space<semaphore_mem>>)
      %slice3A_243 = vector.extract_strided_slice %get3A_204 {offsets = [2], sizes = [1], strides = [1]} : vector<16xi32> to vector<1xi32>
      %squeeze3A_244 = vector.extract %slice3A_243[0] : i32 from vector<1xi32>
      %mul3A_245 = arith.constant 16 : i32
      %mul3A_246 = arith.muli %add3A_199, %mul3A_245 : i32
      %add3A_247 = arith.constant 160 : i32
      %add3A_248 = arith.addi %add3A_247, %mul3A_246 : i32
      %add3A_249 = arith.constant 2 : i32
      %add3A_250 = arith.addi %add3A_248, %add3A_249 : i32
      %dma_start3A_251 = arith.constant 0 : i32
      %dma_start3A_252 = tpu.memref_slice %arg8[%add3A_250, %dma_start3A_251] : memref<336x128xf32, #tpu.memory_space<vmem>> -> memref<1x128xf32, #tpu.memory_space<vmem>>
      %dma_start3A_253 = tpu.memref_squeeze %dma_start3A_252 : memref<1x128xf32, #tpu.memory_space<vmem>> -> memref<128xf32, #tpu.memory_space<vmem>>
      %dma_start3A_254 = arith.constant 0 : i32
      %dma_start3A_255 = tpu.memref_slice %arg2[%squeeze3A_244, %dma_start3A_254] : memref<100000x128xf32, #tpu.memory_space<hbm>> -> memref<1x128xf32, #tpu.memory_space<hbm>>
      %dma_start3A_256 = tpu.memref_squeeze %dma_start3A_255 : memref<1x128xf32, #tpu.memory_space<hbm>> -> memref<128xf32, #tpu.memory_space<hbm>>
      %dma_start3A_257 = arith.constant 0 : i32
      %dma_start3A_258 = tpu.memref_slice %arg8[%add3A_250, %dma_start3A_257] : memref<336x128xf32, #tpu.memory_space<vmem>> -> memref<1x128xf32, #tpu.memory_space<vmem>>
      %dma_start3A_259 = tpu.memref_squeeze %dma_start3A_258 : memref<1x128xf32, #tpu.memory_space<vmem>> -> memref<128xf32, #tpu.memory_space<vmem>>
      %dma_start3A_260 = arith.constant 0 : i32
      %dma_start3A_261 = tpu.memref_slice %arg2[%squeeze3A_244, %dma_start3A_260] : memref<100000x128xf32, #tpu.memory_space<hbm>> -> memref<1x128xf32, #tpu.memory_space<hbm>>
      %dma_start3A_262 = tpu.memref_squeeze %dma_start3A_261 : memref<1x128xf32, #tpu.memory_space<hbm>> -> memref<128xf32, #tpu.memory_space<hbm>>
      tpu.enqueue_dma source(%dma_start3A_262 : memref<128xf32, #tpu.memory_space<hbm>>) target(%dma_start3A_259 : memref<128xf32, #tpu.memory_space<vmem>>) target_semaphore(%arg18 : memref<!tpu.dma_semaphore, #tpu.memory_space<semaphore_mem>>)
      %slice3A_263 = vector.extract_strided_slice %get3A_204 {offsets = [3], sizes = [1], strides = [1]} : vector<16xi32> to vector<1xi32>
      %squeeze3A_264 = vector.extract %slice3A_263[0] : i32 from vector<1xi32>
      %mul3A_265 = arith.constant 16 : i32
      %mul3A_266 = arith.muli %add3A_199, %mul3A_265 : i32
      %add3A_267 = arith.constant 160 : i32
      %add3A_268 = arith.addi %add3A_267, %mul3A_266 : i32
      %add3A_269 = arith.constant 3 : i32
      %add3A_270 = arith.addi %add3A_268, %add3A_269 : i32
      %dma_start3A_271 = arith.constant 0 : i32
      %dma_start3A_272 = tpu.memref_slice %arg8[%add3A_270, %dma_start3A_271] : memref<336x128xf32, #tpu.memory_space<vmem>> -> memref<1x128xf32, #tpu.memory_space<vmem>>
      %dma_start3A_273 = tpu.memref_squeeze %dma_start3A_272 : memref<1x128xf32, #tpu.memory_space<vmem>> -> memref<128xf32, #tpu.memory_space<vmem>>
      %dma_start3A_274 = arith.constant 0 : i32
      %dma_start3A_275 = tpu.memref_slice %arg2[%squeeze3A_264, %dma_start3A_274] : memref<100000x128xf32, #tpu.memory_space<hbm>> -> memref<1x128xf32, #tpu.memory_space<hbm>>
      %dma_start3A_276 = tpu.memref_squeeze %dma_start3A_275 : memref<1x128xf32, #tpu.memory_space<hbm>> -> memref<128xf32, #tpu.memory_space<hbm>>
      %dma_start3A_277 = arith.constant 0 : i32
      %dma_start3A_278 = tpu.memref_slice %arg8[%add3A_270, %dma_start3A_277] : memref<336x128xf32, #tpu.memory_space<vmem>> -> memref<1x128xf32, #tpu.memory_space<vmem>>
      %dma_start3A_279 = tpu.memref_squeeze %dma_start3A_278 : memref<1x128xf32, #tpu.memory_space<vmem>> -> memref<128xf32, #tpu.memory_space<vmem>>
      %dma_start3A_280 = arith.constant 0 : i32
      %dma_start3A_281 = tpu.memref_slice %arg2[%squeeze3A_264, %dma_start3A_280] : memref<100000x128xf32, #tpu.memory_space<hbm>> -> memref<1x128xf32, #tpu.memory_space<hbm>>
      %dma_start3A_282 = tpu.memref_squeeze %dma_start3A_281 : memref<1x128xf32, #tpu.memory_space<hbm>> -> memref<128xf32, #tpu.memory_space<hbm>>
      tpu.enqueue_dma source(%dma_start3A_282 : memref<128xf32, #tpu.memory_space<hbm>>) target(%dma_start3A_279 : memref<128xf32, #tpu.memory_space<vmem>>) target_semaphore(%arg18 : memref<!tpu.dma_semaphore, #tpu.memory_space<semaphore_mem>>)
      %slice3A_283 = vector.extract_strided_slice %get3A_204 {offsets = [4], sizes = [1], strides = [1]} : vector<16xi32> to vector<1xi32>
      %squeeze3A_284 = vector.extract %slice3A_283[0] : i32 from vector<1xi32>
      %mul3A_285 = arith.constant 16 : i32
      %mul3A_286 = arith.muli %add3A_199, %mul3A_285 : i32
      %add3A_287 = arith.constant 160 : i32
      %add3A_288 = arith.addi %add3A_287, %mul3A_286 : i32
      %add3A_289 = arith.constant 4 : i32
      %add3A_290 = arith.addi %add3A_288, %add3A_289 : i32
      %dma_start3A_291 = arith.constant 0 : i32
      %dma_start3A_292 = tpu.memref_slice %arg8[%add3A_290, %dma_start3A_291] : memref<336x128xf32, #tpu.memory_space<vmem>> -> memref<1x128xf32, #tpu.memory_space<vmem>>
      %dma_start3A_293 = tpu.memref_squeeze %dma_start3A_292 : memref<1x128xf32, #tpu.memory_space<vmem>> -> memref<128xf32, #tpu.memory_space<vmem>>
      %dma_start3A_294 = arith.constant 0 : i32
      %dma_start3A_295 = tpu.memref_slice %arg2[%squeeze3A_284, %dma_start3A_294] : memref<100000x128xf32, #tpu.memory_space<hbm>> -> memref<1x128xf32, #tpu.memory_space<hbm>>
      %dma_start3A_296 = tpu.memref_squeeze %dma_start3A_295 : memref<1x128xf32, #tpu.memory_space<hbm>> -> memref<128xf32, #tpu.memory_space<hbm>>
      %dma_start3A_297 = arith.constant 0 : i32
      %dma_start3A_298 = tpu.memref_slice %arg8[%add3A_290, %dma_start3A_297] : memref<336x128xf32, #tpu.memory_space<vmem>> -> memref<1x128xf32, #tpu.memory_space<vmem>>
      %dma_start3A_299 = tpu.memref_squeeze %dma_start3A_298 : memref<1x128xf32, #tpu.memory_space<vmem>> -> memref<128xf32, #tpu.memory_space<vmem>>
      %dma_start3A_300 = arith.constant 0 : i32
      %dma_start3A_301 = tpu.memref_slice %arg2[%squeeze3A_284, %dma_start3A_300] : memref<100000x128xf32, #tpu.memory_space<hbm>> -> memref<1x128xf32, #tpu.memory_space<hbm>>
      %dma_start3A_302 = tpu.memref_squeeze %dma_start3A_301 : memref<1x128xf32, #tpu.memory_space<hbm>> -> memref<128xf32, #tpu.memory_space<hbm>>
      tpu.enqueue_dma source(%dma_start3A_302 : memref<128xf32, #tpu.memory_space<hbm>>) target(%dma_start3A_299 : memref<128xf32, #tpu.memory_space<vmem>>) target_semaphore(%arg18 : memref<!tpu.dma_semaphore, #tpu.memory_space<semaphore_mem>>)
      %slice3A_303 = vector.extract_strided_slice %get3A_204 {offsets = [5], sizes = [1], strides = [1]} : vector<16xi32> to vector<1xi32>
      %squeeze3A_304 = vector.extract %slice3A_303[0] : i32 from vector<1xi32>
      %mul3A_305 = arith.constant 16 : i32
      %mul3A_306 = arith.muli %add3A_199, %mul3A_305 : i32
      %add3A_307 = arith.constant 160 : i32
      %add3A_308 = arith.addi %add3A_307, %mul3A_306 : i32
      %add3A_309 = arith.constant 5 : i32
      %add3A_310 = arith.addi %add3A_308, %add3A_309 : i32
      %dma_start3A_311 = arith.constant 0 : i32
      %dma_start3A_312 = tpu.memref_slice %arg8[%add3A_310, %dma_start3A_311] : memref<336x128xf32, #tpu.memory_space<vmem>> -> memref<1x128xf32, #tpu.memory_space<vmem>>
      %dma_start3A_313 = tpu.memref_squeeze %dma_start3A_312 : memref<1x128xf32, #tpu.memory_space<vmem>> -> memref<128xf32, #tpu.memory_space<vmem>>
      %dma_start3A_314 = arith.constant 0 : i32
      %dma_start3A_315 = tpu.memref_slice %arg2[%squeeze3A_304, %dma_start3A_314] : memref<100000x128xf32, #tpu.memory_space<hbm>> -> memref<1x128xf32, #tpu.memory_space<hbm>>
      %dma_start3A_316 = tpu.memref_squeeze %dma_start3A_315 : memref<1x128xf32, #tpu.memory_space<hbm>> -> memref<128xf32, #tpu.memory_space<hbm>>
      %dma_start3A_317 = arith.constant 0 : i32
      %dma_start3A_318 = tpu.memref_slice %arg8[%add3A_310, %dma_start3A_317] : memref<336x128xf32, #tpu.memory_space<vmem>> -> memref<1x128xf32, #tpu.memory_space<vmem>>
      %dma_start3A_319 = tpu.memref_squeeze %dma_start3A_318 : memref<1x128xf32, #tpu.memory_space<vmem>> -> memref<128xf32, #tpu.memory_space<vmem>>
      %dma_start3A_320 = arith.constant 0 : i32
      %dma_start3A_321 = tpu.memref_slice %arg2[%squeeze3A_304, %dma_start3A_320] : memref<100000x128xf32, #tpu.memory_space<hbm>> -> memref<1x128xf32, #tpu.memory_space<hbm>>
      %dma_start3A_322 = tpu.memref_squeeze %dma_start3A_321 : memref<1x128xf32, #tpu.memory_space<hbm>> -> memref<128xf32, #tpu.memory_space<hbm>>
      tpu.enqueue_dma source(%dma_start3A_322 : memref<128xf32, #tpu.memory_space<hbm>>) target(%dma_start3A_319 : memref<128xf32, #tpu.memory_space<vmem>>) target_semaphore(%arg18 : memref<!tpu.dma_semaphore, #tpu.memory_space<semaphore_mem>>)
      %slice3A_323 = vector.extract_strided_slice %get3A_204 {offsets = [6], sizes = [1], strides = [1]} : vector<16xi32> to vector<1xi32>
      %squeeze3A_324 = vector.extract %slice3A_323[0] : i32 from vector<1xi32>
      %mul3A_325 = arith.constant 16 : i32
      %mul3A_326 = arith.muli %add3A_199, %mul3A_325 : i32
      %add3A_327 = arith.constant 160 : i32
      %add3A_328 = arith.addi %add3A_327, %mul3A_326 : i32
      %add3A_329 = arith.constant 6 : i32
      %add3A_330 = arith.addi %add3A_328, %add3A_329 : i32
      %dma_start3A_331 = arith.constant 0 : i32
      %dma_start3A_332 = tpu.memref_slice %arg8[%add3A_330, %dma_start3A_331] : memref<336x128xf32, #tpu.memory_space<vmem>> -> memref<1x128xf32, #tpu.memory_space<vmem>>
      %dma_start3A_333 = tpu.memref_squeeze %dma_start3A_332 : memref<1x128xf32, #tpu.memory_space<vmem>> -> memref<128xf32, #tpu.memory_space<vmem>>
      %dma_start3A_334 = arith.constant 0 : i32
      %dma_start3A_335 = tpu.memref_slice %arg2[%squeeze3A_324, %dma_start3A_334] : memref<100000x128xf32, #tpu.memory_space<hbm>> -> memref<1x128xf32, #tpu.memory_space<hbm>>
      %dma_start3A_336 = tpu.memref_squeeze %dma_start3A_335 : memref<1x128xf32, #tpu.memory_space<hbm>> -> memref<128xf32, #tpu.memory_space<hbm>>
      %dma_start3A_337 = arith.constant 0 : i32
      %dma_start3A_338 = tpu.memref_slice %arg8[%add3A_330, %dma_start3A_337] : memref<336x128xf32, #tpu.memory_space<vmem>> -> memref<1x128xf32, #tpu.memory_space<vmem>>
      %dma_start3A_339 = tpu.memref_squeeze %dma_start3A_338 : memref<1x128xf32, #tpu.memory_space<vmem>> -> memref<128xf32, #tpu.memory_space<vmem>>
      %dma_start3A_340 = arith.constant 0 : i32
      %dma_start3A_341 = tpu.memref_slice %arg2[%squeeze3A_324, %dma_start3A_340] : memref<100000x128xf32, #tpu.memory_space<hbm>> -> memref<1x128xf32, #tpu.memory_space<hbm>>
      %dma_start3A_342 = tpu.memref_squeeze %dma_start3A_341 : memref<1x128xf32, #tpu.memory_space<hbm>> -> memref<128xf32, #tpu.memory_space<hbm>>
      tpu.enqueue_dma source(%dma_start3A_342 : memref<128xf32, #tpu.memory_space<hbm>>) target(%dma_start3A_339 : memref<128xf32, #tpu.memory_space<vmem>>) target_semaphore(%arg18 : memref<!tpu.dma_semaphore, #tpu.memory_space<semaphore_mem>>)
      %slice3A_343 = vector.extract_strided_slice %get3A_204 {offsets = [7], sizes = [1], strides = [1]} : vector<16xi32> to vector<1xi32>
      %squeeze3A_344 = vector.extract %slice3A_343[0] : i32 from vector<1xi32>
      %mul3A_345 = arith.constant 16 : i32
      %mul3A_346 = arith.muli %add3A_199, %mul3A_345 : i32
      %add3A_347 = arith.constant 160 : i32
      %add3A_348 = arith.addi %add3A_347, %mul3A_346 : i32
      %add3A_349 = arith.constant 7 : i32
      %add3A_350 = arith.addi %add3A_348, %add3A_349 : i32
      %dma_start3A_351 = arith.constant 0 : i32
      %dma_start3A_352 = tpu.memref_slice %arg8[%add3A_350, %dma_start3A_351] : memref<336x128xf32, #tpu.memory_space<vmem>> -> memref<1x128xf32, #tpu.memory_space<vmem>>
      %dma_start3A_353 = tpu.memref_squeeze %dma_start3A_352 : memref<1x128xf32, #tpu.memory_space<vmem>> -> memref<128xf32, #tpu.memory_space<vmem>>
      %dma_start3A_354 = arith.constant 0 : i32
      %dma_start3A_355 = tpu.memref_slice %arg2[%squeeze3A_344, %dma_start3A_354] : memref<100000x128xf32, #tpu.memory_space<hbm>> -> memref<1x128xf32, #tpu.memory_space<hbm>>
      %dma_start3A_356 = tpu.memref_squeeze %dma_start3A_355 : memref<1x128xf32, #tpu.memory_space<hbm>> -> memref<128xf32, #tpu.memory_space<hbm>>
      %dma_start3A_357 = arith.constant 0 : i32
      %dma_start3A_358 = tpu.memref_slice %arg8[%add3A_350, %dma_start3A_357] : memref<336x128xf32, #tpu.memory_space<vmem>> -> memref<1x128xf32, #tpu.memory_space<vmem>>
      %dma_start3A_359 = tpu.memref_squeeze %dma_start3A_358 : memref<1x128xf32, #tpu.memory_space<vmem>> -> memref<128xf32, #tpu.memory_space<vmem>>
      %dma_start3A_360 = arith.constant 0 : i32
      %dma_start3A_361 = tpu.memref_slice %arg2[%squeeze3A_344, %dma_start3A_360] : memref<100000x128xf32, #tpu.memory_space<hbm>> -> memref<1x128xf32, #tpu.memory_space<hbm>>
      %dma_start3A_362 = tpu.memref_squeeze %dma_start3A_361 : memref<1x128xf32, #tpu.memory_space<hbm>> -> memref<128xf32, #tpu.memory_space<hbm>>
      tpu.enqueue_dma source(%dma_start3A_362 : memref<128xf32, #tpu.memory_space<hbm>>) target(%dma_start3A_359 : memref<128xf32, #tpu.memory_space<vmem>>) target_semaphore(%arg18 : memref<!tpu.dma_semaphore, #tpu.memory_space<semaphore_mem>>)
      %slice3A_363 = vector.extract_strided_slice %get3A_204 {offsets = [8], sizes = [1], strides = [1]} : vector<16xi32> to vector<1xi32>
      %squeeze3A_364 = vector.extract %slice3A_363[0] : i32 from vector<1xi32>
      %mul3A_365 = arith.constant 16 : i32
      %mul3A_366 = arith.muli %add3A_199, %mul3A_365 : i32
      %add3A_367 = arith.constant 160 : i32
      %add3A_368 = arith.addi %add3A_367, %mul3A_366 : i32
      %add3A_369 = arith.constant 8 : i32
      %add3A_370 = arith.addi %add3A_368, %add3A_369 : i32
      %dma_start3A_371 = arith.constant 0 : i32
      %dma_start3A_372 = tpu.memref_slice %arg8[%add3A_370, %dma_start3A_371] : memref<336x128xf32, #tpu.memory_space<vmem>> -> memref<1x128xf32, #tpu.memory_space<vmem>>
      %dma_start3A_373 = tpu.memref_squeeze %dma_start3A_372 : memref<1x128xf32, #tpu.memory_space<vmem>> -> memref<128xf32, #tpu.memory_space<vmem>>
      %dma_start3A_374 = arith.constant 0 : i32
      %dma_start3A_375 = tpu.memref_slice %arg2[%squeeze3A_364, %dma_start3A_374] : memref<100000x128xf32, #tpu.memory_space<hbm>> -> memref<1x128xf32, #tpu.memory_space<hbm>>
      %dma_start3A_376 = tpu.memref_squeeze %dma_start3A_375 : memref<1x128xf32, #tpu.memory_space<hbm>> -> memref<128xf32, #tpu.memory_space<hbm>>
      %dma_start3A_377 = arith.constant 0 : i32
      %dma_start3A_378 = tpu.memref_slice %arg8[%add3A_370, %dma_start3A_377] : memref<336x128xf32, #tpu.memory_space<vmem>> -> memref<1x128xf32, #tpu.memory_space<vmem>>
      %dma_start3A_379 = tpu.memref_squeeze %dma_start3A_378 : memref<1x128xf32, #tpu.memory_space<vmem>> -> memref<128xf32, #tpu.memory_space<vmem>>
      %dma_start3A_380 = arith.constant 0 : i32
      %dma_start3A_381 = tpu.memref_slice %arg2[%squeeze3A_364, %dma_start3A_380] : memref<100000x128xf32, #tpu.memory_space<hbm>> -> memref<1x128xf32, #tpu.memory_space<hbm>>
      %dma_start3A_382 = tpu.memref_squeeze %dma_start3A_381 : memref<1x128xf32, #tpu.memory_space<hbm>> -> memref<128xf32, #tpu.memory_space<hbm>>
      tpu.enqueue_dma source(%dma_start3A_382 : memref<128xf32, #tpu.memory_space<hbm>>) target(%dma_start3A_379 : memref<128xf32, #tpu.memory_space<vmem>>) target_semaphore(%arg18 : memref<!tpu.dma_semaphore, #tpu.memory_space<semaphore_mem>>)
      %slice3A_383 = vector.extract_strided_slice %get3A_204 {offsets = [9], sizes = [1], strides = [1]} : vector<16xi32> to vector<1xi32>
      %squeeze3A_384 = vector.extract %slice3A_383[0] : i32 from vector<1xi32>
      %mul3A_385 = arith.constant 16 : i32
      %mul3A_386 = arith.muli %add3A_199, %mul3A_385 : i32
      %add3A_387 = arith.constant 160 : i32
      %add3A_388 = arith.addi %add3A_387, %mul3A_386 : i32
      %add3A_389 = arith.constant 9 : i32
      %add3A_390 = arith.addi %add3A_388, %add3A_389 : i32
      %dma_start3A_391 = arith.constant 0 : i32
      %dma_start3A_392 = tpu.memref_slice %arg8[%add3A_390, %dma_start3A_391] : memref<336x128xf32, #tpu.memory_space<vmem>> -> memref<1x128xf32, #tpu.memory_space<vmem>>
      %dma_start3A_393 = tpu.memref_squeeze %dma_start3A_392 : memref<1x128xf32, #tpu.memory_space<vmem>> -> memref<128xf32, #tpu.memory_space<vmem>>
      %dma_start3A_394 = arith.constant 0 : i32
      %dma_start3A_395 = tpu.memref_slice %arg2[%squeeze3A_384, %dma_start3A_394] : memref<100000x128xf32, #tpu.memory_space<hbm>> -> memref<1x128xf32, #tpu.memory_space<hbm>>
      %dma_start3A_396 = tpu.memref_squeeze %dma_start3A_395 : memref<1x128xf32, #tpu.memory_space<hbm>> -> memref<128xf32, #tpu.memory_space<hbm>>
      %dma_start3A_397 = arith.constant 0 : i32
      %dma_start3A_398 = tpu.memref_slice %arg8[%add3A_390, %dma_start3A_397] : memref<336x128xf32, #tpu.memory_space<vmem>> -> memref<1x128xf32, #tpu.memory_space<vmem>>
      %dma_start3A_399 = tpu.memref_squeeze %dma_start3A_398 : memref<1x128xf32, #tpu.memory_space<vmem>> -> memref<128xf32, #tpu.memory_space<vmem>>
      %dma_start3A_400 = arith.constant 0 : i32
      %dma_start3A_401 = tpu.memref_slice %arg2[%squeeze3A_384, %dma_start3A_400] : memref<100000x128xf32, #tpu.memory_space<hbm>> -> memref<1x128xf32, #tpu.memory_space<hbm>>
      %dma_start3A_402 = tpu.memref_squeeze %dma_start3A_401 : memref<1x128xf32, #tpu.memory_space<hbm>> -> memref<128xf32, #tpu.memory_space<hbm>>
      tpu.enqueue_dma source(%dma_start3A_402 : memref<128xf32, #tpu.memory_space<hbm>>) target(%dma_start3A_399 : memref<128xf32, #tpu.memory_space<vmem>>) target_semaphore(%arg18 : memref<!tpu.dma_semaphore, #tpu.memory_space<semaphore_mem>>)
      %slice3A_403 = vector.extract_strided_slice %get3A_204 {offsets = [10], sizes = [1], strides = [1]} : vector<16xi32> to vector<1xi32>
      %squeeze3A_404 = vector.extract %slice3A_403[0] : i32 from vector<1xi32>
      %mul3A_405 = arith.constant 16 : i32
      %mul3A_406 = arith.muli %add3A_199, %mul3A_405 : i32
      %add3A_407 = arith.constant 160 : i32
      %add3A_408 = arith.addi %add3A_407, %mul3A_406 : i32
      %add3A_409 = arith.constant 10 : i32
      %add3A_410 = arith.addi %add3A_408, %add3A_409 : i32
      %dma_start3A_411 = arith.constant 0 : i32
      %dma_start3A_412 = tpu.memref_slice %arg8[%add3A_410, %dma_start3A_411] : memref<336x128xf32, #tpu.memory_space<vmem>> -> memref<1x128xf32, #tpu.memory_space<vmem>>
      %dma_start3A_413 = tpu.memref_squeeze %dma_start3A_412 : memref<1x128xf32, #tpu.memory_space<vmem>> -> memref<128xf32, #tpu.memory_space<vmem>>
      %dma_start3A_414 = arith.constant 0 : i32
      %dma_start3A_415 = tpu.memref_slice %arg2[%squeeze3A_404, %dma_start3A_414] : memref<100000x128xf32, #tpu.memory_space<hbm>> -> memref<1x128xf32, #tpu.memory_space<hbm>>
      %dma_start3A_416 = tpu.memref_squeeze %dma_start3A_415 : memref<1x128xf32, #tpu.memory_space<hbm>> -> memref<128xf32, #tpu.memory_space<hbm>>
      %dma_start3A_417 = arith.constant 0 : i32
      %dma_start3A_418 = tpu.memref_slice %arg8[%add3A_410, %dma_start3A_417] : memref<336x128xf32, #tpu.memory_space<vmem>> -> memref<1x128xf32, #tpu.memory_space<vmem>>
      %dma_start3A_419 = tpu.memref_squeeze %dma_start3A_418 : memref<1x128xf32, #tpu.memory_space<vmem>> -> memref<128xf32, #tpu.memory_space<vmem>>
      %dma_start3A_420 = arith.constant 0 : i32
      %dma_start3A_421 = tpu.memref_slice %arg2[%squeeze3A_404, %dma_start3A_420] : memref<100000x128xf32, #tpu.memory_space<hbm>> -> memref<1x128xf32, #tpu.memory_space<hbm>>
      %dma_start3A_422 = tpu.memref_squeeze %dma_start3A_421 : memref<1x128xf32, #tpu.memory_space<hbm>> -> memref<128xf32, #tpu.memory_space<hbm>>
      tpu.enqueue_dma source(%dma_start3A_422 : memref<128xf32, #tpu.memory_space<hbm>>) target(%dma_start3A_419 : memref<128xf32, #tpu.memory_space<vmem>>) target_semaphore(%arg18 : memref<!tpu.dma_semaphore, #tpu.memory_space<semaphore_mem>>)
      %slice3A_423 = vector.extract_strided_slice %get3A_204 {offsets = [11], sizes = [1], strides = [1]} : vector<16xi32> to vector<1xi32>
      %squeeze3A_424 = vector.extract %slice3A_423[0] : i32 from vector<1xi32>
      %mul3A_425 = arith.constant 16 : i32
      %mul3A_426 = arith.muli %add3A_199, %mul3A_425 : i32
      %add3A_427 = arith.constant 160 : i32
      %add3A_428 = arith.addi %add3A_427, %mul3A_426 : i32
      %add3A_429 = arith.constant 11 : i32
      %add3A_430 = arith.addi %add3A_428, %add3A_429 : i32
      %dma_start3A_431 = arith.constant 0 : i32
      %dma_start3A_432 = tpu.memref_slice %arg8[%add3A_430, %dma_start3A_431] : memref<336x128xf32, #tpu.memory_space<vmem>> -> memref<1x128xf32, #tpu.memory_space<vmem>>
      %dma_start3A_433 = tpu.memref_squeeze %dma_start3A_432 : memref<1x128xf32, #tpu.memory_space<vmem>> -> memref<128xf32, #tpu.memory_space<vmem>>
      %dma_start3A_434 = arith.constant 0 : i32
      %dma_start3A_435 = tpu.memref_slice %arg2[%squeeze3A_424, %dma_start3A_434] : memref<100000x128xf32, #tpu.memory_space<hbm>> -> memref<1x128xf32, #tpu.memory_space<hbm>>
      %dma_start3A_436 = tpu.memref_squeeze %dma_start3A_435 : memref<1x128xf32, #tpu.memory_space<hbm>> -> memref<128xf32, #tpu.memory_space<hbm>>
      %dma_start3A_437 = arith.constant 0 : i32
      %dma_start3A_438 = tpu.memref_slice %arg8[%add3A_430, %dma_start3A_437] : memref<336x128xf32, #tpu.memory_space<vmem>> -> memref<1x128xf32, #tpu.memory_space<vmem>>
      %dma_start3A_439 = tpu.memref_squeeze %dma_start3A_438 : memref<1x128xf32, #tpu.memory_space<vmem>> -> memref<128xf32, #tpu.memory_space<vmem>>
      %dma_start3A_440 = arith.constant 0 : i32
      %dma_start3A_441 = tpu.memref_slice %arg2[%squeeze3A_424, %dma_start3A_440] : memref<100000x128xf32, #tpu.memory_space<hbm>> -> memref<1x128xf32, #tpu.memory_space<hbm>>
      %dma_start3A_442 = tpu.memref_squeeze %dma_start3A_441 : memref<1x128xf32, #tpu.memory_space<hbm>> -> memref<128xf32, #tpu.memory_space<hbm>>
      tpu.enqueue_dma source(%dma_start3A_442 : memref<128xf32, #tpu.memory_space<hbm>>) target(%dma_start3A_439 : memref<128xf32, #tpu.memory_space<vmem>>) target_semaphore(%arg18 : memref<!tpu.dma_semaphore, #tpu.memory_space<semaphore_mem>>)
      %slice3A_443 = vector.extract_strided_slice %get3A_204 {offsets = [12], sizes = [1], strides = [1]} : vector<16xi32> to vector<1xi32>
      %squeeze3A_444 = vector.extract %slice3A_443[0] : i32 from vector<1xi32>
      %mul3A_445 = arith.constant 16 : i32
      %mul3A_446 = arith.muli %add3A_199, %mul3A_445 : i32
      %add3A_447 = arith.constant 160 : i32
      %add3A_448 = arith.addi %add3A_447, %mul3A_446 : i32
      %add3A_449 = arith.constant 12 : i32
      %add3A_450 = arith.addi %add3A_448, %add3A_449 : i32
      %dma_start3A_451 = arith.constant 0 : i32
      %dma_start3A_452 = tpu.memref_slice %arg8[%add3A_450, %dma_start3A_451] : memref<336x128xf32, #tpu.memory_space<vmem>> -> memref<1x128xf32, #tpu.memory_space<vmem>>
      %dma_start3A_453 = tpu.memref_squeeze %dma_start3A_452 : memref<1x128xf32, #tpu.memory_space<vmem>> -> memref<128xf32, #tpu.memory_space<vmem>>
      %dma_start3A_454 = arith.constant 0 : i32
      %dma_start3A_455 = tpu.memref_slice %arg2[%squeeze3A_444, %dma_start3A_454] : memref<100000x128xf32, #tpu.memory_space<hbm>> -> memref<1x128xf32, #tpu.memory_space<hbm>>
      %dma_start3A_456 = tpu.memref_squeeze %dma_start3A_455 : memref<1x128xf32, #tpu.memory_space<hbm>> -> memref<128xf32, #tpu.memory_space<hbm>>
      %dma_start3A_457 = arith.constant 0 : i32
      %dma_start3A_458 = tpu.memref_slice %arg8[%add3A_450, %dma_start3A_457] : memref<336x128xf32, #tpu.memory_space<vmem>> -> memref<1x128xf32, #tpu.memory_space<vmem>>
      %dma_start3A_459 = tpu.memref_squeeze %dma_start3A_458 : memref<1x128xf32, #tpu.memory_space<vmem>> -> memref<128xf32, #tpu.memory_space<vmem>>
      %dma_start3A_460 = arith.constant 0 : i32
      %dma_start3A_461 = tpu.memref_slice %arg2[%squeeze3A_444, %dma_start3A_460] : memref<100000x128xf32, #tpu.memory_space<hbm>> -> memref<1x128xf32, #tpu.memory_space<hbm>>
      %dma_start3A_462 = tpu.memref_squeeze %dma_start3A_461 : memref<1x128xf32, #tpu.memory_space<hbm>> -> memref<128xf32, #tpu.memory_space<hbm>>
      tpu.enqueue_dma source(%dma_start3A_462 : memref<128xf32, #tpu.memory_space<hbm>>) target(%dma_start3A_459 : memref<128xf32, #tpu.memory_space<vmem>>) target_semaphore(%arg18 : memref<!tpu.dma_semaphore, #tpu.memory_space<semaphore_mem>>)
      %slice3A_463 = vector.extract_strided_slice %get3A_204 {offsets = [13], sizes = [1], strides = [1]} : vector<16xi32> to vector<1xi32>
      %squeeze3A_464 = vector.extract %slice3A_463[0] : i32 from vector<1xi32>
      %mul3A_465 = arith.constant 16 : i32
      %mul3A_466 = arith.muli %add3A_199, %mul3A_465 : i32
      %add3A_467 = arith.constant 160 : i32
      %add3A_468 = arith.addi %add3A_467, %mul3A_466 : i32
      %add3A_469 = arith.constant 13 : i32
      %add3A_470 = arith.addi %add3A_468, %add3A_469 : i32
      %dma_start3A_471 = arith.constant 0 : i32
      %dma_start3A_472 = tpu.memref_slice %arg8[%add3A_470, %dma_start3A_471] : memref<336x128xf32, #tpu.memory_space<vmem>> -> memref<1x128xf32, #tpu.memory_space<vmem>>
      %dma_start3A_473 = tpu.memref_squeeze %dma_start3A_472 : memref<1x128xf32, #tpu.memory_space<vmem>> -> memref<128xf32, #tpu.memory_space<vmem>>
      %dma_start3A_474 = arith.constant 0 : i32
      %dma_start3A_475 = tpu.memref_slice %arg2[%squeeze3A_464, %dma_start3A_474] : memref<100000x128xf32, #tpu.memory_space<hbm>> -> memref<1x128xf32, #tpu.memory_space<hbm>>
      %dma_start3A_476 = tpu.memref_squeeze %dma_start3A_475 : memref<1x128xf32, #tpu.memory_space<hbm>> -> memref<128xf32, #tpu.memory_space<hbm>>
      %dma_start3A_477 = arith.constant 0 : i32
      %dma_start3A_478 = tpu.memref_slice %arg8[%add3A_470, %dma_start3A_477] : memref<336x128xf32, #tpu.memory_space<vmem>> -> memref<1x128xf32, #tpu.memory_space<vmem>>
      %dma_start3A_479 = tpu.memref_squeeze %dma_start3A_478 : memref<1x128xf32, #tpu.memory_space<vmem>> -> memref<128xf32, #tpu.memory_space<vmem>>
      %dma_start3A_480 = arith.constant 0 : i32
      %dma_start3A_481 = tpu.memref_slice %arg2[%squeeze3A_464, %dma_start3A_480] : memref<100000x128xf32, #tpu.memory_space<hbm>> -> memref<1x128xf32, #tpu.memory_space<hbm>>
      %dma_start3A_482 = tpu.memref_squeeze %dma_start3A_481 : memref<1x128xf32, #tpu.memory_space<hbm>> -> memref<128xf32, #tpu.memory_space<hbm>>
      tpu.enqueue_dma source(%dma_start3A_482 : memref<128xf32, #tpu.memory_space<hbm>>) target(%dma_start3A_479 : memref<128xf32, #tpu.memory_space<vmem>>) target_semaphore(%arg18 : memref<!tpu.dma_semaphore, #tpu.memory_space<semaphore_mem>>)
      %slice3A_483 = vector.extract_strided_slice %get3A_204 {offsets = [14], sizes = [1], strides = [1]} : vector<16xi32> to vector<1xi32>
      %squeeze3A_484 = vector.extract %slice3A_483[0] : i32 from vector<1xi32>
      %mul3A_485 = arith.constant 16 : i32
      %mul3A_486 = arith.muli %add3A_199, %mul3A_485 : i32
      %add3A_487 = arith.constant 160 : i32
      %add3A_488 = arith.addi %add3A_487, %mul3A_486 : i32
      %add3A_489 = arith.constant 14 : i32
      %add3A_490 = arith.addi %add3A_488, %add3A_489 : i32
      %dma_start3A_491 = arith.constant 0 : i32
      %dma_start3A_492 = tpu.memref_slice %arg8[%add3A_490, %dma_start3A_491] : memref<336x128xf32, #tpu.memory_space<vmem>> -> memref<1x128xf32, #tpu.memory_space<vmem>>
      %dma_start3A_493 = tpu.memref_squeeze %dma_start3A_492 : memref<1x128xf32, #tpu.memory_space<vmem>> -> memref<128xf32, #tpu.memory_space<vmem>>
      %dma_start3A_494 = arith.constant 0 : i32
      %dma_start3A_495 = tpu.memref_slice %arg2[%squeeze3A_484, %dma_start3A_494] : memref<100000x128xf32, #tpu.memory_space<hbm>> -> memref<1x128xf32, #tpu.memory_space<hbm>>
      %dma_start3A_496 = tpu.memref_squeeze %dma_start3A_495 : memref<1x128xf32, #tpu.memory_space<hbm>> -> memref<128xf32, #tpu.memory_space<hbm>>
      %dma_start3A_497 = arith.constant 0 : i32
      %dma_start3A_498 = tpu.memref_slice %arg8[%add3A_490, %dma_start3A_497] : memref<336x128xf32, #tpu.memory_space<vmem>> -> memref<1x128xf32, #tpu.memory_space<vmem>>
      %dma_start3A_499 = tpu.memref_squeeze %dma_start3A_498 : memref<1x128xf32, #tpu.memory_space<vmem>> -> memref<128xf32, #tpu.memory_space<vmem>>
      %dma_start3A_500 = arith.constant 0 : i32
      %dma_start3A_501 = tpu.memref_slice %arg2[%squeeze3A_484, %dma_start3A_500] : memref<100000x128xf32, #tpu.memory_space<hbm>> -> memref<1x128xf32, #tpu.memory_space<hbm>>
      %dma_start3A_502 = tpu.memref_squeeze %dma_start3A_501 : memref<1x128xf32, #tpu.memory_space<hbm>> -> memref<128xf32, #tpu.memory_space<hbm>>
      tpu.enqueue_dma source(%dma_start3A_502 : memref<128xf32, #tpu.memory_space<hbm>>) target(%dma_start3A_499 : memref<128xf32, #tpu.memory_space<vmem>>) target_semaphore(%arg18 : memref<!tpu.dma_semaphore, #tpu.memory_space<semaphore_mem>>)
      %slice3A_503 = vector.extract_strided_slice %get3A_204 {offsets = [15], sizes = [1], strides = [1]} : vector<16xi32> to vector<1xi32>
      %squeeze3A_504 = vector.extract %slice3A_503[0] : i32 from vector<1xi32>
      %mul3A_505 = arith.constant 16 : i32
      %mul3A_506 = arith.muli %add3A_199, %mul3A_505 : i32
      %add3A_507 = arith.constant 160 : i32
      %add3A_508 = arith.addi %add3A_507, %mul3A_506 : i32
      %add3A_509 = arith.constant 15 : i32
      %add3A_510 = arith.addi %add3A_508, %add3A_509 : i32
      %dma_start3A_511 = arith.constant 0 : i32
      %dma_start3A_512 = tpu.memref_slice %arg8[%add3A_510, %dma_start3A_511] : memref<336x128xf32, #tpu.memory_space<vmem>> -> memref<1x128xf32, #tpu.memory_space<vmem>>
      %dma_start3A_513 = tpu.memref_squeeze %dma_start3A_512 : memref<1x128xf32, #tpu.memory_space<vmem>> -> memref<128xf32, #tpu.memory_space<vmem>>
      %dma_start3A_514 = arith.constant 0 : i32
      %dma_start3A_515 = tpu.memref_slice %arg2[%squeeze3A_504, %dma_start3A_514] : memref<100000x128xf32, #tpu.memory_space<hbm>> -> memref<1x128xf32, #tpu.memory_space<hbm>>
      %dma_start3A_516 = tpu.memref_squeeze %dma_start3A_515 : memref<1x128xf32, #tpu.memory_space<hbm>> -> memref<128xf32, #tpu.memory_space<hbm>>
      %dma_start3A_517 = arith.constant 0 : i32
      %dma_start3A_518 = tpu.memref_slice %arg8[%add3A_510, %dma_start3A_517] : memref<336x128xf32, #tpu.memory_space<vmem>> -> memref<1x128xf32, #tpu.memory_space<vmem>>
      %dma_start3A_519 = tpu.memref_squeeze %dma_start3A_518 : memref<1x128xf32, #tpu.memory_space<vmem>> -> memref<128xf32, #tpu.memory_space<vmem>>
      %dma_start3A_520 = arith.constant 0 : i32
      %dma_start3A_521 = tpu.memref_slice %arg2[%squeeze3A_504, %dma_start3A_520] : memref<100000x128xf32, #tpu.memory_space<hbm>> -> memref<1x128xf32, #tpu.memory_space<hbm>>
      %dma_start3A_522 = tpu.memref_squeeze %dma_start3A_521 : memref<1x128xf32, #tpu.memory_space<hbm>> -> memref<128xf32, #tpu.memory_space<hbm>>
      tpu.enqueue_dma source(%dma_start3A_522 : memref<128xf32, #tpu.memory_space<hbm>>) target(%dma_start3A_519 : memref<128xf32, #tpu.memory_space<vmem>>) target_semaphore(%arg18 : memref<!tpu.dma_semaphore, #tpu.memory_space<semaphore_mem>>)
    }
    %scan3A_92 = arith.constant 11 : i32
    %add3A_93 = arith.constant 0 : i32
    %add3A_94 = arith.addi %mul3A_4, %add3A_93 : i32
    %mul3A_95 = arith.constant 2048 : i32
    %mul3A_96 = arith.muli %add3A_94, %mul3A_95 : i32
    %dma_start3A_97 = tpu.memref_slice %arg4[%mul3A_96] : memref<2097152xf32, #tpu.memory_space<hbm>> -> memref<2048xf32, #tpu.memory_space<hbm>>
    %dma_start3A_98 = tpu.memref_slice %arg4[%mul3A_96] : memref<2097152xf32, #tpu.memory_space<hbm>> -> memref<2048xf32, #tpu.memory_space<hbm>>
    tpu.enqueue_dma source(%dma_start3A_98 : memref<2048xf32, #tpu.memory_space<hbm>>) target(%arg10 : memref<2048xf32, #tpu.memory_space<vmem>>) target_semaphore(%arg16 : memref<!tpu.dma_semaphore, #tpu.memory_space<semaphore_mem>>)
    %dma_start3A_99 = arith.constant 0 : i32
    %dma_start3A_100 = arith.constant 0 : i32
    %dma_start3A_101 = tpu.memref_slice %arg9[%dma_start3A_99, %dma_start3A_100] : memref<336x128xf32, #tpu.memory_space<vmem>> -> memref<16x128xf32, #tpu.memory_space<vmem>>
    %dma_start3A_102 = arith.constant 336 : i32
    %dma_start3A_103 = tpu.memref_slice %arg7[%dma_start3A_102] : memref<10752xi32, #tpu.memory_space<vmem>> -> memref<16xi32, #tpu.memory_space<vmem>>
    %dma_start3A_104 = arith.constant 0 : i32
    %dma_start3A_105 = arith.constant 0 : i32
    %dma_start3A_106 = tpu.memref_slice %arg2[%dma_start3A_104, %dma_start3A_105] : memref<100000x128xf32, #tpu.memory_space<hbm>> -> memref<100000x128xf32, #tpu.memory_space<hbm>>
    tpu.enqueue_indirect_dma source(%dma_start3A_106 : memref<100000x128xf32, #tpu.memory_space<hbm>>) target(%dma_start3A_101 : memref<16x128xf32, #tpu.memory_space<vmem>>) offsets(%dma_start3A_103 : memref<16xi32, #tpu.memory_space<vmem>>) semaphore(%arg15 : memref<!tpu.dma_semaphore, #tpu.memory_space<semaphore_mem>>)
    %dma_start3A_107 = arith.constant 16 : i32
    %dma_start3A_108 = arith.constant 0 : i32
    %dma_start3A_109 = tpu.memref_slice %arg9[%dma_start3A_107, %dma_start3A_108] : memref<336x128xf32, #tpu.memory_space<vmem>> -> memref<16x128xf32, #tpu.memory_space<vmem>>
    %dma_start3A_110 = arith.constant 352 : i32
    %dma_start3A_111 = tpu.memref_slice %arg7[%dma_start3A_110] : memref<10752xi32, #tpu.memory_space<vmem>> -> memref<16xi32, #tpu.memory_space<vmem>>
    %dma_start3A_112 = arith.constant 0 : i32
    %dma_start3A_113 = arith.constant 0 : i32
    %dma_start3A_114 = tpu.memref_slice %arg2[%dma_start3A_112, %dma_start3A_113] : memref<100000x128xf32, #tpu.memory_space<hbm>> -> memref<100000x128xf32, #tpu.memory_space<hbm>>
    tpu.enqueue_indirect_dma source(%dma_start3A_114 : memref<100000x128xf32, #tpu.memory_space<hbm>>) target(%dma_start3A_109 : memref<16x128xf32, #tpu.memory_space<vmem>>) offsets(%dma_start3A_111 : memref<16xi32, #tpu.memory_space<vmem>>) semaphore(%arg15 : memref<!tpu.dma_semaphore, #tpu.memory_space<semaphore_mem>>)
    %dma_start3A_115 = arith.constant 32 : i32
    %dma_start3A_116 = arith.constant 0 : i32
    %dma_start3A_117 = tpu.memref_slice %arg9[%dma_start3A_115, %dma_start3A_116] : memref<336x128xf32, #tpu.memory_space<vmem>> -> memref<16x128xf32, #tpu.memory_space<vmem>>
    %dma_start3A_118 = arith.constant 368 : i32
    %dma_start3A_119 = tpu.memref_slice %arg7[%dma_start3A_118] : memref<10752xi32, #tpu.memory_space<vmem>> -> memref<16xi32, #tpu.memory_space<vmem>>
    %dma_start3A_120 = arith.constant 0 : i32
    %dma_start3A_121 = arith.constant 0 : i32
    %dma_start3A_122 = tpu.memref_slice %arg2[%dma_start3A_120, %dma_start3A_121] : memref<100000x128xf32, #tpu.memory_space<hbm>> -> memref<100000x128xf32, #tpu.memory_space<hbm>>
    tpu.enqueue_indirect_dma source(%dma_start3A_122 : memref<100000x128xf32, #tpu.memory_space<hbm>>) target(%dma_start3A_117 : memref<16x128xf32, #tpu.memory_space<vmem>>) offsets(%dma_start3A_119 : memref<16xi32, #tpu.memory_space<vmem>>) semaphore(%arg15 : memref<!tpu.dma_semaphore, #tpu.memory_space<semaphore_mem>>)
    %dma_start3A_123 = arith.constant 48 : i32
    %dma_start3A_124 = arith.constant 0 : i32
    %dma_start3A_125 = tpu.memref_slice %arg9[%dma_start3A_123, %dma_start3A_124] : memref<336x128xf32, #tpu.memory_space<vmem>> -> memref<16x128xf32, #tpu.memory_space<vmem>>
    %dma_start3A_126 = arith.constant 384 : i32
    %dma_start3A_127 = tpu.memref_slice %arg7[%dma_start3A_126] : memref<10752xi32, #tpu.memory_space<vmem>> -> memref<16xi32, #tpu.memory_space<vmem>>
    %dma_start3A_128 = arith.constant 0 : i32
    %dma_start3A_129 = arith.constant 0 : i32
    %dma_start3A_130 = tpu.memref_slice %arg2[%dma_start3A_128, %dma_start3A_129] : memref<100000x128xf32, #tpu.memory_space<hbm>> -> memref<100000x128xf32, #tpu.memory_space<hbm>>
    tpu.enqueue_indirect_dma source(%dma_start3A_130 : memref<100000x128xf32, #tpu.memory_space<hbm>>) target(%dma_start3A_125 : memref<16x128xf32, #tpu.memory_space<vmem>>) offsets(%dma_start3A_127 : memref<16xi32, #tpu.memory_space<vmem>>) semaphore(%arg15 : memref<!tpu.dma_semaphore, #tpu.memory_space<semaphore_mem>>)
    %dma_start3A_131 = arith.constant 64 : i32
    %dma_start3A_132 = arith.constant 0 : i32
    %dma_start3A_133 = tpu.memref_slice %arg9[%dma_start3A_131, %dma_start3A_132] : memref<336x128xf32, #tpu.memory_space<vmem>> -> memref<16x128xf32, #tpu.memory_space<vmem>>
    %dma_start3A_134 = arith.constant 400 : i32
    %dma_start3A_135 = tpu.memref_slice %arg7[%dma_start3A_134] : memref<10752xi32, #tpu.memory_space<vmem>> -> memref<16xi32, #tpu.memory_space<vmem>>
    %dma_start3A_136 = arith.constant 0 : i32
    %dma_start3A_137 = arith.constant 0 : i32
    %dma_start3A_138 = tpu.memref_slice %arg2[%dma_start3A_136, %dma_start3A_137] : memref<100000x128xf32, #tpu.memory_space<hbm>> -> memref<100000x128xf32, #tpu.memory_space<hbm>>
    tpu.enqueue_indirect_dma source(%dma_start3A_138 : memref<100000x128xf32, #tpu.memory_space<hbm>>) target(%dma_start3A_133 : memref<16x128xf32, #tpu.memory_space<vmem>>) offsets(%dma_start3A_135 : memref<16xi32, #tpu.memory_space<vmem>>) semaphore(%arg15 : memref<!tpu.dma_semaphore, #tpu.memory_space<semaphore_mem>>)
    %dma_start3A_139 = arith.constant 80 : i32
    %dma_start3A_140 = arith.constant 0 : i32
    %dma_start3A_141 = tpu.memref_slice %arg9[%dma_start3A_139, %dma_start3A_140] : memref<336x128xf32, #tpu.memory_space<vmem>> -> memref<16x128xf32, #tpu.memory_space<vmem>>
    %dma_start3A_142 = arith.constant 416 : i32
    %dma_start3A_143 = tpu.memref_slice %arg7[%dma_start3A_142] : memref<10752xi32, #tpu.memory_space<vmem>> -> memref<16xi32, #tpu.memory_space<vmem>>
    %dma_start3A_144 = arith.constant 0 : i32
    %dma_start3A_145 = arith.constant 0 : i32
    %dma_start3A_146 = tpu.memref_slice %arg2[%dma_start3A_144, %dma_start3A_145] : memref<100000x128xf32, #tpu.memory_space<hbm>> -> memref<100000x128xf32, #tpu.memory_space<hbm>>
    tpu.enqueue_indirect_dma source(%dma_start3A_146 : memref<100000x128xf32, #tpu.memory_space<hbm>>) target(%dma_start3A_141 : memref<16x128xf32, #tpu.memory_space<vmem>>) offsets(%dma_start3A_143 : memref<16xi32, #tpu.memory_space<vmem>>) semaphore(%arg15 : memref<!tpu.dma_semaphore, #tpu.memory_space<semaphore_mem>>)
    %dma_start3A_147 = arith.constant 96 : i32
    %dma_start3A_148 = arith.constant 0 : i32
    %dma_start3A_149 = tpu.memref_slice %arg9[%dma_start3A_147, %dma_start3A_148] : memref<336x128xf32, #tpu.memory_space<vmem>> -> memref<16x128xf32, #tpu.memory_space<vmem>>
    %dma_start3A_150 = arith.constant 432 : i32
    %dma_start3A_151 = tpu.memref_slice %arg7[%dma_start3A_150] : memref<10752xi32, #tpu.memory_space<vmem>> -> memref<16xi32, #tpu.memory_space<vmem>>
    %dma_start3A_152 = arith.constant 0 : i32
    %dma_start3A_153 = arith.constant 0 : i32
    %dma_start3A_154 = tpu.memref_slice %arg2[%dma_start3A_152, %dma_start3A_153] : memref<100000x128xf32, #tpu.memory_space<hbm>> -> memref<100000x128xf32, #tpu.memory_space<hbm>>
    tpu.enqueue_indirect_dma source(%dma_start3A_154 : memref<100000x128xf32, #tpu.memory_space<hbm>>) target(%dma_start3A_149 : memref<16x128xf32, #tpu.memory_space<vmem>>) offsets(%dma_start3A_151 : memref<16xi32, #tpu.memory_space<vmem>>) semaphore(%arg15 : memref<!tpu.dma_semaphore, #tpu.memory_space<semaphore_mem>>)
    %dma_start3A_155 = arith.constant 112 : i32
    %dma_start3A_156 = arith.constant 0 : i32
    %dma_start3A_157 = tpu.memref_slice %arg9[%dma_start3A_155, %dma_start3A_156] : memref<336x128xf32, #tpu.memory_space<vmem>> -> memref<16x128xf32, #tpu.memory_space<vmem>>
    %dma_start3A_158 = arith.constant 448 : i32
    %dma_start3A_159 = tpu.memref_slice %arg7[%dma_start3A_158] : memref<10752xi32, #tpu.memory_space<vmem>> -> memref<16xi32, #tpu.memory_space<vmem>>
    %dma_start3A_160 = arith.constant 0 : i32
    %dma_start3A_161 = arith.constant 0 : i32
    %dma_start3A_162 = tpu.memref_slice %arg2[%dma_start3A_160, %dma_start3A_161] : memref<100000x128xf32, #tpu.memory_space<hbm>> -> memref<100000x128xf32, #tpu.memory_space<hbm>>
    tpu.enqueue_indirect_dma source(%dma_start3A_162 : memref<100000x128xf32, #tpu.memory_space<hbm>>) target(%dma_start3A_157 : memref<16x128xf32, #tpu.memory_space<vmem>>) offsets(%dma_start3A_159 : memref<16xi32, #tpu.memory_space<vmem>>) semaphore(%arg15 : memref<!tpu.dma_semaphore, #tpu.memory_space<semaphore_mem>>)
    %dma_start3A_163 = arith.constant 128 : i32
    %dma_start3A_164 = arith.constant 0 : i32
    %dma_start3A_165 = tpu.memref_slice %arg9[%dma_start3A_163, %dma_start3A_164] : memref<336x128xf32, #tpu.memory_space<vmem>> -> memref<16x128xf32, #tpu.memory_space<vmem>>
    %dma_start3A_166 = arith.constant 464 : i32
    %dma_start3A_167 = tpu.memref_slice %arg7[%dma_start3A_166] : memref<10752xi32, #tpu.memory_space<vmem>> -> memref<16xi32, #tpu.memory_space<vmem>>
    %dma_start3A_168 = arith.constant 0 : i32
    %dma_start3A_169 = arith.constant 0 : i32
    %dma_start3A_170 = tpu.memref_slice %arg2[%dma_start3A_168, %dma_start3A_169] : memref<100000x128xf32, #tpu.memory_space<hbm>> -> memref<100000x128xf32, #tpu.memory_space<hbm>>
    tpu.enqueue_indirect_dma source(%dma_start3A_170 : memref<100000x128xf32, #tpu.memory_space<hbm>>) target(%dma_start3A_165 : memref<16x128xf32, #tpu.memory_space<vmem>>) offsets(%dma_start3A_167 : memref<16xi32, #tpu.memory_space<vmem>>) semaphore(%arg15 : memref<!tpu.dma_semaphore, #tpu.memory_space<semaphore_mem>>)
    %dma_start3A_171 = arith.constant 144 : i32
    %dma_start3A_172 = arith.constant 0 : i32
    %dma_start3A_173 = tpu.memref_slice %arg9[%dma_start3A_171, %dma_start3A_172] : memref<336x128xf32, #tpu.memory_space<vmem>> -> memref<16x128xf32, #tpu.memory_space<vmem>>
    %dma_start3A_174 = arith.constant 480 : i32
    %dma_start3A_175 = tpu.memref_slice %arg7[%dma_start3A_174] : memref<10752xi32, #tpu.memory_space<vmem>> -> memref<16xi32, #tpu.memory_space<vmem>>
    %dma_start3A_176 = arith.constant 0 : i32
    %dma_start3A_177 = arith.constant 0 : i32
    %dma_start3A_178 = tpu.memref_slice %arg2[%dma_start3A_176, %dma_start3A_177] : memref<100000x128xf32, #tpu.memory_space<hbm>> -> memref<100000x128xf32, #tpu.memory_space<hbm>>
    tpu.enqueue_indirect_dma source(%dma_start3A_178 : memref<100000x128xf32, #tpu.memory_space<hbm>>) target(%dma_start3A_173 : memref<16x128xf32, #tpu.memory_space<vmem>>) offsets(%dma_start3A_175 : memref<16xi32, #tpu.memory_space<vmem>>) semaphore(%arg15 : memref<!tpu.dma_semaphore, #tpu.memory_space<semaphore_mem>>)
    %scan3A_179 = arith.constant 0 : i32
    %scan3A_180 = arith.constant 11 : i32
    %scan3A_181 = arith.addi %scan3A_179, %scan3A_180 : i32
    %scan3A_182 = arith.constant 1 : i32
    scf.for %scan3A_195 = %scan3A_179 to %scan3A_181 step %scan3A_182  : i32 {
      %mul3A_196 = arith.constant 1 : i32
      %mul3A_197 = arith.muli %scan3A_195, %mul3A_196 : i32
      %add3A_198 = arith.constant 0 : i32
      %add3A_199 = arith.addi %add3A_198, %mul3A_197 : i32
      %mul3A_200 = arith.constant 16 : i32
      %mul3A_201 = arith.muli %add3A_199, %mul3A_200 : i32
      %add3A_202 = arith.constant 496 : i32
      %add3A_203 = arith.addi %add3A_202, %mul3A_201 : i32
      %get3A = arith.index_cast %add3A_203 : i32 to index
      %get3A_204 = tpu.vector_load %arg7[%get3A] {strides = array<i32>} : memref<10752xi32, #tpu.memory_space<vmem>>, vector<16xi32>,
      %slice3A = vector.extract_strided_slice %get3A_204 {offsets = [0], sizes = [1], strides = [1]} : vector<16xi32> to vector<1xi32>
      %squeeze3A = vector.extract %slice3A[0] : i32 from vector<1xi32>
      %mul3A_205 = arith.constant 16 : i32
      %mul3A_206 = arith.muli %add3A_199, %mul3A_205 : i32
      %add3A_207 = arith.constant 160 : i32
      %add3A_208 = arith.addi %add3A_207, %mul3A_206 : i32
      %add3A_209 = arith.constant 0 : i32
      %add3A_210 = arith.addi %add3A_208, %add3A_209 : i32
      %dma_start3A_211 = arith.constant 0 : i32
      %dma_start3A_212 = tpu.memref_slice %arg9[%add3A_210, %dma_start3A_211] : memref<336x128xf32, #tpu.memory_space<vmem>> -> memref<1x128xf32, #tpu.memory_space<vmem>>
      %dma_start3A_213 = tpu.memref_squeeze %dma_start3A_212 : memref<1x128xf32, #tpu.memory_space<vmem>> -> memref<128xf32, #tpu.memory_space<vmem>>
      %dma_start3A_214 = arith.constant 0 : i32
      %dma_start3A_215 = tpu.memref_slice %arg2[%squeeze3A, %dma_start3A_214] : memref<100000x128xf32, #tpu.memory_space<hbm>> -> memref<1x128xf32, #tpu.memory_space<hbm>>
      %dma_start3A_216 = tpu.memref_squeeze %dma_start3A_215 : memref<1x128xf32, #tpu.memory_space<hbm>> -> memref<128xf32, #tpu.memory_space<hbm>>
      %dma_start3A_217 = arith.constant 0 : i32
      %dma_start3A_218 = tpu.memref_slice %arg9[%add3A_210, %dma_start3A_217] : memref<336x128xf32, #tpu.memory_space<vmem>> -> memref<1x128xf32, #tpu.memory_space<vmem>>
      %dma_start3A_219 = tpu.memref_squeeze %dma_start3A_218 : memref<1x128xf32, #tpu.memory_space<vmem>> -> memref<128xf32, #tpu.memory_space<vmem>>
      %dma_start3A_220 = arith.constant 0 : i32
      %dma_start3A_221 = tpu.memref_slice %arg2[%squeeze3A, %dma_start3A_220] : memref<100000x128xf32, #tpu.memory_space<hbm>> -> memref<1x128xf32, #tpu.memory_space<hbm>>
      %dma_start3A_222 = tpu.memref_squeeze %dma_start3A_221 : memref<1x128xf32, #tpu.memory_space<hbm>> -> memref<128xf32, #tpu.memory_space<hbm>>
      tpu.enqueue_dma source(%dma_start3A_222 : memref<128xf32, #tpu.memory_space<hbm>>) target(%dma_start3A_219 : memref<128xf32, #tpu.memory_space<vmem>>) target_semaphore(%arg19 : memref<!tpu.dma_semaphore, #tpu.memory_space<semaphore_mem>>)
      %slice3A_223 = vector.extract_strided_slice %get3A_204 {offsets = [1], sizes = [1], strides = [1]} : vector<16xi32> to vector<1xi32>
      %squeeze3A_224 = vector.extract %slice3A_223[0] : i32 from vector<1xi32>
      %mul3A_225 = arith.constant 16 : i32
      %mul3A_226 = arith.muli %add3A_199, %mul3A_225 : i32
      %add3A_227 = arith.constant 160 : i32
      %add3A_228 = arith.addi %add3A_227, %mul3A_226 : i32
      %add3A_229 = arith.constant 1 : i32
      %add3A_230 = arith.addi %add3A_228, %add3A_229 : i32
      %dma_start3A_231 = arith.constant 0 : i32
      %dma_start3A_232 = tpu.memref_slice %arg9[%add3A_230, %dma_start3A_231] : memref<336x128xf32, #tpu.memory_space<vmem>> -> memref<1x128xf32, #tpu.memory_space<vmem>>
      %dma_start3A_233 = tpu.memref_squeeze %dma_start3A_232 : memref<1x128xf32, #tpu.memory_space<vmem>> -> memref<128xf32, #tpu.memory_space<vmem>>
      %dma_start3A_234 = arith.constant 0 : i32
      %dma_start3A_235 = tpu.memref_slice %arg2[%squeeze3A_224, %dma_start3A_234] : memref<100000x128xf32, #tpu.memory_space<hbm>> -> memref<1x128xf32, #tpu.memory_space<hbm>>
      %dma_start3A_236 = tpu.memref_squeeze %dma_start3A_235 : memref<1x128xf32, #tpu.memory_space<hbm>> -> memref<128xf32, #tpu.memory_space<hbm>>
      %dma_start3A_237 = arith.constant 0 : i32
      %dma_start3A_238 = tpu.memref_slice %arg9[%add3A_230, %dma_start3A_237] : memref<336x128xf32, #tpu.memory_space<vmem>> -> memref<1x128xf32, #tpu.memory_space<vmem>>
      %dma_start3A_239 = tpu.memref_squeeze %dma_start3A_238 : memref<1x128xf32, #tpu.memory_space<vmem>> -> memref<128xf32, #tpu.memory_space<vmem>>
      %dma_start3A_240 = arith.constant 0 : i32
      %dma_start3A_241 = tpu.memref_slice %arg2[%squeeze3A_224, %dma_start3A_240] : memref<100000x128xf32, #tpu.memory_space<hbm>> -> memref<1x128xf32, #tpu.memory_space<hbm>>
      %dma_start3A_242 = tpu.memref_squeeze %dma_start3A_241 : memref<1x128xf32, #tpu.memory_space<hbm>> -> memref<128xf32, #tpu.memory_space<hbm>>
      tpu.enqueue_dma source(%dma_start3A_242 : memref<128xf32, #tpu.memory_space<hbm>>) target(%dma_start3A_239 : memref<128xf32, #tpu.memory_space<vmem>>) target_semaphore(%arg19 : memref<!tpu.dma_semaphore, #tpu.memory_space<semaphore_mem>>)
      %slice3A_243 = vector.extract_strided_slice %get3A_204 {offsets = [2], sizes = [1], strides = [1]} : vector<16xi32> to vector<1xi32>
      %squeeze3A_244 = vector.extract %slice3A_243[0] : i32 from vector<1xi32>
      %mul3A_245 = arith.constant 16 : i32
      %mul3A_246 = arith.muli %add3A_199, %mul3A_245 : i32
      %add3A_247 = arith.constant 160 : i32
      %add3A_248 = arith.addi %add3A_247, %mul3A_246 : i32
      %add3A_249 = arith.constant 2 : i32
      %add3A_250 = arith.addi %add3A_248, %add3A_249 : i32
      %dma_start3A_251 = arith.constant 0 : i32
      %dma_start3A_252 = tpu.memref_slice %arg9[%add3A_250, %dma_start3A_251] : memref<336x128xf32, #tpu.memory_space<vmem>> -> memref<1x128xf32, #tpu.memory_space<vmem>>
      %dma_start3A_253 = tpu.memref_squeeze %dma_start3A_252 : memref<1x128xf32, #tpu.memory_space<vmem>> -> memref<128xf32, #tpu.memory_space<vmem>>
      %dma_start3A_254 = arith.constant 0 : i32
      %dma_start3A_255 = tpu.memref_slice %arg2[%squeeze3A_244, %dma_start3A_254] : memref<100000x128xf32, #tpu.memory_space<hbm>> -> memref<1x128xf32, #tpu.memory_space<hbm>>
      %dma_start3A_256 = tpu.memref_squeeze %dma_start3A_255 : memref<1x128xf32, #tpu.memory_space<hbm>> -> memref<128xf32, #tpu.memory_space<hbm>>
      %dma_start3A_257 = arith.constant 0 : i32
      %dma_start3A_258 = tpu.memref_slice %arg9[%add3A_250, %dma_start3A_257] : memref<336x128xf32, #tpu.memory_space<vmem>> -> memref<1x128xf32, #tpu.memory_space<vmem>>
      %dma_start3A_259 = tpu.memref_squeeze %dma_start3A_258 : memref<1x128xf32, #tpu.memory_space<vmem>> -> memref<128xf32, #tpu.memory_space<vmem>>
      %dma_start3A_260 = arith.constant 0 : i32
      %dma_start3A_261 = tpu.memref_slice %arg2[%squeeze3A_244, %dma_start3A_260] : memref<100000x128xf32, #tpu.memory_space<hbm>> -> memref<1x128xf32, #tpu.memory_space<hbm>>
      %dma_start3A_262 = tpu.memref_squeeze %dma_start3A_261 : memref<1x128xf32, #tpu.memory_space<hbm>> -> memref<128xf32, #tpu.memory_space<hbm>>
      tpu.enqueue_dma source(%dma_start3A_262 : memref<128xf32, #tpu.memory_space<hbm>>) target(%dma_start3A_259 : memref<128xf32, #tpu.memory_space<vmem>>) target_semaphore(%arg19 : memref<!tpu.dma_semaphore, #tpu.memory_space<semaphore_mem>>)
      %slice3A_263 = vector.extract_strided_slice %get3A_204 {offsets = [3], sizes = [1], strides = [1]} : vector<16xi32> to vector<1xi32>
      %squeeze3A_264 = vector.extract %slice3A_263[0] : i32 from vector<1xi32>
      %mul3A_265 = arith.constant 16 : i32
      %mul3A_266 = arith.muli %add3A_199, %mul3A_265 : i32
      %add3A_267 = arith.constant 160 : i32
      %add3A_268 = arith.addi %add3A_267, %mul3A_266 : i32
      %add3A_269 = arith.constant 3 : i32
      %add3A_270 = arith.addi %add3A_268, %add3A_269 : i32
      %dma_start3A_271 = arith.constant 0 : i32
      %dma_start3A_272 = tpu.memref_slice %arg9[%add3A_270, %dma_start3A_271] : memref<336x128xf32, #tpu.memory_space<vmem>> -> memref<1x128xf32, #tpu.memory_space<vmem>>
      %dma_start3A_273 = tpu.memref_squeeze %dma_start3A_272 : memref<1x128xf32, #tpu.memory_space<vmem>> -> memref<128xf32, #tpu.memory_space<vmem>>
      %dma_start3A_274 = arith.constant 0 : i32
      %dma_start3A_275 = tpu.memref_slice %arg2[%squeeze3A_264, %dma_start3A_274] : memref<100000x128xf32, #tpu.memory_space<hbm>> -> memref<1x128xf32, #tpu.memory_space<hbm>>
      %dma_start3A_276 = tpu.memref_squeeze %dma_start3A_275 : memref<1x128xf32, #tpu.memory_space<hbm>> -> memref<128xf32, #tpu.memory_space<hbm>>
      %dma_start3A_277 = arith.constant 0 : i32
      %dma_start3A_278 = tpu.memref_slice %arg9[%add3A_270, %dma_start3A_277] : memref<336x128xf32, #tpu.memory_space<vmem>> -> memref<1x128xf32, #tpu.memory_space<vmem>>
      %dma_start3A_279 = tpu.memref_squeeze %dma_start3A_278 : memref<1x128xf32, #tpu.memory_space<vmem>> -> memref<128xf32, #tpu.memory_space<vmem>>
      %dma_start3A_280 = arith.constant 0 : i32
      %dma_start3A_281 = tpu.memref_slice %arg2[%squeeze3A_264, %dma_start3A_280] : memref<100000x128xf32, #tpu.memory_space<hbm>> -> memref<1x128xf32, #tpu.memory_space<hbm>>
      %dma_start3A_282 = tpu.memref_squeeze %dma_start3A_281 : memref<1x128xf32, #tpu.memory_space<hbm>> -> memref<128xf32, #tpu.memory_space<hbm>>
      tpu.enqueue_dma source(%dma_start3A_282 : memref<128xf32, #tpu.memory_space<hbm>>) target(%dma_start3A_279 : memref<128xf32, #tpu.memory_space<vmem>>) target_semaphore(%arg19 : memref<!tpu.dma_semaphore, #tpu.memory_space<semaphore_mem>>)
      %slice3A_283 = vector.extract_strided_slice %get3A_204 {offsets = [4], sizes = [1], strides = [1]} : vector<16xi32> to vector<1xi32>
      %squeeze3A_284 = vector.extract %slice3A_283[0] : i32 from vector<1xi32>
      %mul3A_285 = arith.constant 16 : i32
      %mul3A_286 = arith.muli %add3A_199, %mul3A_285 : i32
      %add3A_287 = arith.constant 160 : i32
      %add3A_288 = arith.addi %add3A_287, %mul3A_286 : i32
      %add3A_289 = arith.constant 4 : i32
      %add3A_290 = arith.addi %add3A_288, %add3A_289 : i32
      %dma_start3A_291 = arith.constant 0 : i32
      %dma_start3A_292 = tpu.memref_slice %arg9[%add3A_290, %dma_start3A_291] : memref<336x128xf32, #tpu.memory_space<vmem>> -> memref<1x128xf32, #tpu.memory_space<vmem>>
      %dma_start3A_293 = tpu.memref_squeeze %dma_start3A_292 : memref<1x128xf32, #tpu.memory_space<vmem>> -> memref<128xf32, #tpu.memory_space<vmem>>
      %dma_start3A_294 = arith.constant 0 : i32
      %dma_start3A_295 = tpu.memref_slice %arg2[%squeeze3A_284, %dma_start3A_294] : memref<100000x128xf32, #tpu.memory_space<hbm>> -> memref<1x128xf32, #tpu.memory_space<hbm>>
      %dma_start3A_296 = tpu.memref_squeeze %dma_start3A_295 : memref<1x128xf32, #tpu.memory_space<hbm>> -> memref<128xf32, #tpu.memory_space<hbm>>
      %dma_start3A_297 = arith.constant 0 : i32
      %dma_start3A_298 = tpu.memref_slice %arg9[%add3A_290, %dma_start3A_297] : memref<336x128xf32, #tpu.memory_space<vmem>> -> memref<1x128xf32, #tpu.memory_space<vmem>>
      %dma_start3A_299 = tpu.memref_squeeze %dma_start3A_298 : memref<1x128xf32, #tpu.memory_space<vmem>> -> memref<128xf32, #tpu.memory_space<vmem>>
      %dma_start3A_300 = arith.constant 0 : i32
      %dma_start3A_301 = tpu.memref_slice %arg2[%squeeze3A_284, %dma_start3A_300] : memref<100000x128xf32, #tpu.memory_space<hbm>> -> memref<1x128xf32, #tpu.memory_space<hbm>>
      %dma_start3A_302 = tpu.memref_squeeze %dma_start3A_301 : memref<1x128xf32, #tpu.memory_space<hbm>> -> memref<128xf32, #tpu.memory_space<hbm>>
      tpu.enqueue_dma source(%dma_start3A_302 : memref<128xf32, #tpu.memory_space<hbm>>) target(%dma_start3A_299 : memref<128xf32, #tpu.memory_space<vmem>>) target_semaphore(%arg19 : memref<!tpu.dma_semaphore, #tpu.memory_space<semaphore_mem>>)
      %slice3A_303 = vector.extract_strided_slice %get3A_204 {offsets = [5], sizes = [1], strides = [1]} : vector<16xi32> to vector<1xi32>
      %squeeze3A_304 = vector.extract %slice3A_303[0] : i32 from vector<1xi32>
      %mul3A_305 = arith.constant 16 : i32
      %mul3A_306 = arith.muli %add3A_199, %mul3A_305 : i32
      %add3A_307 = arith.constant 160 : i32
      %add3A_308 = arith.addi %add3A_307, %mul3A_306 : i32
      %add3A_309 = arith.constant 5 : i32
      %add3A_310 = arith.addi %add3A_308, %add3A_309 : i32
      %dma_start3A_311 = arith.constant 0 : i32
      %dma_start3A_312 = tpu.memref_slice %arg9[%add3A_310, %dma_start3A_311] : memref<336x128xf32, #tpu.memory_space<vmem>> -> memref<1x128xf32, #tpu.memory_space<vmem>>
      %dma_start3A_313 = tpu.memref_squeeze %dma_start3A_312 : memref<1x128xf32, #tpu.memory_space<vmem>> -> memref<128xf32, #tpu.memory_space<vmem>>
      %dma_start3A_314 = arith.constant 0 : i32
      %dma_start3A_315 = tpu.memref_slice %arg2[%squeeze3A_304, %dma_start3A_314] : memref<100000x128xf32, #tpu.memory_space<hbm>> -> memref<1x128xf32, #tpu.memory_space<hbm>>
      %dma_start3A_316 = tpu.memref_squeeze %dma_start3A_315 : memref<1x128xf32, #tpu.memory_space<hbm>> -> memref<128xf32, #tpu.memory_space<hbm>>
      %dma_start3A_317 = arith.constant 0 : i32
      %dma_start3A_318 = tpu.memref_slice %arg9[%add3A_310, %dma_start3A_317] : memref<336x128xf32, #tpu.memory_space<vmem>> -> memref<1x128xf32, #tpu.memory_space<vmem>>
      %dma_start3A_319 = tpu.memref_squeeze %dma_start3A_318 : memref<1x128xf32, #tpu.memory_space<vmem>> -> memref<128xf32, #tpu.memory_space<vmem>>
      %dma_start3A_320 = arith.constant 0 : i32
      %dma_start3A_321 = tpu.memref_slice %arg2[%squeeze3A_304, %dma_start3A_320] : memref<100000x128xf32, #tpu.memory_space<hbm>> -> memref<1x128xf32, #tpu.memory_space<hbm>>
      %dma_start3A_322 = tpu.memref_squeeze %dma_start3A_321 : memref<1x128xf32, #tpu.memory_space<hbm>> -> memref<128xf32, #tpu.memory_space<hbm>>
      tpu.enqueue_dma source(%dma_start3A_322 : memref<128xf32, #tpu.memory_space<hbm>>) target(%dma_start3A_319 : memref<128xf32, #tpu.memory_space<vmem>>) target_semaphore(%arg19 : memref<!tpu.dma_semaphore, #tpu.memory_space<semaphore_mem>>)
      %slice3A_323 = vector.extract_strided_slice %get3A_204 {offsets = [6], sizes = [1], strides = [1]} : vector<16xi32> to vector<1xi32>
      %squeeze3A_324 = vector.extract %slice3A_323[0] : i32 from vector<1xi32>
      %mul3A_325 = arith.constant 16 : i32
      %mul3A_326 = arith.muli %add3A_199, %mul3A_325 : i32
      %add3A_327 = arith.constant 160 : i32
      %add3A_328 = arith.addi %add3A_327, %mul3A_326 : i32
      %add3A_329 = arith.constant 6 : i32
      %add3A_330 = arith.addi %add3A_328, %add3A_329 : i32
      %dma_start3A_331 = arith.constant 0 : i32
      %dma_start3A_332 = tpu.memref_slice %arg9[%add3A_330, %dma_start3A_331] : memref<336x128xf32, #tpu.memory_space<vmem>> -> memref<1x128xf32, #tpu.memory_space<vmem>>
      %dma_start3A_333 = tpu.memref_squeeze %dma_start3A_332 : memref<1x128xf32, #tpu.memory_space<vmem>> -> memref<128xf32, #tpu.memory_space<vmem>>
      %dma_start3A_334 = arith.constant 0 : i32
      %dma_start3A_335 = tpu.memref_slice %arg2[%squeeze3A_324, %dma_start3A_334] : memref<100000x128xf32, #tpu.memory_space<hbm>> -> memref<1x128xf32, #tpu.memory_space<hbm>>
      %dma_start3A_336 = tpu.memref_squeeze %dma_start3A_335 : memref<1x128xf32, #tpu.memory_space<hbm>> -> memref<128xf32, #tpu.memory_space<hbm>>
      %dma_start3A_337 = arith.constant 0 : i32
      %dma_start3A_338 = tpu.memref_slice %arg9[%add3A_330, %dma_start3A_337] : memref<336x128xf32, #tpu.memory_space<vmem>> -> memref<1x128xf32, #tpu.memory_space<vmem>>
      %dma_start3A_339 = tpu.memref_squeeze %dma_start3A_338 : memref<1x128xf32, #tpu.memory_space<vmem>> -> memref<128xf32, #tpu.memory_space<vmem>>
      %dma_start3A_340 = arith.constant 0 : i32
      %dma_start3A_341 = tpu.memref_slice %arg2[%squeeze3A_324, %dma_start3A_340] : memref<100000x128xf32, #tpu.memory_space<hbm>> -> memref<1x128xf32, #tpu.memory_space<hbm>>
      %dma_start3A_342 = tpu.memref_squeeze %dma_start3A_341 : memref<1x128xf32, #tpu.memory_space<hbm>> -> memref<128xf32, #tpu.memory_space<hbm>>
      tpu.enqueue_dma source(%dma_start3A_342 : memref<128xf32, #tpu.memory_space<hbm>>) target(%dma_start3A_339 : memref<128xf32, #tpu.memory_space<vmem>>) target_semaphore(%arg19 : memref<!tpu.dma_semaphore, #tpu.memory_space<semaphore_mem>>)
      %slice3A_343 = vector.extract_strided_slice %get3A_204 {offsets = [7], sizes = [1], strides = [1]} : vector<16xi32> to vector<1xi32>
      %squeeze3A_344 = vector.extract %slice3A_343[0] : i32 from vector<1xi32>
      %mul3A_345 = arith.constant 16 : i32
      %mul3A_346 = arith.muli %add3A_199, %mul3A_345 : i32
      %add3A_347 = arith.constant 160 : i32
      %add3A_348 = arith.addi %add3A_347, %mul3A_346 : i32
      %add3A_349 = arith.constant 7 : i32
      %add3A_350 = arith.addi %add3A_348, %add3A_349 : i32
      %dma_start3A_351 = arith.constant 0 : i32
      %dma_start3A_352 = tpu.memref_slice %arg9[%add3A_350, %dma_start3A_351] : memref<336x128xf32, #tpu.memory_space<vmem>> -> memref<1x128xf32, #tpu.memory_space<vmem>>
      %dma_start3A_353 = tpu.memref_squeeze %dma_start3A_352 : memref<1x128xf32, #tpu.memory_space<vmem>> -> memref<128xf32, #tpu.memory_space<vmem>>
      %dma_start3A_354 = arith.constant 0 : i32
      %dma_start3A_355 = tpu.memref_slice %arg2[%squeeze3A_344, %dma_start3A_354] : memref<100000x128xf32, #tpu.memory_space<hbm>> -> memref<1x128xf32, #tpu.memory_space<hbm>>
      %dma_start3A_356 = tpu.memref_squeeze %dma_start3A_355 : memref<1x128xf32, #tpu.memory_space<hbm>> -> memref<128xf32, #tpu.memory_space<hbm>>
      %dma_start3A_357 = arith.constant 0 : i32
      %dma_start3A_358 = tpu.memref_slice %arg9[%add3A_350, %dma_start3A_357] : memref<336x128xf32, #tpu.memory_space<vmem>> -> memref<1x128xf32, #tpu.memory_space<vmem>>
      %dma_start3A_359 = tpu.memref_squeeze %dma_start3A_358 : memref<1x128xf32, #tpu.memory_space<vmem>> -> memref<128xf32, #tpu.memory_space<vmem>>
      %dma_start3A_360 = arith.constant 0 : i32
      %dma_start3A_361 = tpu.memref_slice %arg2[%squeeze3A_344, %dma_start3A_360] : memref<100000x128xf32, #tpu.memory_space<hbm>> -> memref<1x128xf32, #tpu.memory_space<hbm>>
      %dma_start3A_362 = tpu.memref_squeeze %dma_start3A_361 : memref<1x128xf32, #tpu.memory_space<hbm>> -> memref<128xf32, #tpu.memory_space<hbm>>
      tpu.enqueue_dma source(%dma_start3A_362 : memref<128xf32, #tpu.memory_space<hbm>>) target(%dma_start3A_359 : memref<128xf32, #tpu.memory_space<vmem>>) target_semaphore(%arg19 : memref<!tpu.dma_semaphore, #tpu.memory_space<semaphore_mem>>)
      %slice3A_363 = vector.extract_strided_slice %get3A_204 {offsets = [8], sizes = [1], strides = [1]} : vector<16xi32> to vector<1xi32>
      %squeeze3A_364 = vector.extract %slice3A_363[0] : i32 from vector<1xi32>
      %mul3A_365 = arith.constant 16 : i32
      %mul3A_366 = arith.muli %add3A_199, %mul3A_365 : i32
      %add3A_367 = arith.constant 160 : i32
      %add3A_368 = arith.addi %add3A_367, %mul3A_366 : i32
      %add3A_369 = arith.constant 8 : i32
      %add3A_370 = arith.addi %add3A_368, %add3A_369 : i32
      %dma_start3A_371 = arith.constant 0 : i32
      %dma_start3A_372 = tpu.memref_slice %arg9[%add3A_370, %dma_start3A_371] : memref<336x128xf32, #tpu.memory_space<vmem>> -> memref<1x128xf32, #tpu.memory_space<vmem>>
      %dma_start3A_373 = tpu.memref_squeeze %dma_start3A_372 : memref<1x128xf32, #tpu.memory_space<vmem>> -> memref<128xf32, #tpu.memory_space<vmem>>
      %dma_start3A_374 = arith.constant 0 : i32
      %dma_start3A_375 = tpu.memref_slice %arg2[%squeeze3A_364, %dma_start3A_374] : memref<100000x128xf32, #tpu.memory_space<hbm>> -> memref<1x128xf32, #tpu.memory_space<hbm>>
      %dma_start3A_376 = tpu.memref_squeeze %dma_start3A_375 : memref<1x128xf32, #tpu.memory_space<hbm>> -> memref<128xf32, #tpu.memory_space<hbm>>
      %dma_start3A_377 = arith.constant 0 : i32
      %dma_start3A_378 = tpu.memref_slice %arg9[%add3A_370, %dma_start3A_377] : memref<336x128xf32, #tpu.memory_space<vmem>> -> memref<1x128xf32, #tpu.memory_space<vmem>>
      %dma_start3A_379 = tpu.memref_squeeze %dma_start3A_378 : memref<1x128xf32, #tpu.memory_space<vmem>> -> memref<128xf32, #tpu.memory_space<vmem>>
      %dma_start3A_380 = arith.constant 0 : i32
      %dma_start3A_381 = tpu.memref_slice %arg2[%squeeze3A_364, %dma_start3A_380] : memref<100000x128xf32, #tpu.memory_space<hbm>> -> memref<1x128xf32, #tpu.memory_space<hbm>>
      %dma_start3A_382 = tpu.memref_squeeze %dma_start3A_381 : memref<1x128xf32, #tpu.memory_space<hbm>> -> memref<128xf32, #tpu.memory_space<hbm>>
      tpu.enqueue_dma source(%dma_start3A_382 : memref<128xf32, #tpu.memory_space<hbm>>) target(%dma_start3A_379 : memref<128xf32, #tpu.memory_space<vmem>>) target_semaphore(%arg19 : memref<!tpu.dma_semaphore, #tpu.memory_space<semaphore_mem>>)
      %slice3A_383 = vector.extract_strided_slice %get3A_204 {offsets = [9], sizes = [1], strides = [1]} : vector<16xi32> to vector<1xi32>
      %squeeze3A_384 = vector.extract %slice3A_383[0] : i32 from vector<1xi32>
      %mul3A_385 = arith.constant 16 : i32
      %mul3A_386 = arith.muli %add3A_199, %mul3A_385 : i32
      %add3A_387 = arith.constant 160 : i32
      %add3A_388 = arith.addi %add3A_387, %mul3A_386 : i32
      %add3A_389 = arith.constant 9 : i32
      %add3A_390 = arith.addi %add3A_388, %add3A_389 : i32
      %dma_start3A_391 = arith.constant 0 : i32
      %dma_start3A_392 = tpu.memref_slice %arg9[%add3A_390, %dma_start3A_391] : memref<336x128xf32, #tpu.memory_space<vmem>> -> memref<1x128xf32, #tpu.memory_space<vmem>>
      %dma_start3A_393 = tpu.memref_squeeze %dma_start3A_392 : memref<1x128xf32, #tpu.memory_space<vmem>> -> memref<128xf32, #tpu.memory_space<vmem>>
      %dma_start3A_394 = arith.constant 0 : i32
      %dma_start3A_395 = tpu.memref_slice %arg2[%squeeze3A_384, %dma_start3A_394] : memref<100000x128xf32, #tpu.memory_space<hbm>> -> memref<1x128xf32, #tpu.memory_space<hbm>>
      %dma_start3A_396 = tpu.memref_squeeze %dma_start3A_395 : memref<1x128xf32, #tpu.memory_space<hbm>> -> memref<128xf32, #tpu.memory_space<hbm>>
      %dma_start3A_397 = arith.constant 0 : i32
      %dma_start3A_398 = tpu.memref_slice %arg9[%add3A_390, %dma_start3A_397] : memref<336x128xf32, #tpu.memory_space<vmem>> -> memref<1x128xf32, #tpu.memory_space<vmem>>
      %dma_start3A_399 = tpu.memref_squeeze %dma_start3A_398 : memref<1x128xf32, #tpu.memory_space<vmem>> -> memref<128xf32, #tpu.memory_space<vmem>>
      %dma_start3A_400 = arith.constant 0 : i32
      %dma_start3A_401 = tpu.memref_slice %arg2[%squeeze3A_384, %dma_start3A_400] : memref<100000x128xf32, #tpu.memory_space<hbm>> -> memref<1x128xf32, #tpu.memory_space<hbm>>
      %dma_start3A_402 = tpu.memref_squeeze %dma_start3A_401 : memref<1x128xf32, #tpu.memory_space<hbm>> -> memref<128xf32, #tpu.memory_space<hbm>>
      tpu.enqueue_dma source(%dma_start3A_402 : memref<128xf32, #tpu.memory_space<hbm>>) target(%dma_start3A_399 : memref<128xf32, #tpu.memory_space<vmem>>) target_semaphore(%arg19 : memref<!tpu.dma_semaphore, #tpu.memory_space<semaphore_mem>>)
      %slice3A_403 = vector.extract_strided_slice %get3A_204 {offsets = [10], sizes = [1], strides = [1]} : vector<16xi32> to vector<1xi32>
      %squeeze3A_404 = vector.extract %slice3A_403[0] : i32 from vector<1xi32>
      %mul3A_405 = arith.constant 16 : i32
      %mul3A_406 = arith.muli %add3A_199, %mul3A_405 : i32
      %add3A_407 = arith.constant 160 : i32
      %add3A_408 = arith.addi %add3A_407, %mul3A_406 : i32
      %add3A_409 = arith.constant 10 : i32
      %add3A_410 = arith.addi %add3A_408, %add3A_409 : i32
      %dma_start3A_411 = arith.constant 0 : i32
      %dma_start3A_412 = tpu.memref_slice %arg9[%add3A_410, %dma_start3A_411] : memref<336x128xf32, #tpu.memory_space<vmem>> -> memref<1x128xf32, #tpu.memory_space<vmem>>
      %dma_start3A_413 = tpu.memref_squeeze %dma_start3A_412 : memref<1x128xf32, #tpu.memory_space<vmem>> -> memref<128xf32, #tpu.memory_space<vmem>>
      %dma_start3A_414 = arith.constant 0 : i32
      %dma_start3A_415 = tpu.memref_slice %arg2[%squeeze3A_404, %dma_start3A_414] : memref<100000x128xf32, #tpu.memory_space<hbm>> -> memref<1x128xf32, #tpu.memory_space<hbm>>
      %dma_start3A_416 = tpu.memref_squeeze %dma_start3A_415 : memref<1x128xf32, #tpu.memory_space<hbm>> -> memref<128xf32, #tpu.memory_space<hbm>>
      %dma_start3A_417 = arith.constant 0 : i32
      %dma_start3A_418 = tpu.memref_slice %arg9[%add3A_410, %dma_start3A_417] : memref<336x128xf32, #tpu.memory_space<vmem>> -> memref<1x128xf32, #tpu.memory_space<vmem>>
      %dma_start3A_419 = tpu.memref_squeeze %dma_start3A_418 : memref<1x128xf32, #tpu.memory_space<vmem>> -> memref<128xf32, #tpu.memory_space<vmem>>
      %dma_start3A_420 = arith.constant 0 : i32
      %dma_start3A_421 = tpu.memref_slice %arg2[%squeeze3A_404, %dma_start3A_420] : memref<100000x128xf32, #tpu.memory_space<hbm>> -> memref<1x128xf32, #tpu.memory_space<hbm>>
      %dma_start3A_422 = tpu.memref_squeeze %dma_start3A_421 : memref<1x128xf32, #tpu.memory_space<hbm>> -> memref<128xf32, #tpu.memory_space<hbm>>
      tpu.enqueue_dma source(%dma_start3A_422 : memref<128xf32, #tpu.memory_space<hbm>>) target(%dma_start3A_419 : memref<128xf32, #tpu.memory_space<vmem>>) target_semaphore(%arg19 : memref<!tpu.dma_semaphore, #tpu.memory_space<semaphore_mem>>)
      %slice3A_423 = vector.extract_strided_slice %get3A_204 {offsets = [11], sizes = [1], strides = [1]} : vector<16xi32> to vector<1xi32>
      %squeeze3A_424 = vector.extract %slice3A_423[0] : i32 from vector<1xi32>
      %mul3A_425 = arith.constant 16 : i32
      %mul3A_426 = arith.muli %add3A_199, %mul3A_425 : i32
      %add3A_427 = arith.constant 160 : i32
      %add3A_428 = arith.addi %add3A_427, %mul3A_426 : i32
      %add3A_429 = arith.constant 11 : i32
      %add3A_430 = arith.addi %add3A_428, %add3A_429 : i32
      %dma_start3A_431 = arith.constant 0 : i32
      %dma_start3A_432 = tpu.memref_slice %arg9[%add3A_430, %dma_start3A_431] : memref<336x128xf32, #tpu.memory_space<vmem>> -> memref<1x128xf32, #tpu.memory_space<vmem>>
      %dma_start3A_433 = tpu.memref_squeeze %dma_start3A_432 : memref<1x128xf32, #tpu.memory_space<vmem>> -> memref<128xf32, #tpu.memory_space<vmem>>
      %dma_start3A_434 = arith.constant 0 : i32
      %dma_start3A_435 = tpu.memref_slice %arg2[%squeeze3A_424, %dma_start3A_434] : memref<100000x128xf32, #tpu.memory_space<hbm>> -> memref<1x128xf32, #tpu.memory_space<hbm>>
      %dma_start3A_436 = tpu.memref_squeeze %dma_start3A_435 : memref<1x128xf32, #tpu.memory_space<hbm>> -> memref<128xf32, #tpu.memory_space<hbm>>
      %dma_start3A_437 = arith.constant 0 : i32
      %dma_start3A_438 = tpu.memref_slice %arg9[%add3A_430, %dma_start3A_437] : memref<336x128xf32, #tpu.memory_space<vmem>> -> memref<1x128xf32, #tpu.memory_space<vmem>>
      %dma_start3A_439 = tpu.memref_squeeze %dma_start3A_438 : memref<1x128xf32, #tpu.memory_space<vmem>> -> memref<128xf32, #tpu.memory_space<vmem>>
      %dma_start3A_440 = arith.constant 0 : i32
      %dma_start3A_441 = tpu.memref_slice %arg2[%squeeze3A_424, %dma_start3A_440] : memref<100000x128xf32, #tpu.memory_space<hbm>> -> memref<1x128xf32, #tpu.memory_space<hbm>>
      %dma_start3A_442 = tpu.memref_squeeze %dma_start3A_441 : memref<1x128xf32, #tpu.memory_space<hbm>> -> memref<128xf32, #tpu.memory_space<hbm>>
      tpu.enqueue_dma source(%dma_start3A_442 : memref<128xf32, #tpu.memory_space<hbm>>) target(%dma_start3A_439 : memref<128xf32, #tpu.memory_space<vmem>>) target_semaphore(%arg19 : memref<!tpu.dma_semaphore, #tpu.memory_space<semaphore_mem>>)
      %slice3A_443 = vector.extract_strided_slice %get3A_204 {offsets = [12], sizes = [1], strides = [1]} : vector<16xi32> to vector<1xi32>
      %squeeze3A_444 = vector.extract %slice3A_443[0] : i32 from vector<1xi32>
      %mul3A_445 = arith.constant 16 : i32
      %mul3A_446 = arith.muli %add3A_199, %mul3A_445 : i32
      %add3A_447 = arith.constant 160 : i32
      %add3A_448 = arith.addi %add3A_447, %mul3A_446 : i32
      %add3A_449 = arith.constant 12 : i32
      %add3A_450 = arith.addi %add3A_448, %add3A_449 : i32
      %dma_start3A_451 = arith.constant 0 : i32
      %dma_start3A_452 = tpu.memref_slice %arg9[%add3A_450, %dma_start3A_451] : memref<336x128xf32, #tpu.memory_space<vmem>> -> memref<1x128xf32, #tpu.memory_space<vmem>>
      %dma_start3A_453 = tpu.memref_squeeze %dma_start3A_452 : memref<1x128xf32, #tpu.memory_space<vmem>> -> memref<128xf32, #tpu.memory_space<vmem>>
      %dma_start3A_454 = arith.constant 0 : i32
      %dma_start3A_455 = tpu.memref_slice %arg2[%squeeze3A_444, %dma_start3A_454] : memref<100000x128xf32, #tpu.memory_space<hbm>> -> memref<1x128xf32, #tpu.memory_space<hbm>>
      %dma_start3A_456 = tpu.memref_squeeze %dma_start3A_455 : memref<1x128xf32, #tpu.memory_space<hbm>> -> memref<128xf32, #tpu.memory_space<hbm>>
      %dma_start3A_457 = arith.constant 0 : i32
      %dma_start3A_458 = tpu.memref_slice %arg9[%add3A_450, %dma_start3A_457] : memref<336x128xf32, #tpu.memory_space<vmem>> -> memref<1x128xf32, #tpu.memory_space<vmem>>
      %dma_start3A_459 = tpu.memref_squeeze %dma_start3A_458 : memref<1x128xf32, #tpu.memory_space<vmem>> -> memref<128xf32, #tpu.memory_space<vmem>>
      %dma_start3A_460 = arith.constant 0 : i32
      %dma_start3A_461 = tpu.memref_slice %arg2[%squeeze3A_444, %dma_start3A_460] : memref<100000x128xf32, #tpu.memory_space<hbm>> -> memref<1x128xf32, #tpu.memory_space<hbm>>
      %dma_start3A_462 = tpu.memref_squeeze %dma_start3A_461 : memref<1x128xf32, #tpu.memory_space<hbm>> -> memref<128xf32, #tpu.memory_space<hbm>>
      tpu.enqueue_dma source(%dma_start3A_462 : memref<128xf32, #tpu.memory_space<hbm>>) target(%dma_start3A_459 : memref<128xf32, #tpu.memory_space<vmem>>) target_semaphore(%arg19 : memref<!tpu.dma_semaphore, #tpu.memory_space<semaphore_mem>>)
      %slice3A_463 = vector.extract_strided_slice %get3A_204 {offsets = [13], sizes = [1], strides = [1]} : vector<16xi32> to vector<1xi32>
      %squeeze3A_464 = vector.extract %slice3A_463[0] : i32 from vector<1xi32>
      %mul3A_465 = arith.constant 16 : i32
      %mul3A_466 = arith.muli %add3A_199, %mul3A_465 : i32
      %add3A_467 = arith.constant 160 : i32
      %add3A_468 = arith.addi %add3A_467, %mul3A_466 : i32
      %add3A_469 = arith.constant 13 : i32
      %add3A_470 = arith.addi %add3A_468, %add3A_469 : i32
      %dma_start3A_471 = arith.constant 0 : i32
      %dma_start3A_472 = tpu.memref_slice %arg9[%add3A_470, %dma_start3A_471] : memref<336x128xf32, #tpu.memory_space<vmem>> -> memref<1x128xf32, #tpu.memory_space<vmem>>
      %dma_start3A_473 = tpu.memref_squeeze %dma_start3A_472 : memref<1x128xf32, #tpu.memory_space<vmem>> -> memref<128xf32, #tpu.memory_space<vmem>>
      %dma_start3A_474 = arith.constant 0 : i32
      %dma_start3A_475 = tpu.memref_slice %arg2[%squeeze3A_464, %dma_start3A_474] : memref<100000x128xf32, #tpu.memory_space<hbm>> -> memref<1x128xf32, #tpu.memory_space<hbm>>
      %dma_start3A_476 = tpu.memref_squeeze %dma_start3A_475 : memref<1x128xf32, #tpu.memory_space<hbm>> -> memref<128xf32, #tpu.memory_space<hbm>>
      %dma_start3A_477 = arith.constant 0 : i32
      %dma_start3A_478 = tpu.memref_slice %arg9[%add3A_470, %dma_start3A_477] : memref<336x128xf32, #tpu.memory_space<vmem>> -> memref<1x128xf32, #tpu.memory_space<vmem>>
      %dma_start3A_479 = tpu.memref_squeeze %dma_start3A_478 : memref<1x128xf32, #tpu.memory_space<vmem>> -> memref<128xf32, #tpu.memory_space<vmem>>
      %dma_start3A_480 = arith.constant 0 : i32
      %dma_start3A_481 = tpu.memref_slice %arg2[%squeeze3A_464, %dma_start3A_480] : memref<100000x128xf32, #tpu.memory_space<hbm>> -> memref<1x128xf32, #tpu.memory_space<hbm>>
      %dma_start3A_482 = tpu.memref_squeeze %dma_start3A_481 : memref<1x128xf32, #tpu.memory_space<hbm>> -> memref<128xf32, #tpu.memory_space<hbm>>
      tpu.enqueue_dma source(%dma_start3A_482 : memref<128xf32, #tpu.memory_space<hbm>>) target(%dma_start3A_479 : memref<128xf32, #tpu.memory_space<vmem>>) target_semaphore(%arg19 : memref<!tpu.dma_semaphore, #tpu.memory_space<semaphore_mem>>)
      %slice3A_483 = vector.extract_strided_slice %get3A_204 {offsets = [14], sizes = [1], strides = [1]} : vector<16xi32> to vector<1xi32>
      %squeeze3A_484 = vector.extract %slice3A_483[0] : i32 from vector<1xi32>
      %mul3A_485 = arith.constant 16 : i32
      %mul3A_486 = arith.muli %add3A_199, %mul3A_485 : i32
      %add3A_487 = arith.constant 160 : i32
      %add3A_488 = arith.addi %add3A_487, %mul3A_486 : i32
      %add3A_489 = arith.constant 14 : i32
      %add3A_490 = arith.addi %add3A_488, %add3A_489 : i32
      %dma_start3A_491 = arith.constant 0 : i32
      %dma_start3A_492 = tpu.memref_slice %arg9[%add3A_490, %dma_start3A_491] : memref<336x128xf32, #tpu.memory_space<vmem>> -> memref<1x128xf32, #tpu.memory_space<vmem>>
      %dma_start3A_493 = tpu.memref_squeeze %dma_start3A_492 : memref<1x128xf32, #tpu.memory_space<vmem>> -> memref<128xf32, #tpu.memory_space<vmem>>
      %dma_start3A_494 = arith.constant 0 : i32
      %dma_start3A_495 = tpu.memref_slice %arg2[%squeeze3A_484, %dma_start3A_494] : memref<100000x128xf32, #tpu.memory_space<hbm>> -> memref<1x128xf32, #tpu.memory_space<hbm>>
      %dma_start3A_496 = tpu.memref_squeeze %dma_start3A_495 : memref<1x128xf32, #tpu.memory_space<hbm>> -> memref<128xf32, #tpu.memory_space<hbm>>
      %dma_start3A_497 = arith.constant 0 : i32
      %dma_start3A_498 = tpu.memref_slice %arg9[%add3A_490, %dma_start3A_497] : memref<336x128xf32, #tpu.memory_space<vmem>> -> memref<1x128xf32, #tpu.memory_space<vmem>>
      %dma_start3A_499 = tpu.memref_squeeze %dma_start3A_498 : memref<1x128xf32, #tpu.memory_space<vmem>> -> memref<128xf32, #tpu.memory_space<vmem>>
      %dma_start3A_500 = arith.constant 0 : i32
      %dma_start3A_501 = tpu.memref_slice %arg2[%squeeze3A_484, %dma_start3A_500] : memref<100000x128xf32, #tpu.memory_space<hbm>> -> memref<1x128xf32, #tpu.memory_space<hbm>>
      %dma_start3A_502 = tpu.memref_squeeze %dma_start3A_501 : memref<1x128xf32, #tpu.memory_space<hbm>> -> memref<128xf32, #tpu.memory_space<hbm>>
      tpu.enqueue_dma source(%dma_start3A_502 : memref<128xf32, #tpu.memory_space<hbm>>) target(%dma_start3A_499 : memref<128xf32, #tpu.memory_space<vmem>>) target_semaphore(%arg19 : memref<!tpu.dma_semaphore, #tpu.memory_space<semaphore_mem>>)
      %slice3A_503 = vector.extract_strided_slice %get3A_204 {offsets = [15], sizes = [1], strides = [1]} : vector<16xi32> to vector<1xi32>
      %squeeze3A_504 = vector.extract %slice3A_503[0] : i32 from vector<1xi32>
      %mul3A_505 = arith.constant 16 : i32
      %mul3A_506 = arith.muli %add3A_199, %mul3A_505 : i32
      %add3A_507 = arith.constant 160 : i32
      %add3A_508 = arith.addi %add3A_507, %mul3A_506 : i32
      %add3A_509 = arith.constant 15 : i32
      %add3A_510 = arith.addi %add3A_508, %add3A_509 : i32
      %dma_start3A_511 = arith.constant 0 : i32
      %dma_start3A_512 = tpu.memref_slice %arg9[%add3A_510, %dma_start3A_511] : memref<336x128xf32, #tpu.memory_space<vmem>> -> memref<1x128xf32, #tpu.memory_space<vmem>>
      %dma_start3A_513 = tpu.memref_squeeze %dma_start3A_512 : memref<1x128xf32, #tpu.memory_space<vmem>> -> memref<128xf32, #tpu.memory_space<vmem>>
      %dma_start3A_514 = arith.constant 0 : i32
      %dma_start3A_515 = tpu.memref_slice %arg2[%squeeze3A_504, %dma_start3A_514] : memref<100000x128xf32, #tpu.memory_space<hbm>> -> memref<1x128xf32, #tpu.memory_space<hbm>>
      %dma_start3A_516 = tpu.memref_squeeze %dma_start3A_515 : memref<1x128xf32, #tpu.memory_space<hbm>> -> memref<128xf32, #tpu.memory_space<hbm>>
      %dma_start3A_517 = arith.constant 0 : i32
      %dma_start3A_518 = tpu.memref_slice %arg9[%add3A_510, %dma_start3A_517] : memref<336x128xf32, #tpu.memory_space<vmem>> -> memref<1x128xf32, #tpu.memory_space<vmem>>
      %dma_start3A_519 = tpu.memref_squeeze %dma_start3A_518 : memref<1x128xf32, #tpu.memory_space<vmem>> -> memref<128xf32, #tpu.memory_space<vmem>>
      %dma_start3A_520 = arith.constant 0 : i32
      %dma_start3A_521 = tpu.memref_slice %arg2[%squeeze3A_504, %dma_start3A_520] : memref<100000x128xf32, #tpu.memory_space<hbm>> -> memref<1x128xf32, #tpu.memory_space<hbm>>
      %dma_start3A_522 = tpu.memref_squeeze %dma_start3A_521 : memref<1x128xf32, #tpu.memory_space<hbm>> -> memref<128xf32, #tpu.memory_space<hbm>>
      tpu.enqueue_dma source(%dma_start3A_522 : memref<128xf32, #tpu.memory_space<hbm>>) target(%dma_start3A_519 : memref<128xf32, #tpu.memory_space<vmem>>) target_semaphore(%arg19 : memref<!tpu.dma_semaphore, #tpu.memory_space<semaphore_mem>>)
    }
    %scan3A_183 = arith.constant 11 : i32
    %add3A_184 = arith.constant 1 : i32
    %add3A_185 = arith.addi %mul3A_4, %add3A_184 : i32
    %mul3A_186 = arith.constant 2048 : i32
    %mul3A_187 = arith.muli %add3A_185, %mul3A_186 : i32
    %dma_start3A_188 = tpu.memref_slice %arg4[%mul3A_187] : memref<2097152xf32, #tpu.memory_space<hbm>> -> memref<2048xf32, #tpu.memory_space<hbm>>
    %dma_start3A_189 = tpu.memref_slice %arg4[%mul3A_187] : memref<2097152xf32, #tpu.memory_space<hbm>> -> memref<2048xf32, #tpu.memory_space<hbm>>
    tpu.enqueue_dma source(%dma_start3A_189 : memref<2048xf32, #tpu.memory_space<hbm>>) target(%arg11 : memref<2048xf32, #tpu.memory_space<vmem>>) target_semaphore(%arg17 : memref<!tpu.dma_semaphore, #tpu.memory_space<semaphore_mem>>)
    %scan3A_190 = arith.constant 0 : i32
    %scan3A_191 = arith.constant 16 : i32
    %scan3A_192 = arith.addi %scan3A_190, %scan3A_191 : i32
    %scan3A_193 = arith.constant 1 : i32
    scf.for %scan3A_195 = %scan3A_190 to %scan3A_192 step %scan3A_193  : i32 {
      %mul3A_196 = arith.constant 2 : i32
      %mul3A_197 = arith.muli %scan3A_195, %mul3A_196 : i32
      %add3A_198 = arith.constant 0 : i32
      %add3A_199 = arith.addi %add3A_198, %mul3A_197 : i32
      %add3A_200 = arith.constant 0 : i32
      %add3A_201 = arith.addi %add3A_199, %add3A_200 : i32
      %mul3A_202 = arith.constant 336 : i32
      %mul3A_203 = arith.muli %add3A_201, %mul3A_202 : i32
      %add3A_204 = arith.constant 0 : i32
      %add3A_205 = arith.addi %mul3A_203, %add3A_204 : i32
      %dma_wait3A = arith.constant 0 : i32
      %dma_wait3A_206 = arith.constant 0 : i32
      %dma_wait3A_207 = tpu.memref_slice %arg8[%dma_wait3A, %dma_wait3A_206] : memref<336x128xf32, #tpu.memory_space<vmem>> -> memref<16x128xf32, #tpu.memory_space<vmem>>
      %dma_wait3A_208 = tpu.memref_slice %arg7[%add3A_205] : memref<10752xi32, #tpu.memory_space<vmem>> -> memref<16xi32, #tpu.memory_space<vmem>>
      %dma_wait3A_209 = arith.constant 0 : i32
      %dma_wait3A_210 = arith.constant 0 : i32
      %dma_wait3A_211 = tpu.memref_slice %arg2[%dma_wait3A_209, %dma_wait3A_210] : memref<100000x128xf32, #tpu.memory_space<hbm>> -> memref<100000x128xf32, #tpu.memory_space<hbm>>
      tpu.wait_indirect_dma semaphore(%arg14 : memref<!tpu.dma_semaphore, #tpu.memory_space<semaphore_mem>>) src(%dma_wait3A_211 : memref<100000x128xf32, #tpu.memory_space<hbm>>) dst(%dma_wait3A_207 : memref<16x128xf32, #tpu.memory_space<vmem>>)
      %add3A_212 = arith.constant 16 : i32
      %add3A_213 = arith.addi %mul3A_203, %add3A_212 : i32
      %dma_wait3A_214 = arith.constant 16 : i32
      %dma_wait3A_215 = arith.constant 0 : i32
      %dma_wait3A_216 = tpu.memref_slice %arg8[%dma_wait3A_214, %dma_wait3A_215] : memref<336x128xf32, #tpu.memory_space<vmem>> -> memref<16x128xf32, #tpu.memory_space<vmem>>
      %dma_wait3A_217 = tpu.memref_slice %arg7[%add3A_213] : memref<10752xi32, #tpu.memory_space<vmem>> -> memref<16xi32, #tpu.memory_space<vmem>>
      %dma_wait3A_218 = arith.constant 0 : i32
      %dma_wait3A_219 = arith.constant 0 : i32
      %dma_wait3A_220 = tpu.memref_slice %arg2[%dma_wait3A_218, %dma_wait3A_219] : memref<100000x128xf32, #tpu.memory_space<hbm>> -> memref<100000x128xf32, #tpu.memory_space<hbm>>
      tpu.wait_indirect_dma semaphore(%arg14 : memref<!tpu.dma_semaphore, #tpu.memory_space<semaphore_mem>>) src(%dma_wait3A_220 : memref<100000x128xf32, #tpu.memory_space<hbm>>) dst(%dma_wait3A_216 : memref<16x128xf32, #tpu.memory_space<vmem>>)
      %add3A_221 = arith.constant 32 : i32
      %add3A_222 = arith.addi %mul3A_203, %add3A_221 : i32
      %dma_wait3A_223 = arith.constant 32 : i32
      %dma_wait3A_224 = arith.constant 0 : i32
      %dma_wait3A_225 = tpu.memref_slice %arg8[%dma_wait3A_223, %dma_wait3A_224] : memref<336x128xf32, #tpu.memory_space<vmem>> -> memref<16x128xf32, #tpu.memory_space<vmem>>
      %dma_wait3A_226 = tpu.memref_slice %arg7[%add3A_222] : memref<10752xi32, #tpu.memory_space<vmem>> -> memref<16xi32, #tpu.memory_space<vmem>>
      %dma_wait3A_227 = arith.constant 0 : i32
      %dma_wait3A_228 = arith.constant 0 : i32
      %dma_wait3A_229 = tpu.memref_slice %arg2[%dma_wait3A_227, %dma_wait3A_228] : memref<100000x128xf32, #tpu.memory_space<hbm>> -> memref<100000x128xf32, #tpu.memory_space<hbm>>
      tpu.wait_indirect_dma semaphore(%arg14 : memref<!tpu.dma_semaphore, #tpu.memory_space<semaphore_mem>>) src(%dma_wait3A_229 : memref<100000x128xf32, #tpu.memory_space<hbm>>) dst(%dma_wait3A_225 : memref<16x128xf32, #tpu.memory_space<vmem>>)
      %add3A_230 = arith.constant 48 : i32
      %add3A_231 = arith.addi %mul3A_203, %add3A_230 : i32
      %dma_wait3A_232 = arith.constant 48 : i32
      %dma_wait3A_233 = arith.constant 0 : i32
      %dma_wait3A_234 = tpu.memref_slice %arg8[%dma_wait3A_232, %dma_wait3A_233] : memref<336x128xf32, #tpu.memory_space<vmem>> -> memref<16x128xf32, #tpu.memory_space<vmem>>
      %dma_wait3A_235 = tpu.memref_slice %arg7[%add3A_231] : memref<10752xi32, #tpu.memory_space<vmem>> -> memref<16xi32, #tpu.memory_space<vmem>>
      %dma_wait3A_236 = arith.constant 0 : i32
      %dma_wait3A_237 = arith.constant 0 : i32
      %dma_wait3A_238 = tpu.memref_slice %arg2[%dma_wait3A_236, %dma_wait3A_237] : memref<100000x128xf32, #tpu.memory_space<hbm>> -> memref<100000x128xf32, #tpu.memory_space<hbm>>
      tpu.wait_indirect_dma semaphore(%arg14 : memref<!tpu.dma_semaphore, #tpu.memory_space<semaphore_mem>>) src(%dma_wait3A_238 : memref<100000x128xf32, #tpu.memory_space<hbm>>) dst(%dma_wait3A_234 : memref<16x128xf32, #tpu.memory_space<vmem>>)
      %add3A_239 = arith.constant 64 : i32
      %add3A_240 = arith.addi %mul3A_203, %add3A_239 : i32
      %dma_wait3A_241 = arith.constant 64 : i32
      %dma_wait3A_242 = arith.constant 0 : i32
      %dma_wait3A_243 = tpu.memref_slice %arg8[%dma_wait3A_241, %dma_wait3A_242] : memref<336x128xf32, #tpu.memory_space<vmem>> -> memref<16x128xf32, #tpu.memory_space<vmem>>
      %dma_wait3A_244 = tpu.memref_slice %arg7[%add3A_240] : memref<10752xi32, #tpu.memory_space<vmem>> -> memref<16xi32, #tpu.memory_space<vmem>>
      %dma_wait3A_245 = arith.constant 0 : i32
      %dma_wait3A_246 = arith.constant 0 : i32
      %dma_wait3A_247 = tpu.memref_slice %arg2[%dma_wait3A_245, %dma_wait3A_246] : memref<100000x128xf32, #tpu.memory_space<hbm>> -> memref<100000x128xf32, #tpu.memory_space<hbm>>
      tpu.wait_indirect_dma semaphore(%arg14 : memref<!tpu.dma_semaphore, #tpu.memory_space<semaphore_mem>>) src(%dma_wait3A_247 : memref<100000x128xf32, #tpu.memory_space<hbm>>) dst(%dma_wait3A_243 : memref<16x128xf32, #tpu.memory_space<vmem>>)
      %add3A_248 = arith.constant 80 : i32
      %add3A_249 = arith.addi %mul3A_203, %add3A_248 : i32
      %dma_wait3A_250 = arith.constant 80 : i32
      %dma_wait3A_251 = arith.constant 0 : i32
      %dma_wait3A_252 = tpu.memref_slice %arg8[%dma_wait3A_250, %dma_wait3A_251] : memref<336x128xf32, #tpu.memory_space<vmem>> -> memref<16x128xf32, #tpu.memory_space<vmem>>
      %dma_wait3A_253 = tpu.memref_slice %arg7[%add3A_249] : memref<10752xi32, #tpu.memory_space<vmem>> -> memref<16xi32, #tpu.memory_space<vmem>>
      %dma_wait3A_254 = arith.constant 0 : i32
      %dma_wait3A_255 = arith.constant 0 : i32
      %dma_wait3A_256 = tpu.memref_slice %arg2[%dma_wait3A_254, %dma_wait3A_255] : memref<100000x128xf32, #tpu.memory_space<hbm>> -> memref<100000x128xf32, #tpu.memory_space<hbm>>
      tpu.wait_indirect_dma semaphore(%arg14 : memref<!tpu.dma_semaphore, #tpu.memory_space<semaphore_mem>>) src(%dma_wait3A_256 : memref<100000x128xf32, #tpu.memory_space<hbm>>) dst(%dma_wait3A_252 : memref<16x128xf32, #tpu.memory_space<vmem>>)
      %add3A_257 = arith.constant 96 : i32
      %add3A_258 = arith.addi %mul3A_203, %add3A_257 : i32
      %dma_wait3A_259 = arith.constant 96 : i32
      %dma_wait3A_260 = arith.constant 0 : i32
      %dma_wait3A_261 = tpu.memref_slice %arg8[%dma_wait3A_259, %dma_wait3A_260] : memref<336x128xf32, #tpu.memory_space<vmem>> -> memref<16x128xf32, #tpu.memory_space<vmem>>
      %dma_wait3A_262 = tpu.memref_slice %arg7[%add3A_258] : memref<10752xi32, #tpu.memory_space<vmem>> -> memref<16xi32, #tpu.memory_space<vmem>>
      %dma_wait3A_263 = arith.constant 0 : i32
      %dma_wait3A_264 = arith.constant 0 : i32
      %dma_wait3A_265 = tpu.memref_slice %arg2[%dma_wait3A_263, %dma_wait3A_264] : memref<100000x128xf32, #tpu.memory_space<hbm>> -> memref<100000x128xf32, #tpu.memory_space<hbm>>
      tpu.wait_indirect_dma semaphore(%arg14 : memref<!tpu.dma_semaphore, #tpu.memory_space<semaphore_mem>>) src(%dma_wait3A_265 : memref<100000x128xf32, #tpu.memory_space<hbm>>) dst(%dma_wait3A_261 : memref<16x128xf32, #tpu.memory_space<vmem>>)
      %add3A_266 = arith.constant 112 : i32
      %add3A_267 = arith.addi %mul3A_203, %add3A_266 : i32
      %dma_wait3A_268 = arith.constant 112 : i32
      %dma_wait3A_269 = arith.constant 0 : i32
      %dma_wait3A_270 = tpu.memref_slice %arg8[%dma_wait3A_268, %dma_wait3A_269] : memref<336x128xf32, #tpu.memory_space<vmem>> -> memref<16x128xf32, #tpu.memory_space<vmem>>
      %dma_wait3A_271 = tpu.memref_slice %arg7[%add3A_267] : memref<10752xi32, #tpu.memory_space<vmem>> -> memref<16xi32, #tpu.memory_space<vmem>>
      %dma_wait3A_272 = arith.constant 0 : i32
      %dma_wait3A_273 = arith.constant 0 : i32
      %dma_wait3A_274 = tpu.memref_slice %arg2[%dma_wait3A_272, %dma_wait3A_273] : memref<100000x128xf32, #tpu.memory_space<hbm>> -> memref<100000x128xf32, #tpu.memory_space<hbm>>
      tpu.wait_indirect_dma semaphore(%arg14 : memref<!tpu.dma_semaphore, #tpu.memory_space<semaphore_mem>>) src(%dma_wait3A_274 : memref<100000x128xf32, #tpu.memory_space<hbm>>) dst(%dma_wait3A_270 : memref<16x128xf32, #tpu.memory_space<vmem>>)
      %add3A_275 = arith.constant 128 : i32
      %add3A_276 = arith.addi %mul3A_203, %add3A_275 : i32
      %dma_wait3A_277 = arith.constant 128 : i32
      %dma_wait3A_278 = arith.constant 0 : i32
      %dma_wait3A_279 = tpu.memref_slice %arg8[%dma_wait3A_277, %dma_wait3A_278] : memref<336x128xf32, #tpu.memory_space<vmem>> -> memref<16x128xf32, #tpu.memory_space<vmem>>
      %dma_wait3A_280 = tpu.memref_slice %arg7[%add3A_276] : memref<10752xi32, #tpu.memory_space<vmem>> -> memref<16xi32, #tpu.memory_space<vmem>>
      %dma_wait3A_281 = arith.constant 0 : i32
      %dma_wait3A_282 = arith.constant 0 : i32
      %dma_wait3A_283 = tpu.memref_slice %arg2[%dma_wait3A_281, %dma_wait3A_282] : memref<100000x128xf32, #tpu.memory_space<hbm>> -> memref<100000x128xf32, #tpu.memory_space<hbm>>
      tpu.wait_indirect_dma semaphore(%arg14 : memref<!tpu.dma_semaphore, #tpu.memory_space<semaphore_mem>>) src(%dma_wait3A_283 : memref<100000x128xf32, #tpu.memory_space<hbm>>) dst(%dma_wait3A_279 : memref<16x128xf32, #tpu.memory_space<vmem>>)
      %add3A_284 = arith.constant 144 : i32
      %add3A_285 = arith.addi %mul3A_203, %add3A_284 : i32
      %dma_wait3A_286 = arith.constant 144 : i32
      %dma_wait3A_287 = arith.constant 0 : i32
      %dma_wait3A_288 = tpu.memref_slice %arg8[%dma_wait3A_286, %dma_wait3A_287] : memref<336x128xf32, #tpu.memory_space<vmem>> -> memref<16x128xf32, #tpu.memory_space<vmem>>
      %dma_wait3A_289 = tpu.memref_slice %arg7[%add3A_285] : memref<10752xi32, #tpu.memory_space<vmem>> -> memref<16xi32, #tpu.memory_space<vmem>>
      %dma_wait3A_290 = arith.constant 0 : i32
      %dma_wait3A_291 = arith.constant 0 : i32
      %dma_wait3A_292 = tpu.memref_slice %arg2[%dma_wait3A_290, %dma_wait3A_291] : memref<100000x128xf32, #tpu.memory_space<hbm>> -> memref<100000x128xf32, #tpu.memory_space<hbm>>
      tpu.wait_indirect_dma semaphore(%arg14 : memref<!tpu.dma_semaphore, #tpu.memory_space<semaphore_mem>>) src(%dma_wait3A_292 : memref<100000x128xf32, #tpu.memory_space<hbm>>) dst(%dma_wait3A_288 : memref<16x128xf32, #tpu.memory_space<vmem>>)
      %dma_wait3A_293 = arith.constant 160 : i32
      %dma_wait3A_294 = arith.constant 0 : i32
      %dma_wait3A_295 = tpu.memref_slice %arg8[%dma_wait3A_293, %dma_wait3A_294] : memref<336x128xf32, #tpu.memory_space<vmem>> -> memref<176x128xf32, #tpu.memory_space<vmem>>
      %dma_wait3A_296 = arith.constant 0 : i32
      %dma_wait3A_297 = arith.constant 0 : i32
      %dma_wait3A_298 = tpu.memref_slice %arg2[%dma_wait3A_296, %dma_wait3A_297] : memref<100000x128xf32, #tpu.memory_space<hbm>> -> memref<176x128xf32, #tpu.memory_space<hbm>>
      %dma_wait3A_299 = arith.constant 160 : i32
      %dma_wait3A_300 = arith.constant 0 : i32
      %dma_wait3A_301 = tpu.memref_slice %arg8[%dma_wait3A_299, %dma_wait3A_300] : memref<336x128xf32, #tpu.memory_space<vmem>> -> memref<176x128xf32, #tpu.memory_space<vmem>>
      %dma_wait3A_302 = arith.constant 0 : i32
      %dma_wait3A_303 = arith.constant 0 : i32
      %dma_wait3A_304 = tpu.memref_slice %arg2[%dma_wait3A_302, %dma_wait3A_303] : memref<100000x128xf32, #tpu.memory_space<hbm>> -> memref<176x128xf32, #tpu.memory_space<hbm>>
      tpu.wait_dma2 semaphore(%arg18 : memref<!tpu.dma_semaphore, #tpu.memory_space<semaphore_mem>>) src(%dma_wait3A_304 : memref<176x128xf32, #tpu.memory_space<hbm>>) dst(%dma_wait3A_301 : memref<176x128xf32, #tpu.memory_space<vmem>>)
      %add3A_305 = arith.addi %mul3A_4, %add3A_201 : i32
      %mul3A_306 = arith.constant 2048 : i32
      %mul3A_307 = arith.muli %add3A_305, %mul3A_306 : i32
      %dma_wait3A_308 = tpu.memref_slice %arg4[%mul3A_307] : memref<2097152xf32, #tpu.memory_space<hbm>> -> memref<2048xf32, #tpu.memory_space<hbm>>
      %dma_wait3A_309 = tpu.memref_slice %arg4[%mul3A_307] : memref<2097152xf32, #tpu.memory_space<hbm>> -> memref<2048xf32, #tpu.memory_space<hbm>>
      tpu.wait_dma2 semaphore(%arg16 : memref<!tpu.dma_semaphore, #tpu.memory_space<semaphore_mem>>) src(%dma_wait3A_309 : memref<2048xf32, #tpu.memory_space<hbm>>) dst(%arg10 : memref<2048xf32, #tpu.memory_space<vmem>>)
      %broadcast_in_dim3A = arith.constant 0.000000e+00 : f32
      %broadcast_in_dim3A_310 = vector.broadcast %broadcast_in_dim3A : f32 to vector<16xf32>
      %broadcast_in_dim3A_311 = arith.constant 0.000000e+00 : f32
      %broadcast_in_dim3A_312 = vector.broadcast %broadcast_in_dim3A_311 : f32 to vector<16xf32>
      %broadcast_in_dim3A_313 = arith.constant 0.000000e+00 : f32
      %broadcast_in_dim3A_314 = vector.broadcast %broadcast_in_dim3A_313 : f32 to vector<16xf32>
      %broadcast_in_dim3A_315 = arith.constant 0.000000e+00 : f32
      %broadcast_in_dim3A_316 = vector.broadcast %broadcast_in_dim3A_315 : f32 to vector<16xf32>
      %broadcast_in_dim3A_317 = arith.constant 0.000000e+00 : f32
      %broadcast_in_dim3A_318 = vector.broadcast %broadcast_in_dim3A_317 : f32 to vector<16xf32>
      %broadcast_in_dim3A_319 = arith.constant 0.000000e+00 : f32
      %broadcast_in_dim3A_320 = vector.broadcast %broadcast_in_dim3A_319 : f32 to vector<16xf32>
      %broadcast_in_dim3A_321 = arith.constant 0.000000e+00 : f32
      %broadcast_in_dim3A_322 = vector.broadcast %broadcast_in_dim3A_321 : f32 to vector<16xf32>
      %broadcast_in_dim3A_323 = arith.constant 0.000000e+00 : f32
      %broadcast_in_dim3A_324 = vector.broadcast %broadcast_in_dim3A_323 : f32 to vector<16xf32>
      %broadcast_in_dim3A_325 = arith.constant 0.000000e+00 : f32
      %broadcast_in_dim3A_326 = vector.broadcast %broadcast_in_dim3A_325 : f32 to vector<16xf32>
      %broadcast_in_dim3A_327 = arith.constant 0.000000e+00 : f32
      %broadcast_in_dim3A_328 = vector.broadcast %broadcast_in_dim3A_327 : f32 to vector<16xf32>
      %broadcast_in_dim3A_329 = arith.constant 0.000000e+00 : f32
      %broadcast_in_dim3A_330 = vector.broadcast %broadcast_in_dim3A_329 : f32 to vector<16xf32>
      %broadcast_in_dim3A_331 = arith.constant 0.000000e+00 : f32
      %broadcast_in_dim3A_332 = vector.broadcast %broadcast_in_dim3A_331 : f32 to vector<16xf32>
      %broadcast_in_dim3A_333 = arith.constant 0.000000e+00 : f32
      %broadcast_in_dim3A_334 = vector.broadcast %broadcast_in_dim3A_333 : f32 to vector<16xf32>
      %broadcast_in_dim3A_335 = arith.constant 0.000000e+00 : f32
      %broadcast_in_dim3A_336 = vector.broadcast %broadcast_in_dim3A_335 : f32 to vector<16xf32>
      %broadcast_in_dim3A_337 = arith.constant 0.000000e+00 : f32
      %broadcast_in_dim3A_338 = vector.broadcast %broadcast_in_dim3A_337 : f32 to vector<16xf32>
      %broadcast_in_dim3A_339 = arith.constant 0.000000e+00 : f32
      %broadcast_in_dim3A_340 = vector.broadcast %broadcast_in_dim3A_339 : f32 to vector<16xf32>
      %broadcast_in_dim3A_341 = arith.constant 0.000000e+00 : f32
      %broadcast_in_dim3A_342 = vector.broadcast %broadcast_in_dim3A_341 : f32 to vector<16xf32>
      %broadcast_in_dim3A_343 = arith.constant 0.000000e+00 : f32
      %broadcast_in_dim3A_344 = vector.broadcast %broadcast_in_dim3A_343 : f32 to vector<16xf32>
      %broadcast_in_dim3A_345 = arith.constant 0.000000e+00 : f32
      %broadcast_in_dim3A_346 = vector.broadcast %broadcast_in_dim3A_345 : f32 to vector<16xf32>
      %broadcast_in_dim3A_347 = arith.constant 0.000000e+00 : f32
      %broadcast_in_dim3A_348 = vector.broadcast %broadcast_in_dim3A_347 : f32 to vector<16xf32>
      %broadcast_in_dim3A_349 = arith.constant 0.000000e+00 : f32
      %broadcast_in_dim3A_350 = vector.broadcast %broadcast_in_dim3A_349 : f32 to vector<16xf32>
      %scan3A_351 = arith.constant 0 : i32
      %scan3A_352 = arith.constant 128 : i32
      %scan3A_353 = arith.addi %scan3A_351, %scan3A_352 : i32
      %scan3A_354 = arith.constant 1 : i32
      %scan3A_355:21 = scf.for %scan3A_626 = %scan3A_351 to %scan3A_353 step %scan3A_354 iter_args(%scan3A_627 = %broadcast_in_dim3A_310, %scan3A_628 = %broadcast_in_dim3A_312, %scan3A_629 = %broadcast_in_dim3A_314, %scan3A_630 = %broadcast_in_dim3A_316, %scan3A_631 = %broadcast_in_dim3A_318, %scan3A_632 = %broadcast_in_dim3A_320, %scan3A_633 = %broadcast_in_dim3A_322, %scan3A_634 = %broadcast_in_dim3A_324, %scan3A_635 = %broadcast_in_dim3A_326, %scan3A_636 = %broadcast_in_dim3A_328, %scan3A_637 = %broadcast_in_dim3A_330, %scan3A_638 = %broadcast_in_dim3A_332, %scan3A_639 = %broadcast_in_dim3A_334, %scan3A_640 = %broadcast_in_dim3A_336, %scan3A_641 = %broadcast_in_dim3A_338, %scan3A_642 = %broadcast_in_dim3A_340, %scan3A_643 = %broadcast_in_dim3A_342, %scan3A_644 = %broadcast_in_dim3A_344, %scan3A_645 = %broadcast_in_dim3A_346, %scan3A_646 = %broadcast_in_dim3A_348, %scan3A_647 = %broadcast_in_dim3A_350) -> (vector<16xf32>, vector<16xf32>, vector<16xf32>, vector<16xf32>, vector<16xf32>, vector<16xf32>, vector<16xf32>, vector<16xf32>, vector<16xf32>, vector<16xf32>, vector<16xf32>, vector<16xf32>, vector<16xf32>, vector<16xf32>, vector<16xf32>, vector<16xf32>, vector<16xf32>, vector<16xf32>, vector<16xf32>, vector<16xf32>, vector<16xf32>)  : i32 {
        %mul3A_648 = arith.constant 16 : i32
        %mul3A_649 = arith.muli %scan3A_626, %mul3A_648 : i32
        %get3A = arith.index_cast %mul3A_649 : i32 to index
        %get3A_650 = tpu.vector_load %arg10[%get3A] {strides = array<i32>} : memref<2048xf32, #tpu.memory_space<vmem>>, vector<16xf32>,
        %broadcast_in_dim3A_651 = vector.broadcast %scan3A_626 : i32 to vector<16xi32>
        %add3A_652 = arith.constant 0 : i32
        %add3A_653 = vector.broadcast %add3A_652 : i32 to vector<16xi32>
        %add3A_654 = arith.addi %mul3A_9, %add3A_653 : vector<16xi32>
        %gather3A = tpu.vector_load_idx %arg8[%add3A_654, %broadcast_in_dim3A_651] : memref<336x128xf32, #tpu.memory_space<vmem>>[vector<16xi32>, vector<16xi32>], vector<16xf32>,
        %mul3A_655 = arith.mulf %gather3A, %get3A_650 : vector<16xf32>
        %add3A_656 = arith.addf %scan3A_627, %mul3A_655 : vector<16xf32>
        %add3A_657 = arith.constant 1 : i32
        %add3A_658 = vector.broadcast %add3A_657 : i32 to vector<16xi32>
        %add3A_659 = arith.addi %mul3A_9, %add3A_658 : vector<16xi32>
        %gather3A_660 = tpu.vector_load_idx %arg8[%add3A_659, %broadcast_in_dim3A_651] : memref<336x128xf32, #tpu.memory_space<vmem>>[vector<16xi32>, vector<16xi32>], vector<16xf32>,
        %mul3A_661 = arith.mulf %gather3A_660, %get3A_650 : vector<16xf32>
        %add3A_662 = arith.addf %scan3A_628, %mul3A_661 : vector<16xf32>
        %add3A_663 = arith.constant 2 : i32
        %add3A_664 = vector.broadcast %add3A_663 : i32 to vector<16xi32>
        %add3A_665 = arith.addi %mul3A_9, %add3A_664 : vector<16xi32>
        %gather3A_666 = tpu.vector_load_idx %arg8[%add3A_665, %broadcast_in_dim3A_651] : memref<336x128xf32, #tpu.memory_space<vmem>>[vector<16xi32>, vector<16xi32>], vector<16xf32>,
        %mul3A_667 = arith.mulf %gather3A_666, %get3A_650 : vector<16xf32>
        %add3A_668 = arith.addf %scan3A_629, %mul3A_667 : vector<16xf32>
        %add3A_669 = arith.constant 3 : i32
        %add3A_670 = vector.broadcast %add3A_669 : i32 to vector<16xi32>
        %add3A_671 = arith.addi %mul3A_9, %add3A_670 : vector<16xi32>
        %gather3A_672 = tpu.vector_load_idx %arg8[%add3A_671, %broadcast_in_dim3A_651] : memref<336x128xf32, #tpu.memory_space<vmem>>[vector<16xi32>, vector<16xi32>], vector<16xf32>,
        %mul3A_673 = arith.mulf %gather3A_672, %get3A_650 : vector<16xf32>
        %add3A_674 = arith.addf %scan3A_630, %mul3A_673 : vector<16xf32>
        %add3A_675 = arith.constant 4 : i32
        %add3A_676 = vector.broadcast %add3A_675 : i32 to vector<16xi32>
        %add3A_677 = arith.addi %mul3A_9, %add3A_676 : vector<16xi32>
        %gather3A_678 = tpu.vector_load_idx %arg8[%add3A_677, %broadcast_in_dim3A_651] : memref<336x128xf32, #tpu.memory_space<vmem>>[vector<16xi32>, vector<16xi32>], vector<16xf32>,
        %mul3A_679 = arith.mulf %gather3A_678, %get3A_650 : vector<16xf32>
        %add3A_680 = arith.addf %scan3A_631, %mul3A_679 : vector<16xf32>
        %add3A_681 = arith.constant 5 : i32
        %add3A_682 = vector.broadcast %add3A_681 : i32 to vector<16xi32>
        %add3A_683 = arith.addi %mul3A_9, %add3A_682 : vector<16xi32>
        %gather3A_684 = tpu.vector_load_idx %arg8[%add3A_683, %broadcast_in_dim3A_651] : memref<336x128xf32, #tpu.memory_space<vmem>>[vector<16xi32>, vector<16xi32>], vector<16xf32>,
        %mul3A_685 = arith.mulf %gather3A_684, %get3A_650 : vector<16xf32>
        %add3A_686 = arith.addf %scan3A_632, %mul3A_685 : vector<16xf32>
        %add3A_687 = arith.constant 6 : i32
        %add3A_688 = vector.broadcast %add3A_687 : i32 to vector<16xi32>
        %add3A_689 = arith.addi %mul3A_9, %add3A_688 : vector<16xi32>
        %gather3A_690 = tpu.vector_load_idx %arg8[%add3A_689, %broadcast_in_dim3A_651] : memref<336x128xf32, #tpu.memory_space<vmem>>[vector<16xi32>, vector<16xi32>], vector<16xf32>,
        %mul3A_691 = arith.mulf %gather3A_690, %get3A_650 : vector<16xf32>
        %add3A_692 = arith.addf %scan3A_633, %mul3A_691 : vector<16xf32>
        %add3A_693 = arith.constant 7 : i32
        %add3A_694 = vector.broadcast %add3A_693 : i32 to vector<16xi32>
        %add3A_695 = arith.addi %mul3A_9, %add3A_694 : vector<16xi32>
        %gather3A_696 = tpu.vector_load_idx %arg8[%add3A_695, %broadcast_in_dim3A_651] : memref<336x128xf32, #tpu.memory_space<vmem>>[vector<16xi32>, vector<16xi32>], vector<16xf32>,
        %mul3A_697 = arith.mulf %gather3A_696, %get3A_650 : vector<16xf32>
        %add3A_698 = arith.addf %scan3A_634, %mul3A_697 : vector<16xf32>
        %add3A_699 = arith.constant 8 : i32
        %add3A_700 = vector.broadcast %add3A_699 : i32 to vector<16xi32>
        %add3A_701 = arith.addi %mul3A_9, %add3A_700 : vector<16xi32>
        %gather3A_702 = tpu.vector_load_idx %arg8[%add3A_701, %broadcast_in_dim3A_651] : memref<336x128xf32, #tpu.memory_space<vmem>>[vector<16xi32>, vector<16xi32>], vector<16xf32>,
        %mul3A_703 = arith.mulf %gather3A_702, %get3A_650 : vector<16xf32>
        %add3A_704 = arith.addf %scan3A_635, %mul3A_703 : vector<16xf32>
        %add3A_705 = arith.constant 9 : i32
        %add3A_706 = vector.broadcast %add3A_705 : i32 to vector<16xi32>
        %add3A_707 = arith.addi %mul3A_9, %add3A_706 : vector<16xi32>
        %gather3A_708 = tpu.vector_load_idx %arg8[%add3A_707, %broadcast_in_dim3A_651] : memref<336x128xf32, #tpu.memory_space<vmem>>[vector<16xi32>, vector<16xi32>], vector<16xf32>,
        %mul3A_709 = arith.mulf %gather3A_708, %get3A_650 : vector<16xf32>
        %add3A_710 = arith.addf %scan3A_636, %mul3A_709 : vector<16xf32>
        %add3A_711 = arith.constant 10 : i32
        %add3A_712 = vector.broadcast %add3A_711 : i32 to vector<16xi32>
        %add3A_713 = arith.addi %mul3A_9, %add3A_712 : vector<16xi32>
        %gather3A_714 = tpu.vector_load_idx %arg8[%add3A_713, %broadcast_in_dim3A_651] : memref<336x128xf32, #tpu.memory_space<vmem>>[vector<16xi32>, vector<16xi32>], vector<16xf32>,
        %mul3A_715 = arith.mulf %gather3A_714, %get3A_650 : vector<16xf32>
        %add3A_716 = arith.addf %scan3A_637, %mul3A_715 : vector<16xf32>
        %add3A_717 = arith.constant 11 : i32
        %add3A_718 = vector.broadcast %add3A_717 : i32 to vector<16xi32>
        %add3A_719 = arith.addi %mul3A_9, %add3A_718 : vector<16xi32>
        %gather3A_720 = tpu.vector_load_idx %arg8[%add3A_719, %broadcast_in_dim3A_651] : memref<336x128xf32, #tpu.memory_space<vmem>>[vector<16xi32>, vector<16xi32>], vector<16xf32>,
        %mul3A_721 = arith.mulf %gather3A_720, %get3A_650 : vector<16xf32>
        %add3A_722 = arith.addf %scan3A_638, %mul3A_721 : vector<16xf32>
        %add3A_723 = arith.constant 12 : i32
        %add3A_724 = vector.broadcast %add3A_723 : i32 to vector<16xi32>
        %add3A_725 = arith.addi %mul3A_9, %add3A_724 : vector<16xi32>
        %gather3A_726 = tpu.vector_load_idx %arg8[%add3A_725, %broadcast_in_dim3A_651] : memref<336x128xf32, #tpu.memory_space<vmem>>[vector<16xi32>, vector<16xi32>], vector<16xf32>,
        %mul3A_727 = arith.mulf %gather3A_726, %get3A_650 : vector<16xf32>
        %add3A_728 = arith.addf %scan3A_639, %mul3A_727 : vector<16xf32>
        %add3A_729 = arith.constant 13 : i32
        %add3A_730 = vector.broadcast %add3A_729 : i32 to vector<16xi32>
        %add3A_731 = arith.addi %mul3A_9, %add3A_730 : vector<16xi32>
        %gather3A_732 = tpu.vector_load_idx %arg8[%add3A_731, %broadcast_in_dim3A_651] : memref<336x128xf32, #tpu.memory_space<vmem>>[vector<16xi32>, vector<16xi32>], vector<16xf32>,
        %mul3A_733 = arith.mulf %gather3A_732, %get3A_650 : vector<16xf32>
        %add3A_734 = arith.addf %scan3A_640, %mul3A_733 : vector<16xf32>
        %add3A_735 = arith.constant 14 : i32
        %add3A_736 = vector.broadcast %add3A_735 : i32 to vector<16xi32>
        %add3A_737 = arith.addi %mul3A_9, %add3A_736 : vector<16xi32>
        %gather3A_738 = tpu.vector_load_idx %arg8[%add3A_737, %broadcast_in_dim3A_651] : memref<336x128xf32, #tpu.memory_space<vmem>>[vector<16xi32>, vector<16xi32>], vector<16xf32>,
        %mul3A_739 = arith.mulf %gather3A_738, %get3A_650 : vector<16xf32>
        %add3A_740 = arith.addf %scan3A_641, %mul3A_739 : vector<16xf32>
        %add3A_741 = arith.constant 15 : i32
        %add3A_742 = vector.broadcast %add3A_741 : i32 to vector<16xi32>
        %add3A_743 = arith.addi %mul3A_9, %add3A_742 : vector<16xi32>
        %gather3A_744 = tpu.vector_load_idx %arg8[%add3A_743, %broadcast_in_dim3A_651] : memref<336x128xf32, #tpu.memory_space<vmem>>[vector<16xi32>, vector<16xi32>], vector<16xf32>,
        %mul3A_745 = arith.mulf %gather3A_744, %get3A_650 : vector<16xf32>
        %add3A_746 = arith.addf %scan3A_642, %mul3A_745 : vector<16xf32>
        %add3A_747 = arith.constant 16 : i32
        %add3A_748 = vector.broadcast %add3A_747 : i32 to vector<16xi32>
        %add3A_749 = arith.addi %mul3A_9, %add3A_748 : vector<16xi32>
        %gather3A_750 = tpu.vector_load_idx %arg8[%add3A_749, %broadcast_in_dim3A_651] : memref<336x128xf32, #tpu.memory_space<vmem>>[vector<16xi32>, vector<16xi32>], vector<16xf32>,
        %mul3A_751 = arith.mulf %gather3A_750, %get3A_650 : vector<16xf32>
        %add3A_752 = arith.addf %scan3A_643, %mul3A_751 : vector<16xf32>
        %add3A_753 = arith.constant 17 : i32
        %add3A_754 = vector.broadcast %add3A_753 : i32 to vector<16xi32>
        %add3A_755 = arith.addi %mul3A_9, %add3A_754 : vector<16xi32>
        %gather3A_756 = tpu.vector_load_idx %arg8[%add3A_755, %broadcast_in_dim3A_651] : memref<336x128xf32, #tpu.memory_space<vmem>>[vector<16xi32>, vector<16xi32>], vector<16xf32>,
        %mul3A_757 = arith.mulf %gather3A_756, %get3A_650 : vector<16xf32>
        %add3A_758 = arith.addf %scan3A_644, %mul3A_757 : vector<16xf32>
        %add3A_759 = arith.constant 18 : i32
        %add3A_760 = vector.broadcast %add3A_759 : i32 to vector<16xi32>
        %add3A_761 = arith.addi %mul3A_9, %add3A_760 : vector<16xi32>
        %gather3A_762 = tpu.vector_load_idx %arg8[%add3A_761, %broadcast_in_dim3A_651] : memref<336x128xf32, #tpu.memory_space<vmem>>[vector<16xi32>, vector<16xi32>], vector<16xf32>,
        %mul3A_763 = arith.mulf %gather3A_762, %get3A_650 : vector<16xf32>
        %add3A_764 = arith.addf %scan3A_645, %mul3A_763 : vector<16xf32>
        %add3A_765 = arith.constant 19 : i32
        %add3A_766 = vector.broadcast %add3A_765 : i32 to vector<16xi32>
        %add3A_767 = arith.addi %mul3A_9, %add3A_766 : vector<16xi32>
        %gather3A_768 = tpu.vector_load_idx %arg8[%add3A_767, %broadcast_in_dim3A_651] : memref<336x128xf32, #tpu.memory_space<vmem>>[vector<16xi32>, vector<16xi32>], vector<16xf32>,
        %mul3A_769 = arith.mulf %gather3A_768, %get3A_650 : vector<16xf32>
        %add3A_770 = arith.addf %scan3A_646, %mul3A_769 : vector<16xf32>
        %add3A_771 = arith.constant 20 : i32
        %add3A_772 = vector.broadcast %add3A_771 : i32 to vector<16xi32>
        %add3A_773 = arith.addi %mul3A_9, %add3A_772 : vector<16xi32>
        %gather3A_774 = tpu.vector_load_idx %arg8[%add3A_773, %broadcast_in_dim3A_651] : memref<336x128xf32, #tpu.memory_space<vmem>>[vector<16xi32>, vector<16xi32>], vector<16xf32>,
        %mul3A_775 = arith.mulf %gather3A_774, %get3A_650 : vector<16xf32>
        %add3A_776 = arith.addf %scan3A_647, %mul3A_775 : vector<16xf32>
        scf.yield %add3A_656, %add3A_662, %add3A_668, %add3A_674, %add3A_680, %add3A_686, %add3A_692, %add3A_698, %add3A_704, %add3A_710, %add3A_716, %add3A_722, %add3A_728, %add3A_734, %add3A_740, %add3A_746, %add3A_752, %add3A_758, %add3A_764, %add3A_770, %add3A_776 : vector<16xf32>, vector<16xf32>, vector<16xf32>, vector<16xf32>, vector<16xf32>, vector<16xf32>, vector<16xf32>, vector<16xf32>, vector<16xf32>, vector<16xf32>, vector<16xf32>, vector<16xf32>, vector<16xf32>, vector<16xf32>, vector<16xf32>, vector<16xf32>, vector<16xf32>, vector<16xf32>, vector<16xf32>, vector<16xf32>, vector<16xf32>
      }
      %scan3A_356 = arith.constant 128 : i32
      %add3A_357 = arith.constant 2 : i32
      %add3A_358 = arith.addi %add3A_201, %add3A_357 : i32
      %lt3A = arith.constant 32 : i32
      %lt3A_359 = arith.cmpi slt, %add3A_358, %lt3A : i32
      %convert_element_type3A = arith.extui %lt3A_359 : i1 to i32
      %cond3A = arith.constant 0 : i32
      %cond3A_360 = arith.cmpi ne, %convert_element_type3A, %cond3A : i32
      scf.if %cond3A_360 {
        %add3A_626 = arith.constant 2 : i32
        %add3A_627 = arith.addi %add3A_201, %add3A_626 : i32
        %mul3A_628 = arith.constant 336 : i32
        %mul3A_629 = arith.muli %add3A_627, %mul3A_628 : i32
        %add3A_630 = arith.constant 0 : i32
        %add3A_631 = arith.addi %mul3A_629, %add3A_630 : i32
        %dma_start3A_632 = arith.constant 0 : i32
        %dma_start3A_633 = arith.constant 0 : i32
        %dma_start3A_634 = tpu.memref_slice %arg8[%dma_start3A_632, %dma_start3A_633] : memref<336x128xf32, #tpu.memory_space<vmem>> -> memref<16x128xf32, #tpu.memory_space<vmem>>
        %dma_start3A_635 = tpu.memref_slice %arg7[%add3A_631] : memref<10752xi32, #tpu.memory_space<vmem>> -> memref<16xi32, #tpu.memory_space<vmem>>
        %dma_start3A_636 = arith.constant 0 : i32
        %dma_start3A_637 = arith.constant 0 : i32
        %dma_start3A_638 = tpu.memref_slice %arg2[%dma_start3A_636, %dma_start3A_637] : memref<100000x128xf32, #tpu.memory_space<hbm>> -> memref<100000x128xf32, #tpu.memory_space<hbm>>
        tpu.enqueue_indirect_dma source(%dma_start3A_638 : memref<100000x128xf32, #tpu.memory_space<hbm>>) target(%dma_start3A_634 : memref<16x128xf32, #tpu.memory_space<vmem>>) offsets(%dma_start3A_635 : memref<16xi32, #tpu.memory_space<vmem>>) semaphore(%arg14 : memref<!tpu.dma_semaphore, #tpu.memory_space<semaphore_mem>>)
        %add3A_639 = arith.constant 16 : i32
        %add3A_640 = arith.addi %mul3A_629, %add3A_639 : i32
        %dma_start3A_641 = arith.constant 16 : i32
        %dma_start3A_642 = arith.constant 0 : i32
        %dma_start3A_643 = tpu.memref_slice %arg8[%dma_start3A_641, %dma_start3A_642] : memref<336x128xf32, #tpu.memory_space<vmem>> -> memref<16x128xf32, #tpu.memory_space<vmem>>
        %dma_start3A_644 = tpu.memref_slice %arg7[%add3A_640] : memref<10752xi32, #tpu.memory_space<vmem>> -> memref<16xi32, #tpu.memory_space<vmem>>
        %dma_start3A_645 = arith.constant 0 : i32
        %dma_start3A_646 = arith.constant 0 : i32
        %dma_start3A_647 = tpu.memref_slice %arg2[%dma_start3A_645, %dma_start3A_646] : memref<100000x128xf32, #tpu.memory_space<hbm>> -> memref<100000x128xf32, #tpu.memory_space<hbm>>
        tpu.enqueue_indirect_dma source(%dma_start3A_647 : memref<100000x128xf32, #tpu.memory_space<hbm>>) target(%dma_start3A_643 : memref<16x128xf32, #tpu.memory_space<vmem>>) offsets(%dma_start3A_644 : memref<16xi32, #tpu.memory_space<vmem>>) semaphore(%arg14 : memref<!tpu.dma_semaphore, #tpu.memory_space<semaphore_mem>>)
        %add3A_648 = arith.constant 32 : i32
        %add3A_649 = arith.addi %mul3A_629, %add3A_648 : i32
        %dma_start3A_650 = arith.constant 32 : i32
        %dma_start3A_651 = arith.constant 0 : i32
        %dma_start3A_652 = tpu.memref_slice %arg8[%dma_start3A_650, %dma_start3A_651] : memref<336x128xf32, #tpu.memory_space<vmem>> -> memref<16x128xf32, #tpu.memory_space<vmem>>
        %dma_start3A_653 = tpu.memref_slice %arg7[%add3A_649] : memref<10752xi32, #tpu.memory_space<vmem>> -> memref<16xi32, #tpu.memory_space<vmem>>
        %dma_start3A_654 = arith.constant 0 : i32
        %dma_start3A_655 = arith.constant 0 : i32
        %dma_start3A_656 = tpu.memref_slice %arg2[%dma_start3A_654, %dma_start3A_655] : memref<100000x128xf32, #tpu.memory_space<hbm>> -> memref<100000x128xf32, #tpu.memory_space<hbm>>
        tpu.enqueue_indirect_dma source(%dma_start3A_656 : memref<100000x128xf32, #tpu.memory_space<hbm>>) target(%dma_start3A_652 : memref<16x128xf32, #tpu.memory_space<vmem>>) offsets(%dma_start3A_653 : memref<16xi32, #tpu.memory_space<vmem>>) semaphore(%arg14 : memref<!tpu.dma_semaphore, #tpu.memory_space<semaphore_mem>>)
        %add3A_657 = arith.constant 48 : i32
        %add3A_658 = arith.addi %mul3A_629, %add3A_657 : i32
        %dma_start3A_659 = arith.constant 48 : i32
        %dma_start3A_660 = arith.constant 0 : i32
        %dma_start3A_661 = tpu.memref_slice %arg8[%dma_start3A_659, %dma_start3A_660] : memref<336x128xf32, #tpu.memory_space<vmem>> -> memref<16x128xf32, #tpu.memory_space<vmem>>
        %dma_start3A_662 = tpu.memref_slice %arg7[%add3A_658] : memref<10752xi32, #tpu.memory_space<vmem>> -> memref<16xi32, #tpu.memory_space<vmem>>
        %dma_start3A_663 = arith.constant 0 : i32
        %dma_start3A_664 = arith.constant 0 : i32
        %dma_start3A_665 = tpu.memref_slice %arg2[%dma_start3A_663, %dma_start3A_664] : memref<100000x128xf32, #tpu.memory_space<hbm>> -> memref<100000x128xf32, #tpu.memory_space<hbm>>
        tpu.enqueue_indirect_dma source(%dma_start3A_665 : memref<100000x128xf32, #tpu.memory_space<hbm>>) target(%dma_start3A_661 : memref<16x128xf32, #tpu.memory_space<vmem>>) offsets(%dma_start3A_662 : memref<16xi32, #tpu.memory_space<vmem>>) semaphore(%arg14 : memref<!tpu.dma_semaphore, #tpu.memory_space<semaphore_mem>>)
        %add3A_666 = arith.constant 64 : i32
        %add3A_667 = arith.addi %mul3A_629, %add3A_666 : i32
        %dma_start3A_668 = arith.constant 64 : i32
        %dma_start3A_669 = arith.constant 0 : i32
        %dma_start3A_670 = tpu.memref_slice %arg8[%dma_start3A_668, %dma_start3A_669] : memref<336x128xf32, #tpu.memory_space<vmem>> -> memref<16x128xf32, #tpu.memory_space<vmem>>
        %dma_start3A_671 = tpu.memref_slice %arg7[%add3A_667] : memref<10752xi32, #tpu.memory_space<vmem>> -> memref<16xi32, #tpu.memory_space<vmem>>
        %dma_start3A_672 = arith.constant 0 : i32
        %dma_start3A_673 = arith.constant 0 : i32
        %dma_start3A_674 = tpu.memref_slice %arg2[%dma_start3A_672, %dma_start3A_673] : memref<100000x128xf32, #tpu.memory_space<hbm>> -> memref<100000x128xf32, #tpu.memory_space<hbm>>
        tpu.enqueue_indirect_dma source(%dma_start3A_674 : memref<100000x128xf32, #tpu.memory_space<hbm>>) target(%dma_start3A_670 : memref<16x128xf32, #tpu.memory_space<vmem>>) offsets(%dma_start3A_671 : memref<16xi32, #tpu.memory_space<vmem>>) semaphore(%arg14 : memref<!tpu.dma_semaphore, #tpu.memory_space<semaphore_mem>>)
        %add3A_675 = arith.constant 80 : i32
        %add3A_676 = arith.addi %mul3A_629, %add3A_675 : i32
        %dma_start3A_677 = arith.constant 80 : i32
        %dma_start3A_678 = arith.constant 0 : i32
        %dma_start3A_679 = tpu.memref_slice %arg8[%dma_start3A_677, %dma_start3A_678] : memref<336x128xf32, #tpu.memory_space<vmem>> -> memref<16x128xf32, #tpu.memory_space<vmem>>
        %dma_start3A_680 = tpu.memref_slice %arg7[%add3A_676] : memref<10752xi32, #tpu.memory_space<vmem>> -> memref<16xi32, #tpu.memory_space<vmem>>
        %dma_start3A_681 = arith.constant 0 : i32
        %dma_start3A_682 = arith.constant 0 : i32
        %dma_start3A_683 = tpu.memref_slice %arg2[%dma_start3A_681, %dma_start3A_682] : memref<100000x128xf32, #tpu.memory_space<hbm>> -> memref<100000x128xf32, #tpu.memory_space<hbm>>
        tpu.enqueue_indirect_dma source(%dma_start3A_683 : memref<100000x128xf32, #tpu.memory_space<hbm>>) target(%dma_start3A_679 : memref<16x128xf32, #tpu.memory_space<vmem>>) offsets(%dma_start3A_680 : memref<16xi32, #tpu.memory_space<vmem>>) semaphore(%arg14 : memref<!tpu.dma_semaphore, #tpu.memory_space<semaphore_mem>>)
        %add3A_684 = arith.constant 96 : i32
        %add3A_685 = arith.addi %mul3A_629, %add3A_684 : i32
        %dma_start3A_686 = arith.constant 96 : i32
        %dma_start3A_687 = arith.constant 0 : i32
        %dma_start3A_688 = tpu.memref_slice %arg8[%dma_start3A_686, %dma_start3A_687] : memref<336x128xf32, #tpu.memory_space<vmem>> -> memref<16x128xf32, #tpu.memory_space<vmem>>
        %dma_start3A_689 = tpu.memref_slice %arg7[%add3A_685] : memref<10752xi32, #tpu.memory_space<vmem>> -> memref<16xi32, #tpu.memory_space<vmem>>
        %dma_start3A_690 = arith.constant 0 : i32
        %dma_start3A_691 = arith.constant 0 : i32
        %dma_start3A_692 = tpu.memref_slice %arg2[%dma_start3A_690, %dma_start3A_691] : memref<100000x128xf32, #tpu.memory_space<hbm>> -> memref<100000x128xf32, #tpu.memory_space<hbm>>
        tpu.enqueue_indirect_dma source(%dma_start3A_692 : memref<100000x128xf32, #tpu.memory_space<hbm>>) target(%dma_start3A_688 : memref<16x128xf32, #tpu.memory_space<vmem>>) offsets(%dma_start3A_689 : memref<16xi32, #tpu.memory_space<vmem>>) semaphore(%arg14 : memref<!tpu.dma_semaphore, #tpu.memory_space<semaphore_mem>>)
        %add3A_693 = arith.constant 112 : i32
        %add3A_694 = arith.addi %mul3A_629, %add3A_693 : i32
        %dma_start3A_695 = arith.constant 112 : i32
        %dma_start3A_696 = arith.constant 0 : i32
        %dma_start3A_697 = tpu.memref_slice %arg8[%dma_start3A_695, %dma_start3A_696] : memref<336x128xf32, #tpu.memory_space<vmem>> -> memref<16x128xf32, #tpu.memory_space<vmem>>
        %dma_start3A_698 = tpu.memref_slice %arg7[%add3A_694] : memref<10752xi32, #tpu.memory_space<vmem>> -> memref<16xi32, #tpu.memory_space<vmem>>
        %dma_start3A_699 = arith.constant 0 : i32
        %dma_start3A_700 = arith.constant 0 : i32
        %dma_start3A_701 = tpu.memref_slice %arg2[%dma_start3A_699, %dma_start3A_700] : memref<100000x128xf32, #tpu.memory_space<hbm>> -> memref<100000x128xf32, #tpu.memory_space<hbm>>
        tpu.enqueue_indirect_dma source(%dma_start3A_701 : memref<100000x128xf32, #tpu.memory_space<hbm>>) target(%dma_start3A_697 : memref<16x128xf32, #tpu.memory_space<vmem>>) offsets(%dma_start3A_698 : memref<16xi32, #tpu.memory_space<vmem>>) semaphore(%arg14 : memref<!tpu.dma_semaphore, #tpu.memory_space<semaphore_mem>>)
        %add3A_702 = arith.constant 128 : i32
        %add3A_703 = arith.addi %mul3A_629, %add3A_702 : i32
        %dma_start3A_704 = arith.constant 128 : i32
        %dma_start3A_705 = arith.constant 0 : i32
        %dma_start3A_706 = tpu.memref_slice %arg8[%dma_start3A_704, %dma_start3A_705] : memref<336x128xf32, #tpu.memory_space<vmem>> -> memref<16x128xf32, #tpu.memory_space<vmem>>
        %dma_start3A_707 = tpu.memref_slice %arg7[%add3A_703] : memref<10752xi32, #tpu.memory_space<vmem>> -> memref<16xi32, #tpu.memory_space<vmem>>
        %dma_start3A_708 = arith.constant 0 : i32
        %dma_start3A_709 = arith.constant 0 : i32
        %dma_start3A_710 = tpu.memref_slice %arg2[%dma_start3A_708, %dma_start3A_709] : memref<100000x128xf32, #tpu.memory_space<hbm>> -> memref<100000x128xf32, #tpu.memory_space<hbm>>
        tpu.enqueue_indirect_dma source(%dma_start3A_710 : memref<100000x128xf32, #tpu.memory_space<hbm>>) target(%dma_start3A_706 : memref<16x128xf32, #tpu.memory_space<vmem>>) offsets(%dma_start3A_707 : memref<16xi32, #tpu.memory_space<vmem>>) semaphore(%arg14 : memref<!tpu.dma_semaphore, #tpu.memory_space<semaphore_mem>>)
        %add3A_711 = arith.constant 144 : i32
        %add3A_712 = arith.addi %mul3A_629, %add3A_711 : i32
        %dma_start3A_713 = arith.constant 144 : i32
        %dma_start3A_714 = arith.constant 0 : i32
        %dma_start3A_715 = tpu.memref_slice %arg8[%dma_start3A_713, %dma_start3A_714] : memref<336x128xf32, #tpu.memory_space<vmem>> -> memref<16x128xf32, #tpu.memory_space<vmem>>
        %dma_start3A_716 = tpu.memref_slice %arg7[%add3A_712] : memref<10752xi32, #tpu.memory_space<vmem>> -> memref<16xi32, #tpu.memory_space<vmem>>
        %dma_start3A_717 = arith.constant 0 : i32
        %dma_start3A_718 = arith.constant 0 : i32
        %dma_start3A_719 = tpu.memref_slice %arg2[%dma_start3A_717, %dma_start3A_718] : memref<100000x128xf32, #tpu.memory_space<hbm>> -> memref<100000x128xf32, #tpu.memory_space<hbm>>
        tpu.enqueue_indirect_dma source(%dma_start3A_719 : memref<100000x128xf32, #tpu.memory_space<hbm>>) target(%dma_start3A_715 : memref<16x128xf32, #tpu.memory_space<vmem>>) offsets(%dma_start3A_716 : memref<16xi32, #tpu.memory_space<vmem>>) semaphore(%arg14 : memref<!tpu.dma_semaphore, #tpu.memory_space<semaphore_mem>>)
        %scan3A_720 = arith.constant 0 : i32
        %scan3A_721 = arith.constant 11 : i32
        %scan3A_722 = arith.addi %scan3A_720, %scan3A_721 : i32
        %scan3A_723 = arith.constant 1 : i32
        scf.for %scan3A_730 = %scan3A_720 to %scan3A_722 step %scan3A_723  : i32 {
          %mul3A_731 = arith.constant 1 : i32
          %mul3A_732 = arith.muli %scan3A_730, %mul3A_731 : i32
          %add3A_733 = arith.constant 0 : i32
          %add3A_734 = arith.addi %add3A_733, %mul3A_732 : i32
          %add3A_735 = arith.constant 160 : i32
          %add3A_736 = arith.addi %mul3A_629, %add3A_735 : i32
          %mul3A_737 = arith.constant 16 : i32
          %mul3A_738 = arith.muli %add3A_734, %mul3A_737 : i32
          %add3A_739 = arith.addi %add3A_736, %mul3A_738 : i32
          %get3A = arith.index_cast %add3A_739 : i32 to index
          %get3A_740 = tpu.vector_load %arg7[%get3A] {strides = array<i32>} : memref<10752xi32, #tpu.memory_space<vmem>>, vector<16xi32>,
          %slice3A = vector.extract_strided_slice %get3A_740 {offsets = [0], sizes = [1], strides = [1]} : vector<16xi32> to vector<1xi32>
          %squeeze3A = vector.extract %slice3A[0] : i32 from vector<1xi32>
          %mul3A_741 = arith.constant 16 : i32
          %mul3A_742 = arith.muli %add3A_734, %mul3A_741 : i32
          %add3A_743 = arith.constant 160 : i32
          %add3A_744 = arith.addi %add3A_743, %mul3A_742 : i32
          %add3A_745 = arith.constant 0 : i32
          %add3A_746 = arith.addi %add3A_744, %add3A_745 : i32
          %dma_start3A_747 = arith.constant 0 : i32
          %dma_start3A_748 = tpu.memref_slice %arg8[%add3A_746, %dma_start3A_747] : memref<336x128xf32, #tpu.memory_space<vmem>> -> memref<1x128xf32, #tpu.memory_space<vmem>>
          %dma_start3A_749 = tpu.memref_squeeze %dma_start3A_748 : memref<1x128xf32, #tpu.memory_space<vmem>> -> memref<128xf32, #tpu.memory_space<vmem>>
          %dma_start3A_750 = arith.constant 0 : i32
          %dma_start3A_751 = tpu.memref_slice %arg2[%squeeze3A, %dma_start3A_750] : memref<100000x128xf32, #tpu.memory_space<hbm>> -> memref<1x128xf32, #tpu.memory_space<hbm>>
          %dma_start3A_752 = tpu.memref_squeeze %dma_start3A_751 : memref<1x128xf32, #tpu.memory_space<hbm>> -> memref<128xf32, #tpu.memory_space<hbm>>
          %dma_start3A_753 = arith.constant 0 : i32
          %dma_start3A_754 = tpu.memref_slice %arg8[%add3A_746, %dma_start3A_753] : memref<336x128xf32, #tpu.memory_space<vmem>> -> memref<1x128xf32, #tpu.memory_space<vmem>>
          %dma_start3A_755 = tpu.memref_squeeze %dma_start3A_754 : memref<1x128xf32, #tpu.memory_space<vmem>> -> memref<128xf32, #tpu.memory_space<vmem>>
          %dma_start3A_756 = arith.constant 0 : i32
          %dma_start3A_757 = tpu.memref_slice %arg2[%squeeze3A, %dma_start3A_756] : memref<100000x128xf32, #tpu.memory_space<hbm>> -> memref<1x128xf32, #tpu.memory_space<hbm>>
          %dma_start3A_758 = tpu.memref_squeeze %dma_start3A_757 : memref<1x128xf32, #tpu.memory_space<hbm>> -> memref<128xf32, #tpu.memory_space<hbm>>
          tpu.enqueue_dma source(%dma_start3A_758 : memref<128xf32, #tpu.memory_space<hbm>>) target(%dma_start3A_755 : memref<128xf32, #tpu.memory_space<vmem>>) target_semaphore(%arg18 : memref<!tpu.dma_semaphore, #tpu.memory_space<semaphore_mem>>)
          %slice3A_759 = vector.extract_strided_slice %get3A_740 {offsets = [1], sizes = [1], strides = [1]} : vector<16xi32> to vector<1xi32>
          %squeeze3A_760 = vector.extract %slice3A_759[0] : i32 from vector<1xi32>
          %mul3A_761 = arith.constant 16 : i32
          %mul3A_762 = arith.muli %add3A_734, %mul3A_761 : i32
          %add3A_763 = arith.constant 160 : i32
          %add3A_764 = arith.addi %add3A_763, %mul3A_762 : i32
          %add3A_765 = arith.constant 1 : i32
          %add3A_766 = arith.addi %add3A_764, %add3A_765 : i32
          %dma_start3A_767 = arith.constant 0 : i32
          %dma_start3A_768 = tpu.memref_slice %arg8[%add3A_766, %dma_start3A_767] : memref<336x128xf32, #tpu.memory_space<vmem>> -> memref<1x128xf32, #tpu.memory_space<vmem>>
          %dma_start3A_769 = tpu.memref_squeeze %dma_start3A_768 : memref<1x128xf32, #tpu.memory_space<vmem>> -> memref<128xf32, #tpu.memory_space<vmem>>
          %dma_start3A_770 = arith.constant 0 : i32
          %dma_start3A_771 = tpu.memref_slice %arg2[%squeeze3A_760, %dma_start3A_770] : memref<100000x128xf32, #tpu.memory_space<hbm>> -> memref<1x128xf32, #tpu.memory_space<hbm>>
          %dma_start3A_772 = tpu.memref_squeeze %dma_start3A_771 : memref<1x128xf32, #tpu.memory_space<hbm>> -> memref<128xf32, #tpu.memory_space<hbm>>
          %dma_start3A_773 = arith.constant 0 : i32
          %dma_start3A_774 = tpu.memref_slice %arg8[%add3A_766, %dma_start3A_773] : memref<336x128xf32, #tpu.memory_space<vmem>> -> memref<1x128xf32, #tpu.memory_space<vmem>>
          %dma_start3A_775 = tpu.memref_squeeze %dma_start3A_774 : memref<1x128xf32, #tpu.memory_space<vmem>> -> memref<128xf32, #tpu.memory_space<vmem>>
          %dma_start3A_776 = arith.constant 0 : i32
          %dma_start3A_777 = tpu.memref_slice %arg2[%squeeze3A_760, %dma_start3A_776] : memref<100000x128xf32, #tpu.memory_space<hbm>> -> memref<1x128xf32, #tpu.memory_space<hbm>>
          %dma_start3A_778 = tpu.memref_squeeze %dma_start3A_777 : memref<1x128xf32, #tpu.memory_space<hbm>> -> memref<128xf32, #tpu.memory_space<hbm>>
          tpu.enqueue_dma source(%dma_start3A_778 : memref<128xf32, #tpu.memory_space<hbm>>) target(%dma_start3A_775 : memref<128xf32, #tpu.memory_space<vmem>>) target_semaphore(%arg18 : memref<!tpu.dma_semaphore, #tpu.memory_space<semaphore_mem>>)
          %slice3A_779 = vector.extract_strided_slice %get3A_740 {offsets = [2], sizes = [1], strides = [1]} : vector<16xi32> to vector<1xi32>
          %squeeze3A_780 = vector.extract %slice3A_779[0] : i32 from vector<1xi32>
          %mul3A_781 = arith.constant 16 : i32
          %mul3A_782 = arith.muli %add3A_734, %mul3A_781 : i32
          %add3A_783 = arith.constant 160 : i32
          %add3A_784 = arith.addi %add3A_783, %mul3A_782 : i32
          %add3A_785 = arith.constant 2 : i32
          %add3A_786 = arith.addi %add3A_784, %add3A_785 : i32
          %dma_start3A_787 = arith.constant 0 : i32
          %dma_start3A_788 = tpu.memref_slice %arg8[%add3A_786, %dma_start3A_787] : memref<336x128xf32, #tpu.memory_space<vmem>> -> memref<1x128xf32, #tpu.memory_space<vmem>>
          %dma_start3A_789 = tpu.memref_squeeze %dma_start3A_788 : memref<1x128xf32, #tpu.memory_space<vmem>> -> memref<128xf32, #tpu.memory_space<vmem>>
          %dma_start3A_790 = arith.constant 0 : i32
          %dma_start3A_791 = tpu.memref_slice %arg2[%squeeze3A_780, %dma_start3A_790] : memref<100000x128xf32, #tpu.memory_space<hbm>> -> memref<1x128xf32, #tpu.memory_space<hbm>>
          %dma_start3A_792 = tpu.memref_squeeze %dma_start3A_791 : memref<1x128xf32, #tpu.memory_space<hbm>> -> memref<128xf32, #tpu.memory_space<hbm>>
          %dma_start3A_793 = arith.constant 0 : i32
          %dma_start3A_794 = tpu.memref_slice %arg8[%add3A_786, %dma_start3A_793] : memref<336x128xf32, #tpu.memory_space<vmem>> -> memref<1x128xf32, #tpu.memory_space<vmem>>
          %dma_start3A_795 = tpu.memref_squeeze %dma_start3A_794 : memref<1x128xf32, #tpu.memory_space<vmem>> -> memref<128xf32, #tpu.memory_space<vmem>>
          %dma_start3A_796 = arith.constant 0 : i32
          %dma_start3A_797 = tpu.memref_slice %arg2[%squeeze3A_780, %dma_start3A_796] : memref<100000x128xf32, #tpu.memory_space<hbm>> -> memref<1x128xf32, #tpu.memory_space<hbm>>
          %dma_start3A_798 = tpu.memref_squeeze %dma_start3A_797 : memref<1x128xf32, #tpu.memory_space<hbm>> -> memref<128xf32, #tpu.memory_space<hbm>>
          tpu.enqueue_dma source(%dma_start3A_798 : memref<128xf32, #tpu.memory_space<hbm>>) target(%dma_start3A_795 : memref<128xf32, #tpu.memory_space<vmem>>) target_semaphore(%arg18 : memref<!tpu.dma_semaphore, #tpu.memory_space<semaphore_mem>>)
          %slice3A_799 = vector.extract_strided_slice %get3A_740 {offsets = [3], sizes = [1], strides = [1]} : vector<16xi32> to vector<1xi32>
          %squeeze3A_800 = vector.extract %slice3A_799[0] : i32 from vector<1xi32>
          %mul3A_801 = arith.constant 16 : i32
          %mul3A_802 = arith.muli %add3A_734, %mul3A_801 : i32
          %add3A_803 = arith.constant 160 : i32
          %add3A_804 = arith.addi %add3A_803, %mul3A_802 : i32
          %add3A_805 = arith.constant 3 : i32
          %add3A_806 = arith.addi %add3A_804, %add3A_805 : i32
          %dma_start3A_807 = arith.constant 0 : i32
          %dma_start3A_808 = tpu.memref_slice %arg8[%add3A_806, %dma_start3A_807] : memref<336x128xf32, #tpu.memory_space<vmem>> -> memref<1x128xf32, #tpu.memory_space<vmem>>
          %dma_start3A_809 = tpu.memref_squeeze %dma_start3A_808 : memref<1x128xf32, #tpu.memory_space<vmem>> -> memref<128xf32, #tpu.memory_space<vmem>>
          %dma_start3A_810 = arith.constant 0 : i32
          %dma_start3A_811 = tpu.memref_slice %arg2[%squeeze3A_800, %dma_start3A_810] : memref<100000x128xf32, #tpu.memory_space<hbm>> -> memref<1x128xf32, #tpu.memory_space<hbm>>
          %dma_start3A_812 = tpu.memref_squeeze %dma_start3A_811 : memref<1x128xf32, #tpu.memory_space<hbm>> -> memref<128xf32, #tpu.memory_space<hbm>>
          %dma_start3A_813 = arith.constant 0 : i32
          %dma_start3A_814 = tpu.memref_slice %arg8[%add3A_806, %dma_start3A_813] : memref<336x128xf32, #tpu.memory_space<vmem>> -> memref<1x128xf32, #tpu.memory_space<vmem>>
          %dma_start3A_815 = tpu.memref_squeeze %dma_start3A_814 : memref<1x128xf32, #tpu.memory_space<vmem>> -> memref<128xf32, #tpu.memory_space<vmem>>
          %dma_start3A_816 = arith.constant 0 : i32
          %dma_start3A_817 = tpu.memref_slice %arg2[%squeeze3A_800, %dma_start3A_816] : memref<100000x128xf32, #tpu.memory_space<hbm>> -> memref<1x128xf32, #tpu.memory_space<hbm>>
          %dma_start3A_818 = tpu.memref_squeeze %dma_start3A_817 : memref<1x128xf32, #tpu.memory_space<hbm>> -> memref<128xf32, #tpu.memory_space<hbm>>
          tpu.enqueue_dma source(%dma_start3A_818 : memref<128xf32, #tpu.memory_space<hbm>>) target(%dma_start3A_815 : memref<128xf32, #tpu.memory_space<vmem>>) target_semaphore(%arg18 : memref<!tpu.dma_semaphore, #tpu.memory_space<semaphore_mem>>)
          %slice3A_819 = vector.extract_strided_slice %get3A_740 {offsets = [4], sizes = [1], strides = [1]} : vector<16xi32> to vector<1xi32>
          %squeeze3A_820 = vector.extract %slice3A_819[0] : i32 from vector<1xi32>
          %mul3A_821 = arith.constant 16 : i32
          %mul3A_822 = arith.muli %add3A_734, %mul3A_821 : i32
          %add3A_823 = arith.constant 160 : i32
          %add3A_824 = arith.addi %add3A_823, %mul3A_822 : i32
          %add3A_825 = arith.constant 4 : i32
          %add3A_826 = arith.addi %add3A_824, %add3A_825 : i32
          %dma_start3A_827 = arith.constant 0 : i32
          %dma_start3A_828 = tpu.memref_slice %arg8[%add3A_826, %dma_start3A_827] : memref<336x128xf32, #tpu.memory_space<vmem>> -> memref<1x128xf32, #tpu.memory_space<vmem>>
          %dma_start3A_829 = tpu.memref_squeeze %dma_start3A_828 : memref<1x128xf32, #tpu.memory_space<vmem>> -> memref<128xf32, #tpu.memory_space<vmem>>
          %dma_start3A_830 = arith.constant 0 : i32
          %dma_start3A_831 = tpu.memref_slice %arg2[%squeeze3A_820, %dma_start3A_830] : memref<100000x128xf32, #tpu.memory_space<hbm>> -> memref<1x128xf32, #tpu.memory_space<hbm>>
          %dma_start3A_832 = tpu.memref_squeeze %dma_start3A_831 : memref<1x128xf32, #tpu.memory_space<hbm>> -> memref<128xf32, #tpu.memory_space<hbm>>
          %dma_start3A_833 = arith.constant 0 : i32
          %dma_start3A_834 = tpu.memref_slice %arg8[%add3A_826, %dma_start3A_833] : memref<336x128xf32, #tpu.memory_space<vmem>> -> memref<1x128xf32, #tpu.memory_space<vmem>>
          %dma_start3A_835 = tpu.memref_squeeze %dma_start3A_834 : memref<1x128xf32, #tpu.memory_space<vmem>> -> memref<128xf32, #tpu.memory_space<vmem>>
          %dma_start3A_836 = arith.constant 0 : i32
          %dma_start3A_837 = tpu.memref_slice %arg2[%squeeze3A_820, %dma_start3A_836] : memref<100000x128xf32, #tpu.memory_space<hbm>> -> memref<1x128xf32, #tpu.memory_space<hbm>>
          %dma_start3A_838 = tpu.memref_squeeze %dma_start3A_837 : memref<1x128xf32, #tpu.memory_space<hbm>> -> memref<128xf32, #tpu.memory_space<hbm>>
          tpu.enqueue_dma source(%dma_start3A_838 : memref<128xf32, #tpu.memory_space<hbm>>) target(%dma_start3A_835 : memref<128xf32, #tpu.memory_space<vmem>>) target_semaphore(%arg18 : memref<!tpu.dma_semaphore, #tpu.memory_space<semaphore_mem>>)
          %slice3A_839 = vector.extract_strided_slice %get3A_740 {offsets = [5], sizes = [1], strides = [1]} : vector<16xi32> to vector<1xi32>
          %squeeze3A_840 = vector.extract %slice3A_839[0] : i32 from vector<1xi32>
          %mul3A_841 = arith.constant 16 : i32
          %mul3A_842 = arith.muli %add3A_734, %mul3A_841 : i32
          %add3A_843 = arith.constant 160 : i32
          %add3A_844 = arith.addi %add3A_843, %mul3A_842 : i32
          %add3A_845 = arith.constant 5 : i32
          %add3A_846 = arith.addi %add3A_844, %add3A_845 : i32
          %dma_start3A_847 = arith.constant 0 : i32
          %dma_start3A_848 = tpu.memref_slice %arg8[%add3A_846, %dma_start3A_847] : memref<336x128xf32, #tpu.memory_space<vmem>> -> memref<1x128xf32, #tpu.memory_space<vmem>>
          %dma_start3A_849 = tpu.memref_squeeze %dma_start3A_848 : memref<1x128xf32, #tpu.memory_space<vmem>> -> memref<128xf32, #tpu.memory_space<vmem>>
          %dma_start3A_850 = arith.constant 0 : i32
          %dma_start3A_851 = tpu.memref_slice %arg2[%squeeze3A_840, %dma_start3A_850] : memref<100000x128xf32, #tpu.memory_space<hbm>> -> memref<1x128xf32, #tpu.memory_space<hbm>>
          %dma_start3A_852 = tpu.memref_squeeze %dma_start3A_851 : memref<1x128xf32, #tpu.memory_space<hbm>> -> memref<128xf32, #tpu.memory_space<hbm>>
          %dma_start3A_853 = arith.constant 0 : i32
          %dma_start3A_854 = tpu.memref_slice %arg8[%add3A_846, %dma_start3A_853] : memref<336x128xf32, #tpu.memory_space<vmem>> -> memref<1x128xf32, #tpu.memory_space<vmem>>
          %dma_start3A_855 = tpu.memref_squeeze %dma_start3A_854 : memref<1x128xf32, #tpu.memory_space<vmem>> -> memref<128xf32, #tpu.memory_space<vmem>>
          %dma_start3A_856 = arith.constant 0 : i32
          %dma_start3A_857 = tpu.memref_slice %arg2[%squeeze3A_840, %dma_start3A_856] : memref<100000x128xf32, #tpu.memory_space<hbm>> -> memref<1x128xf32, #tpu.memory_space<hbm>>
          %dma_start3A_858 = tpu.memref_squeeze %dma_start3A_857 : memref<1x128xf32, #tpu.memory_space<hbm>> -> memref<128xf32, #tpu.memory_space<hbm>>
          tpu.enqueue_dma source(%dma_start3A_858 : memref<128xf32, #tpu.memory_space<hbm>>) target(%dma_start3A_855 : memref<128xf32, #tpu.memory_space<vmem>>) target_semaphore(%arg18 : memref<!tpu.dma_semaphore, #tpu.memory_space<semaphore_mem>>)
          %slice3A_859 = vector.extract_strided_slice %get3A_740 {offsets = [6], sizes = [1], strides = [1]} : vector<16xi32> to vector<1xi32>
          %squeeze3A_860 = vector.extract %slice3A_859[0] : i32 from vector<1xi32>
          %mul3A_861 = arith.constant 16 : i32
          %mul3A_862 = arith.muli %add3A_734, %mul3A_861 : i32
          %add3A_863 = arith.constant 160 : i32
          %add3A_864 = arith.addi %add3A_863, %mul3A_862 : i32
          %add3A_865 = arith.constant 6 : i32
          %add3A_866 = arith.addi %add3A_864, %add3A_865 : i32
          %dma_start3A_867 = arith.constant 0 : i32
          %dma_start3A_868 = tpu.memref_slice %arg8[%add3A_866, %dma_start3A_867] : memref<336x128xf32, #tpu.memory_space<vmem>> -> memref<1x128xf32, #tpu.memory_space<vmem>>
          %dma_start3A_869 = tpu.memref_squeeze %dma_start3A_868 : memref<1x128xf32, #tpu.memory_space<vmem>> -> memref<128xf32, #tpu.memory_space<vmem>>
          %dma_start3A_870 = arith.constant 0 : i32
          %dma_start3A_871 = tpu.memref_slice %arg2[%squeeze3A_860, %dma_start3A_870] : memref<100000x128xf32, #tpu.memory_space<hbm>> -> memref<1x128xf32, #tpu.memory_space<hbm>>
          %dma_start3A_872 = tpu.memref_squeeze %dma_start3A_871 : memref<1x128xf32, #tpu.memory_space<hbm>> -> memref<128xf32, #tpu.memory_space<hbm>>
          %dma_start3A_873 = arith.constant 0 : i32
          %dma_start3A_874 = tpu.memref_slice %arg8[%add3A_866, %dma_start3A_873] : memref<336x128xf32, #tpu.memory_space<vmem>> -> memref<1x128xf32, #tpu.memory_space<vmem>>
          %dma_start3A_875 = tpu.memref_squeeze %dma_start3A_874 : memref<1x128xf32, #tpu.memory_space<vmem>> -> memref<128xf32, #tpu.memory_space<vmem>>
          %dma_start3A_876 = arith.constant 0 : i32
          %dma_start3A_877 = tpu.memref_slice %arg2[%squeeze3A_860, %dma_start3A_876] : memref<100000x128xf32, #tpu.memory_space<hbm>> -> memref<1x128xf32, #tpu.memory_space<hbm>>
          %dma_start3A_878 = tpu.memref_squeeze %dma_start3A_877 : memref<1x128xf32, #tpu.memory_space<hbm>> -> memref<128xf32, #tpu.memory_space<hbm>>
          tpu.enqueue_dma source(%dma_start3A_878 : memref<128xf32, #tpu.memory_space<hbm>>) target(%dma_start3A_875 : memref<128xf32, #tpu.memory_space<vmem>>) target_semaphore(%arg18 : memref<!tpu.dma_semaphore, #tpu.memory_space<semaphore_mem>>)
          %slice3A_879 = vector.extract_strided_slice %get3A_740 {offsets = [7], sizes = [1], strides = [1]} : vector<16xi32> to vector<1xi32>
          %squeeze3A_880 = vector.extract %slice3A_879[0] : i32 from vector<1xi32>
          %mul3A_881 = arith.constant 16 : i32
          %mul3A_882 = arith.muli %add3A_734, %mul3A_881 : i32
          %add3A_883 = arith.constant 160 : i32
          %add3A_884 = arith.addi %add3A_883, %mul3A_882 : i32
          %add3A_885 = arith.constant 7 : i32
          %add3A_886 = arith.addi %add3A_884, %add3A_885 : i32
          %dma_start3A_887 = arith.constant 0 : i32
          %dma_start3A_888 = tpu.memref_slice %arg8[%add3A_886, %dma_start3A_887] : memref<336x128xf32, #tpu.memory_space<vmem>> -> memref<1x128xf32, #tpu.memory_space<vmem>>
          %dma_start3A_889 = tpu.memref_squeeze %dma_start3A_888 : memref<1x128xf32, #tpu.memory_space<vmem>> -> memref<128xf32, #tpu.memory_space<vmem>>
          %dma_start3A_890 = arith.constant 0 : i32
          %dma_start3A_891 = tpu.memref_slice %arg2[%squeeze3A_880, %dma_start3A_890] : memref<100000x128xf32, #tpu.memory_space<hbm>> -> memref<1x128xf32, #tpu.memory_space<hbm>>
          %dma_start3A_892 = tpu.memref_squeeze %dma_start3A_891 : memref<1x128xf32, #tpu.memory_space<hbm>> -> memref<128xf32, #tpu.memory_space<hbm>>
          %dma_start3A_893 = arith.constant 0 : i32
          %dma_start3A_894 = tpu.memref_slice %arg8[%add3A_886, %dma_start3A_893] : memref<336x128xf32, #tpu.memory_space<vmem>> -> memref<1x128xf32, #tpu.memory_space<vmem>>
          %dma_start3A_895 = tpu.memref_squeeze %dma_start3A_894 : memref<1x128xf32, #tpu.memory_space<vmem>> -> memref<128xf32, #tpu.memory_space<vmem>>
          %dma_start3A_896 = arith.constant 0 : i32
          %dma_start3A_897 = tpu.memref_slice %arg2[%squeeze3A_880, %dma_start3A_896] : memref<100000x128xf32, #tpu.memory_space<hbm>> -> memref<1x128xf32, #tpu.memory_space<hbm>>
          %dma_start3A_898 = tpu.memref_squeeze %dma_start3A_897 : memref<1x128xf32, #tpu.memory_space<hbm>> -> memref<128xf32, #tpu.memory_space<hbm>>
          tpu.enqueue_dma source(%dma_start3A_898 : memref<128xf32, #tpu.memory_space<hbm>>) target(%dma_start3A_895 : memref<128xf32, #tpu.memory_space<vmem>>) target_semaphore(%arg18 : memref<!tpu.dma_semaphore, #tpu.memory_space<semaphore_mem>>)
          %slice3A_899 = vector.extract_strided_slice %get3A_740 {offsets = [8], sizes = [1], strides = [1]} : vector<16xi32> to vector<1xi32>
          %squeeze3A_900 = vector.extract %slice3A_899[0] : i32 from vector<1xi32>
          %mul3A_901 = arith.constant 16 : i32
          %mul3A_902 = arith.muli %add3A_734, %mul3A_901 : i32
          %add3A_903 = arith.constant 160 : i32
          %add3A_904 = arith.addi %add3A_903, %mul3A_902 : i32
          %add3A_905 = arith.constant 8 : i32
          %add3A_906 = arith.addi %add3A_904, %add3A_905 : i32
          %dma_start3A_907 = arith.constant 0 : i32
          %dma_start3A_908 = tpu.memref_slice %arg8[%add3A_906, %dma_start3A_907] : memref<336x128xf32, #tpu.memory_space<vmem>> -> memref<1x128xf32, #tpu.memory_space<vmem>>
          %dma_start3A_909 = tpu.memref_squeeze %dma_start3A_908 : memref<1x128xf32, #tpu.memory_space<vmem>> -> memref<128xf32, #tpu.memory_space<vmem>>
          %dma_start3A_910 = arith.constant 0 : i32
          %dma_start3A_911 = tpu.memref_slice %arg2[%squeeze3A_900, %dma_start3A_910] : memref<100000x128xf32, #tpu.memory_space<hbm>> -> memref<1x128xf32, #tpu.memory_space<hbm>>
          %dma_start3A_912 = tpu.memref_squeeze %dma_start3A_911 : memref<1x128xf32, #tpu.memory_space<hbm>> -> memref<128xf32, #tpu.memory_space<hbm>>
          %dma_start3A_913 = arith.constant 0 : i32
          %dma_start3A_914 = tpu.memref_slice %arg8[%add3A_906, %dma_start3A_913] : memref<336x128xf32, #tpu.memory_space<vmem>> -> memref<1x128xf32, #tpu.memory_space<vmem>>
          %dma_start3A_915 = tpu.memref_squeeze %dma_start3A_914 : memref<1x128xf32, #tpu.memory_space<vmem>> -> memref<128xf32, #tpu.memory_space<vmem>>
          %dma_start3A_916 = arith.constant 0 : i32
          %dma_start3A_917 = tpu.memref_slice %arg2[%squeeze3A_900, %dma_start3A_916] : memref<100000x128xf32, #tpu.memory_space<hbm>> -> memref<1x128xf32, #tpu.memory_space<hbm>>
          %dma_start3A_918 = tpu.memref_squeeze %dma_start3A_917 : memref<1x128xf32, #tpu.memory_space<hbm>> -> memref<128xf32, #tpu.memory_space<hbm>>
          tpu.enqueue_dma source(%dma_start3A_918 : memref<128xf32, #tpu.memory_space<hbm>>) target(%dma_start3A_915 : memref<128xf32, #tpu.memory_space<vmem>>) target_semaphore(%arg18 : memref<!tpu.dma_semaphore, #tpu.memory_space<semaphore_mem>>)
          %slice3A_919 = vector.extract_strided_slice %get3A_740 {offsets = [9], sizes = [1], strides = [1]} : vector<16xi32> to vector<1xi32>
          %squeeze3A_920 = vector.extract %slice3A_919[0] : i32 from vector<1xi32>
          %mul3A_921 = arith.constant 16 : i32
          %mul3A_922 = arith.muli %add3A_734, %mul3A_921 : i32
          %add3A_923 = arith.constant 160 : i32
          %add3A_924 = arith.addi %add3A_923, %mul3A_922 : i32
          %add3A_925 = arith.constant 9 : i32
          %add3A_926 = arith.addi %add3A_924, %add3A_925 : i32
          %dma_start3A_927 = arith.constant 0 : i32
          %dma_start3A_928 = tpu.memref_slice %arg8[%add3A_926, %dma_start3A_927] : memref<336x128xf32, #tpu.memory_space<vmem>> -> memref<1x128xf32, #tpu.memory_space<vmem>>
          %dma_start3A_929 = tpu.memref_squeeze %dma_start3A_928 : memref<1x128xf32, #tpu.memory_space<vmem>> -> memref<128xf32, #tpu.memory_space<vmem>>
          %dma_start3A_930 = arith.constant 0 : i32
          %dma_start3A_931 = tpu.memref_slice %arg2[%squeeze3A_920, %dma_start3A_930] : memref<100000x128xf32, #tpu.memory_space<hbm>> -> memref<1x128xf32, #tpu.memory_space<hbm>>
          %dma_start3A_932 = tpu.memref_squeeze %dma_start3A_931 : memref<1x128xf32, #tpu.memory_space<hbm>> -> memref<128xf32, #tpu.memory_space<hbm>>
          %dma_start3A_933 = arith.constant 0 : i32
          %dma_start3A_934 = tpu.memref_slice %arg8[%add3A_926, %dma_start3A_933] : memref<336x128xf32, #tpu.memory_space<vmem>> -> memref<1x128xf32, #tpu.memory_space<vmem>>
          %dma_start3A_935 = tpu.memref_squeeze %dma_start3A_934 : memref<1x128xf32, #tpu.memory_space<vmem>> -> memref<128xf32, #tpu.memory_space<vmem>>
          %dma_start3A_936 = arith.constant 0 : i32
          %dma_start3A_937 = tpu.memref_slice %arg2[%squeeze3A_920, %dma_start3A_936] : memref<100000x128xf32, #tpu.memory_space<hbm>> -> memref<1x128xf32, #tpu.memory_space<hbm>>
          %dma_start3A_938 = tpu.memref_squeeze %dma_start3A_937 : memref<1x128xf32, #tpu.memory_space<hbm>> -> memref<128xf32, #tpu.memory_space<hbm>>
          tpu.enqueue_dma source(%dma_start3A_938 : memref<128xf32, #tpu.memory_space<hbm>>) target(%dma_start3A_935 : memref<128xf32, #tpu.memory_space<vmem>>) target_semaphore(%arg18 : memref<!tpu.dma_semaphore, #tpu.memory_space<semaphore_mem>>)
          %slice3A_939 = vector.extract_strided_slice %get3A_740 {offsets = [10], sizes = [1], strides = [1]} : vector<16xi32> to vector<1xi32>
          %squeeze3A_940 = vector.extract %slice3A_939[0] : i32 from vector<1xi32>
          %mul3A_941 = arith.constant 16 : i32
          %mul3A_942 = arith.muli %add3A_734, %mul3A_941 : i32
          %add3A_943 = arith.constant 160 : i32
          %add3A_944 = arith.addi %add3A_943, %mul3A_942 : i32
          %add3A_945 = arith.constant 10 : i32
          %add3A_946 = arith.addi %add3A_944, %add3A_945 : i32
          %dma_start3A_947 = arith.constant 0 : i32
          %dma_start3A_948 = tpu.memref_slice %arg8[%add3A_946, %dma_start3A_947] : memref<336x128xf32, #tpu.memory_space<vmem>> -> memref<1x128xf32, #tpu.memory_space<vmem>>
          %dma_start3A_949 = tpu.memref_squeeze %dma_start3A_948 : memref<1x128xf32, #tpu.memory_space<vmem>> -> memref<128xf32, #tpu.memory_space<vmem>>
          %dma_start3A_950 = arith.constant 0 : i32
          %dma_start3A_951 = tpu.memref_slice %arg2[%squeeze3A_940, %dma_start3A_950] : memref<100000x128xf32, #tpu.memory_space<hbm>> -> memref<1x128xf32, #tpu.memory_space<hbm>>
          %dma_start3A_952 = tpu.memref_squeeze %dma_start3A_951 : memref<1x128xf32, #tpu.memory_space<hbm>> -> memref<128xf32, #tpu.memory_space<hbm>>
          %dma_start3A_953 = arith.constant 0 : i32
          %dma_start3A_954 = tpu.memref_slice %arg8[%add3A_946, %dma_start3A_953] : memref<336x128xf32, #tpu.memory_space<vmem>> -> memref<1x128xf32, #tpu.memory_space<vmem>>
          %dma_start3A_955 = tpu.memref_squeeze %dma_start3A_954 : memref<1x128xf32, #tpu.memory_space<vmem>> -> memref<128xf32, #tpu.memory_space<vmem>>
          %dma_start3A_956 = arith.constant 0 : i32
          %dma_start3A_957 = tpu.memref_slice %arg2[%squeeze3A_940, %dma_start3A_956] : memref<100000x128xf32, #tpu.memory_space<hbm>> -> memref<1x128xf32, #tpu.memory_space<hbm>>
          %dma_start3A_958 = tpu.memref_squeeze %dma_start3A_957 : memref<1x128xf32, #tpu.memory_space<hbm>> -> memref<128xf32, #tpu.memory_space<hbm>>
          tpu.enqueue_dma source(%dma_start3A_958 : memref<128xf32, #tpu.memory_space<hbm>>) target(%dma_start3A_955 : memref<128xf32, #tpu.memory_space<vmem>>) target_semaphore(%arg18 : memref<!tpu.dma_semaphore, #tpu.memory_space<semaphore_mem>>)
          %slice3A_959 = vector.extract_strided_slice %get3A_740 {offsets = [11], sizes = [1], strides = [1]} : vector<16xi32> to vector<1xi32>
          %squeeze3A_960 = vector.extract %slice3A_959[0] : i32 from vector<1xi32>
          %mul3A_961 = arith.constant 16 : i32
          %mul3A_962 = arith.muli %add3A_734, %mul3A_961 : i32
          %add3A_963 = arith.constant 160 : i32
          %add3A_964 = arith.addi %add3A_963, %mul3A_962 : i32
          %add3A_965 = arith.constant 11 : i32
          %add3A_966 = arith.addi %add3A_964, %add3A_965 : i32
          %dma_start3A_967 = arith.constant 0 : i32
          %dma_start3A_968 = tpu.memref_slice %arg8[%add3A_966, %dma_start3A_967] : memref<336x128xf32, #tpu.memory_space<vmem>> -> memref<1x128xf32, #tpu.memory_space<vmem>>
          %dma_start3A_969 = tpu.memref_squeeze %dma_start3A_968 : memref<1x128xf32, #tpu.memory_space<vmem>> -> memref<128xf32, #tpu.memory_space<vmem>>
          %dma_start3A_970 = arith.constant 0 : i32
          %dma_start3A_971 = tpu.memref_slice %arg2[%squeeze3A_960, %dma_start3A_970] : memref<100000x128xf32, #tpu.memory_space<hbm>> -> memref<1x128xf32, #tpu.memory_space<hbm>>
          %dma_start3A_972 = tpu.memref_squeeze %dma_start3A_971 : memref<1x128xf32, #tpu.memory_space<hbm>> -> memref<128xf32, #tpu.memory_space<hbm>>
          %dma_start3A_973 = arith.constant 0 : i32
          %dma_start3A_974 = tpu.memref_slice %arg8[%add3A_966, %dma_start3A_973] : memref<336x128xf32, #tpu.memory_space<vmem>> -> memref<1x128xf32, #tpu.memory_space<vmem>>
          %dma_start3A_975 = tpu.memref_squeeze %dma_start3A_974 : memref<1x128xf32, #tpu.memory_space<vmem>> -> memref<128xf32, #tpu.memory_space<vmem>>
          %dma_start3A_976 = arith.constant 0 : i32
          %dma_start3A_977 = tpu.memref_slice %arg2[%squeeze3A_960, %dma_start3A_976] : memref<100000x128xf32, #tpu.memory_space<hbm>> -> memref<1x128xf32, #tpu.memory_space<hbm>>
          %dma_start3A_978 = tpu.memref_squeeze %dma_start3A_977 : memref<1x128xf32, #tpu.memory_space<hbm>> -> memref<128xf32, #tpu.memory_space<hbm>>
          tpu.enqueue_dma source(%dma_start3A_978 : memref<128xf32, #tpu.memory_space<hbm>>) target(%dma_start3A_975 : memref<128xf32, #tpu.memory_space<vmem>>) target_semaphore(%arg18 : memref<!tpu.dma_semaphore, #tpu.memory_space<semaphore_mem>>)
          %slice3A_979 = vector.extract_strided_slice %get3A_740 {offsets = [12], sizes = [1], strides = [1]} : vector<16xi32> to vector<1xi32>
          %squeeze3A_980 = vector.extract %slice3A_979[0] : i32 from vector<1xi32>
          %mul3A_981 = arith.constant 16 : i32
          %mul3A_982 = arith.muli %add3A_734, %mul3A_981 : i32
          %add3A_983 = arith.constant 160 : i32
          %add3A_984 = arith.addi %add3A_983, %mul3A_982 : i32
          %add3A_985 = arith.constant 12 : i32
          %add3A_986 = arith.addi %add3A_984, %add3A_985 : i32
          %dma_start3A_987 = arith.constant 0 : i32
          %dma_start3A_988 = tpu.memref_slice %arg8[%add3A_986, %dma_start3A_987] : memref<336x128xf32, #tpu.memory_space<vmem>> -> memref<1x128xf32, #tpu.memory_space<vmem>>
          %dma_start3A_989 = tpu.memref_squeeze %dma_start3A_988 : memref<1x128xf32, #tpu.memory_space<vmem>> -> memref<128xf32, #tpu.memory_space<vmem>>
          %dma_start3A_990 = arith.constant 0 : i32
          %dma_start3A_991 = tpu.memref_slice %arg2[%squeeze3A_980, %dma_start3A_990] : memref<100000x128xf32, #tpu.memory_space<hbm>> -> memref<1x128xf32, #tpu.memory_space<hbm>>
          %dma_start3A_992 = tpu.memref_squeeze %dma_start3A_991 : memref<1x128xf32, #tpu.memory_space<hbm>> -> memref<128xf32, #tpu.memory_space<hbm>>
          %dma_start3A_993 = arith.constant 0 : i32
          %dma_start3A_994 = tpu.memref_slice %arg8[%add3A_986, %dma_start3A_993] : memref<336x128xf32, #tpu.memory_space<vmem>> -> memref<1x128xf32, #tpu.memory_space<vmem>>
          %dma_start3A_995 = tpu.memref_squeeze %dma_start3A_994 : memref<1x128xf32, #tpu.memory_space<vmem>> -> memref<128xf32, #tpu.memory_space<vmem>>
          %dma_start3A_996 = arith.constant 0 : i32
          %dma_start3A_997 = tpu.memref_slice %arg2[%squeeze3A_980, %dma_start3A_996] : memref<100000x128xf32, #tpu.memory_space<hbm>> -> memref<1x128xf32, #tpu.memory_space<hbm>>
          %dma_start3A_998 = tpu.memref_squeeze %dma_start3A_997 : memref<1x128xf32, #tpu.memory_space<hbm>> -> memref<128xf32, #tpu.memory_space<hbm>>
          tpu.enqueue_dma source(%dma_start3A_998 : memref<128xf32, #tpu.memory_space<hbm>>) target(%dma_start3A_995 : memref<128xf32, #tpu.memory_space<vmem>>) target_semaphore(%arg18 : memref<!tpu.dma_semaphore, #tpu.memory_space<semaphore_mem>>)
          %slice3A_999 = vector.extract_strided_slice %get3A_740 {offsets = [13], sizes = [1], strides = [1]} : vector<16xi32> to vector<1xi32>
          %squeeze3A_1000 = vector.extract %slice3A_999[0] : i32 from vector<1xi32>
          %mul3A_1001 = arith.constant 16 : i32
          %mul3A_1002 = arith.muli %add3A_734, %mul3A_1001 : i32
          %add3A_1003 = arith.constant 160 : i32
          %add3A_1004 = arith.addi %add3A_1003, %mul3A_1002 : i32
          %add3A_1005 = arith.constant 13 : i32
          %add3A_1006 = arith.addi %add3A_1004, %add3A_1005 : i32
          %dma_start3A_1007 = arith.constant 0 : i32
          %dma_start3A_1008 = tpu.memref_slice %arg8[%add3A_1006, %dma_start3A_1007] : memref<336x128xf32, #tpu.memory_space<vmem>> -> memref<1x128xf32, #tpu.memory_space<vmem>>
          %dma_start3A_1009 = tpu.memref_squeeze %dma_start3A_1008 : memref<1x128xf32, #tpu.memory_space<vmem>> -> memref<128xf32, #tpu.memory_space<vmem>>
          %dma_start3A_1010 = arith.constant 0 : i32
          %dma_start3A_1011 = tpu.memref_slice %arg2[%squeeze3A_1000, %dma_start3A_1010] : memref<100000x128xf32, #tpu.memory_space<hbm>> -> memref<1x128xf32, #tpu.memory_space<hbm>>
          %dma_start3A_1012 = tpu.memref_squeeze %dma_start3A_1011 : memref<1x128xf32, #tpu.memory_space<hbm>> -> memref<128xf32, #tpu.memory_space<hbm>>
          %dma_start3A_1013 = arith.constant 0 : i32
          %dma_start3A_1014 = tpu.memref_slice %arg8[%add3A_1006, %dma_start3A_1013] : memref<336x128xf32, #tpu.memory_space<vmem>> -> memref<1x128xf32, #tpu.memory_space<vmem>>
          %dma_start3A_1015 = tpu.memref_squeeze %dma_start3A_1014 : memref<1x128xf32, #tpu.memory_space<vmem>> -> memref<128xf32, #tpu.memory_space<vmem>>
          %dma_start3A_1016 = arith.constant 0 : i32
          %dma_start3A_1017 = tpu.memref_slice %arg2[%squeeze3A_1000, %dma_start3A_1016] : memref<100000x128xf32, #tpu.memory_space<hbm>> -> memref<1x128xf32, #tpu.memory_space<hbm>>
          %dma_start3A_1018 = tpu.memref_squeeze %dma_start3A_1017 : memref<1x128xf32, #tpu.memory_space<hbm>> -> memref<128xf32, #tpu.memory_space<hbm>>
          tpu.enqueue_dma source(%dma_start3A_1018 : memref<128xf32, #tpu.memory_space<hbm>>) target(%dma_start3A_1015 : memref<128xf32, #tpu.memory_space<vmem>>) target_semaphore(%arg18 : memref<!tpu.dma_semaphore, #tpu.memory_space<semaphore_mem>>)
          %slice3A_1019 = vector.extract_strided_slice %get3A_740 {offsets = [14], sizes = [1], strides = [1]} : vector<16xi32> to vector<1xi32>
          %squeeze3A_1020 = vector.extract %slice3A_1019[0] : i32 from vector<1xi32>
          %mul3A_1021 = arith.constant 16 : i32
          %mul3A_1022 = arith.muli %add3A_734, %mul3A_1021 : i32
          %add3A_1023 = arith.constant 160 : i32
          %add3A_1024 = arith.addi %add3A_1023, %mul3A_1022 : i32
          %add3A_1025 = arith.constant 14 : i32
          %add3A_1026 = arith.addi %add3A_1024, %add3A_1025 : i32
          %dma_start3A_1027 = arith.constant 0 : i32
          %dma_start3A_1028 = tpu.memref_slice %arg8[%add3A_1026, %dma_start3A_1027] : memref<336x128xf32, #tpu.memory_space<vmem>> -> memref<1x128xf32, #tpu.memory_space<vmem>>
          %dma_start3A_1029 = tpu.memref_squeeze %dma_start3A_1028 : memref<1x128xf32, #tpu.memory_space<vmem>> -> memref<128xf32, #tpu.memory_space<vmem>>
          %dma_start3A_1030 = arith.constant 0 : i32
          %dma_start3A_1031 = tpu.memref_slice %arg2[%squeeze3A_1020, %dma_start3A_1030] : memref<100000x128xf32, #tpu.memory_space<hbm>> -> memref<1x128xf32, #tpu.memory_space<hbm>>
          %dma_start3A_1032 = tpu.memref_squeeze %dma_start3A_1031 : memref<1x128xf32, #tpu.memory_space<hbm>> -> memref<128xf32, #tpu.memory_space<hbm>>
          %dma_start3A_1033 = arith.constant 0 : i32
          %dma_start3A_1034 = tpu.memref_slice %arg8[%add3A_1026, %dma_start3A_1033] : memref<336x128xf32, #tpu.memory_space<vmem>> -> memref<1x128xf32, #tpu.memory_space<vmem>>
          %dma_start3A_1035 = tpu.memref_squeeze %dma_start3A_1034 : memref<1x128xf32, #tpu.memory_space<vmem>> -> memref<128xf32, #tpu.memory_space<vmem>>
          %dma_start3A_1036 = arith.constant 0 : i32
          %dma_start3A_1037 = tpu.memref_slice %arg2[%squeeze3A_1020, %dma_start3A_1036] : memref<100000x128xf32, #tpu.memory_space<hbm>> -> memref<1x128xf32, #tpu.memory_space<hbm>>
          %dma_start3A_1038 = tpu.memref_squeeze %dma_start3A_1037 : memref<1x128xf32, #tpu.memory_space<hbm>> -> memref<128xf32, #tpu.memory_space<hbm>>
          tpu.enqueue_dma source(%dma_start3A_1038 : memref<128xf32, #tpu.memory_space<hbm>>) target(%dma_start3A_1035 : memref<128xf32, #tpu.memory_space<vmem>>) target_semaphore(%arg18 : memref<!tpu.dma_semaphore, #tpu.memory_space<semaphore_mem>>)
          %slice3A_1039 = vector.extract_strided_slice %get3A_740 {offsets = [15], sizes = [1], strides = [1]} : vector<16xi32> to vector<1xi32>
          %squeeze3A_1040 = vector.extract %slice3A_1039[0] : i32 from vector<1xi32>
          %mul3A_1041 = arith.constant 16 : i32
          %mul3A_1042 = arith.muli %add3A_734, %mul3A_1041 : i32
          %add3A_1043 = arith.constant 160 : i32
          %add3A_1044 = arith.addi %add3A_1043, %mul3A_1042 : i32
          %add3A_1045 = arith.constant 15 : i32
          %add3A_1046 = arith.addi %add3A_1044, %add3A_1045 : i32
          %dma_start3A_1047 = arith.constant 0 : i32
          %dma_start3A_1048 = tpu.memref_slice %arg8[%add3A_1046, %dma_start3A_1047] : memref<336x128xf32, #tpu.memory_space<vmem>> -> memref<1x128xf32, #tpu.memory_space<vmem>>
          %dma_start3A_1049 = tpu.memref_squeeze %dma_start3A_1048 : memref<1x128xf32, #tpu.memory_space<vmem>> -> memref<128xf32, #tpu.memory_space<vmem>>
          %dma_start3A_1050 = arith.constant 0 : i32
          %dma_start3A_1051 = tpu.memref_slice %arg2[%squeeze3A_1040, %dma_start3A_1050] : memref<100000x128xf32, #tpu.memory_space<hbm>> -> memref<1x128xf32, #tpu.memory_space<hbm>>
          %dma_start3A_1052 = tpu.memref_squeeze %dma_start3A_1051 : memref<1x128xf32, #tpu.memory_space<hbm>> -> memref<128xf32, #tpu.memory_space<hbm>>
          %dma_start3A_1053 = arith.constant 0 : i32
          %dma_start3A_1054 = tpu.memref_slice %arg8[%add3A_1046, %dma_start3A_1053] : memref<336x128xf32, #tpu.memory_space<vmem>> -> memref<1x128xf32, #tpu.memory_space<vmem>>
          %dma_start3A_1055 = tpu.memref_squeeze %dma_start3A_1054 : memref<1x128xf32, #tpu.memory_space<vmem>> -> memref<128xf32, #tpu.memory_space<vmem>>
          %dma_start3A_1056 = arith.constant 0 : i32
          %dma_start3A_1057 = tpu.memref_slice %arg2[%squeeze3A_1040, %dma_start3A_1056] : memref<100000x128xf32, #tpu.memory_space<hbm>> -> memref<1x128xf32, #tpu.memory_space<hbm>>
          %dma_start3A_1058 = tpu.memref_squeeze %dma_start3A_1057 : memref<1x128xf32, #tpu.memory_space<hbm>> -> memref<128xf32, #tpu.memory_space<hbm>>
          tpu.enqueue_dma source(%dma_start3A_1058 : memref<128xf32, #tpu.memory_space<hbm>>) target(%dma_start3A_1055 : memref<128xf32, #tpu.memory_space<vmem>>) target_semaphore(%arg18 : memref<!tpu.dma_semaphore, #tpu.memory_space<semaphore_mem>>)
        }
        %scan3A_724 = arith.constant 11 : i32
        %add3A_725 = arith.addi %mul3A_4, %add3A_627 : i32
        %mul3A_726 = arith.constant 2048 : i32
        %mul3A_727 = arith.muli %add3A_725, %mul3A_726 : i32
        %dma_start3A_728 = tpu.memref_slice %arg4[%mul3A_727] : memref<2097152xf32, #tpu.memory_space<hbm>> -> memref<2048xf32, #tpu.memory_space<hbm>>
        %dma_start3A_729 = tpu.memref_slice %arg4[%mul3A_727] : memref<2097152xf32, #tpu.memory_space<hbm>> -> memref<2048xf32, #tpu.memory_space<hbm>>
        tpu.enqueue_dma source(%dma_start3A_729 : memref<2048xf32, #tpu.memory_space<hbm>>) target(%arg10 : memref<2048xf32, #tpu.memory_space<vmem>>) target_semaphore(%arg16 : memref<!tpu.dma_semaphore, #tpu.memory_space<semaphore_mem>>)
      } else {
      }
      %swap3A = arith.constant 0 : index
      %swap3A_361 = tpu.vector_load %arg12[%swap3A] {strides = array<i32>} : memref<16xf32, #tpu.memory_space<vmem>>, vector<16xf32>,
      tpu.vector_store %arg12[%swap3A], %scan3A_355#0 {strides = array<i32>} : memref<16xf32, #tpu.memory_space<vmem>>, vector<16xf32>,
      %swap3A_362 = arith.constant 0 : index
      %swap3A_363 = tpu.vector_load %arg13[%swap3A_362] {strides = array<i32>} : memref<320xf32, #tpu.memory_space<vmem>>, vector<16xf32>,
      tpu.vector_store %arg13[%swap3A_362], %scan3A_355#1 {strides = array<i32>} : memref<320xf32, #tpu.memory_space<vmem>>, vector<16xf32>,
      %swap3A_364 = arith.constant 16 : index
      %swap3A_365 = tpu.vector_load %arg13[%swap3A_364] {strides = array<i32>} : memref<320xf32, #tpu.memory_space<vmem>>, vector<16xf32>,
      tpu.vector_store %arg13[%swap3A_364], %scan3A_355#2 {strides = array<i32>} : memref<320xf32, #tpu.memory_space<vmem>>, vector<16xf32>,
      %swap3A_366 = arith.constant 32 : index
      %swap3A_367 = tpu.vector_load %arg13[%swap3A_366] {strides = array<i32>} : memref<320xf32, #tpu.memory_space<vmem>>, vector<16xf32>,
      tpu.vector_store %arg13[%swap3A_366], %scan3A_355#3 {strides = array<i32>} : memref<320xf32, #tpu.memory_space<vmem>>, vector<16xf32>,
      %swap3A_368 = arith.constant 48 : index
      %swap3A_369 = tpu.vector_load %arg13[%swap3A_368] {strides = array<i32>} : memref<320xf32, #tpu.memory_space<vmem>>, vector<16xf32>,
      tpu.vector_store %arg13[%swap3A_368], %scan3A_355#4 {strides = array<i32>} : memref<320xf32, #tpu.memory_space<vmem>>, vector<16xf32>,
      %swap3A_370 = arith.constant 64 : index
      %swap3A_371 = tpu.vector_load %arg13[%swap3A_370] {strides = array<i32>} : memref<320xf32, #tpu.memory_space<vmem>>, vector<16xf32>,
      tpu.vector_store %arg13[%swap3A_370], %scan3A_355#5 {strides = array<i32>} : memref<320xf32, #tpu.memory_space<vmem>>, vector<16xf32>,
      %swap3A_372 = arith.constant 80 : index
      %swap3A_373 = tpu.vector_load %arg13[%swap3A_372] {strides = array<i32>} : memref<320xf32, #tpu.memory_space<vmem>>, vector<16xf32>,
      tpu.vector_store %arg13[%swap3A_372], %scan3A_355#6 {strides = array<i32>} : memref<320xf32, #tpu.memory_space<vmem>>, vector<16xf32>,
      %swap3A_374 = arith.constant 96 : index
      %swap3A_375 = tpu.vector_load %arg13[%swap3A_374] {strides = array<i32>} : memref<320xf32, #tpu.memory_space<vmem>>, vector<16xf32>,
      tpu.vector_store %arg13[%swap3A_374], %scan3A_355#7 {strides = array<i32>} : memref<320xf32, #tpu.memory_space<vmem>>, vector<16xf32>,
      %swap3A_376 = arith.constant 112 : index
      %swap3A_377 = tpu.vector_load %arg13[%swap3A_376] {strides = array<i32>} : memref<320xf32, #tpu.memory_space<vmem>>, vector<16xf32>,
      tpu.vector_store %arg13[%swap3A_376], %scan3A_355#8 {strides = array<i32>} : memref<320xf32, #tpu.memory_space<vmem>>, vector<16xf32>,
      %swap3A_378 = arith.constant 128 : index
      %swap3A_379 = tpu.vector_load %arg13[%swap3A_378] {strides = array<i32>} : memref<320xf32, #tpu.memory_space<vmem>>, vector<16xf32>,
      tpu.vector_store %arg13[%swap3A_378], %scan3A_355#9 {strides = array<i32>} : memref<320xf32, #tpu.memory_space<vmem>>, vector<16xf32>,
      %swap3A_380 = arith.constant 144 : index
      %swap3A_381 = tpu.vector_load %arg13[%swap3A_380] {strides = array<i32>} : memref<320xf32, #tpu.memory_space<vmem>>, vector<16xf32>,
      tpu.vector_store %arg13[%swap3A_380], %scan3A_355#10 {strides = array<i32>} : memref<320xf32, #tpu.memory_space<vmem>>, vector<16xf32>,
      %swap3A_382 = arith.constant 160 : index
      %swap3A_383 = tpu.vector_load %arg13[%swap3A_382] {strides = array<i32>} : memref<320xf32, #tpu.memory_space<vmem>>, vector<16xf32>,
      tpu.vector_store %arg13[%swap3A_382], %scan3A_355#11 {strides = array<i32>} : memref<320xf32, #tpu.memory_space<vmem>>, vector<16xf32>,
      %swap3A_384 = arith.constant 176 : index
      %swap3A_385 = tpu.vector_load %arg13[%swap3A_384] {strides = array<i32>} : memref<320xf32, #tpu.memory_space<vmem>>, vector<16xf32>,
      tpu.vector_store %arg13[%swap3A_384], %scan3A_355#12 {strides = array<i32>} : memref<320xf32, #tpu.memory_space<vmem>>, vector<16xf32>,
      %swap3A_386 = arith.constant 192 : index
      %swap3A_387 = tpu.vector_load %arg13[%swap3A_386] {strides = array<i32>} : memref<320xf32, #tpu.memory_space<vmem>>, vector<16xf32>,
      tpu.vector_store %arg13[%swap3A_386], %scan3A_355#13 {strides = array<i32>} : memref<320xf32, #tpu.memory_space<vmem>>, vector<16xf32>,
      %swap3A_388 = arith.constant 208 : index
      %swap3A_389 = tpu.vector_load %arg13[%swap3A_388] {strides = array<i32>} : memref<320xf32, #tpu.memory_space<vmem>>, vector<16xf32>,
      tpu.vector_store %arg13[%swap3A_388], %scan3A_355#14 {strides = array<i32>} : memref<320xf32, #tpu.memory_space<vmem>>, vector<16xf32>,
      %swap3A_390 = arith.constant 224 : index
      %swap3A_391 = tpu.vector_load %arg13[%swap3A_390] {strides = array<i32>} : memref<320xf32, #tpu.memory_space<vmem>>, vector<16xf32>,
      tpu.vector_store %arg13[%swap3A_390], %scan3A_355#15 {strides = array<i32>} : memref<320xf32, #tpu.memory_space<vmem>>, vector<16xf32>,
      %swap3A_392 = arith.constant 240 : index
      %swap3A_393 = tpu.vector_load %arg13[%swap3A_392] {strides = array<i32>} : memref<320xf32, #tpu.memory_space<vmem>>, vector<16xf32>,
      tpu.vector_store %arg13[%swap3A_392], %scan3A_355#16 {strides = array<i32>} : memref<320xf32, #tpu.memory_space<vmem>>, vector<16xf32>,
      %swap3A_394 = arith.constant 256 : index
      %swap3A_395 = tpu.vector_load %arg13[%swap3A_394] {strides = array<i32>} : memref<320xf32, #tpu.memory_space<vmem>>, vector<16xf32>,
      tpu.vector_store %arg13[%swap3A_394], %scan3A_355#17 {strides = array<i32>} : memref<320xf32, #tpu.memory_space<vmem>>, vector<16xf32>,
      %swap3A_396 = arith.constant 272 : index
      %swap3A_397 = tpu.vector_load %arg13[%swap3A_396] {strides = array<i32>} : memref<320xf32, #tpu.memory_space<vmem>>, vector<16xf32>,
      tpu.vector_store %arg13[%swap3A_396], %scan3A_355#18 {strides = array<i32>} : memref<320xf32, #tpu.memory_space<vmem>>, vector<16xf32>,
      %swap3A_398 = arith.constant 288 : index
      %swap3A_399 = tpu.vector_load %arg13[%swap3A_398] {strides = array<i32>} : memref<320xf32, #tpu.memory_space<vmem>>, vector<16xf32>,
      tpu.vector_store %arg13[%swap3A_398], %scan3A_355#19 {strides = array<i32>} : memref<320xf32, #tpu.memory_space<vmem>>, vector<16xf32>,
      %swap3A_400 = arith.constant 304 : index
      %swap3A_401 = tpu.vector_load %arg13[%swap3A_400] {strides = array<i32>} : memref<320xf32, #tpu.memory_space<vmem>>, vector<16xf32>,
      tpu.vector_store %arg13[%swap3A_400], %scan3A_355#20 {strides = array<i32>} : memref<320xf32, #tpu.memory_space<vmem>>, vector<16xf32>,
      %mul3A_402 = arith.constant 16 : i32
      %mul3A_403 = arith.muli %add3A_201, %mul3A_402 : i32
      %add3A_404 = arith.addi %mul3A_2, %mul3A_403 : i32
      "tpu.region"() ({
        %run_scoped3A = tpu.sem_alloc : memref<!tpu.dma_semaphore, #tpu.memory_space<semaphore_mem>>
        %dma_start3A_626 = tpu.memref_slice %arg5[%add3A_404] : memref<16384xf32, #tpu.memory_space<hbm>> -> memref<16xf32, #tpu.memory_space<hbm>>
        %dma_start3A_627 = tpu.memref_slice %arg5[%add3A_404] : memref<16384xf32, #tpu.memory_space<hbm>> -> memref<16xf32, #tpu.memory_space<hbm>>
        tpu.enqueue_dma source(%arg12 : memref<16xf32, #tpu.memory_space<vmem>>) target(%dma_start3A_627 : memref<16xf32, #tpu.memory_space<hbm>>) target_semaphore(%run_scoped3A : memref<!tpu.dma_semaphore, #tpu.memory_space<semaphore_mem>>)
        %dma_wait3A_628 = tpu.memref_slice %arg5[%add3A_404] : memref<16384xf32, #tpu.memory_space<hbm>> -> memref<16xf32, #tpu.memory_space<hbm>>
        %dma_wait3A_629 = tpu.memref_slice %arg5[%add3A_404] : memref<16384xf32, #tpu.memory_space<hbm>> -> memref<16xf32, #tpu.memory_space<hbm>>
        tpu.wait_dma2 semaphore(%run_scoped3A : memref<!tpu.dma_semaphore, #tpu.memory_space<semaphore_mem>>) src(%arg12 : memref<16xf32, #tpu.memory_space<vmem>>) dst(%dma_wait3A_629 : memref<16xf32, #tpu.memory_space<hbm>>)
        tpu.yield
      }) : () -> ()
      %add3A_405 = arith.addi %mul3A_4, %add3A_201 : i32
      %mul3A_406 = arith.constant 16 : i32
      %mul3A_407 = arith.muli %add3A_405, %mul3A_406 : i32
      %mul3A_408 = arith.constant 20 : i32
      %mul3A_409 = arith.muli %mul3A_407, %mul3A_408 : i32
      "tpu.region"() ({
        %run_scoped3A = tpu.sem_alloc : memref<!tpu.dma_semaphore, #tpu.memory_space<semaphore_mem>>
        %dma_start3A_626 = tpu.memref_slice %arg6[%mul3A_409] : memref<327680xf32, #tpu.memory_space<hbm>> -> memref<320xf32, #tpu.memory_space<hbm>>
        %dma_start3A_627 = tpu.memref_slice %arg6[%mul3A_409] : memref<327680xf32, #tpu.memory_space<hbm>> -> memref<320xf32, #tpu.memory_space<hbm>>
        tpu.enqueue_dma source(%arg13 : memref<320xf32, #tpu.memory_space<vmem>>) target(%dma_start3A_627 : memref<320xf32, #tpu.memory_space<hbm>>) target_semaphore(%run_scoped3A : memref<!tpu.dma_semaphore, #tpu.memory_space<semaphore_mem>>)
        %dma_wait3A_628 = tpu.memref_slice %arg6[%mul3A_409] : memref<327680xf32, #tpu.memory_space<hbm>> -> memref<320xf32, #tpu.memory_space<hbm>>
        %dma_wait3A_629 = tpu.memref_slice %arg6[%mul3A_409] : memref<327680xf32, #tpu.memory_space<hbm>> -> memref<320xf32, #tpu.memory_space<hbm>>
        tpu.wait_dma2 semaphore(%run_scoped3A : memref<!tpu.dma_semaphore, #tpu.memory_space<semaphore_mem>>) src(%arg13 : memref<320xf32, #tpu.memory_space<vmem>>) dst(%dma_wait3A_629 : memref<320xf32, #tpu.memory_space<hbm>>)
        tpu.yield
      }) : () -> ()
      %add3A_410 = arith.constant 1 : i32
      %add3A_411 = arith.addi %add3A_199, %add3A_410 : i32
      %mul3A_412 = arith.constant 336 : i32
      %mul3A_413 = arith.muli %add3A_411, %mul3A_412 : i32
      %add3A_414 = arith.constant 0 : i32
      %add3A_415 = arith.addi %mul3A_413, %add3A_414 : i32
      %dma_wait3A_416 = arith.constant 0 : i32
      %dma_wait3A_417 = arith.constant 0 : i32
      %dma_wait3A_418 = tpu.memref_slice %arg9[%dma_wait3A_416, %dma_wait3A_417] : memref<336x128xf32, #tpu.memory_space<vmem>> -> memref<16x128xf32, #tpu.memory_space<vmem>>
      %dma_wait3A_419 = tpu.memref_slice %arg7[%add3A_415] : memref<10752xi32, #tpu.memory_space<vmem>> -> memref<16xi32, #tpu.memory_space<vmem>>
      %dma_wait3A_420 = arith.constant 0 : i32
      %dma_wait3A_421 = arith.constant 0 : i32
      %dma_wait3A_422 = tpu.memref_slice %arg2[%dma_wait3A_420, %dma_wait3A_421] : memref<100000x128xf32, #tpu.memory_space<hbm>> -> memref<100000x128xf32, #tpu.memory_space<hbm>>
      tpu.wait_indirect_dma semaphore(%arg15 : memref<!tpu.dma_semaphore, #tpu.memory_space<semaphore_mem>>) src(%dma_wait3A_422 : memref<100000x128xf32, #tpu.memory_space<hbm>>) dst(%dma_wait3A_418 : memref<16x128xf32, #tpu.memory_space<vmem>>)
      %add3A_423 = arith.constant 16 : i32
      %add3A_424 = arith.addi %mul3A_413, %add3A_423 : i32
      %dma_wait3A_425 = arith.constant 16 : i32
      %dma_wait3A_426 = arith.constant 0 : i32
      %dma_wait3A_427 = tpu.memref_slice %arg9[%dma_wait3A_425, %dma_wait3A_426] : memref<336x128xf32, #tpu.memory_space<vmem>> -> memref<16x128xf32, #tpu.memory_space<vmem>>
      %dma_wait3A_428 = tpu.memref_slice %arg7[%add3A_424] : memref<10752xi32, #tpu.memory_space<vmem>> -> memref<16xi32, #tpu.memory_space<vmem>>
      %dma_wait3A_429 = arith.constant 0 : i32
      %dma_wait3A_430 = arith.constant 0 : i32
      %dma_wait3A_431 = tpu.memref_slice %arg2[%dma_wait3A_429, %dma_wait3A_430] : memref<100000x128xf32, #tpu.memory_space<hbm>> -> memref<100000x128xf32, #tpu.memory_space<hbm>>
      tpu.wait_indirect_dma semaphore(%arg15 : memref<!tpu.dma_semaphore, #tpu.memory_space<semaphore_mem>>) src(%dma_wait3A_431 : memref<100000x128xf32, #tpu.memory_space<hbm>>) dst(%dma_wait3A_427 : memref<16x128xf32, #tpu.memory_space<vmem>>)
      %add3A_432 = arith.constant 32 : i32
      %add3A_433 = arith.addi %mul3A_413, %add3A_432 : i32
      %dma_wait3A_434 = arith.constant 32 : i32
      %dma_wait3A_435 = arith.constant 0 : i32
      %dma_wait3A_436 = tpu.memref_slice %arg9[%dma_wait3A_434, %dma_wait3A_435] : memref<336x128xf32, #tpu.memory_space<vmem>> -> memref<16x128xf32, #tpu.memory_space<vmem>>
      %dma_wait3A_437 = tpu.memref_slice %arg7[%add3A_433] : memref<10752xi32, #tpu.memory_space<vmem>> -> memref<16xi32, #tpu.memory_space<vmem>>
      %dma_wait3A_438 = arith.constant 0 : i32
      %dma_wait3A_439 = arith.constant 0 : i32
      %dma_wait3A_440 = tpu.memref_slice %arg2[%dma_wait3A_438, %dma_wait3A_439] : memref<100000x128xf32, #tpu.memory_space<hbm>> -> memref<100000x128xf32, #tpu.memory_space<hbm>>
      tpu.wait_indirect_dma semaphore(%arg15 : memref<!tpu.dma_semaphore, #tpu.memory_space<semaphore_mem>>) src(%dma_wait3A_440 : memref<100000x128xf32, #tpu.memory_space<hbm>>) dst(%dma_wait3A_436 : memref<16x128xf32, #tpu.memory_space<vmem>>)
      %add3A_441 = arith.constant 48 : i32
      %add3A_442 = arith.addi %mul3A_413, %add3A_441 : i32
      %dma_wait3A_443 = arith.constant 48 : i32
      %dma_wait3A_444 = arith.constant 0 : i32
      %dma_wait3A_445 = tpu.memref_slice %arg9[%dma_wait3A_443, %dma_wait3A_444] : memref<336x128xf32, #tpu.memory_space<vmem>> -> memref<16x128xf32, #tpu.memory_space<vmem>>
      %dma_wait3A_446 = tpu.memref_slice %arg7[%add3A_442] : memref<10752xi32, #tpu.memory_space<vmem>> -> memref<16xi32, #tpu.memory_space<vmem>>
      %dma_wait3A_447 = arith.constant 0 : i32
      %dma_wait3A_448 = arith.constant 0 : i32
      %dma_wait3A_449 = tpu.memref_slice %arg2[%dma_wait3A_447, %dma_wait3A_448] : memref<100000x128xf32, #tpu.memory_space<hbm>> -> memref<100000x128xf32, #tpu.memory_space<hbm>>
      tpu.wait_indirect_dma semaphore(%arg15 : memref<!tpu.dma_semaphore, #tpu.memory_space<semaphore_mem>>) src(%dma_wait3A_449 : memref<100000x128xf32, #tpu.memory_space<hbm>>) dst(%dma_wait3A_445 : memref<16x128xf32, #tpu.memory_space<vmem>>)
      %add3A_450 = arith.constant 64 : i32
      %add3A_451 = arith.addi %mul3A_413, %add3A_450 : i32
      %dma_wait3A_452 = arith.constant 64 : i32
      %dma_wait3A_453 = arith.constant 0 : i32
      %dma_wait3A_454 = tpu.memref_slice %arg9[%dma_wait3A_452, %dma_wait3A_453] : memref<336x128xf32, #tpu.memory_space<vmem>> -> memref<16x128xf32, #tpu.memory_space<vmem>>
      %dma_wait3A_455 = tpu.memref_slice %arg7[%add3A_451] : memref<10752xi32, #tpu.memory_space<vmem>> -> memref<16xi32, #tpu.memory_space<vmem>>
      %dma_wait3A_456 = arith.constant 0 : i32
      %dma_wait3A_457 = arith.constant 0 : i32
      %dma_wait3A_458 = tpu.memref_slice %arg2[%dma_wait3A_456, %dma_wait3A_457] : memref<100000x128xf32, #tpu.memory_space<hbm>> -> memref<100000x128xf32, #tpu.memory_space<hbm>>
      tpu.wait_indirect_dma semaphore(%arg15 : memref<!tpu.dma_semaphore, #tpu.memory_space<semaphore_mem>>) src(%dma_wait3A_458 : memref<100000x128xf32, #tpu.memory_space<hbm>>) dst(%dma_wait3A_454 : memref<16x128xf32, #tpu.memory_space<vmem>>)
      %add3A_459 = arith.constant 80 : i32
      %add3A_460 = arith.addi %mul3A_413, %add3A_459 : i32
      %dma_wait3A_461 = arith.constant 80 : i32
      %dma_wait3A_462 = arith.constant 0 : i32
      %dma_wait3A_463 = tpu.memref_slice %arg9[%dma_wait3A_461, %dma_wait3A_462] : memref<336x128xf32, #tpu.memory_space<vmem>> -> memref<16x128xf32, #tpu.memory_space<vmem>>
      %dma_wait3A_464 = tpu.memref_slice %arg7[%add3A_460] : memref<10752xi32, #tpu.memory_space<vmem>> -> memref<16xi32, #tpu.memory_space<vmem>>
      %dma_wait3A_465 = arith.constant 0 : i32
      %dma_wait3A_466 = arith.constant 0 : i32
      %dma_wait3A_467 = tpu.memref_slice %arg2[%dma_wait3A_465, %dma_wait3A_466] : memref<100000x128xf32, #tpu.memory_space<hbm>> -> memref<100000x128xf32, #tpu.memory_space<hbm>>
      tpu.wait_indirect_dma semaphore(%arg15 : memref<!tpu.dma_semaphore, #tpu.memory_space<semaphore_mem>>) src(%dma_wait3A_467 : memref<100000x128xf32, #tpu.memory_space<hbm>>) dst(%dma_wait3A_463 : memref<16x128xf32, #tpu.memory_space<vmem>>)
      %add3A_468 = arith.constant 96 : i32
      %add3A_469 = arith.addi %mul3A_413, %add3A_468 : i32
      %dma_wait3A_470 = arith.constant 96 : i32
      %dma_wait3A_471 = arith.constant 0 : i32
      %dma_wait3A_472 = tpu.memref_slice %arg9[%dma_wait3A_470, %dma_wait3A_471] : memref<336x128xf32, #tpu.memory_space<vmem>> -> memref<16x128xf32, #tpu.memory_space<vmem>>
      %dma_wait3A_473 = tpu.memref_slice %arg7[%add3A_469] : memref<10752xi32, #tpu.memory_space<vmem>> -> memref<16xi32, #tpu.memory_space<vmem>>
      %dma_wait3A_474 = arith.constant 0 : i32
      %dma_wait3A_475 = arith.constant 0 : i32
      %dma_wait3A_476 = tpu.memref_slice %arg2[%dma_wait3A_474, %dma_wait3A_475] : memref<100000x128xf32, #tpu.memory_space<hbm>> -> memref<100000x128xf32, #tpu.memory_space<hbm>>
      tpu.wait_indirect_dma semaphore(%arg15 : memref<!tpu.dma_semaphore, #tpu.memory_space<semaphore_mem>>) src(%dma_wait3A_476 : memref<100000x128xf32, #tpu.memory_space<hbm>>) dst(%dma_wait3A_472 : memref<16x128xf32, #tpu.memory_space<vmem>>)
      %add3A_477 = arith.constant 112 : i32
      %add3A_478 = arith.addi %mul3A_413, %add3A_477 : i32
      %dma_wait3A_479 = arith.constant 112 : i32
      %dma_wait3A_480 = arith.constant 0 : i32
      %dma_wait3A_481 = tpu.memref_slice %arg9[%dma_wait3A_479, %dma_wait3A_480] : memref<336x128xf32, #tpu.memory_space<vmem>> -> memref<16x128xf32, #tpu.memory_space<vmem>>
      %dma_wait3A_482 = tpu.memref_slice %arg7[%add3A_478] : memref<10752xi32, #tpu.memory_space<vmem>> -> memref<16xi32, #tpu.memory_space<vmem>>
      %dma_wait3A_483 = arith.constant 0 : i32
      %dma_wait3A_484 = arith.constant 0 : i32
      %dma_wait3A_485 = tpu.memref_slice %arg2[%dma_wait3A_483, %dma_wait3A_484] : memref<100000x128xf32, #tpu.memory_space<hbm>> -> memref<100000x128xf32, #tpu.memory_space<hbm>>
      tpu.wait_indirect_dma semaphore(%arg15 : memref<!tpu.dma_semaphore, #tpu.memory_space<semaphore_mem>>) src(%dma_wait3A_485 : memref<100000x128xf32, #tpu.memory_space<hbm>>) dst(%dma_wait3A_481 : memref<16x128xf32, #tpu.memory_space<vmem>>)
      %add3A_486 = arith.constant 128 : i32
      %add3A_487 = arith.addi %mul3A_413, %add3A_486 : i32
      %dma_wait3A_488 = arith.constant 128 : i32
      %dma_wait3A_489 = arith.constant 0 : i32
      %dma_wait3A_490 = tpu.memref_slice %arg9[%dma_wait3A_488, %dma_wait3A_489] : memref<336x128xf32, #tpu.memory_space<vmem>> -> memref<16x128xf32, #tpu.memory_space<vmem>>
      %dma_wait3A_491 = tpu.memref_slice %arg7[%add3A_487] : memref<10752xi32, #tpu.memory_space<vmem>> -> memref<16xi32, #tpu.memory_space<vmem>>
      %dma_wait3A_492 = arith.constant 0 : i32
      %dma_wait3A_493 = arith.constant 0 : i32
      %dma_wait3A_494 = tpu.memref_slice %arg2[%dma_wait3A_492, %dma_wait3A_493] : memref<100000x128xf32, #tpu.memory_space<hbm>> -> memref<100000x128xf32, #tpu.memory_space<hbm>>
      tpu.wait_indirect_dma semaphore(%arg15 : memref<!tpu.dma_semaphore, #tpu.memory_space<semaphore_mem>>) src(%dma_wait3A_494 : memref<100000x128xf32, #tpu.memory_space<hbm>>) dst(%dma_wait3A_490 : memref<16x128xf32, #tpu.memory_space<vmem>>)
      %add3A_495 = arith.constant 144 : i32
      %add3A_496 = arith.addi %mul3A_413, %add3A_495 : i32
      %dma_wait3A_497 = arith.constant 144 : i32
      %dma_wait3A_498 = arith.constant 0 : i32
      %dma_wait3A_499 = tpu.memref_slice %arg9[%dma_wait3A_497, %dma_wait3A_498] : memref<336x128xf32, #tpu.memory_space<vmem>> -> memref<16x128xf32, #tpu.memory_space<vmem>>
      %dma_wait3A_500 = tpu.memref_slice %arg7[%add3A_496] : memref<10752xi32, #tpu.memory_space<vmem>> -> memref<16xi32, #tpu.memory_space<vmem>>
      %dma_wait3A_501 = arith.constant 0 : i32
      %dma_wait3A_502 = arith.constant 0 : i32
      %dma_wait3A_503 = tpu.memref_slice %arg2[%dma_wait3A_501, %dma_wait3A_502] : memref<100000x128xf32, #tpu.memory_space<hbm>> -> memref<100000x128xf32, #tpu.memory_space<hbm>>
      tpu.wait_indirect_dma semaphore(%arg15 : memref<!tpu.dma_semaphore, #tpu.memory_space<semaphore_mem>>) src(%dma_wait3A_503 : memref<100000x128xf32, #tpu.memory_space<hbm>>) dst(%dma_wait3A_499 : memref<16x128xf32, #tpu.memory_space<vmem>>)
      %dma_wait3A_504 = arith.constant 160 : i32
      %dma_wait3A_505 = arith.constant 0 : i32
      %dma_wait3A_506 = tpu.memref_slice %arg9[%dma_wait3A_504, %dma_wait3A_505] : memref<336x128xf32, #tpu.memory_space<vmem>> -> memref<176x128xf32, #tpu.memory_space<vmem>>
      %dma_wait3A_507 = arith.constant 0 : i32
      %dma_wait3A_508 = arith.constant 0 : i32
      %dma_wait3A_509 = tpu.memref_slice %arg2[%dma_wait3A_507, %dma_wait3A_508] : memref<100000x128xf32, #tpu.memory_space<hbm>> -> memref<176x128xf32, #tpu.memory_space<hbm>>
      %dma_wait3A_510 = arith.constant 160 : i32
      %dma_wait3A_511 = arith.constant 0 : i32
      %dma_wait3A_512 = tpu.memref_slice %arg9[%dma_wait3A_510, %dma_wait3A_511] : memref<336x128xf32, #tpu.memory_space<vmem>> -> memref<176x128xf32, #tpu.memory_space<vmem>>
      %dma_wait3A_513 = arith.constant 0 : i32
      %dma_wait3A_514 = arith.constant 0 : i32
      %dma_wait3A_515 = tpu.memref_slice %arg2[%dma_wait3A_513, %dma_wait3A_514] : memref<100000x128xf32, #tpu.memory_space<hbm>> -> memref<176x128xf32, #tpu.memory_space<hbm>>
      tpu.wait_dma2 semaphore(%arg19 : memref<!tpu.dma_semaphore, #tpu.memory_space<semaphore_mem>>) src(%dma_wait3A_515 : memref<176x128xf32, #tpu.memory_space<hbm>>) dst(%dma_wait3A_512 : memref<176x128xf32, #tpu.memory_space<vmem>>)
      %add3A_516 = arith.addi %mul3A_4, %add3A_411 : i32
      %mul3A_517 = arith.constant 2048 : i32
      %mul3A_518 = arith.muli %add3A_516, %mul3A_517 : i32
      %dma_wait3A_519 = tpu.memref_slice %arg4[%mul3A_518] : memref<2097152xf32, #tpu.memory_space<hbm>> -> memref<2048xf32, #tpu.memory_space<hbm>>
      %dma_wait3A_520 = tpu.memref_slice %arg4[%mul3A_518] : memref<2097152xf32, #tpu.memory_space<hbm>> -> memref<2048xf32, #tpu.memory_space<hbm>>
      tpu.wait_dma2 semaphore(%arg17 : memref<!tpu.dma_semaphore, #tpu.memory_space<semaphore_mem>>) src(%dma_wait3A_520 : memref<2048xf32, #tpu.memory_space<hbm>>) dst(%arg11 : memref<2048xf32, #tpu.memory_space<vmem>>)
      %broadcast_in_dim3A_521 = arith.constant 0.000000e+00 : f32
      %broadcast_in_dim3A_522 = vector.broadcast %broadcast_in_dim3A_521 : f32 to vector<16xf32>
      %broadcast_in_dim3A_523 = arith.constant 0.000000e+00 : f32
      %broadcast_in_dim3A_524 = vector.broadcast %broadcast_in_dim3A_523 : f32 to vector<16xf32>
      %broadcast_in_dim3A_525 = arith.constant 0.000000e+00 : f32
      %broadcast_in_dim3A_526 = vector.broadcast %broadcast_in_dim3A_525 : f32 to vector<16xf32>
      %broadcast_in_dim3A_527 = arith.constant 0.000000e+00 : f32
      %broadcast_in_dim3A_528 = vector.broadcast %broadcast_in_dim3A_527 : f32 to vector<16xf32>
      %broadcast_in_dim3A_529 = arith.constant 0.000000e+00 : f32
      %broadcast_in_dim3A_530 = vector.broadcast %broadcast_in_dim3A_529 : f32 to vector<16xf32>
      %broadcast_in_dim3A_531 = arith.constant 0.000000e+00 : f32
      %broadcast_in_dim3A_532 = vector.broadcast %broadcast_in_dim3A_531 : f32 to vector<16xf32>
      %broadcast_in_dim3A_533 = arith.constant 0.000000e+00 : f32
      %broadcast_in_dim3A_534 = vector.broadcast %broadcast_in_dim3A_533 : f32 to vector<16xf32>
      %broadcast_in_dim3A_535 = arith.constant 0.000000e+00 : f32
      %broadcast_in_dim3A_536 = vector.broadcast %broadcast_in_dim3A_535 : f32 to vector<16xf32>
      %broadcast_in_dim3A_537 = arith.constant 0.000000e+00 : f32
      %broadcast_in_dim3A_538 = vector.broadcast %broadcast_in_dim3A_537 : f32 to vector<16xf32>
      %broadcast_in_dim3A_539 = arith.constant 0.000000e+00 : f32
      %broadcast_in_dim3A_540 = vector.broadcast %broadcast_in_dim3A_539 : f32 to vector<16xf32>
      %broadcast_in_dim3A_541 = arith.constant 0.000000e+00 : f32
      %broadcast_in_dim3A_542 = vector.broadcast %broadcast_in_dim3A_541 : f32 to vector<16xf32>
      %broadcast_in_dim3A_543 = arith.constant 0.000000e+00 : f32
      %broadcast_in_dim3A_544 = vector.broadcast %broadcast_in_dim3A_543 : f32 to vector<16xf32>
      %broadcast_in_dim3A_545 = arith.constant 0.000000e+00 : f32
      %broadcast_in_dim3A_546 = vector.broadcast %broadcast_in_dim3A_545 : f32 to vector<16xf32>
      %broadcast_in_dim3A_547 = arith.constant 0.000000e+00 : f32
      %broadcast_in_dim3A_548 = vector.broadcast %broadcast_in_dim3A_547 : f32 to vector<16xf32>
      %broadcast_in_dim3A_549 = arith.constant 0.000000e+00 : f32
      %broadcast_in_dim3A_550 = vector.broadcast %broadcast_in_dim3A_549 : f32 to vector<16xf32>
      %broadcast_in_dim3A_551 = arith.constant 0.000000e+00 : f32
      %broadcast_in_dim3A_552 = vector.broadcast %broadcast_in_dim3A_551 : f32 to vector<16xf32>
      %broadcast_in_dim3A_553 = arith.constant 0.000000e+00 : f32
      %broadcast_in_dim3A_554 = vector.broadcast %broadcast_in_dim3A_553 : f32 to vector<16xf32>
      %broadcast_in_dim3A_555 = arith.constant 0.000000e+00 : f32
      %broadcast_in_dim3A_556 = vector.broadcast %broadcast_in_dim3A_555 : f32 to vector<16xf32>
      %broadcast_in_dim3A_557 = arith.constant 0.000000e+00 : f32
      %broadcast_in_dim3A_558 = vector.broadcast %broadcast_in_dim3A_557 : f32 to vector<16xf32>
      %broadcast_in_dim3A_559 = arith.constant 0.000000e+00 : f32
      %broadcast_in_dim3A_560 = vector.broadcast %broadcast_in_dim3A_559 : f32 to vector<16xf32>
      %broadcast_in_dim3A_561 = arith.constant 0.000000e+00 : f32
      %broadcast_in_dim3A_562 = vector.broadcast %broadcast_in_dim3A_561 : f32 to vector<16xf32>
      %scan3A_563 = arith.constant 0 : i32
      %scan3A_564 = arith.constant 128 : i32
      %scan3A_565 = arith.addi %scan3A_563, %scan3A_564 : i32
      %scan3A_566 = arith.constant 1 : i32
      %scan3A_567:21 = scf.for %scan3A_626 = %scan3A_563 to %scan3A_565 step %scan3A_566 iter_args(%scan3A_627 = %broadcast_in_dim3A_522, %scan3A_628 = %broadcast_in_dim3A_524, %scan3A_629 = %broadcast_in_dim3A_526, %scan3A_630 = %broadcast_in_dim3A_528, %scan3A_631 = %broadcast_in_dim3A_530, %scan3A_632 = %broadcast_in_dim3A_532, %scan3A_633 = %broadcast_in_dim3A_534, %scan3A_634 = %broadcast_in_dim3A_536, %scan3A_635 = %broadcast_in_dim3A_538, %scan3A_636 = %broadcast_in_dim3A_540, %scan3A_637 = %broadcast_in_dim3A_542, %scan3A_638 = %broadcast_in_dim3A_544, %scan3A_639 = %broadcast_in_dim3A_546, %scan3A_640 = %broadcast_in_dim3A_548, %scan3A_641 = %broadcast_in_dim3A_550, %scan3A_642 = %broadcast_in_dim3A_552, %scan3A_643 = %broadcast_in_dim3A_554, %scan3A_644 = %broadcast_in_dim3A_556, %scan3A_645 = %broadcast_in_dim3A_558, %scan3A_646 = %broadcast_in_dim3A_560, %scan3A_647 = %broadcast_in_dim3A_562) -> (vector<16xf32>, vector<16xf32>, vector<16xf32>, vector<16xf32>, vector<16xf32>, vector<16xf32>, vector<16xf32>, vector<16xf32>, vector<16xf32>, vector<16xf32>, vector<16xf32>, vector<16xf32>, vector<16xf32>, vector<16xf32>, vector<16xf32>, vector<16xf32>, vector<16xf32>, vector<16xf32>, vector<16xf32>, vector<16xf32>, vector<16xf32>)  : i32 {
        %mul3A_648 = arith.constant 16 : i32
        %mul3A_649 = arith.muli %scan3A_626, %mul3A_648 : i32
        %get3A = arith.index_cast %mul3A_649 : i32 to index
        %get3A_650 = tpu.vector_load %arg11[%get3A] {strides = array<i32>} : memref<2048xf32, #tpu.memory_space<vmem>>, vector<16xf32>,
        %broadcast_in_dim3A_651 = vector.broadcast %scan3A_626 : i32 to vector<16xi32>
        %add3A_652 = arith.constant 0 : i32
        %add3A_653 = vector.broadcast %add3A_652 : i32 to vector<16xi32>
        %add3A_654 = arith.addi %mul3A_9, %add3A_653 : vector<16xi32>
        %gather3A = tpu.vector_load_idx %arg9[%add3A_654, %broadcast_in_dim3A_651] : memref<336x128xf32, #tpu.memory_space<vmem>>[vector<16xi32>, vector<16xi32>], vector<16xf32>,
        %mul3A_655 = arith.mulf %gather3A, %get3A_650 : vector<16xf32>
        %add3A_656 = arith.addf %scan3A_627, %mul3A_655 : vector<16xf32>
        %add3A_657 = arith.constant 1 : i32
        %add3A_658 = vector.broadcast %add3A_657 : i32 to vector<16xi32>
        %add3A_659 = arith.addi %mul3A_9, %add3A_658 : vector<16xi32>
        %gather3A_660 = tpu.vector_load_idx %arg9[%add3A_659, %broadcast_in_dim3A_651] : memref<336x128xf32, #tpu.memory_space<vmem>>[vector<16xi32>, vector<16xi32>], vector<16xf32>,
        %mul3A_661 = arith.mulf %gather3A_660, %get3A_650 : vector<16xf32>
        %add3A_662 = arith.addf %scan3A_628, %mul3A_661 : vector<16xf32>
        %add3A_663 = arith.constant 2 : i32
        %add3A_664 = vector.broadcast %add3A_663 : i32 to vector<16xi32>
        %add3A_665 = arith.addi %mul3A_9, %add3A_664 : vector<16xi32>
        %gather3A_666 = tpu.vector_load_idx %arg9[%add3A_665, %broadcast_in_dim3A_651] : memref<336x128xf32, #tpu.memory_space<vmem>>[vector<16xi32>, vector<16xi32>], vector<16xf32>,
        %mul3A_667 = arith.mulf %gather3A_666, %get3A_650 : vector<16xf32>
        %add3A_668 = arith.addf %scan3A_629, %mul3A_667 : vector<16xf32>
        %add3A_669 = arith.constant 3 : i32
        %add3A_670 = vector.broadcast %add3A_669 : i32 to vector<16xi32>
        %add3A_671 = arith.addi %mul3A_9, %add3A_670 : vector<16xi32>
        %gather3A_672 = tpu.vector_load_idx %arg9[%add3A_671, %broadcast_in_dim3A_651] : memref<336x128xf32, #tpu.memory_space<vmem>>[vector<16xi32>, vector<16xi32>], vector<16xf32>,
        %mul3A_673 = arith.mulf %gather3A_672, %get3A_650 : vector<16xf32>
        %add3A_674 = arith.addf %scan3A_630, %mul3A_673 : vector<16xf32>
        %add3A_675 = arith.constant 4 : i32
        %add3A_676 = vector.broadcast %add3A_675 : i32 to vector<16xi32>
        %add3A_677 = arith.addi %mul3A_9, %add3A_676 : vector<16xi32>
        %gather3A_678 = tpu.vector_load_idx %arg9[%add3A_677, %broadcast_in_dim3A_651] : memref<336x128xf32, #tpu.memory_space<vmem>>[vector<16xi32>, vector<16xi32>], vector<16xf32>,
        %mul3A_679 = arith.mulf %gather3A_678, %get3A_650 : vector<16xf32>
        %add3A_680 = arith.addf %scan3A_631, %mul3A_679 : vector<16xf32>
        %add3A_681 = arith.constant 5 : i32
        %add3A_682 = vector.broadcast %add3A_681 : i32 to vector<16xi32>
        %add3A_683 = arith.addi %mul3A_9, %add3A_682 : vector<16xi32>
        %gather3A_684 = tpu.vector_load_idx %arg9[%add3A_683, %broadcast_in_dim3A_651] : memref<336x128xf32, #tpu.memory_space<vmem>>[vector<16xi32>, vector<16xi32>], vector<16xf32>,
        %mul3A_685 = arith.mulf %gather3A_684, %get3A_650 : vector<16xf32>
        %add3A_686 = arith.addf %scan3A_632, %mul3A_685 : vector<16xf32>
        %add3A_687 = arith.constant 6 : i32
        %add3A_688 = vector.broadcast %add3A_687 : i32 to vector<16xi32>
        %add3A_689 = arith.addi %mul3A_9, %add3A_688 : vector<16xi32>
        %gather3A_690 = tpu.vector_load_idx %arg9[%add3A_689, %broadcast_in_dim3A_651] : memref<336x128xf32, #tpu.memory_space<vmem>>[vector<16xi32>, vector<16xi32>], vector<16xf32>,
        %mul3A_691 = arith.mulf %gather3A_690, %get3A_650 : vector<16xf32>
        %add3A_692 = arith.addf %scan3A_633, %mul3A_691 : vector<16xf32>
        %add3A_693 = arith.constant 7 : i32
        %add3A_694 = vector.broadcast %add3A_693 : i32 to vector<16xi32>
        %add3A_695 = arith.addi %mul3A_9, %add3A_694 : vector<16xi32>
        %gather3A_696 = tpu.vector_load_idx %arg9[%add3A_695, %broadcast_in_dim3A_651] : memref<336x128xf32, #tpu.memory_space<vmem>>[vector<16xi32>, vector<16xi32>], vector<16xf32>,
        %mul3A_697 = arith.mulf %gather3A_696, %get3A_650 : vector<16xf32>
        %add3A_698 = arith.addf %scan3A_634, %mul3A_697 : vector<16xf32>
        %add3A_699 = arith.constant 8 : i32
        %add3A_700 = vector.broadcast %add3A_699 : i32 to vector<16xi32>
        %add3A_701 = arith.addi %mul3A_9, %add3A_700 : vector<16xi32>
        %gather3A_702 = tpu.vector_load_idx %arg9[%add3A_701, %broadcast_in_dim3A_651] : memref<336x128xf32, #tpu.memory_space<vmem>>[vector<16xi32>, vector<16xi32>], vector<16xf32>,
        %mul3A_703 = arith.mulf %gather3A_702, %get3A_650 : vector<16xf32>
        %add3A_704 = arith.addf %scan3A_635, %mul3A_703 : vector<16xf32>
        %add3A_705 = arith.constant 9 : i32
        %add3A_706 = vector.broadcast %add3A_705 : i32 to vector<16xi32>
        %add3A_707 = arith.addi %mul3A_9, %add3A_706 : vector<16xi32>
        %gather3A_708 = tpu.vector_load_idx %arg9[%add3A_707, %broadcast_in_dim3A_651] : memref<336x128xf32, #tpu.memory_space<vmem>>[vector<16xi32>, vector<16xi32>], vector<16xf32>,
        %mul3A_709 = arith.mulf %gather3A_708, %get3A_650 : vector<16xf32>
        %add3A_710 = arith.addf %scan3A_636, %mul3A_709 : vector<16xf32>
        %add3A_711 = arith.constant 10 : i32
        %add3A_712 = vector.broadcast %add3A_711 : i32 to vector<16xi32>
        %add3A_713 = arith.addi %mul3A_9, %add3A_712 : vector<16xi32>
        %gather3A_714 = tpu.vector_load_idx %arg9[%add3A_713, %broadcast_in_dim3A_651] : memref<336x128xf32, #tpu.memory_space<vmem>>[vector<16xi32>, vector<16xi32>], vector<16xf32>,
        %mul3A_715 = arith.mulf %gather3A_714, %get3A_650 : vector<16xf32>
        %add3A_716 = arith.addf %scan3A_637, %mul3A_715 : vector<16xf32>
        %add3A_717 = arith.constant 11 : i32
        %add3A_718 = vector.broadcast %add3A_717 : i32 to vector<16xi32>
        %add3A_719 = arith.addi %mul3A_9, %add3A_718 : vector<16xi32>
        %gather3A_720 = tpu.vector_load_idx %arg9[%add3A_719, %broadcast_in_dim3A_651] : memref<336x128xf32, #tpu.memory_space<vmem>>[vector<16xi32>, vector<16xi32>], vector<16xf32>,
        %mul3A_721 = arith.mulf %gather3A_720, %get3A_650 : vector<16xf32>
        %add3A_722 = arith.addf %scan3A_638, %mul3A_721 : vector<16xf32>
        %add3A_723 = arith.constant 12 : i32
        %add3A_724 = vector.broadcast %add3A_723 : i32 to vector<16xi32>
        %add3A_725 = arith.addi %mul3A_9, %add3A_724 : vector<16xi32>
        %gather3A_726 = tpu.vector_load_idx %arg9[%add3A_725, %broadcast_in_dim3A_651] : memref<336x128xf32, #tpu.memory_space<vmem>>[vector<16xi32>, vector<16xi32>], vector<16xf32>,
        %mul3A_727 = arith.mulf %gather3A_726, %get3A_650 : vector<16xf32>
        %add3A_728 = arith.addf %scan3A_639, %mul3A_727 : vector<16xf32>
        %add3A_729 = arith.constant 13 : i32
        %add3A_730 = vector.broadcast %add3A_729 : i32 to vector<16xi32>
        %add3A_731 = arith.addi %mul3A_9, %add3A_730 : vector<16xi32>
        %gather3A_732 = tpu.vector_load_idx %arg9[%add3A_731, %broadcast_in_dim3A_651] : memref<336x128xf32, #tpu.memory_space<vmem>>[vector<16xi32>, vector<16xi32>], vector<16xf32>,
        %mul3A_733 = arith.mulf %gather3A_732, %get3A_650 : vector<16xf32>
        %add3A_734 = arith.addf %scan3A_640, %mul3A_733 : vector<16xf32>
        %add3A_735 = arith.constant 14 : i32
        %add3A_736 = vector.broadcast %add3A_735 : i32 to vector<16xi32>
        %add3A_737 = arith.addi %mul3A_9, %add3A_736 : vector<16xi32>
        %gather3A_738 = tpu.vector_load_idx %arg9[%add3A_737, %broadcast_in_dim3A_651] : memref<336x128xf32, #tpu.memory_space<vmem>>[vector<16xi32>, vector<16xi32>], vector<16xf32>,
        %mul3A_739 = arith.mulf %gather3A_738, %get3A_650 : vector<16xf32>
        %add3A_740 = arith.addf %scan3A_641, %mul3A_739 : vector<16xf32>
        %add3A_741 = arith.constant 15 : i32
        %add3A_742 = vector.broadcast %add3A_741 : i32 to vector<16xi32>
        %add3A_743 = arith.addi %mul3A_9, %add3A_742 : vector<16xi32>
        %gather3A_744 = tpu.vector_load_idx %arg9[%add3A_743, %broadcast_in_dim3A_651] : memref<336x128xf32, #tpu.memory_space<vmem>>[vector<16xi32>, vector<16xi32>], vector<16xf32>,
        %mul3A_745 = arith.mulf %gather3A_744, %get3A_650 : vector<16xf32>
        %add3A_746 = arith.addf %scan3A_642, %mul3A_745 : vector<16xf32>
        %add3A_747 = arith.constant 16 : i32
        %add3A_748 = vector.broadcast %add3A_747 : i32 to vector<16xi32>
        %add3A_749 = arith.addi %mul3A_9, %add3A_748 : vector<16xi32>
        %gather3A_750 = tpu.vector_load_idx %arg9[%add3A_749, %broadcast_in_dim3A_651] : memref<336x128xf32, #tpu.memory_space<vmem>>[vector<16xi32>, vector<16xi32>], vector<16xf32>,
        %mul3A_751 = arith.mulf %gather3A_750, %get3A_650 : vector<16xf32>
        %add3A_752 = arith.addf %scan3A_643, %mul3A_751 : vector<16xf32>
        %add3A_753 = arith.constant 17 : i32
        %add3A_754 = vector.broadcast %add3A_753 : i32 to vector<16xi32>
        %add3A_755 = arith.addi %mul3A_9, %add3A_754 : vector<16xi32>
        %gather3A_756 = tpu.vector_load_idx %arg9[%add3A_755, %broadcast_in_dim3A_651] : memref<336x128xf32, #tpu.memory_space<vmem>>[vector<16xi32>, vector<16xi32>], vector<16xf32>,
        %mul3A_757 = arith.mulf %gather3A_756, %get3A_650 : vector<16xf32>
        %add3A_758 = arith.addf %scan3A_644, %mul3A_757 : vector<16xf32>
        %add3A_759 = arith.constant 18 : i32
        %add3A_760 = vector.broadcast %add3A_759 : i32 to vector<16xi32>
        %add3A_761 = arith.addi %mul3A_9, %add3A_760 : vector<16xi32>
        %gather3A_762 = tpu.vector_load_idx %arg9[%add3A_761, %broadcast_in_dim3A_651] : memref<336x128xf32, #tpu.memory_space<vmem>>[vector<16xi32>, vector<16xi32>], vector<16xf32>,
        %mul3A_763 = arith.mulf %gather3A_762, %get3A_650 : vector<16xf32>
        %add3A_764 = arith.addf %scan3A_645, %mul3A_763 : vector<16xf32>
        %add3A_765 = arith.constant 19 : i32
        %add3A_766 = vector.broadcast %add3A_765 : i32 to vector<16xi32>
        %add3A_767 = arith.addi %mul3A_9, %add3A_766 : vector<16xi32>
        %gather3A_768 = tpu.vector_load_idx %arg9[%add3A_767, %broadcast_in_dim3A_651] : memref<336x128xf32, #tpu.memory_space<vmem>>[vector<16xi32>, vector<16xi32>], vector<16xf32>,
        %mul3A_769 = arith.mulf %gather3A_768, %get3A_650 : vector<16xf32>
        %add3A_770 = arith.addf %scan3A_646, %mul3A_769 : vector<16xf32>
        %add3A_771 = arith.constant 20 : i32
        %add3A_772 = vector.broadcast %add3A_771 : i32 to vector<16xi32>
        %add3A_773 = arith.addi %mul3A_9, %add3A_772 : vector<16xi32>
        %gather3A_774 = tpu.vector_load_idx %arg9[%add3A_773, %broadcast_in_dim3A_651] : memref<336x128xf32, #tpu.memory_space<vmem>>[vector<16xi32>, vector<16xi32>], vector<16xf32>,
        %mul3A_775 = arith.mulf %gather3A_774, %get3A_650 : vector<16xf32>
        %add3A_776 = arith.addf %scan3A_647, %mul3A_775 : vector<16xf32>
        scf.yield %add3A_656, %add3A_662, %add3A_668, %add3A_674, %add3A_680, %add3A_686, %add3A_692, %add3A_698, %add3A_704, %add3A_710, %add3A_716, %add3A_722, %add3A_728, %add3A_734, %add3A_740, %add3A_746, %add3A_752, %add3A_758, %add3A_764, %add3A_770, %add3A_776 : vector<16xf32>, vector<16xf32>, vector<16xf32>, vector<16xf32>, vector<16xf32>, vector<16xf32>, vector<16xf32>, vector<16xf32>, vector<16xf32>, vector<16xf32>, vector<16xf32>, vector<16xf32>, vector<16xf32>, vector<16xf32>, vector<16xf32>, vector<16xf32>, vector<16xf32>, vector<16xf32>, vector<16xf32>, vector<16xf32>, vector<16xf32>
      }
      %scan3A_568 = arith.constant 128 : i32
      %add3A_569 = arith.constant 2 : i32
      %add3A_570 = arith.addi %add3A_411, %add3A_569 : i32
      %lt3A_571 = arith.constant 32 : i32
      %lt3A_572 = arith.cmpi slt, %add3A_570, %lt3A_571 : i32
      %convert_element_type3A_573 = arith.extui %lt3A_572 : i1 to i32
      %cond3A_574 = arith.constant 0 : i32
      %cond3A_575 = arith.cmpi ne, %convert_element_type3A_573, %cond3A_574 : i32
      scf.if %cond3A_575 {
        %add3A_626 = arith.constant 2 : i32
        %add3A_627 = arith.addi %add3A_411, %add3A_626 : i32
        %mul3A_628 = arith.constant 336 : i32
        %mul3A_629 = arith.muli %add3A_627, %mul3A_628 : i32
        %add3A_630 = arith.constant 0 : i32
        %add3A_631 = arith.addi %mul3A_629, %add3A_630 : i32
        %dma_start3A_632 = arith.constant 0 : i32
        %dma_start3A_633 = arith.constant 0 : i32
        %dma_start3A_634 = tpu.memref_slice %arg9[%dma_start3A_632, %dma_start3A_633] : memref<336x128xf32, #tpu.memory_space<vmem>> -> memref<16x128xf32, #tpu.memory_space<vmem>>
        %dma_start3A_635 = tpu.memref_slice %arg7[%add3A_631] : memref<10752xi32, #tpu.memory_space<vmem>> -> memref<16xi32, #tpu.memory_space<vmem>>
        %dma_start3A_636 = arith.constant 0 : i32
        %dma_start3A_637 = arith.constant 0 : i32
        %dma_start3A_638 = tpu.memref_slice %arg2[%dma_start3A_636, %dma_start3A_637] : memref<100000x128xf32, #tpu.memory_space<hbm>> -> memref<100000x128xf32, #tpu.memory_space<hbm>>
        tpu.enqueue_indirect_dma source(%dma_start3A_638 : memref<100000x128xf32, #tpu.memory_space<hbm>>) target(%dma_start3A_634 : memref<16x128xf32, #tpu.memory_space<vmem>>) offsets(%dma_start3A_635 : memref<16xi32, #tpu.memory_space<vmem>>) semaphore(%arg15 : memref<!tpu.dma_semaphore, #tpu.memory_space<semaphore_mem>>)
        %add3A_639 = arith.constant 16 : i32
        %add3A_640 = arith.addi %mul3A_629, %add3A_639 : i32
        %dma_start3A_641 = arith.constant 16 : i32
        %dma_start3A_642 = arith.constant 0 : i32
        %dma_start3A_643 = tpu.memref_slice %arg9[%dma_start3A_641, %dma_start3A_642] : memref<336x128xf32, #tpu.memory_space<vmem>> -> memref<16x128xf32, #tpu.memory_space<vmem>>
        %dma_start3A_644 = tpu.memref_slice %arg7[%add3A_640] : memref<10752xi32, #tpu.memory_space<vmem>> -> memref<16xi32, #tpu.memory_space<vmem>>
        %dma_start3A_645 = arith.constant 0 : i32
        %dma_start3A_646 = arith.constant 0 : i32
        %dma_start3A_647 = tpu.memref_slice %arg2[%dma_start3A_645, %dma_start3A_646] : memref<100000x128xf32, #tpu.memory_space<hbm>> -> memref<100000x128xf32, #tpu.memory_space<hbm>>
        tpu.enqueue_indirect_dma source(%dma_start3A_647 : memref<100000x128xf32, #tpu.memory_space<hbm>>) target(%dma_start3A_643 : memref<16x128xf32, #tpu.memory_space<vmem>>) offsets(%dma_start3A_644 : memref<16xi32, #tpu.memory_space<vmem>>) semaphore(%arg15 : memref<!tpu.dma_semaphore, #tpu.memory_space<semaphore_mem>>)
        %add3A_648 = arith.constant 32 : i32
        %add3A_649 = arith.addi %mul3A_629, %add3A_648 : i32
        %dma_start3A_650 = arith.constant 32 : i32
        %dma_start3A_651 = arith.constant 0 : i32
        %dma_start3A_652 = tpu.memref_slice %arg9[%dma_start3A_650, %dma_start3A_651] : memref<336x128xf32, #tpu.memory_space<vmem>> -> memref<16x128xf32, #tpu.memory_space<vmem>>
        %dma_start3A_653 = tpu.memref_slice %arg7[%add3A_649] : memref<10752xi32, #tpu.memory_space<vmem>> -> memref<16xi32, #tpu.memory_space<vmem>>
        %dma_start3A_654 = arith.constant 0 : i32
        %dma_start3A_655 = arith.constant 0 : i32
        %dma_start3A_656 = tpu.memref_slice %arg2[%dma_start3A_654, %dma_start3A_655] : memref<100000x128xf32, #tpu.memory_space<hbm>> -> memref<100000x128xf32, #tpu.memory_space<hbm>>
        tpu.enqueue_indirect_dma source(%dma_start3A_656 : memref<100000x128xf32, #tpu.memory_space<hbm>>) target(%dma_start3A_652 : memref<16x128xf32, #tpu.memory_space<vmem>>) offsets(%dma_start3A_653 : memref<16xi32, #tpu.memory_space<vmem>>) semaphore(%arg15 : memref<!tpu.dma_semaphore, #tpu.memory_space<semaphore_mem>>)
        %add3A_657 = arith.constant 48 : i32
        %add3A_658 = arith.addi %mul3A_629, %add3A_657 : i32
        %dma_start3A_659 = arith.constant 48 : i32
        %dma_start3A_660 = arith.constant 0 : i32
        %dma_start3A_661 = tpu.memref_slice %arg9[%dma_start3A_659, %dma_start3A_660] : memref<336x128xf32, #tpu.memory_space<vmem>> -> memref<16x128xf32, #tpu.memory_space<vmem>>
        %dma_start3A_662 = tpu.memref_slice %arg7[%add3A_658] : memref<10752xi32, #tpu.memory_space<vmem>> -> memref<16xi32, #tpu.memory_space<vmem>>
        %dma_start3A_663 = arith.constant 0 : i32
        %dma_start3A_664 = arith.constant 0 : i32
        %dma_start3A_665 = tpu.memref_slice %arg2[%dma_start3A_663, %dma_start3A_664] : memref<100000x128xf32, #tpu.memory_space<hbm>> -> memref<100000x128xf32, #tpu.memory_space<hbm>>
        tpu.enqueue_indirect_dma source(%dma_start3A_665 : memref<100000x128xf32, #tpu.memory_space<hbm>>) target(%dma_start3A_661 : memref<16x128xf32, #tpu.memory_space<vmem>>) offsets(%dma_start3A_662 : memref<16xi32, #tpu.memory_space<vmem>>) semaphore(%arg15 : memref<!tpu.dma_semaphore, #tpu.memory_space<semaphore_mem>>)
        %add3A_666 = arith.constant 64 : i32
        %add3A_667 = arith.addi %mul3A_629, %add3A_666 : i32
        %dma_start3A_668 = arith.constant 64 : i32
        %dma_start3A_669 = arith.constant 0 : i32
        %dma_start3A_670 = tpu.memref_slice %arg9[%dma_start3A_668, %dma_start3A_669] : memref<336x128xf32, #tpu.memory_space<vmem>> -> memref<16x128xf32, #tpu.memory_space<vmem>>
        %dma_start3A_671 = tpu.memref_slice %arg7[%add3A_667] : memref<10752xi32, #tpu.memory_space<vmem>> -> memref<16xi32, #tpu.memory_space<vmem>>
        %dma_start3A_672 = arith.constant 0 : i32
        %dma_start3A_673 = arith.constant 0 : i32
        %dma_start3A_674 = tpu.memref_slice %arg2[%dma_start3A_672, %dma_start3A_673] : memref<100000x128xf32, #tpu.memory_space<hbm>> -> memref<100000x128xf32, #tpu.memory_space<hbm>>
        tpu.enqueue_indirect_dma source(%dma_start3A_674 : memref<100000x128xf32, #tpu.memory_space<hbm>>) target(%dma_start3A_670 : memref<16x128xf32, #tpu.memory_space<vmem>>) offsets(%dma_start3A_671 : memref<16xi32, #tpu.memory_space<vmem>>) semaphore(%arg15 : memref<!tpu.dma_semaphore, #tpu.memory_space<semaphore_mem>>)
        %add3A_675 = arith.constant 80 : i32
        %add3A_676 = arith.addi %mul3A_629, %add3A_675 : i32
        %dma_start3A_677 = arith.constant 80 : i32
        %dma_start3A_678 = arith.constant 0 : i32
        %dma_start3A_679 = tpu.memref_slice %arg9[%dma_start3A_677, %dma_start3A_678] : memref<336x128xf32, #tpu.memory_space<vmem>> -> memref<16x128xf32, #tpu.memory_space<vmem>>
        %dma_start3A_680 = tpu.memref_slice %arg7[%add3A_676] : memref<10752xi32, #tpu.memory_space<vmem>> -> memref<16xi32, #tpu.memory_space<vmem>>
        %dma_start3A_681 = arith.constant 0 : i32
        %dma_start3A_682 = arith.constant 0 : i32
        %dma_start3A_683 = tpu.memref_slice %arg2[%dma_start3A_681, %dma_start3A_682] : memref<100000x128xf32, #tpu.memory_space<hbm>> -> memref<100000x128xf32, #tpu.memory_space<hbm>>
        tpu.enqueue_indirect_dma source(%dma_start3A_683 : memref<100000x128xf32, #tpu.memory_space<hbm>>) target(%dma_start3A_679 : memref<16x128xf32, #tpu.memory_space<vmem>>) offsets(%dma_start3A_680 : memref<16xi32, #tpu.memory_space<vmem>>) semaphore(%arg15 : memref<!tpu.dma_semaphore, #tpu.memory_space<semaphore_mem>>)
        %add3A_684 = arith.constant 96 : i32
        %add3A_685 = arith.addi %mul3A_629, %add3A_684 : i32
        %dma_start3A_686 = arith.constant 96 : i32
        %dma_start3A_687 = arith.constant 0 : i32
        %dma_start3A_688 = tpu.memref_slice %arg9[%dma_start3A_686, %dma_start3A_687] : memref<336x128xf32, #tpu.memory_space<vmem>> -> memref<16x128xf32, #tpu.memory_space<vmem>>
        %dma_start3A_689 = tpu.memref_slice %arg7[%add3A_685] : memref<10752xi32, #tpu.memory_space<vmem>> -> memref<16xi32, #tpu.memory_space<vmem>>
        %dma_start3A_690 = arith.constant 0 : i32
        %dma_start3A_691 = arith.constant 0 : i32
        %dma_start3A_692 = tpu.memref_slice %arg2[%dma_start3A_690, %dma_start3A_691] : memref<100000x128xf32, #tpu.memory_space<hbm>> -> memref<100000x128xf32, #tpu.memory_space<hbm>>
        tpu.enqueue_indirect_dma source(%dma_start3A_692 : memref<100000x128xf32, #tpu.memory_space<hbm>>) target(%dma_start3A_688 : memref<16x128xf32, #tpu.memory_space<vmem>>) offsets(%dma_start3A_689 : memref<16xi32, #tpu.memory_space<vmem>>) semaphore(%arg15 : memref<!tpu.dma_semaphore, #tpu.memory_space<semaphore_mem>>)
        %add3A_693 = arith.constant 112 : i32
        %add3A_694 = arith.addi %mul3A_629, %add3A_693 : i32
        %dma_start3A_695 = arith.constant 112 : i32
        %dma_start3A_696 = arith.constant 0 : i32
        %dma_start3A_697 = tpu.memref_slice %arg9[%dma_start3A_695, %dma_start3A_696] : memref<336x128xf32, #tpu.memory_space<vmem>> -> memref<16x128xf32, #tpu.memory_space<vmem>>
        %dma_start3A_698 = tpu.memref_slice %arg7[%add3A_694] : memref<10752xi32, #tpu.memory_space<vmem>> -> memref<16xi32, #tpu.memory_space<vmem>>
        %dma_start3A_699 = arith.constant 0 : i32
        %dma_start3A_700 = arith.constant 0 : i32
        %dma_start3A_701 = tpu.memref_slice %arg2[%dma_start3A_699, %dma_start3A_700] : memref<100000x128xf32, #tpu.memory_space<hbm>> -> memref<100000x128xf32, #tpu.memory_space<hbm>>
        tpu.enqueue_indirect_dma source(%dma_start3A_701 : memref<100000x128xf32, #tpu.memory_space<hbm>>) target(%dma_start3A_697 : memref<16x128xf32, #tpu.memory_space<vmem>>) offsets(%dma_start3A_698 : memref<16xi32, #tpu.memory_space<vmem>>) semaphore(%arg15 : memref<!tpu.dma_semaphore, #tpu.memory_space<semaphore_mem>>)
        %add3A_702 = arith.constant 128 : i32
        %add3A_703 = arith.addi %mul3A_629, %add3A_702 : i32
        %dma_start3A_704 = arith.constant 128 : i32
        %dma_start3A_705 = arith.constant 0 : i32
        %dma_start3A_706 = tpu.memref_slice %arg9[%dma_start3A_704, %dma_start3A_705] : memref<336x128xf32, #tpu.memory_space<vmem>> -> memref<16x128xf32, #tpu.memory_space<vmem>>
        %dma_start3A_707 = tpu.memref_slice %arg7[%add3A_703] : memref<10752xi32, #tpu.memory_space<vmem>> -> memref<16xi32, #tpu.memory_space<vmem>>
        %dma_start3A_708 = arith.constant 0 : i32
        %dma_start3A_709 = arith.constant 0 : i32
        %dma_start3A_710 = tpu.memref_slice %arg2[%dma_start3A_708, %dma_start3A_709] : memref<100000x128xf32, #tpu.memory_space<hbm>> -> memref<100000x128xf32, #tpu.memory_space<hbm>>
        tpu.enqueue_indirect_dma source(%dma_start3A_710 : memref<100000x128xf32, #tpu.memory_space<hbm>>) target(%dma_start3A_706 : memref<16x128xf32, #tpu.memory_space<vmem>>) offsets(%dma_start3A_707 : memref<16xi32, #tpu.memory_space<vmem>>) semaphore(%arg15 : memref<!tpu.dma_semaphore, #tpu.memory_space<semaphore_mem>>)
        %add3A_711 = arith.constant 144 : i32
        %add3A_712 = arith.addi %mul3A_629, %add3A_711 : i32
        %dma_start3A_713 = arith.constant 144 : i32
        %dma_start3A_714 = arith.constant 0 : i32
        %dma_start3A_715 = tpu.memref_slice %arg9[%dma_start3A_713, %dma_start3A_714] : memref<336x128xf32, #tpu.memory_space<vmem>> -> memref<16x128xf32, #tpu.memory_space<vmem>>
        %dma_start3A_716 = tpu.memref_slice %arg7[%add3A_712] : memref<10752xi32, #tpu.memory_space<vmem>> -> memref<16xi32, #tpu.memory_space<vmem>>
        %dma_start3A_717 = arith.constant 0 : i32
        %dma_start3A_718 = arith.constant 0 : i32
        %dma_start3A_719 = tpu.memref_slice %arg2[%dma_start3A_717, %dma_start3A_718] : memref<100000x128xf32, #tpu.memory_space<hbm>> -> memref<100000x128xf32, #tpu.memory_space<hbm>>
        tpu.enqueue_indirect_dma source(%dma_start3A_719 : memref<100000x128xf32, #tpu.memory_space<hbm>>) target(%dma_start3A_715 : memref<16x128xf32, #tpu.memory_space<vmem>>) offsets(%dma_start3A_716 : memref<16xi32, #tpu.memory_space<vmem>>) semaphore(%arg15 : memref<!tpu.dma_semaphore, #tpu.memory_space<semaphore_mem>>)
        %scan3A_720 = arith.constant 0 : i32
        %scan3A_721 = arith.constant 11 : i32
        %scan3A_722 = arith.addi %scan3A_720, %scan3A_721 : i32
        %scan3A_723 = arith.constant 1 : i32
        scf.for %scan3A_730 = %scan3A_720 to %scan3A_722 step %scan3A_723  : i32 {
          %mul3A_731 = arith.constant 1 : i32
          %mul3A_732 = arith.muli %scan3A_730, %mul3A_731 : i32
          %add3A_733 = arith.constant 0 : i32
          %add3A_734 = arith.addi %add3A_733, %mul3A_732 : i32
          %add3A_735 = arith.constant 160 : i32
          %add3A_736 = arith.addi %mul3A_629, %add3A_735 : i32
          %mul3A_737 = arith.constant 16 : i32
          %mul3A_738 = arith.muli %add3A_734, %mul3A_737 : i32
          %add3A_739 = arith.addi %add3A_736, %mul3A_738 : i32
          %get3A = arith.index_cast %add3A_739 : i32 to index
          %get3A_740 = tpu.vector_load %arg7[%get3A] {strides = array<i32>} : memref<10752xi32, #tpu.memory_space<vmem>>, vector<16xi32>,
          %slice3A = vector.extract_strided_slice %get3A_740 {offsets = [0], sizes = [1], strides = [1]} : vector<16xi32> to vector<1xi32>
          %squeeze3A = vector.extract %slice3A[0] : i32 from vector<1xi32>
          %mul3A_741 = arith.constant 16 : i32
          %mul3A_742 = arith.muli %add3A_734, %mul3A_741 : i32
          %add3A_743 = arith.constant 160 : i32
          %add3A_744 = arith.addi %add3A_743, %mul3A_742 : i32
          %add3A_745 = arith.constant 0 : i32
          %add3A_746 = arith.addi %add3A_744, %add3A_745 : i32
          %dma_start3A_747 = arith.constant 0 : i32
          %dma_start3A_748 = tpu.memref_slice %arg9[%add3A_746, %dma_start3A_747] : memref<336x128xf32, #tpu.memory_space<vmem>> -> memref<1x128xf32, #tpu.memory_space<vmem>>
          %dma_start3A_749 = tpu.memref_squeeze %dma_start3A_748 : memref<1x128xf32, #tpu.memory_space<vmem>> -> memref<128xf32, #tpu.memory_space<vmem>>
          %dma_start3A_750 = arith.constant 0 : i32
          %dma_start3A_751 = tpu.memref_slice %arg2[%squeeze3A, %dma_start3A_750] : memref<100000x128xf32, #tpu.memory_space<hbm>> -> memref<1x128xf32, #tpu.memory_space<hbm>>
          %dma_start3A_752 = tpu.memref_squeeze %dma_start3A_751 : memref<1x128xf32, #tpu.memory_space<hbm>> -> memref<128xf32, #tpu.memory_space<hbm>>
          %dma_start3A_753 = arith.constant 0 : i32
          %dma_start3A_754 = tpu.memref_slice %arg9[%add3A_746, %dma_start3A_753] : memref<336x128xf32, #tpu.memory_space<vmem>> -> memref<1x128xf32, #tpu.memory_space<vmem>>
          %dma_start3A_755 = tpu.memref_squeeze %dma_start3A_754 : memref<1x128xf32, #tpu.memory_space<vmem>> -> memref<128xf32, #tpu.memory_space<vmem>>
          %dma_start3A_756 = arith.constant 0 : i32
          %dma_start3A_757 = tpu.memref_slice %arg2[%squeeze3A, %dma_start3A_756] : memref<100000x128xf32, #tpu.memory_space<hbm>> -> memref<1x128xf32, #tpu.memory_space<hbm>>
          %dma_start3A_758 = tpu.memref_squeeze %dma_start3A_757 : memref<1x128xf32, #tpu.memory_space<hbm>> -> memref<128xf32, #tpu.memory_space<hbm>>
          tpu.enqueue_dma source(%dma_start3A_758 : memref<128xf32, #tpu.memory_space<hbm>>) target(%dma_start3A_755 : memref<128xf32, #tpu.memory_space<vmem>>) target_semaphore(%arg19 : memref<!tpu.dma_semaphore, #tpu.memory_space<semaphore_mem>>)
          %slice3A_759 = vector.extract_strided_slice %get3A_740 {offsets = [1], sizes = [1], strides = [1]} : vector<16xi32> to vector<1xi32>
          %squeeze3A_760 = vector.extract %slice3A_759[0] : i32 from vector<1xi32>
          %mul3A_761 = arith.constant 16 : i32
          %mul3A_762 = arith.muli %add3A_734, %mul3A_761 : i32
          %add3A_763 = arith.constant 160 : i32
          %add3A_764 = arith.addi %add3A_763, %mul3A_762 : i32
          %add3A_765 = arith.constant 1 : i32
          %add3A_766 = arith.addi %add3A_764, %add3A_765 : i32
          %dma_start3A_767 = arith.constant 0 : i32
          %dma_start3A_768 = tpu.memref_slice %arg9[%add3A_766, %dma_start3A_767] : memref<336x128xf32, #tpu.memory_space<vmem>> -> memref<1x128xf32, #tpu.memory_space<vmem>>
          %dma_start3A_769 = tpu.memref_squeeze %dma_start3A_768 : memref<1x128xf32, #tpu.memory_space<vmem>> -> memref<128xf32, #tpu.memory_space<vmem>>
          %dma_start3A_770 = arith.constant 0 : i32
          %dma_start3A_771 = tpu.memref_slice %arg2[%squeeze3A_760, %dma_start3A_770] : memref<100000x128xf32, #tpu.memory_space<hbm>> -> memref<1x128xf32, #tpu.memory_space<hbm>>
          %dma_start3A_772 = tpu.memref_squeeze %dma_start3A_771 : memref<1x128xf32, #tpu.memory_space<hbm>> -> memref<128xf32, #tpu.memory_space<hbm>>
          %dma_start3A_773 = arith.constant 0 : i32
          %dma_start3A_774 = tpu.memref_slice %arg9[%add3A_766, %dma_start3A_773] : memref<336x128xf32, #tpu.memory_space<vmem>> -> memref<1x128xf32, #tpu.memory_space<vmem>>
          %dma_start3A_775 = tpu.memref_squeeze %dma_start3A_774 : memref<1x128xf32, #tpu.memory_space<vmem>> -> memref<128xf32, #tpu.memory_space<vmem>>
          %dma_start3A_776 = arith.constant 0 : i32
          %dma_start3A_777 = tpu.memref_slice %arg2[%squeeze3A_760, %dma_start3A_776] : memref<100000x128xf32, #tpu.memory_space<hbm>> -> memref<1x128xf32, #tpu.memory_space<hbm>>
          %dma_start3A_778 = tpu.memref_squeeze %dma_start3A_777 : memref<1x128xf32, #tpu.memory_space<hbm>> -> memref<128xf32, #tpu.memory_space<hbm>>
          tpu.enqueue_dma source(%dma_start3A_778 : memref<128xf32, #tpu.memory_space<hbm>>) target(%dma_start3A_775 : memref<128xf32, #tpu.memory_space<vmem>>) target_semaphore(%arg19 : memref<!tpu.dma_semaphore, #tpu.memory_space<semaphore_mem>>)
          %slice3A_779 = vector.extract_strided_slice %get3A_740 {offsets = [2], sizes = [1], strides = [1]} : vector<16xi32> to vector<1xi32>
          %squeeze3A_780 = vector.extract %slice3A_779[0] : i32 from vector<1xi32>
          %mul3A_781 = arith.constant 16 : i32
          %mul3A_782 = arith.muli %add3A_734, %mul3A_781 : i32
          %add3A_783 = arith.constant 160 : i32
          %add3A_784 = arith.addi %add3A_783, %mul3A_782 : i32
          %add3A_785 = arith.constant 2 : i32
          %add3A_786 = arith.addi %add3A_784, %add3A_785 : i32
          %dma_start3A_787 = arith.constant 0 : i32
          %dma_start3A_788 = tpu.memref_slice %arg9[%add3A_786, %dma_start3A_787] : memref<336x128xf32, #tpu.memory_space<vmem>> -> memref<1x128xf32, #tpu.memory_space<vmem>>
          %dma_start3A_789 = tpu.memref_squeeze %dma_start3A_788 : memref<1x128xf32, #tpu.memory_space<vmem>> -> memref<128xf32, #tpu.memory_space<vmem>>
          %dma_start3A_790 = arith.constant 0 : i32
          %dma_start3A_791 = tpu.memref_slice %arg2[%squeeze3A_780, %dma_start3A_790] : memref<100000x128xf32, #tpu.memory_space<hbm>> -> memref<1x128xf32, #tpu.memory_space<hbm>>
          %dma_start3A_792 = tpu.memref_squeeze %dma_start3A_791 : memref<1x128xf32, #tpu.memory_space<hbm>> -> memref<128xf32, #tpu.memory_space<hbm>>
          %dma_start3A_793 = arith.constant 0 : i32
          %dma_start3A_794 = tpu.memref_slice %arg9[%add3A_786, %dma_start3A_793] : memref<336x128xf32, #tpu.memory_space<vmem>> -> memref<1x128xf32, #tpu.memory_space<vmem>>
          %dma_start3A_795 = tpu.memref_squeeze %dma_start3A_794 : memref<1x128xf32, #tpu.memory_space<vmem>> -> memref<128xf32, #tpu.memory_space<vmem>>
          %dma_start3A_796 = arith.constant 0 : i32
          %dma_start3A_797 = tpu.memref_slice %arg2[%squeeze3A_780, %dma_start3A_796] : memref<100000x128xf32, #tpu.memory_space<hbm>> -> memref<1x128xf32, #tpu.memory_space<hbm>>
          %dma_start3A_798 = tpu.memref_squeeze %dma_start3A_797 : memref<1x128xf32, #tpu.memory_space<hbm>> -> memref<128xf32, #tpu.memory_space<hbm>>
          tpu.enqueue_dma source(%dma_start3A_798 : memref<128xf32, #tpu.memory_space<hbm>>) target(%dma_start3A_795 : memref<128xf32, #tpu.memory_space<vmem>>) target_semaphore(%arg19 : memref<!tpu.dma_semaphore, #tpu.memory_space<semaphore_mem>>)
          %slice3A_799 = vector.extract_strided_slice %get3A_740 {offsets = [3], sizes = [1], strides = [1]} : vector<16xi32> to vector<1xi32>
          %squeeze3A_800 = vector.extract %slice3A_799[0] : i32 from vector<1xi32>
          %mul3A_801 = arith.constant 16 : i32
          %mul3A_802 = arith.muli %add3A_734, %mul3A_801 : i32
          %add3A_803 = arith.constant 160 : i32
          %add3A_804 = arith.addi %add3A_803, %mul3A_802 : i32
          %add3A_805 = arith.constant 3 : i32
          %add3A_806 = arith.addi %add3A_804, %add3A_805 : i32
          %dma_start3A_807 = arith.constant 0 : i32
          %dma_start3A_808 = tpu.memref_slice %arg9[%add3A_806, %dma_start3A_807] : memref<336x128xf32, #tpu.memory_space<vmem>> -> memref<1x128xf32, #tpu.memory_space<vmem>>
          %dma_start3A_809 = tpu.memref_squeeze %dma_start3A_808 : memref<1x128xf32, #tpu.memory_space<vmem>> -> memref<128xf32, #tpu.memory_space<vmem>>
          %dma_start3A_810 = arith.constant 0 : i32
          %dma_start3A_811 = tpu.memref_slice %arg2[%squeeze3A_800, %dma_start3A_810] : memref<100000x128xf32, #tpu.memory_space<hbm>> -> memref<1x128xf32, #tpu.memory_space<hbm>>
          %dma_start3A_812 = tpu.memref_squeeze %dma_start3A_811 : memref<1x128xf32, #tpu.memory_space<hbm>> -> memref<128xf32, #tpu.memory_space<hbm>>
          %dma_start3A_813 = arith.constant 0 : i32
          %dma_start3A_814 = tpu.memref_slice %arg9[%add3A_806, %dma_start3A_813] : memref<336x128xf32, #tpu.memory_space<vmem>> -> memref<1x128xf32, #tpu.memory_space<vmem>>
          %dma_start3A_815 = tpu.memref_squeeze %dma_start3A_814 : memref<1x128xf32, #tpu.memory_space<vmem>> -> memref<128xf32, #tpu.memory_space<vmem>>
          %dma_start3A_816 = arith.constant 0 : i32
          %dma_start3A_817 = tpu.memref_slice %arg2[%squeeze3A_800, %dma_start3A_816] : memref<100000x128xf32, #tpu.memory_space<hbm>> -> memref<1x128xf32, #tpu.memory_space<hbm>>
          %dma_start3A_818 = tpu.memref_squeeze %dma_start3A_817 : memref<1x128xf32, #tpu.memory_space<hbm>> -> memref<128xf32, #tpu.memory_space<hbm>>
          tpu.enqueue_dma source(%dma_start3A_818 : memref<128xf32, #tpu.memory_space<hbm>>) target(%dma_start3A_815 : memref<128xf32, #tpu.memory_space<vmem>>) target_semaphore(%arg19 : memref<!tpu.dma_semaphore, #tpu.memory_space<semaphore_mem>>)
          %slice3A_819 = vector.extract_strided_slice %get3A_740 {offsets = [4], sizes = [1], strides = [1]} : vector<16xi32> to vector<1xi32>
          %squeeze3A_820 = vector.extract %slice3A_819[0] : i32 from vector<1xi32>
          %mul3A_821 = arith.constant 16 : i32
          %mul3A_822 = arith.muli %add3A_734, %mul3A_821 : i32
          %add3A_823 = arith.constant 160 : i32
          %add3A_824 = arith.addi %add3A_823, %mul3A_822 : i32
          %add3A_825 = arith.constant 4 : i32
          %add3A_826 = arith.addi %add3A_824, %add3A_825 : i32
          %dma_start3A_827 = arith.constant 0 : i32
          %dma_start3A_828 = tpu.memref_slice %arg9[%add3A_826, %dma_start3A_827] : memref<336x128xf32, #tpu.memory_space<vmem>> -> memref<1x128xf32, #tpu.memory_space<vmem>>
          %dma_start3A_829 = tpu.memref_squeeze %dma_start3A_828 : memref<1x128xf32, #tpu.memory_space<vmem>> -> memref<128xf32, #tpu.memory_space<vmem>>
          %dma_start3A_830 = arith.constant 0 : i32
          %dma_start3A_831 = tpu.memref_slice %arg2[%squeeze3A_820, %dma_start3A_830] : memref<100000x128xf32, #tpu.memory_space<hbm>> -> memref<1x128xf32, #tpu.memory_space<hbm>>
          %dma_start3A_832 = tpu.memref_squeeze %dma_start3A_831 : memref<1x128xf32, #tpu.memory_space<hbm>> -> memref<128xf32, #tpu.memory_space<hbm>>
          %dma_start3A_833 = arith.constant 0 : i32
          %dma_start3A_834 = tpu.memref_slice %arg9[%add3A_826, %dma_start3A_833] : memref<336x128xf32, #tpu.memory_space<vmem>> -> memref<1x128xf32, #tpu.memory_space<vmem>>
          %dma_start3A_835 = tpu.memref_squeeze %dma_start3A_834 : memref<1x128xf32, #tpu.memory_space<vmem>> -> memref<128xf32, #tpu.memory_space<vmem>>
          %dma_start3A_836 = arith.constant 0 : i32
          %dma_start3A_837 = tpu.memref_slice %arg2[%squeeze3A_820, %dma_start3A_836] : memref<100000x128xf32, #tpu.memory_space<hbm>> -> memref<1x128xf32, #tpu.memory_space<hbm>>
          %dma_start3A_838 = tpu.memref_squeeze %dma_start3A_837 : memref<1x128xf32, #tpu.memory_space<hbm>> -> memref<128xf32, #tpu.memory_space<hbm>>
          tpu.enqueue_dma source(%dma_start3A_838 : memref<128xf32, #tpu.memory_space<hbm>>) target(%dma_start3A_835 : memref<128xf32, #tpu.memory_space<vmem>>) target_semaphore(%arg19 : memref<!tpu.dma_semaphore, #tpu.memory_space<semaphore_mem>>)
          %slice3A_839 = vector.extract_strided_slice %get3A_740 {offsets = [5], sizes = [1], strides = [1]} : vector<16xi32> to vector<1xi32>
          %squeeze3A_840 = vector.extract %slice3A_839[0] : i32 from vector<1xi32>
          %mul3A_841 = arith.constant 16 : i32
          %mul3A_842 = arith.muli %add3A_734, %mul3A_841 : i32
          %add3A_843 = arith.constant 160 : i32
          %add3A_844 = arith.addi %add3A_843, %mul3A_842 : i32
          %add3A_845 = arith.constant 5 : i32
          %add3A_846 = arith.addi %add3A_844, %add3A_845 : i32
          %dma_start3A_847 = arith.constant 0 : i32
          %dma_start3A_848 = tpu.memref_slice %arg9[%add3A_846, %dma_start3A_847] : memref<336x128xf32, #tpu.memory_space<vmem>> -> memref<1x128xf32, #tpu.memory_space<vmem>>
          %dma_start3A_849 = tpu.memref_squeeze %dma_start3A_848 : memref<1x128xf32, #tpu.memory_space<vmem>> -> memref<128xf32, #tpu.memory_space<vmem>>
          %dma_start3A_850 = arith.constant 0 : i32
          %dma_start3A_851 = tpu.memref_slice %arg2[%squeeze3A_840, %dma_start3A_850] : memref<100000x128xf32, #tpu.memory_space<hbm>> -> memref<1x128xf32, #tpu.memory_space<hbm>>
          %dma_start3A_852 = tpu.memref_squeeze %dma_start3A_851 : memref<1x128xf32, #tpu.memory_space<hbm>> -> memref<128xf32, #tpu.memory_space<hbm>>
          %dma_start3A_853 = arith.constant 0 : i32
          %dma_start3A_854 = tpu.memref_slice %arg9[%add3A_846, %dma_start3A_853] : memref<336x128xf32, #tpu.memory_space<vmem>> -> memref<1x128xf32, #tpu.memory_space<vmem>>
          %dma_start3A_855 = tpu.memref_squeeze %dma_start3A_854 : memref<1x128xf32, #tpu.memory_space<vmem>> -> memref<128xf32, #tpu.memory_space<vmem>>
          %dma_start3A_856 = arith.constant 0 : i32
          %dma_start3A_857 = tpu.memref_slice %arg2[%squeeze3A_840, %dma_start3A_856] : memref<100000x128xf32, #tpu.memory_space<hbm>> -> memref<1x128xf32, #tpu.memory_space<hbm>>
          %dma_start3A_858 = tpu.memref_squeeze %dma_start3A_857 : memref<1x128xf32, #tpu.memory_space<hbm>> -> memref<128xf32, #tpu.memory_space<hbm>>
          tpu.enqueue_dma source(%dma_start3A_858 : memref<128xf32, #tpu.memory_space<hbm>>) target(%dma_start3A_855 : memref<128xf32, #tpu.memory_space<vmem>>) target_semaphore(%arg19 : memref<!tpu.dma_semaphore, #tpu.memory_space<semaphore_mem>>)
          %slice3A_859 = vector.extract_strided_slice %get3A_740 {offsets = [6], sizes = [1], strides = [1]} : vector<16xi32> to vector<1xi32>
          %squeeze3A_860 = vector.extract %slice3A_859[0] : i32 from vector<1xi32>
          %mul3A_861 = arith.constant 16 : i32
          %mul3A_862 = arith.muli %add3A_734, %mul3A_861 : i32
          %add3A_863 = arith.constant 160 : i32
          %add3A_864 = arith.addi %add3A_863, %mul3A_862 : i32
          %add3A_865 = arith.constant 6 : i32
          %add3A_866 = arith.addi %add3A_864, %add3A_865 : i32
          %dma_start3A_867 = arith.constant 0 : i32
          %dma_start3A_868 = tpu.memref_slice %arg9[%add3A_866, %dma_start3A_867] : memref<336x128xf32, #tpu.memory_space<vmem>> -> memref<1x128xf32, #tpu.memory_space<vmem>>
          %dma_start3A_869 = tpu.memref_squeeze %dma_start3A_868 : memref<1x128xf32, #tpu.memory_space<vmem>> -> memref<128xf32, #tpu.memory_space<vmem>>
          %dma_start3A_870 = arith.constant 0 : i32
          %dma_start3A_871 = tpu.memref_slice %arg2[%squeeze3A_860, %dma_start3A_870] : memref<100000x128xf32, #tpu.memory_space<hbm>> -> memref<1x128xf32, #tpu.memory_space<hbm>>
          %dma_start3A_872 = tpu.memref_squeeze %dma_start3A_871 : memref<1x128xf32, #tpu.memory_space<hbm>> -> memref<128xf32, #tpu.memory_space<hbm>>
          %dma_start3A_873 = arith.constant 0 : i32
          %dma_start3A_874 = tpu.memref_slice %arg9[%add3A_866, %dma_start3A_873] : memref<336x128xf32, #tpu.memory_space<vmem>> -> memref<1x128xf32, #tpu.memory_space<vmem>>
          %dma_start3A_875 = tpu.memref_squeeze %dma_start3A_874 : memref<1x128xf32, #tpu.memory_space<vmem>> -> memref<128xf32, #tpu.memory_space<vmem>>
          %dma_start3A_876 = arith.constant 0 : i32
          %dma_start3A_877 = tpu.memref_slice %arg2[%squeeze3A_860, %dma_start3A_876] : memref<100000x128xf32, #tpu.memory_space<hbm>> -> memref<1x128xf32, #tpu.memory_space<hbm>>
          %dma_start3A_878 = tpu.memref_squeeze %dma_start3A_877 : memref<1x128xf32, #tpu.memory_space<hbm>> -> memref<128xf32, #tpu.memory_space<hbm>>
          tpu.enqueue_dma source(%dma_start3A_878 : memref<128xf32, #tpu.memory_space<hbm>>) target(%dma_start3A_875 : memref<128xf32, #tpu.memory_space<vmem>>) target_semaphore(%arg19 : memref<!tpu.dma_semaphore, #tpu.memory_space<semaphore_mem>>)
          %slice3A_879 = vector.extract_strided_slice %get3A_740 {offsets = [7], sizes = [1], strides = [1]} : vector<16xi32> to vector<1xi32>
          %squeeze3A_880 = vector.extract %slice3A_879[0] : i32 from vector<1xi32>
          %mul3A_881 = arith.constant 16 : i32
          %mul3A_882 = arith.muli %add3A_734, %mul3A_881 : i32
          %add3A_883 = arith.constant 160 : i32
          %add3A_884 = arith.addi %add3A_883, %mul3A_882 : i32
          %add3A_885 = arith.constant 7 : i32
          %add3A_886 = arith.addi %add3A_884, %add3A_885 : i32
          %dma_start3A_887 = arith.constant 0 : i32
          %dma_start3A_888 = tpu.memref_slice %arg9[%add3A_886, %dma_start3A_887] : memref<336x128xf32, #tpu.memory_space<vmem>> -> memref<1x128xf32, #tpu.memory_space<vmem>>
          %dma_start3A_889 = tpu.memref_squeeze %dma_start3A_888 : memref<1x128xf32, #tpu.memory_space<vmem>> -> memref<128xf32, #tpu.memory_space<vmem>>
          %dma_start3A_890 = arith.constant 0 : i32
          %dma_start3A_891 = tpu.memref_slice %arg2[%squeeze3A_880, %dma_start3A_890] : memref<100000x128xf32, #tpu.memory_space<hbm>> -> memref<1x128xf32, #tpu.memory_space<hbm>>
          %dma_start3A_892 = tpu.memref_squeeze %dma_start3A_891 : memref<1x128xf32, #tpu.memory_space<hbm>> -> memref<128xf32, #tpu.memory_space<hbm>>
          %dma_start3A_893 = arith.constant 0 : i32
          %dma_start3A_894 = tpu.memref_slice %arg9[%add3A_886, %dma_start3A_893] : memref<336x128xf32, #tpu.memory_space<vmem>> -> memref<1x128xf32, #tpu.memory_space<vmem>>
          %dma_start3A_895 = tpu.memref_squeeze %dma_start3A_894 : memref<1x128xf32, #tpu.memory_space<vmem>> -> memref<128xf32, #tpu.memory_space<vmem>>
          %dma_start3A_896 = arith.constant 0 : i32
          %dma_start3A_897 = tpu.memref_slice %arg2[%squeeze3A_880, %dma_start3A_896] : memref<100000x128xf32, #tpu.memory_space<hbm>> -> memref<1x128xf32, #tpu.memory_space<hbm>>
          %dma_start3A_898 = tpu.memref_squeeze %dma_start3A_897 : memref<1x128xf32, #tpu.memory_space<hbm>> -> memref<128xf32, #tpu.memory_space<hbm>>
          tpu.enqueue_dma source(%dma_start3A_898 : memref<128xf32, #tpu.memory_space<hbm>>) target(%dma_start3A_895 : memref<128xf32, #tpu.memory_space<vmem>>) target_semaphore(%arg19 : memref<!tpu.dma_semaphore, #tpu.memory_space<semaphore_mem>>)
          %slice3A_899 = vector.extract_strided_slice %get3A_740 {offsets = [8], sizes = [1], strides = [1]} : vector<16xi32> to vector<1xi32>
          %squeeze3A_900 = vector.extract %slice3A_899[0] : i32 from vector<1xi32>
          %mul3A_901 = arith.constant 16 : i32
          %mul3A_902 = arith.muli %add3A_734, %mul3A_901 : i32
          %add3A_903 = arith.constant 160 : i32
          %add3A_904 = arith.addi %add3A_903, %mul3A_902 : i32
          %add3A_905 = arith.constant 8 : i32
          %add3A_906 = arith.addi %add3A_904, %add3A_905 : i32
          %dma_start3A_907 = arith.constant 0 : i32
          %dma_start3A_908 = tpu.memref_slice %arg9[%add3A_906, %dma_start3A_907] : memref<336x128xf32, #tpu.memory_space<vmem>> -> memref<1x128xf32, #tpu.memory_space<vmem>>
          %dma_start3A_909 = tpu.memref_squeeze %dma_start3A_908 : memref<1x128xf32, #tpu.memory_space<vmem>> -> memref<128xf32, #tpu.memory_space<vmem>>
          %dma_start3A_910 = arith.constant 0 : i32
          %dma_start3A_911 = tpu.memref_slice %arg2[%squeeze3A_900, %dma_start3A_910] : memref<100000x128xf32, #tpu.memory_space<hbm>> -> memref<1x128xf32, #tpu.memory_space<hbm>>
          %dma_start3A_912 = tpu.memref_squeeze %dma_start3A_911 : memref<1x128xf32, #tpu.memory_space<hbm>> -> memref<128xf32, #tpu.memory_space<hbm>>
          %dma_start3A_913 = arith.constant 0 : i32
          %dma_start3A_914 = tpu.memref_slice %arg9[%add3A_906, %dma_start3A_913] : memref<336x128xf32, #tpu.memory_space<vmem>> -> memref<1x128xf32, #tpu.memory_space<vmem>>
          %dma_start3A_915 = tpu.memref_squeeze %dma_start3A_914 : memref<1x128xf32, #tpu.memory_space<vmem>> -> memref<128xf32, #tpu.memory_space<vmem>>
          %dma_start3A_916 = arith.constant 0 : i32
          %dma_start3A_917 = tpu.memref_slice %arg2[%squeeze3A_900, %dma_start3A_916] : memref<100000x128xf32, #tpu.memory_space<hbm>> -> memref<1x128xf32, #tpu.memory_space<hbm>>
          %dma_start3A_918 = tpu.memref_squeeze %dma_start3A_917 : memref<1x128xf32, #tpu.memory_space<hbm>> -> memref<128xf32, #tpu.memory_space<hbm>>
          tpu.enqueue_dma source(%dma_start3A_918 : memref<128xf32, #tpu.memory_space<hbm>>) target(%dma_start3A_915 : memref<128xf32, #tpu.memory_space<vmem>>) target_semaphore(%arg19 : memref<!tpu.dma_semaphore, #tpu.memory_space<semaphore_mem>>)
          %slice3A_919 = vector.extract_strided_slice %get3A_740 {offsets = [9], sizes = [1], strides = [1]} : vector<16xi32> to vector<1xi32>
          %squeeze3A_920 = vector.extract %slice3A_919[0] : i32 from vector<1xi32>
          %mul3A_921 = arith.constant 16 : i32
          %mul3A_922 = arith.muli %add3A_734, %mul3A_921 : i32
          %add3A_923 = arith.constant 160 : i32
          %add3A_924 = arith.addi %add3A_923, %mul3A_922 : i32
          %add3A_925 = arith.constant 9 : i32
          %add3A_926 = arith.addi %add3A_924, %add3A_925 : i32
          %dma_start3A_927 = arith.constant 0 : i32
          %dma_start3A_928 = tpu.memref_slice %arg9[%add3A_926, %dma_start3A_927] : memref<336x128xf32, #tpu.memory_space<vmem>> -> memref<1x128xf32, #tpu.memory_space<vmem>>
          %dma_start3A_929 = tpu.memref_squeeze %dma_start3A_928 : memref<1x128xf32, #tpu.memory_space<vmem>> -> memref<128xf32, #tpu.memory_space<vmem>>
          %dma_start3A_930 = arith.constant 0 : i32
          %dma_start3A_931 = tpu.memref_slice %arg2[%squeeze3A_920, %dma_start3A_930] : memref<100000x128xf32, #tpu.memory_space<hbm>> -> memref<1x128xf32, #tpu.memory_space<hbm>>
          %dma_start3A_932 = tpu.memref_squeeze %dma_start3A_931 : memref<1x128xf32, #tpu.memory_space<hbm>> -> memref<128xf32, #tpu.memory_space<hbm>>
          %dma_start3A_933 = arith.constant 0 : i32
          %dma_start3A_934 = tpu.memref_slice %arg9[%add3A_926, %dma_start3A_933] : memref<336x128xf32, #tpu.memory_space<vmem>> -> memref<1x128xf32, #tpu.memory_space<vmem>>
          %dma_start3A_935 = tpu.memref_squeeze %dma_start3A_934 : memref<1x128xf32, #tpu.memory_space<vmem>> -> memref<128xf32, #tpu.memory_space<vmem>>
          %dma_start3A_936 = arith.constant 0 : i32
          %dma_start3A_937 = tpu.memref_slice %arg2[%squeeze3A_920, %dma_start3A_936] : memref<100000x128xf32, #tpu.memory_space<hbm>> -> memref<1x128xf32, #tpu.memory_space<hbm>>
          %dma_start3A_938 = tpu.memref_squeeze %dma_start3A_937 : memref<1x128xf32, #tpu.memory_space<hbm>> -> memref<128xf32, #tpu.memory_space<hbm>>
          tpu.enqueue_dma source(%dma_start3A_938 : memref<128xf32, #tpu.memory_space<hbm>>) target(%dma_start3A_935 : memref<128xf32, #tpu.memory_space<vmem>>) target_semaphore(%arg19 : memref<!tpu.dma_semaphore, #tpu.memory_space<semaphore_mem>>)
          %slice3A_939 = vector.extract_strided_slice %get3A_740 {offsets = [10], sizes = [1], strides = [1]} : vector<16xi32> to vector<1xi32>
          %squeeze3A_940 = vector.extract %slice3A_939[0] : i32 from vector<1xi32>
          %mul3A_941 = arith.constant 16 : i32
          %mul3A_942 = arith.muli %add3A_734, %mul3A_941 : i32
          %add3A_943 = arith.constant 160 : i32
          %add3A_944 = arith.addi %add3A_943, %mul3A_942 : i32
          %add3A_945 = arith.constant 10 : i32
          %add3A_946 = arith.addi %add3A_944, %add3A_945 : i32
          %dma_start3A_947 = arith.constant 0 : i32
          %dma_start3A_948 = tpu.memref_slice %arg9[%add3A_946, %dma_start3A_947] : memref<336x128xf32, #tpu.memory_space<vmem>> -> memref<1x128xf32, #tpu.memory_space<vmem>>
          %dma_start3A_949 = tpu.memref_squeeze %dma_start3A_948 : memref<1x128xf32, #tpu.memory_space<vmem>> -> memref<128xf32, #tpu.memory_space<vmem>>
          %dma_start3A_950 = arith.constant 0 : i32
          %dma_start3A_951 = tpu.memref_slice %arg2[%squeeze3A_940, %dma_start3A_950] : memref<100000x128xf32, #tpu.memory_space<hbm>> -> memref<1x128xf32, #tpu.memory_space<hbm>>
          %dma_start3A_952 = tpu.memref_squeeze %dma_start3A_951 : memref<1x128xf32, #tpu.memory_space<hbm>> -> memref<128xf32, #tpu.memory_space<hbm>>
          %dma_start3A_953 = arith.constant 0 : i32
          %dma_start3A_954 = tpu.memref_slice %arg9[%add3A_946, %dma_start3A_953] : memref<336x128xf32, #tpu.memory_space<vmem>> -> memref<1x128xf32, #tpu.memory_space<vmem>>
          %dma_start3A_955 = tpu.memref_squeeze %dma_start3A_954 : memref<1x128xf32, #tpu.memory_space<vmem>> -> memref<128xf32, #tpu.memory_space<vmem>>
          %dma_start3A_956 = arith.constant 0 : i32
          %dma_start3A_957 = tpu.memref_slice %arg2[%squeeze3A_940, %dma_start3A_956] : memref<100000x128xf32, #tpu.memory_space<hbm>> -> memref<1x128xf32, #tpu.memory_space<hbm>>
          %dma_start3A_958 = tpu.memref_squeeze %dma_start3A_957 : memref<1x128xf32, #tpu.memory_space<hbm>> -> memref<128xf32, #tpu.memory_space<hbm>>
          tpu.enqueue_dma source(%dma_start3A_958 : memref<128xf32, #tpu.memory_space<hbm>>) target(%dma_start3A_955 : memref<128xf32, #tpu.memory_space<vmem>>) target_semaphore(%arg19 : memref<!tpu.dma_semaphore, #tpu.memory_space<semaphore_mem>>)
          %slice3A_959 = vector.extract_strided_slice %get3A_740 {offsets = [11], sizes = [1], strides = [1]} : vector<16xi32> to vector<1xi32>
          %squeeze3A_960 = vector.extract %slice3A_959[0] : i32 from vector<1xi32>
          %mul3A_961 = arith.constant 16 : i32
          %mul3A_962 = arith.muli %add3A_734, %mul3A_961 : i32
          %add3A_963 = arith.constant 160 : i32
          %add3A_964 = arith.addi %add3A_963, %mul3A_962 : i32
          %add3A_965 = arith.constant 11 : i32
          %add3A_966 = arith.addi %add3A_964, %add3A_965 : i32
          %dma_start3A_967 = arith.constant 0 : i32
          %dma_start3A_968 = tpu.memref_slice %arg9[%add3A_966, %dma_start3A_967] : memref<336x128xf32, #tpu.memory_space<vmem>> -> memref<1x128xf32, #tpu.memory_space<vmem>>
          %dma_start3A_969 = tpu.memref_squeeze %dma_start3A_968 : memref<1x128xf32, #tpu.memory_space<vmem>> -> memref<128xf32, #tpu.memory_space<vmem>>
          %dma_start3A_970 = arith.constant 0 : i32
          %dma_start3A_971 = tpu.memref_slice %arg2[%squeeze3A_960, %dma_start3A_970] : memref<100000x128xf32, #tpu.memory_space<hbm>> -> memref<1x128xf32, #tpu.memory_space<hbm>>
          %dma_start3A_972 = tpu.memref_squeeze %dma_start3A_971 : memref<1x128xf32, #tpu.memory_space<hbm>> -> memref<128xf32, #tpu.memory_space<hbm>>
          %dma_start3A_973 = arith.constant 0 : i32
          %dma_start3A_974 = tpu.memref_slice %arg9[%add3A_966, %dma_start3A_973] : memref<336x128xf32, #tpu.memory_space<vmem>> -> memref<1x128xf32, #tpu.memory_space<vmem>>
          %dma_start3A_975 = tpu.memref_squeeze %dma_start3A_974 : memref<1x128xf32, #tpu.memory_space<vmem>> -> memref<128xf32, #tpu.memory_space<vmem>>
          %dma_start3A_976 = arith.constant 0 : i32
          %dma_start3A_977 = tpu.memref_slice %arg2[%squeeze3A_960, %dma_start3A_976] : memref<100000x128xf32, #tpu.memory_space<hbm>> -> memref<1x128xf32, #tpu.memory_space<hbm>>
          %dma_start3A_978 = tpu.memref_squeeze %dma_start3A_977 : memref<1x128xf32, #tpu.memory_space<hbm>> -> memref<128xf32, #tpu.memory_space<hbm>>
          tpu.enqueue_dma source(%dma_start3A_978 : memref<128xf32, #tpu.memory_space<hbm>>) target(%dma_start3A_975 : memref<128xf32, #tpu.memory_space<vmem>>) target_semaphore(%arg19 : memref<!tpu.dma_semaphore, #tpu.memory_space<semaphore_mem>>)
          %slice3A_979 = vector.extract_strided_slice %get3A_740 {offsets = [12], sizes = [1], strides = [1]} : vector<16xi32> to vector<1xi32>
          %squeeze3A_980 = vector.extract %slice3A_979[0] : i32 from vector<1xi32>
          %mul3A_981 = arith.constant 16 : i32
          %mul3A_982 = arith.muli %add3A_734, %mul3A_981 : i32
          %add3A_983 = arith.constant 160 : i32
          %add3A_984 = arith.addi %add3A_983, %mul3A_982 : i32
          %add3A_985 = arith.constant 12 : i32
          %add3A_986 = arith.addi %add3A_984, %add3A_985 : i32
          %dma_start3A_987 = arith.constant 0 : i32
          %dma_start3A_988 = tpu.memref_slice %arg9[%add3A_986, %dma_start3A_987] : memref<336x128xf32, #tpu.memory_space<vmem>> -> memref<1x128xf32, #tpu.memory_space<vmem>>
          %dma_start3A_989 = tpu.memref_squeeze %dma_start3A_988 : memref<1x128xf32, #tpu.memory_space<vmem>> -> memref<128xf32, #tpu.memory_space<vmem>>
          %dma_start3A_990 = arith.constant 0 : i32
          %dma_start3A_991 = tpu.memref_slice %arg2[%squeeze3A_980, %dma_start3A_990] : memref<100000x128xf32, #tpu.memory_space<hbm>> -> memref<1x128xf32, #tpu.memory_space<hbm>>
          %dma_start3A_992 = tpu.memref_squeeze %dma_start3A_991 : memref<1x128xf32, #tpu.memory_space<hbm>> -> memref<128xf32, #tpu.memory_space<hbm>>
          %dma_start3A_993 = arith.constant 0 : i32
          %dma_start3A_994 = tpu.memref_slice %arg9[%add3A_986, %dma_start3A_993] : memref<336x128xf32, #tpu.memory_space<vmem>> -> memref<1x128xf32, #tpu.memory_space<vmem>>
          %dma_start3A_995 = tpu.memref_squeeze %dma_start3A_994 : memref<1x128xf32, #tpu.memory_space<vmem>> -> memref<128xf32, #tpu.memory_space<vmem>>
          %dma_start3A_996 = arith.constant 0 : i32
          %dma_start3A_997 = tpu.memref_slice %arg2[%squeeze3A_980, %dma_start3A_996] : memref<100000x128xf32, #tpu.memory_space<hbm>> -> memref<1x128xf32, #tpu.memory_space<hbm>>
          %dma_start3A_998 = tpu.memref_squeeze %dma_start3A_997 : memref<1x128xf32, #tpu.memory_space<hbm>> -> memref<128xf32, #tpu.memory_space<hbm>>
          tpu.enqueue_dma source(%dma_start3A_998 : memref<128xf32, #tpu.memory_space<hbm>>) target(%dma_start3A_995 : memref<128xf32, #tpu.memory_space<vmem>>) target_semaphore(%arg19 : memref<!tpu.dma_semaphore, #tpu.memory_space<semaphore_mem>>)
          %slice3A_999 = vector.extract_strided_slice %get3A_740 {offsets = [13], sizes = [1], strides = [1]} : vector<16xi32> to vector<1xi32>
          %squeeze3A_1000 = vector.extract %slice3A_999[0] : i32 from vector<1xi32>
          %mul3A_1001 = arith.constant 16 : i32
          %mul3A_1002 = arith.muli %add3A_734, %mul3A_1001 : i32
          %add3A_1003 = arith.constant 160 : i32
          %add3A_1004 = arith.addi %add3A_1003, %mul3A_1002 : i32
          %add3A_1005 = arith.constant 13 : i32
          %add3A_1006 = arith.addi %add3A_1004, %add3A_1005 : i32
          %dma_start3A_1007 = arith.constant 0 : i32
          %dma_start3A_1008 = tpu.memref_slice %arg9[%add3A_1006, %dma_start3A_1007] : memref<336x128xf32, #tpu.memory_space<vmem>> -> memref<1x128xf32, #tpu.memory_space<vmem>>
          %dma_start3A_1009 = tpu.memref_squeeze %dma_start3A_1008 : memref<1x128xf32, #tpu.memory_space<vmem>> -> memref<128xf32, #tpu.memory_space<vmem>>
          %dma_start3A_1010 = arith.constant 0 : i32
          %dma_start3A_1011 = tpu.memref_slice %arg2[%squeeze3A_1000, %dma_start3A_1010] : memref<100000x128xf32, #tpu.memory_space<hbm>> -> memref<1x128xf32, #tpu.memory_space<hbm>>
          %dma_start3A_1012 = tpu.memref_squeeze %dma_start3A_1011 : memref<1x128xf32, #tpu.memory_space<hbm>> -> memref<128xf32, #tpu.memory_space<hbm>>
          %dma_start3A_1013 = arith.constant 0 : i32
          %dma_start3A_1014 = tpu.memref_slice %arg9[%add3A_1006, %dma_start3A_1013] : memref<336x128xf32, #tpu.memory_space<vmem>> -> memref<1x128xf32, #tpu.memory_space<vmem>>
          %dma_start3A_1015 = tpu.memref_squeeze %dma_start3A_1014 : memref<1x128xf32, #tpu.memory_space<vmem>> -> memref<128xf32, #tpu.memory_space<vmem>>
          %dma_start3A_1016 = arith.constant 0 : i32
          %dma_start3A_1017 = tpu.memref_slice %arg2[%squeeze3A_1000, %dma_start3A_1016] : memref<100000x128xf32, #tpu.memory_space<hbm>> -> memref<1x128xf32, #tpu.memory_space<hbm>>
          %dma_start3A_1018 = tpu.memref_squeeze %dma_start3A_1017 : memref<1x128xf32, #tpu.memory_space<hbm>> -> memref<128xf32, #tpu.memory_space<hbm>>
          tpu.enqueue_dma source(%dma_start3A_1018 : memref<128xf32, #tpu.memory_space<hbm>>) target(%dma_start3A_1015 : memref<128xf32, #tpu.memory_space<vmem>>) target_semaphore(%arg19 : memref<!tpu.dma_semaphore, #tpu.memory_space<semaphore_mem>>)
          %slice3A_1019 = vector.extract_strided_slice %get3A_740 {offsets = [14], sizes = [1], strides = [1]} : vector<16xi32> to vector<1xi32>
          %squeeze3A_1020 = vector.extract %slice3A_1019[0] : i32 from vector<1xi32>
          %mul3A_1021 = arith.constant 16 : i32
          %mul3A_1022 = arith.muli %add3A_734, %mul3A_1021 : i32
          %add3A_1023 = arith.constant 160 : i32
          %add3A_1024 = arith.addi %add3A_1023, %mul3A_1022 : i32
          %add3A_1025 = arith.constant 14 : i32
          %add3A_1026 = arith.addi %add3A_1024, %add3A_1025 : i32
          %dma_start3A_1027 = arith.constant 0 : i32
          %dma_start3A_1028 = tpu.memref_slice %arg9[%add3A_1026, %dma_start3A_1027] : memref<336x128xf32, #tpu.memory_space<vmem>> -> memref<1x128xf32, #tpu.memory_space<vmem>>
          %dma_start3A_1029 = tpu.memref_squeeze %dma_start3A_1028 : memref<1x128xf32, #tpu.memory_space<vmem>> -> memref<128xf32, #tpu.memory_space<vmem>>
          %dma_start3A_1030 = arith.constant 0 : i32
          %dma_start3A_1031 = tpu.memref_slice %arg2[%squeeze3A_1020, %dma_start3A_1030] : memref<100000x128xf32, #tpu.memory_space<hbm>> -> memref<1x128xf32, #tpu.memory_space<hbm>>
          %dma_start3A_1032 = tpu.memref_squeeze %dma_start3A_1031 : memref<1x128xf32, #tpu.memory_space<hbm>> -> memref<128xf32, #tpu.memory_space<hbm>>
          %dma_start3A_1033 = arith.constant 0 : i32
          %dma_start3A_1034 = tpu.memref_slice %arg9[%add3A_1026, %dma_start3A_1033] : memref<336x128xf32, #tpu.memory_space<vmem>> -> memref<1x128xf32, #tpu.memory_space<vmem>>
          %dma_start3A_1035 = tpu.memref_squeeze %dma_start3A_1034 : memref<1x128xf32, #tpu.memory_space<vmem>> -> memref<128xf32, #tpu.memory_space<vmem>>
          %dma_start3A_1036 = arith.constant 0 : i32
          %dma_start3A_1037 = tpu.memref_slice %arg2[%squeeze3A_1020, %dma_start3A_1036] : memref<100000x128xf32, #tpu.memory_space<hbm>> -> memref<1x128xf32, #tpu.memory_space<hbm>>
          %dma_start3A_1038 = tpu.memref_squeeze %dma_start3A_1037 : memref<1x128xf32, #tpu.memory_space<hbm>> -> memref<128xf32, #tpu.memory_space<hbm>>
          tpu.enqueue_dma source(%dma_start3A_1038 : memref<128xf32, #tpu.memory_space<hbm>>) target(%dma_start3A_1035 : memref<128xf32, #tpu.memory_space<vmem>>) target_semaphore(%arg19 : memref<!tpu.dma_semaphore, #tpu.memory_space<semaphore_mem>>)
          %slice3A_1039 = vector.extract_strided_slice %get3A_740 {offsets = [15], sizes = [1], strides = [1]} : vector<16xi32> to vector<1xi32>
          %squeeze3A_1040 = vector.extract %slice3A_1039[0] : i32 from vector<1xi32>
          %mul3A_1041 = arith.constant 16 : i32
          %mul3A_1042 = arith.muli %add3A_734, %mul3A_1041 : i32
          %add3A_1043 = arith.constant 160 : i32
          %add3A_1044 = arith.addi %add3A_1043, %mul3A_1042 : i32
          %add3A_1045 = arith.constant 15 : i32
          %add3A_1046 = arith.addi %add3A_1044, %add3A_1045 : i32
          %dma_start3A_1047 = arith.constant 0 : i32
          %dma_start3A_1048 = tpu.memref_slice %arg9[%add3A_1046, %dma_start3A_1047] : memref<336x128xf32, #tpu.memory_space<vmem>> -> memref<1x128xf32, #tpu.memory_space<vmem>>
          %dma_start3A_1049 = tpu.memref_squeeze %dma_start3A_1048 : memref<1x128xf32, #tpu.memory_space<vmem>> -> memref<128xf32, #tpu.memory_space<vmem>>
          %dma_start3A_1050 = arith.constant 0 : i32
          %dma_start3A_1051 = tpu.memref_slice %arg2[%squeeze3A_1040, %dma_start3A_1050] : memref<100000x128xf32, #tpu.memory_space<hbm>> -> memref<1x128xf32, #tpu.memory_space<hbm>>
          %dma_start3A_1052 = tpu.memref_squeeze %dma_start3A_1051 : memref<1x128xf32, #tpu.memory_space<hbm>> -> memref<128xf32, #tpu.memory_space<hbm>>
          %dma_start3A_1053 = arith.constant 0 : i32
          %dma_start3A_1054 = tpu.memref_slice %arg9[%add3A_1046, %dma_start3A_1053] : memref<336x128xf32, #tpu.memory_space<vmem>> -> memref<1x128xf32, #tpu.memory_space<vmem>>
          %dma_start3A_1055 = tpu.memref_squeeze %dma_start3A_1054 : memref<1x128xf32, #tpu.memory_space<vmem>> -> memref<128xf32, #tpu.memory_space<vmem>>
          %dma_start3A_1056 = arith.constant 0 : i32
          %dma_start3A_1057 = tpu.memref_slice %arg2[%squeeze3A_1040, %dma_start3A_1056] : memref<100000x128xf32, #tpu.memory_space<hbm>> -> memref<1x128xf32, #tpu.memory_space<hbm>>
          %dma_start3A_1058 = tpu.memref_squeeze %dma_start3A_1057 : memref<1x128xf32, #tpu.memory_space<hbm>> -> memref<128xf32, #tpu.memory_space<hbm>>
          tpu.enqueue_dma source(%dma_start3A_1058 : memref<128xf32, #tpu.memory_space<hbm>>) target(%dma_start3A_1055 : memref<128xf32, #tpu.memory_space<vmem>>) target_semaphore(%arg19 : memref<!tpu.dma_semaphore, #tpu.memory_space<semaphore_mem>>)
        }
        %scan3A_724 = arith.constant 11 : i32
        %add3A_725 = arith.addi %mul3A_4, %add3A_627 : i32
        %mul3A_726 = arith.constant 2048 : i32
        %mul3A_727 = arith.muli %add3A_725, %mul3A_726 : i32
        %dma_start3A_728 = tpu.memref_slice %arg4[%mul3A_727] : memref<2097152xf32, #tpu.memory_space<hbm>> -> memref<2048xf32, #tpu.memory_space<hbm>>
        %dma_start3A_729 = tpu.memref_slice %arg4[%mul3A_727] : memref<2097152xf32, #tpu.memory_space<hbm>> -> memref<2048xf32, #tpu.memory_space<hbm>>
        tpu.enqueue_dma source(%dma_start3A_729 : memref<2048xf32, #tpu.memory_space<hbm>>) target(%arg11 : memref<2048xf32, #tpu.memory_space<vmem>>) target_semaphore(%arg17 : memref<!tpu.dma_semaphore, #tpu.memory_space<semaphore_mem>>)
      } else {
      }
      %swap3A_576 = arith.constant 0 : index
      %swap3A_577 = tpu.vector_load %arg12[%swap3A_576] {strides = array<i32>} : memref<16xf32, #tpu.memory_space<vmem>>, vector<16xf32>,
      tpu.vector_store %arg12[%swap3A_576], %scan3A_567#0 {strides = array<i32>} : memref<16xf32, #tpu.memory_space<vmem>>, vector<16xf32>,
      %swap3A_578 = arith.constant 0 : index
      %swap3A_579 = tpu.vector_load %arg13[%swap3A_578] {strides = array<i32>} : memref<320xf32, #tpu.memory_space<vmem>>, vector<16xf32>,
      tpu.vector_store %arg13[%swap3A_578], %scan3A_567#1 {strides = array<i32>} : memref<320xf32, #tpu.memory_space<vmem>>, vector<16xf32>,
      %swap3A_580 = arith.constant 16 : index
      %swap3A_581 = tpu.vector_load %arg13[%swap3A_580] {strides = array<i32>} : memref<320xf32, #tpu.memory_space<vmem>>, vector<16xf32>,
      tpu.vector_store %arg13[%swap3A_580], %scan3A_567#2 {strides = array<i32>} : memref<320xf32, #tpu.memory_space<vmem>>, vector<16xf32>,
      %swap3A_582 = arith.constant 32 : index
      %swap3A_583 = tpu.vector_load %arg13[%swap3A_582] {strides = array<i32>} : memref<320xf32, #tpu.memory_space<vmem>>, vector<16xf32>,
      tpu.vector_store %arg13[%swap3A_582], %scan3A_567#3 {strides = array<i32>} : memref<320xf32, #tpu.memory_space<vmem>>, vector<16xf32>,
      %swap3A_584 = arith.constant 48 : index
      %swap3A_585 = tpu.vector_load %arg13[%swap3A_584] {strides = array<i32>} : memref<320xf32, #tpu.memory_space<vmem>>, vector<16xf32>,
      tpu.vector_store %arg13[%swap3A_584], %scan3A_567#4 {strides = array<i32>} : memref<320xf32, #tpu.memory_space<vmem>>, vector<16xf32>,
      %swap3A_586 = arith.constant 64 : index
      %swap3A_587 = tpu.vector_load %arg13[%swap3A_586] {strides = array<i32>} : memref<320xf32, #tpu.memory_space<vmem>>, vector<16xf32>,
      tpu.vector_store %arg13[%swap3A_586], %scan3A_567#5 {strides = array<i32>} : memref<320xf32, #tpu.memory_space<vmem>>, vector<16xf32>,
      %swap3A_588 = arith.constant 80 : index
      %swap3A_589 = tpu.vector_load %arg13[%swap3A_588] {strides = array<i32>} : memref<320xf32, #tpu.memory_space<vmem>>, vector<16xf32>,
      tpu.vector_store %arg13[%swap3A_588], %scan3A_567#6 {strides = array<i32>} : memref<320xf32, #tpu.memory_space<vmem>>, vector<16xf32>,
      %swap3A_590 = arith.constant 96 : index
      %swap3A_591 = tpu.vector_load %arg13[%swap3A_590] {strides = array<i32>} : memref<320xf32, #tpu.memory_space<vmem>>, vector<16xf32>,
      tpu.vector_store %arg13[%swap3A_590], %scan3A_567#7 {strides = array<i32>} : memref<320xf32, #tpu.memory_space<vmem>>, vector<16xf32>,
      %swap3A_592 = arith.constant 112 : index
      %swap3A_593 = tpu.vector_load %arg13[%swap3A_592] {strides = array<i32>} : memref<320xf32, #tpu.memory_space<vmem>>, vector<16xf32>,
      tpu.vector_store %arg13[%swap3A_592], %scan3A_567#8 {strides = array<i32>} : memref<320xf32, #tpu.memory_space<vmem>>, vector<16xf32>,
      %swap3A_594 = arith.constant 128 : index
      %swap3A_595 = tpu.vector_load %arg13[%swap3A_594] {strides = array<i32>} : memref<320xf32, #tpu.memory_space<vmem>>, vector<16xf32>,
      tpu.vector_store %arg13[%swap3A_594], %scan3A_567#9 {strides = array<i32>} : memref<320xf32, #tpu.memory_space<vmem>>, vector<16xf32>,
      %swap3A_596 = arith.constant 144 : index
      %swap3A_597 = tpu.vector_load %arg13[%swap3A_596] {strides = array<i32>} : memref<320xf32, #tpu.memory_space<vmem>>, vector<16xf32>,
      tpu.vector_store %arg13[%swap3A_596], %scan3A_567#10 {strides = array<i32>} : memref<320xf32, #tpu.memory_space<vmem>>, vector<16xf32>,
      %swap3A_598 = arith.constant 160 : index
      %swap3A_599 = tpu.vector_load %arg13[%swap3A_598] {strides = array<i32>} : memref<320xf32, #tpu.memory_space<vmem>>, vector<16xf32>,
      tpu.vector_store %arg13[%swap3A_598], %scan3A_567#11 {strides = array<i32>} : memref<320xf32, #tpu.memory_space<vmem>>, vector<16xf32>,
      %swap3A_600 = arith.constant 176 : index
      %swap3A_601 = tpu.vector_load %arg13[%swap3A_600] {strides = array<i32>} : memref<320xf32, #tpu.memory_space<vmem>>, vector<16xf32>,
      tpu.vector_store %arg13[%swap3A_600], %scan3A_567#12 {strides = array<i32>} : memref<320xf32, #tpu.memory_space<vmem>>, vector<16xf32>,
      %swap3A_602 = arith.constant 192 : index
      %swap3A_603 = tpu.vector_load %arg13[%swap3A_602] {strides = array<i32>} : memref<320xf32, #tpu.memory_space<vmem>>, vector<16xf32>,
      tpu.vector_store %arg13[%swap3A_602], %scan3A_567#13 {strides = array<i32>} : memref<320xf32, #tpu.memory_space<vmem>>, vector<16xf32>,
      %swap3A_604 = arith.constant 208 : index
      %swap3A_605 = tpu.vector_load %arg13[%swap3A_604] {strides = array<i32>} : memref<320xf32, #tpu.memory_space<vmem>>, vector<16xf32>,
      tpu.vector_store %arg13[%swap3A_604], %scan3A_567#14 {strides = array<i32>} : memref<320xf32, #tpu.memory_space<vmem>>, vector<16xf32>,
      %swap3A_606 = arith.constant 224 : index
      %swap3A_607 = tpu.vector_load %arg13[%swap3A_606] {strides = array<i32>} : memref<320xf32, #tpu.memory_space<vmem>>, vector<16xf32>,
      tpu.vector_store %arg13[%swap3A_606], %scan3A_567#15 {strides = array<i32>} : memref<320xf32, #tpu.memory_space<vmem>>, vector<16xf32>,
      %swap3A_608 = arith.constant 240 : index
      %swap3A_609 = tpu.vector_load %arg13[%swap3A_608] {strides = array<i32>} : memref<320xf32, #tpu.memory_space<vmem>>, vector<16xf32>,
      tpu.vector_store %arg13[%swap3A_608], %scan3A_567#16 {strides = array<i32>} : memref<320xf32, #tpu.memory_space<vmem>>, vector<16xf32>,
      %swap3A_610 = arith.constant 256 : index
      %swap3A_611 = tpu.vector_load %arg13[%swap3A_610] {strides = array<i32>} : memref<320xf32, #tpu.memory_space<vmem>>, vector<16xf32>,
      tpu.vector_store %arg13[%swap3A_610], %scan3A_567#17 {strides = array<i32>} : memref<320xf32, #tpu.memory_space<vmem>>, vector<16xf32>,
      %swap3A_612 = arith.constant 272 : index
      %swap3A_613 = tpu.vector_load %arg13[%swap3A_612] {strides = array<i32>} : memref<320xf32, #tpu.memory_space<vmem>>, vector<16xf32>,
      tpu.vector_store %arg13[%swap3A_612], %scan3A_567#18 {strides = array<i32>} : memref<320xf32, #tpu.memory_space<vmem>>, vector<16xf32>,
      %swap3A_614 = arith.constant 288 : index
      %swap3A_615 = tpu.vector_load %arg13[%swap3A_614] {strides = array<i32>} : memref<320xf32, #tpu.memory_space<vmem>>, vector<16xf32>,
      tpu.vector_store %arg13[%swap3A_614], %scan3A_567#19 {strides = array<i32>} : memref<320xf32, #tpu.memory_space<vmem>>, vector<16xf32>,
      %swap3A_616 = arith.constant 304 : index
      %swap3A_617 = tpu.vector_load %arg13[%swap3A_616] {strides = array<i32>} : memref<320xf32, #tpu.memory_space<vmem>>, vector<16xf32>,
      tpu.vector_store %arg13[%swap3A_616], %scan3A_567#20 {strides = array<i32>} : memref<320xf32, #tpu.memory_space<vmem>>, vector<16xf32>,
      %mul3A_618 = arith.constant 16 : i32
      %mul3A_619 = arith.muli %add3A_411, %mul3A_618 : i32
      %add3A_620 = arith.addi %mul3A_2, %mul3A_619 : i32
      "tpu.region"() ({
        %run_scoped3A = tpu.sem_alloc : memref<!tpu.dma_semaphore, #tpu.memory_space<semaphore_mem>>
        %dma_start3A_626 = tpu.memref_slice %arg5[%add3A_620] : memref<16384xf32, #tpu.memory_space<hbm>> -> memref<16xf32, #tpu.memory_space<hbm>>
        %dma_start3A_627 = tpu.memref_slice %arg5[%add3A_620] : memref<16384xf32, #tpu.memory_space<hbm>> -> memref<16xf32, #tpu.memory_space<hbm>>
        tpu.enqueue_dma source(%arg12 : memref<16xf32, #tpu.memory_space<vmem>>) target(%dma_start3A_627 : memref<16xf32, #tpu.memory_space<hbm>>) target_semaphore(%run_scoped3A : memref<!tpu.dma_semaphore, #tpu.memory_space<semaphore_mem>>)
        %dma_wait3A_628 = tpu.memref_slice %arg5[%add3A_620] : memref<16384xf32, #tpu.memory_space<hbm>> -> memref<16xf32, #tpu.memory_space<hbm>>
        %dma_wait3A_629 = tpu.memref_slice %arg5[%add3A_620] : memref<16384xf32, #tpu.memory_space<hbm>> -> memref<16xf32, #tpu.memory_space<hbm>>
        tpu.wait_dma2 semaphore(%run_scoped3A : memref<!tpu.dma_semaphore, #tpu.memory_space<semaphore_mem>>) src(%arg12 : memref<16xf32, #tpu.memory_space<vmem>>) dst(%dma_wait3A_629 : memref<16xf32, #tpu.memory_space<hbm>>)
        tpu.yield
      }) : () -> ()
      %add3A_621 = arith.addi %mul3A_4, %add3A_411 : i32
      %mul3A_622 = arith.constant 16 : i32
      %mul3A_623 = arith.muli %add3A_621, %mul3A_622 : i32
      %mul3A_624 = arith.constant 20 : i32
      %mul3A_625 = arith.muli %mul3A_623, %mul3A_624 : i32
      "tpu.region"() ({
        %run_scoped3A = tpu.sem_alloc : memref<!tpu.dma_semaphore, #tpu.memory_space<semaphore_mem>>
        %dma_start3A_626 = tpu.memref_slice %arg6[%mul3A_625] : memref<327680xf32, #tpu.memory_space<hbm>> -> memref<320xf32, #tpu.memory_space<hbm>>
        %dma_start3A_627 = tpu.memref_slice %arg6[%mul3A_625] : memref<327680xf32, #tpu.memory_space<hbm>> -> memref<320xf32, #tpu.memory_space<hbm>>
        tpu.enqueue_dma source(%arg13 : memref<320xf32, #tpu.memory_space<vmem>>) target(%dma_start3A_627 : memref<320xf32, #tpu.memory_space<hbm>>) target_semaphore(%run_scoped3A : memref<!tpu.dma_semaphore, #tpu.memory_space<semaphore_mem>>)
        %dma_wait3A_628 = tpu.memref_slice %arg6[%mul3A_625] : memref<327680xf32, #tpu.memory_space<hbm>> -> memref<320xf32, #tpu.memory_space<hbm>>
        %dma_wait3A_629 = tpu.memref_slice %arg6[%mul3A_625] : memref<327680xf32, #tpu.memory_space<hbm>> -> memref<320xf32, #tpu.memory_space<hbm>>
        tpu.wait_dma2 semaphore(%run_scoped3A : memref<!tpu.dma_semaphore, #tpu.memory_space<semaphore_mem>>) src(%arg13 : memref<320xf32, #tpu.memory_space<vmem>>) dst(%dma_wait3A_629 : memref<320xf32, #tpu.memory_space<hbm>>)
        tpu.yield
      }) : () -> ()
    }
    %scan3A_194 = arith.constant 16 : i32
    return
  }
}

module attributes {stable_mosaic.version = 14 : i64} {
  func.func @_tc_loss_body(%arg0: memref<128x128xf32, #tpu.memory_space<vmem>>, %arg1: memref<2560x128xf32, #tpu.memory_space<vmem>>, %arg2: memref<1x1xf32, #tpu.memory_space<smem>>) attributes {dimension_semantics = [], scalar_prefetch = 0 : i64, scratch_operands = 0 : i64, tpu.core_type = #tpu.core_type<tc>} {
    %get3A = arith.constant 0 : index
    %get3A_0 = arith.constant 0 : index
    %get3A_1 = vector.load %arg0[%get3A, %get3A_0] : memref<128x128xf32, #tpu.memory_space<vmem>>, vector<128x128xf32>
    %get3A_2 = arith.constant 0 : index
    %get3A_3 = arith.constant 0 : index
    %get3A_4 = vector.load %arg1[%get3A_2, %get3A_3] : memref<2560x128xf32, #tpu.memory_space<vmem>>, vector<2560x128xf32>
    %neg3A = arith.constant 0.000000e+00 : f32
    %neg3A_5 = vector.broadcast %neg3A : f32 to vector<128x128xf32>
    %neg3A_6 = arith.subf %neg3A_5, %get3A_1 : vector<128x128xf32>
    %custom_jvp_call3A = arith.constant 0.000000e+00 : f32
    %max3A = vector.broadcast %custom_jvp_call3A : f32 to vector<128x128xf32>
    %max3A_7 = arith.maximumf %neg3A_6, %max3A : vector<128x128xf32>
    %sub3A = vector.broadcast %custom_jvp_call3A : f32 to vector<128x128xf32>
    %sub3A_8 = arith.subf %neg3A_6, %sub3A : vector<128x128xf32>
    %ne3A = arith.cmpf one, %sub3A_8, %sub3A_8 : vector<128x128xf32>
    %add3A = vector.broadcast %custom_jvp_call3A : f32 to vector<128x128xf32>
    %add3A_9 = arith.addf %neg3A_6, %add3A : vector<128x128xf32>
    %abs3A = math.absf %sub3A_8 : vector<128x128xf32>
    %neg3A_10 = arith.constant 0.000000e+00 : f32
    %neg3A_11 = vector.broadcast %neg3A_10 : f32 to vector<128x128xf32>
    %neg3A_12 = arith.subf %neg3A_11, %abs3A : vector<128x128xf32>
    %exp3A = math.exp %neg3A_12 : vector<128x128xf32>
    %log1p3A = math.log1p %exp3A : vector<128x128xf32>
    %add3A_13 = arith.addf %max3A_7, %log1p3A : vector<128x128xf32>
    %select_n3A = arith.select %ne3A, %add3A_9, %add3A_13 : vector<128x128xi1>, vector<128x128xf32>
    %neg3A_14 = arith.constant 0.000000e+00 : f32
    %neg3A_15 = vector.broadcast %neg3A_14 : f32 to vector<128x128xf32>
    %neg3A_16 = arith.subf %neg3A_15, %select_n3A : vector<128x128xf32>
    %reduce_sum3A = vector.shape_cast %neg3A_16 : vector<128x128xf32> to vector<1x128x128xf32>
    %reduce_sum3A_17 = arith.constant dense<0.000000e+00> : vector<1xf32>
    %reduce_sum3A_18 = vector.multi_reduction <add>, %reduce_sum3A, %reduce_sum3A_17 [1, 2] : vector<1x128x128xf32> to vector<1xf32>
    %reduce_sum3A_19 = vector.shape_cast %reduce_sum3A_18 : vector<1xf32> to vector<1x1x1xf32>
    %reduce_sum3A_20 = vector.extract %reduce_sum3A_19[0, 0, 0] : f32 from vector<1x1x1xf32>
    %neg3A_21 = arith.constant 0.000000e+00 : f32
    %neg3A_22 = vector.broadcast %neg3A_21 : f32 to vector<2560x128xf32>
    %neg3A_23 = arith.subf %neg3A_22, %get3A_4 : vector<2560x128xf32>
    %neg3A_24 = arith.constant 0.000000e+00 : f32
    %neg3A_25 = vector.broadcast %neg3A_24 : f32 to vector<2560x128xf32>
    %neg3A_26 = arith.subf %neg3A_25, %neg3A_23 : vector<2560x128xf32>
    %custom_jvp_call3A_27 = arith.constant 0.000000e+00 : f32
    %max3A_28 = vector.broadcast %custom_jvp_call3A_27 : f32 to vector<2560x128xf32>
    %max3A_29 = arith.maximumf %neg3A_26, %max3A_28 : vector<2560x128xf32>
    %sub3A_30 = vector.broadcast %custom_jvp_call3A_27 : f32 to vector<2560x128xf32>
    %sub3A_31 = arith.subf %neg3A_26, %sub3A_30 : vector<2560x128xf32>
    %ne3A_32 = arith.cmpf one, %sub3A_31, %sub3A_31 : vector<2560x128xf32>
    %add3A_33 = vector.broadcast %custom_jvp_call3A_27 : f32 to vector<2560x128xf32>
    %add3A_34 = arith.addf %neg3A_26, %add3A_33 : vector<2560x128xf32>
    %abs3A_35 = math.absf %sub3A_31 : vector<2560x128xf32>
    %neg3A_36 = arith.constant 0.000000e+00 : f32
    %neg3A_37 = vector.broadcast %neg3A_36 : f32 to vector<2560x128xf32>
    %neg3A_38 = arith.subf %neg3A_37, %abs3A_35 : vector<2560x128xf32>
    %exp3A_39 = math.exp %neg3A_38 : vector<2560x128xf32>
    %log1p3A_40 = math.log1p %exp3A_39 : vector<2560x128xf32>
    %add3A_41 = arith.addf %max3A_29, %log1p3A_40 : vector<2560x128xf32>
    %select_n3A_42 = arith.select %ne3A_32, %add3A_34, %add3A_41 : vector<2560x128xi1>, vector<2560x128xf32>
    %neg3A_43 = arith.constant 0.000000e+00 : f32
    %neg3A_44 = vector.broadcast %neg3A_43 : f32 to vector<2560x128xf32>
    %neg3A_45 = arith.subf %neg3A_44, %select_n3A_42 : vector<2560x128xf32>
    %reduce_sum3A_46 = vector.shape_cast %neg3A_45 : vector<2560x128xf32> to vector<1x2560x128xf32>
    %reduce_sum3A_47 = arith.constant dense<0.000000e+00> : vector<1xf32>
    %reduce_sum3A_48 = vector.multi_reduction <add>, %reduce_sum3A_46, %reduce_sum3A_47 [1, 2] : vector<1x2560x128xf32> to vector<1xf32>
    %reduce_sum3A_49 = vector.shape_cast %reduce_sum3A_48 : vector<1xf32> to vector<1x1x1xf32>
    %reduce_sum3A_50 = vector.extract %reduce_sum3A_49[0, 0, 0] : f32 from vector<1x1x1xf32>
    %mul3A = arith.constant 5.000000e-02 : f32
    %mul3A_51 = arith.mulf %reduce_sum3A_50, %mul3A : f32
    %add3A_52 = arith.addf %reduce_sum3A_20, %mul3A_51 : f32
    %neg3A_53 = arith.constant 0.000000e+00 : f32
    %neg3A_54 = arith.subf %neg3A_53, %add3A_52 : f32
    %swap3A = arith.constant 0 : index
    %swap3A_55 = arith.constant 0 : index
    %swap3A_56 = memref.load %arg2[%swap3A, %swap3A_55] : memref<1x1xf32, #tpu.memory_space<smem>>
    memref.store %neg3A_54, %arg2[%swap3A, %swap3A_55] : memref<1x1xf32, #tpu.memory_space<smem>>
    return
  }
}

</mosaic_0001>

<sc_bundles>
// kernel: kernel.4.cloned.1.call-start
scs
__scs_entry_jumppad:
0x0: {  	(pc) =	sbr.rel $0x88, $3  }
0x1: {  	(tag) =	ssettag $0x0;
	lr =	simm.s32 $0x1  }
0x2: {  	[smem:$0x3F9D] =	sst lr;
	_ =	strace $0xD0000000  }
0x3: {  	_ = 	snop  }
0x4: {  	_ = 	snop  }
0x5: {  	_ = 	snop  }
0x6: {  	_ = 	snop  }
0x7: {  	_ = 	snop  }
__scs_overlays_trampoline_lowered:
0x8: {  	[smem:$0x3FAC] =	sst s0  }
0x9: {  	[smem:$0x3FAD] =	sst s1  }
0xa: {  	[smem:$0x3FAE] =	sst s2  }
0xb: {  	[smem:$0x3FAF] =	sst s3  }
0xc: {  	[smem:$0x3FB0] =	sst s4  }
0xd: {  	[smem:$0x3FB1] =	sst s5  }
0xe: {  	[smem:$0x3FB2] =	sst s6  }
0xf: {  	[smem:$0x3FB3] =	sst s7  }
0x10: {  	[smem:$0x3FB4] =	sst s8  }
0x11: {  	[smem:$0x3FB5] =	sst s9;
	s0 =	simm.s32 @!p0 $0x0  }
0x12: {  	s1 =	sld [smem:$0x3F9B];
	s0 =	simm.s32 @p0 $0x1  }
0x13: {  	[smem:$0x3FB6] =	sst s0;
	s0 =	simm.s32 @!p1 $0x0  }
0x14: {  	s2 =	sld [smem:$0x3F9A];
	s0 =	simm.s32 @p1 $0x1  }
0x15: {  	[smem:$0x3FB7] =	sst s0;
	s0 =	simm.s32 @!p2 $0x0  }
0x16: {  	s3 =	sld [smem:$0x3FDB];
	s0 =	simm.s32 @p2 $0x1  }
0x17: {  	s4 =	simm.s32 $0x1BF5;
	[smem:$0x3FB9] =	sst s0  }
0x18: {  	s0 =	sld [smem:$0x3F9C];
	_ =	swait.ge [sflag:s4], $0x0  }
0x19: {  	s7 =	sld [smem:$0x3F9D]  }
0x1a: {  	s8 =	sadd.s32 $0xFFFFE003, lr  }
0x1b: {  	s9 =	sadd.s32 $0xFFFFFEF7, lr;
	s5 =	simm.s32 $0xFFFFFFFF;
	p2 =	slt.u32 s8, $0xFFFFF086  }
0x1c: {  	p1 =	slt.u32 s9, $0xF7A;
	s5 =	simm.s32 @!p2 $0x0  }
0x1d: {  	s5 =	simm.s32 @p1 $0x1;
	p0 =	seq.s32 s7, s2  }
0x1e: {  	s7 =	smul.u32 @!p0 $0xF7A, s2;
	p2 =	seq.s32 @!p0 s5, $0x0  }
0x1f: {  	s9 =	smul.u32 $0xF7A, s1;
	s8 =	simm.s32 @!p0 $0x1BF5;
	p2 =	por !p2, p0  }
0x20: {  	[sflag:s8] =	ssyncset.s32 @!p0 $0xFFFFF086;
	s6 =	sadd.s32 @!p0 s3, s7;
	s7 =	simm.s32 @!p0 $0x108  }
0x21: {  	s3 =	sadd.s32 s3, s9;
	s6 =	sadd.s32 @!p0 $0x88, s6;
	s7 =	simm.s32 @p2 $0x1082  }
0x22: {  	[simem:s7], [sflag:s8] =	dma.local @!p0 [hbm:s6], $0xF7A  }
0x23: {  	s9 =	sor.u32 $0xD0000000, s2;
	s6 =	simm.s32 $0x108;
	_ =	swait.ge @!p0 [sflag:s8], $0x0  }
0x24: {  	s3 =	sadd.s32 $0x88, s3;
	s6 =	simm.s32 @!p1 $0x1082;
	[sflag:s4] =	ssyncset.s32 $0xFFFFF086  }
0x25: {  	[simem:s6], [sflag:s4] =	dma.local [hbm:s3], $0xF7A  }
0x26: {  	[smem:$0x3F9D] =	sst s1;
	(tag) =	ssettag s2;
	_ =	strace s9  }
0x27: {  	s1 =	sld [smem:$0x3FAD]  }
0x28: {  	s2 =	sld [smem:$0x3FAE]  }
0x29: {  	s4 =	sld [smem:$0x3FB0]  }
0x2a: {  	p0 =	seq.s32 s5, $0x0;
	s5 =	sld [smem:$0x3FB1]  }
0x2b: {  	s6 =	sld [smem:$0x3FB2]  }
0x2c: {  	s7 =	sld [smem:$0x3FB3]  }
0x2d: {  	s3 =	simm.s32 $0x108;
	s8 =	sld [smem:$0x3FB4]  }
0x2e: {  	s3 =	simm.s32 @!p0 $0x1082;
	s9 =	sld [smem:$0x3FB5]  }
0x2f: {  	lr =	sadd.s32 s0, s3;
	s0 =	sld [smem:$0x3FAC]  }
0x30: {  	s3 =	sld [smem:$0x3FAF]  }
0x31: {  	[smem:$0x3FB8] =	sst s10  }
0x32: {  	s10 =	sld [smem:$0x3FB6];
	_ =	sdelay $0x3  }
0x33: {  	p0 =	seq.s32 s10, $0x1;
	s10 =	sld [smem:$0x3FB8];
	_ =	sdelay $0x3  }
0x34: {  	[smem:$0x3FB8] =	sst s10  }
0x35: {  	s10 =	sld [smem:$0x3FB7];
	_ =	sdelay $0x3  }
0x36: {  	p1 =	seq.s32 s10, $0x1;
	s10 =	sld [smem:$0x3FB8];
	_ =	sdelay $0x3  }
0x37: {  	[smem:$0x3FB8] =	sst s10  }
0x38: {  	s10 =	sld [smem:$0x3FB9]  }
0x39: {  	_ = 	snop;
	(pc) =	sbr.ind lr, $3  }
0x3a: {  	_ = 	snop  }
0x3b: {  	_ = 	snop  }
0x3c: {  	p2 =	seq.s32 s10, $0x1;
	s10 =	sld [smem:$0x3FB8]  }
0x3d: {  	_ =	shalt  }
0x3e: {  	_ =	shalt  }
0x3f: {  	_ =	shalt  }
0x40: {  	_ =	shalt  }
0x41: {  	_ =	shalt  }
0x42: {  	_ =	shalt  }
0x43: {  	_ =	shalt  }
0x44: {  	_ =	shalt  }
0x45: {  	_ =	shalt  }
0x46: {  	_ =	shalt  }
0x47: {  	_ =	shalt  }
0x48: {  	_ =	shalt  }
0x49: {  	_ =	shalt  }
0x4a: {  	_ =	shalt  }
0x4b: {  	_ =	shalt  }
0x4c: {  	_ =	shalt  }
0x4d: {  	_ =	shalt  }
0x4e: {  	_ =	shalt  }
0x4f: {  	_ =	shalt  }
0x50: {  	_ =	shalt  }
0x51: {  	_ =	shalt  }
0x52: {  	_ =	shalt  }
0x53: {  	_ =	shalt  }
0x54: {  	_ =	shalt  }
0x55: {  	_ =	shalt  }
0x56: {  	_ =	shalt  }
0x57: {  	_ =	shalt  }
0x58: {  	_ =	shalt  }
0x59: {  	_ =	shalt  }
0x5a: {  	_ =	shalt  }
0x5b: {  	_ =	shalt  }
0x5c: {  	_ =	shalt  }
0x5d: {  	_ =	shalt  }
0x5e: {  	_ =	shalt  }
0x5f: {  	_ =	shalt  }
0x60: {  	_ =	shalt  }
0x61: {  	_ =	shalt  }
0x62: {  	_ =	shalt  }
0x63: {  	_ =	shalt  }
0x64: {  	_ =	shalt  }
0x65: {  	_ =	shalt  }
0x66: {  	_ =	shalt  }
0x67: {  	_ =	shalt  }
0x68: {  	_ =	shalt  }
0x69: {  	_ =	shalt  }
0x6a: {  	_ =	shalt  }
0x6b: {  	_ =	shalt  }
0x6c: {  	_ =	shalt  }
0x6d: {  	_ =	shalt  }
0x6e: {  	_ =	shalt  }
0x6f: {  	_ =	shalt  }
0x70: {  	_ =	shalt  }
0x71: {  	_ =	shalt  }
0x72: {  	_ =	shalt  }
0x73: {  	_ =	shalt  }
0x74: {  	_ =	shalt  }
0x75: {  	_ =	shalt  }
0x76: {  	_ =	shalt  }
0x77: {  	_ =	shalt  }
0x78: {  	_ =	shalt  }
0x79: {  	_ =	shalt  }
0x7a: {  	_ =	shalt  }
0x7b: {  	_ =	shalt  }
0x7c: {  	_ =	shalt  }
0x7d: {  	_ =	shalt  }
0x7e: {  	_ =	shalt  }
0x7f: {  	_ =	shalt  }
0x80: {  	_ =	shalt  }
0x81: {  	_ =	shalt  }
0x82: {  	_ =	shalt  }
0x83: {  	_ =	shalt  }
0x84: {  	_ =	shalt  }
0x85: {  	_ =	shalt  }
0x86: {  	_ =	shalt  }
0x87: {  	_ =	shalt  }
.Lfunc_end0:
.L_simem_size_0:
called_computation_lowered:
.L_overlay_start_0:
0x88: {  	s2 =	sld [smem:$0x3FD9]  }
0x89: {  	s3 =	sld [smem:$0x3FFE];
	_ =	sdelay $0x1  }
0x8a: {  	s1 =	srdreg.scid  }
0x8b: {  	s0 =	sand.u32 $0x1, s1  }
0x8c: {  	s17 =	sshll.u32 s0, $0xA;
	s2 =	sadd.s32 s3, s2  }
0x8d: {  	s2 =	sadd.s32 s2, s17  }
0x8e: {  	[smem:$0x3FC4] =	sst s2  }
0x8f: {  	_ = 	snop  }
0x90: {  	s2 =	sld [smem:$0x3FC6];
	(tm) =	ssettm $0x1  }
0x91: {  	s18 =	sld [smem:$0x3FFB];
	_ =	sdelay $0x3  }
0x92: {  	_ =	strace s18  }
0x93: {  	s3 =	sld [smem:$0x3FFC];
	_ =	sdelay $0x3  }
0x94: {  	_ =	strace s3  }
0x95: {  	s3 =	sld [smem:$0x3FFD];
	_ =	sdelay $0x3  }
0x96: {  	_ =	strace s3  }
0x97: {  	_ =	strace $0x8FFFFFFF  }
0x98: {  	s19 =	sld [smem:$0x3FDB];
	_ =	sdelay $0x1  }
0x99: {  	s4 =	simm.s32 $_scs_section_size  }
0x9a: {  	s5 =	simm.s32 $_size__tile_overlayer_lowered;
	s6 =	simm.s32 $_tile_overlayer_lowered  }
0x9b: {  	s22 =	simm.s32 $0x1BFF;
	s21 =	sshll.u32 s6, $0x1;
	s3 =	sadd.s32 s4, s19  }
0x9c: {  	s7 =	simm.s32 $0x0;
	s20 =	sshll.u32 s5, $0x1;
	s5 =	sadd.s32 s21, s3  }
0x9d: {  	[timem:s7], [sflag:s22] =	dma.local [hbm:s5], s20  }
0x9e: {  	_ =	swait.ge [sflag:s22], s20  }
0x9f: {  	s4 =	ssub.s32 $0x0, s20;
	[sflag:s22] =	ssyncset.done $0x0  }
0xa0: {  	[sflag:s22] =	ssyncadd.s32 s4;
	_ =	sdelay $0x1  }
0xa1: {  	s23 =	simm.s32 $0x1B8B  }
0xa2: {  	_ =	swait.ge [sflag:s23], $0x1  }
0xa3: {  	[sflag:s23] =	ssyncset.done $0x0  }
0xa4: {  	s25 =	simm.s32 $0x1B8E;
	s24 =	sld [smem:$0x3FFE];
	[sflag:s23] =	ssyncadd.s32 $0xFFFFFFFF  }
0xa5: {  	s26 =	simm.s32 $execute0_lowered;
	[smem:$0x3FD2] =	sst s25  }
0xa6: {  	s5 =	sshll.u32 s26, $0x1;
	_ =	strace $0x80000046;
	[dreg:$0x1] =	wrdreg $0xFFFFFFFF  }
0xa7: {  	s28 =	simm.s32 $_size_execute0_lowered;
	s3 =	sadd.s32 s3, s5;
	[dreg:$0x0] =	wrdreg $0x0  }
0xa8: {  	s5 =	sshll.u32 s28, $0x1;
	[dreg:$0x2] =	wrdreg s3  }
0xa9: {  	[dreg:$0x3] =	wrdreg s5  }
0xaa: {  	[dreg:$0x4] =	wrdreg $0xC0  }
0xab: {  	_ =	task [dreg:s7], $0x5FFFF  }
0xac: {  	[dreg:$0x1] =	wrdreg $0xFFFFFFFF  }
0xad: {  	[dreg:$0x0] =	wrdreg $0x60  }
0xae: {  	[dreg:$0x2] =	wrdreg s2  }
0xaf: {  	[dreg:$0x3] =	wrdreg s24  }
0xb0: {  	[dreg:$0x4] =	wrdreg $0x9  }
0xb1: {  	_ =	task.clear_ibuf [dreg:s7], $0x5FFFF;
	_ =	strace $0x90000046  }
0xb2: {  	s29 =	simm.s32 $0x9;
	_ =	strace $0x80000048  }
0xb3: {  	_ =	swait.ge [sflag:s29], $0x1  }
0xb4: {  	[sflag:s29] =	ssyncadd.s32 $0xFFFFFFFF  }
0xb5: {  	_ =	strace $0x90000048  }
0xb6: {  	_ =	sfence  }
0xb7: {  	s30 =	sld [smem:$0x0];
	_ =	sdelay $0x2  }
0xb8: {  	s31 =	sshll.u32 s1, $0xD;
	s1 =	sshrl.u32 s1, $0x2  }
0xb9: {  	s3 =	sand.u32 $0x4000, s31;
	s1 =	sadd.s32 s1, s30  }
0xba: {  	s0 =	sor.u32 s3, s0;
	s1 =	sshll.u32 s1, $0x11  }
0xbb: {  	s0 =	sor.u32 s1, s0  }
0xbc: {  	s0 =	sadd.s32 $0x8F2B, s0  }
0xbd: {  	[sflag:s0] =	ssyncadd.remote.s32 $0x1  }
0xbe: {  	_ =	sfence.sel $0xFFFF  }
0xbf: {  	[dreg:$0x0] =	wrdreg $0xFFFFFFFF;
	(pc) =	sbr.abs _section_cstart, $3  }
0xc0: {  	[dreg:$0x1] =	wrdreg $0xFFFFFFFF  }
0xc1: {  	_ =	task.clear_ibuf [dreg:s7], $0x2FFFF;
	_ =	strace $0x9FFFFFFF  }
0xc2: {  	(tm) =	ssettm $0x7FFFFFFF  }
0xc3: {  	_ =	shalt  }
tec
execute0_lowered:
.L_overlay_start_1:
0x0: {  	(tag) =	ssettag $0x1  }
0x1: {  	v0 =	vlaneseq.u32  }
0x2: {  	v62 =	vmul.u32 $0xA80, v0  }
0x3: {  	s2 =	rddreg [dreg:$0x0];
	s3 =	simm.s32 $0x0  }
0x4: {  	[smem:$0x7FF] =	sst s3;
	v14 =	vadd.s32 $0x100, v62  }
0x5: {  	s4 =	rddreg [dreg:$0x1];
	_ =	strace $0x80000047;
	v61 =	vadd.s32 $0x380, v62;
	[tilespmem:$0x1FF00] =	vst v14  }
0x6: {  	v12 =	vadd.s32 $0x980, v62;
	[tilespmem:$0x1FF10] =	vst v61  }
0x7: {  	v10 =	vadd.s32 $0x880, v62;
	[tilespmem:$0x1FF20] =	vst v12  }
0x8: {  	v5 =	vadd.s32 $0x600, v62;
	[tilespmem:$0x1FF30] =	vst v10  }
0x9: {  	s0 =	srdreg.scid;
	s1 =	stileid.u32;
	s14 =	simm.s32 $0x7;
	v4 =	vadd.s32 $0x580, v62;
	[tilespmem:$0x1FF40] =	vst v5  }
0xa: {  	s15 =	simm.s32 $0x2A00;
	s0 =	sand.u32 $0x1, s0;
	s28 =	sadd.s32 $0x201000, s4;
	v11 =	vadd.s32 $0x900, v62;
	[tilespmem:$0x1FF50] =	vst v4  }
0xb: {  	s1 =	sshll.u32 s1, $0x1;
	s6 =	sadd.s32 $0x15800, s4;
	[dreg:$0x3] =	wrdreg s28;
	v2 =	vadd.s32 $0x480, v62;
	[tilespmem:$0x1FF60] =	vst v11  }
0xc: {  	s8 =	sadd.s32 $0xB800, s4;
	s1 =	sor.u32 s0, s1;
	[dreg:$0x4] =	wrdreg s6;
	v7 =	vadd.s32 $0x700, v62;
	[tilespmem:$0x1FF70] =	vst v2  }
0xd: {  	s0 =	ssub.s32 $0x2, s0;
	[dreg:$0x5] =	wrdreg s8;
	s5 =	smul.u32 $0x540, s1;
	v9 =	vadd.s32 $0x800, v62;
	[tilespmem:$0x1FF80] =	vst v7  }
0xe: {  	s7 =	sshrl.u32 s0, $0x1;
	s29 =	sshll.u32 s1, $0xD;
	s13 =	sshll.u32 s1, $0x5;
	v1 =	vadd.s32 $0x400, v62;
	[tilespmem:$0x1FF90] =	vst v9  }
0xf: {  	v3 =	vadd.s32 $0x500, v62;
	s0 =	ssub.s32 s0, s7;
	s30 =	sadd.s32 s28, s29;
	[dreg:$0x7] =	wrdreg s13;
	[tilespmem:$0x1FFA0] =	vst v1  }
.Ltmp0:
0x10: {  	v6 =	vadd.s32 $0x680, v62;
	s7 =	sshll.u32 s1, $0x9;
	[tilespmem:$0x1FFB0] =	vst v3;
	[dreg:$0x8] =	wrdreg s30;
	(pc) =	sbr.rel .LBB2_1-.Ltmp0, $4  }
0x11: {  	s21 =	simm.s32 $0xD200;
	v8 =	vadd.s32 $0x780, v62;
	[tilespmem:$0x1FFC0] =	vst v6;
	s1 =	sadd.s32 $0x100, s30;
	[dreg:$0x6] =	wrdreg s7  }
0x12: {  	v15 =	vadd.s32 $0x300, v62;
	[tilespmem:$0x1FFD0] =	vst v8;
	s9 =	sadd.s32 s5, s4;
	s0 =	smax.u32 s0, $0x1;
	[dreg:$0xa] =	wrdreg s1  }
0x13: {  	s16 =	simm.s32 $0x1;
	v63 =	vadd.s32 $0x80, v62;
	v16 =	vadd.s32 $0x280, v62;
	[tilespmem:$0x1FFE0] =	vst v15;
	s31 =	sadd.s32 $0x1000, s9;
	[dreg:$0xb] =	wrdreg s0  }
0x14: {  	s26 =	simm.s32 $0x2;
	v17 =	vadd.s32 $0x180, v62;
	v19 =	vadd.s32 $0x200, v62;
	v13 =	vadd.s32 $0xA00, v62;
	[tilespmem:$0x1FFF0] =	vst v16;
	s1 =	simm.s32 $0x0;
	[dreg:$0x9] =	wrdreg s31  }
.LBB2_19:
0x15: {  	s1 =	rddreg [dreg:$0xc]  }
0x16: {  	s0 =	rddreg [dreg:$0xb];
	s1 =	sadd.s32 $0x1, s1  }
0x17: {  	p0 =	sne.s32 s1, s0  }
.Ltmp1:
0x18: {  	_ = 	snop;
	(pc) =	sbr.rel @!p0 .LBB2_20-.Ltmp1, $1  }
0x19: {  	_ =	sdelay $0x3  }
.LBB2_1:
0x1a: {  	[dreg:$0xc] =	wrdreg s1  }
0x1b: {  	s0 =	rddreg [dreg:$0x9]  }
0x1c: {  	[tilespmem:s3], [sflag:$0x7] =	stream.linear.gather [hbm4b:s0+s3], $0x2A00, $0x38;
	[tilespmem:$0x18C00] =	vst v63  }
0x1d: {  	_ =	swait.ge [sflag:s14], $0x2A00  }
0x1e: {  	[sflag:s14] =	ssyncset.done $0x0  }
0x1f: {  	s5 =	simm.s32 $0x10;
	[sflag:s14] =	ssyncadd.s32 $0xFFFFD600  }
0x20: {  	[tilespmem:s15], [sflag:$0x1] =	stream.indirect.gather [hbm4b:s2+s5], $0x80, s3, s5, $0xb8;
	[tilespmem:$0x18C00] =	vst v63  }
0x21: {  	s9 =	simm.s32 $0x3200  }
0x22: {  	[tilespmem:s9], [sflag:$0x1] =	stream.indirect.gather [hbm4b:s2+s5], $0x80, s5, s5, $0xb8;
	[tilespmem:$0x18C00] =	vst v63  }
0x23: {  	s10 =	simm.s32 $0x20;
	s4 =	simm.s32 $0x3A00  }
0x24: {  	[tilespmem:s4], [sflag:$0x1] =	stream.indirect.gather [hbm4b:s2+s5], $0x80, s10, s5, $0xb8;
	[tilespmem:$0x18C00] =	vst v63  }
0x25: {  	s11 =	simm.s32 $0x30;
	s12 =	simm.s32 $0x4200  }
0x26: {  	[tilespmem:s12], [sflag:$0x1] =	stream.indirect.gather [hbm4b:s2+s5], $0x80, s11, s5, $0xb8;
	[tilespmem:$0x18C00] =	vst v63  }
0x27: {  	s17 =	simm.s32 $0x40;
	s18 =	simm.s32 $0x4A00  }
0x28: {  	[tilespmem:s18], [sflag:$0x1] =	stream.indirect.gather [hbm4b:s2+s5], $0x80, s17, s5, $0xb8;
	[tilespmem:$0x18C00] =	vst v63  }
0x29: {  	s19 =	simm.s32 $0x50;
	s20 =	simm.s32 $0x5200  }
0x2a: {  	[tilespmem:s20], [sflag:$0x1] =	stream.indirect.gather [hbm4b:s2+s5], $0x80, s19, s5, $0xb8;
	[tilespmem:$0x18C00] =	vst v63  }
0x2b: {  	s22 =	simm.s32 $0x60;
	s23 =	simm.s32 $0x5A00  }
0x2c: {  	[tilespmem:s23], [sflag:$0x1] =	stream.indirect.gather [hbm4b:s2+s5], $0x80, s22, s5, $0xb8;
	[tilespmem:$0x18C00] =	vst v63  }
0x2d: {  	s24 =	simm.s32 $0x70;
	s25 =	simm.s32 $0x6200  }
0x2e: {  	[tilespmem:s25], [sflag:$0x1] =	stream.indirect.gather [hbm4b:s2+s5], $0x80, s24, s5, $0xb8;
	[tilespmem:$0x18C00] =	vst v63  }
0x2f: {  	s28 =	simm.s32 $0x80;
	s29 =	simm.s32 $0x6A00  }
0x30: {  	[tilespmem:s29], [sflag:$0x1] =	stream.indirect.gather [hbm4b:s2+s5], $0x80, s28, s5, $0xb8;
	[tilespmem:$0x18C00] =	vst v63  }
0x31: {  	s30 =	simm.s32 $0x90;
	s31 =	simm.s32 $0x7200;
	s17 =	simm.s32 $0xA0  }
0x32: {  	[tilespmem:s31], [sflag:$0x1] =	stream.indirect.gather [hbm4b:s2+s5], $0x80, s30, s5, $0xb8;
	[tilespmem:$0x18C00] =	vst v63  }
0x33: {  	v21 =	vld [tilespmem:s17+$0x0];
	_ =	sdelay $0x4  }
0x34: {  	v21 =	vshll.u32 v21, $0x4  }
0x35: {  	(v2sf) =	vpush v21, $0x0  }
0x36: {  	(v2sf) =	vpush v21, $0x1  }
0x37: {  	(v2sf) =	vpush v21, $0x2;
	_ =	sdelay $0x1  }
0x38: {  	(v2sf) =	vpush v21, $0x4;
	_ =	sdelay $0x1  }
0x39: {  	(v2sf) =	vpush v21, $0x3  }
0x3a: {  	(v2sf) =	vpush v21, $0x5  }
0x3b: {  	s1 =	simm.s32 $0x2000;
	s0 =	simm.s32 $0x0;
	(v2sf) =	vpush v21, $0x6  }
.LBB2_2:
0x3c: {  	p0 =	sne.s32 s1, $0x14000  }
0x3d: {  	s20 =	sadd.s32 $0x7A80, s0;
	s9 =	sadd.s32 $0x7F80, s0;
	s10 =	smov.u32 s1  }
0x3e: {  	s1 =	sadd.s32 $0x2000, s1;
	s22 =	sadd.s32 $0x7D80, s0;
	s11 =	sadd.s32 $0x8000, s0;
	(v2sf) =	vpush v21, $0x7  }
0x3f: {  	s18 =	sadd.s32 $0x7C80, s0;
	s4 =	sadd.s32 $0x7E00, s0;
	s19 =	sadd.s32 $0x8080, s0  }
0x40: {  	s24 =	sadd.s32 $0x7A00, s0;
	s25 =	sadd.s32 $0x7C00, s0;
	(v2sf) =	vpush v21, $0x8  }
0x41: {  	s28 =	sadd.s32 $0x7D00, s0;
	s17 =	sadd.s32 $0x10, s17  }
0x42: {  	s30 =	sadd.s32 $0x7B00, s0;
	s12 =	sadd.s32 $0x7F00, s0;
	s23 =	spop (v2sf);
	(v2sf) =	vpush v21, $0x9  }
0x43: {  	s29 =	sand.u32 $0x1FFFFFF0, s23;
	s23 =	sadd.s32 $0x7E80, s0;
	s31 =	spop (v2sf)  }
0x44: {  	s29 =	sadd.s32 s2, s29;
	s31 =	sand.u32 $0x1FFFFFF0, s31;
	s5 =	spop (v2sf);
	(v2sf) =	vpush v21, $0xA  }
0x45: {  	[tilespmem:s24], [sflag:$0x5] =	stream.linear.gather [hbm4b:s29+s3], $0x80, $0x38;
	[tilespmem:$0x18C00] =	vst v63  }
0x46: {  	s24 =	sadd.s32 s2, s31;
	s29 =	sadd.s32 $0x7B80, s0;
	s31 =	spop (v2sf);
	(v2sf) =	vpush v21, $0xB  }
0x47: {  	[tilespmem:s20], [sflag:$0x5] =	stream.linear.gather [hbm4b:s24+s3], $0x80, $0x38;
	[tilespmem:$0x18C00] =	vst v63  }
0x48: {  	s5 =	sand.u32 $0x1FFFFFF0, s5;
	s20 =	sand.u32 $0x1FFFFFF0, s31;
	s24 =	spop (v2sf);
	(v2sf) =	vpush v21, $0xC  }
0x49: {  	s5 =	sadd.s32 s2, s5;
	s24 =	sand.u32 $0x1FFFFFF0, s24;
	s31 =	spop (v2sf)  }
0x4a: {  	[tilespmem:s30], [sflag:$0x5] =	stream.linear.gather [hbm4b:s5+s3], $0x80, $0x38;
	(v2sf) =	vpush v21, $0xD;
	[tilespmem:$0x18C00] =	vst v63  }
0x4b: {  	s5 =	sadd.s32 s2, s24;
	s24 =	sand.u32 $0x1FFFFFF0, s31;
	s30 =	spop (v2sf)  }
0x4c: {  	[tilespmem:s29], [sflag:$0x5] =	stream.linear.gather [hbm4b:s5+s3], $0x80, $0x38;
	(v2sf) =	vpush v21, $0xE;
	[tilespmem:$0x18C00] =	vst v63  }
0x4d: {  	s5 =	sadd.s32 s2, s20;
	s20 =	sand.u32 $0x1FFFFFF0, s30;
	s29 =	spop (v2sf)  }
0x4e: {  	[tilespmem:s25], [sflag:$0x5] =	stream.linear.gather [hbm4b:s5+s3], $0x80, $0x38;
	(v2sf) =	vpush v21, $0xF;
	[tilespmem:$0x18C00] =	vst v63  }
0x4f: {  	s5 =	sadd.s32 s2, s24;
	s24 =	sand.u32 $0x1FFFFFF0, s29;
	s25 =	spop (v2sf)  }
0x50: {  	[tilespmem:s18], [sflag:$0x5] =	stream.linear.gather [hbm4b:s5+s3], $0x80, $0x38;
	[tilespmem:$0x18C00] =	vst v63  }
0x51: {  	s5 =	sadd.s32 s2, s20;
	s18 =	sand.u32 $0x1FFFFFF0, s25;
	s20 =	spop (v2sf)  }
0x52: {  	[tilespmem:s28], [sflag:$0x5] =	stream.linear.gather [hbm4b:s5+s3], $0x80, $0x38;
	[tilespmem:$0x18C00] =	vst v63  }
0x53: {  	s5 =	sadd.s32 s2, s24;
	s20 =	sand.u32 $0x1FFFFFF0, s20;
	s24 =	spop (v2sf)  }
0x54: {  	[tilespmem:s22], [sflag:$0x5] =	stream.linear.gather [hbm4b:s5+s3], $0x80, $0x38;
	[tilespmem:$0x18C00] =	vst v63  }
0x55: {  	s5 =	sadd.s32 s2, s18;
	s18 =	sand.u32 $0x1FFFFFF0, s24;
	s22 =	spop (v2sf)  }
0x56: {  	[tilespmem:s4], [sflag:$0x5] =	stream.linear.gather [hbm4b:s5+s3], $0x80, $0x38;
	[tilespmem:$0x18C00] =	vst v63  }
0x57: {  	s4 =	sadd.s32 s2, s20;
	s5 =	sand.u32 $0x1FFFFFF0, s22;
	s20 =	spop (v2sf)  }
0x58: {  	[tilespmem:s23], [sflag:$0x5] =	stream.linear.gather [hbm4b:s4+s3], $0x80, $0x38;
	[tilespmem:$0x18C00] =	vst v63  }
0x59: {  	s4 =	sadd.s32 s2, s18;
	s18 =	sand.u32 $0x1FFFFFF0, s20;
	s20 =	spop (v2sf)  }
0x5a: {  	[tilespmem:s12], [sflag:$0x5] =	stream.linear.gather [hbm4b:s4+s3], $0x80, $0x38;
	[tilespmem:$0x18C00] =	vst v63  }
0x5b: {  	s4 =	sadd.s32 s2, s5;
	s5 =	sand.u32 $0x1FFFFFF0, s20;
	s12 =	spop (v2sf)  }
0x5c: {  	[tilespmem:s9], [sflag:$0x5] =	stream.linear.gather [hbm4b:s4+s3], $0x80, $0x38;
	[tilespmem:$0x18C00] =	vst v63  }
0x5d: {  	s4 =	sadd.s32 s2, s18;
	s9 =	sand.u32 $0x1FFFFFF0, s12;
	s12 =	spop (v2sf)  }
0x5e: {  	[tilespmem:s11], [sflag:$0x5] =	stream.linear.gather [hbm4b:s4+s3], $0x80, $0x38;
	[tilespmem:$0x18C00] =	vst v63  }
0x5f: {  	s4 =	sadd.s32 s2, s5;
	s5 =	sand.u32 $0x1FFFFFF0, s12  }
0x60: {  	[tilespmem:s19], [sflag:$0x5] =	stream.linear.gather [hbm4b:s4+s3], $0x80, $0x38;
	[tilespmem:$0x18C00] =	vst v63  }
0x61: {  	s9 =	sadd.s32 s2, s9;
	s4 =	sadd.s32 $0x8100, s0  }
0x62: {  	[tilespmem:s4], [sflag:$0x5] =	stream.linear.gather [hbm4b:s9+s3], $0x80, $0x38;
	[tilespmem:$0x18C00] =	vst v63  }
0x63: {  	s0 =	sadd.s32 $0x8180, s0;
	s4 =	sadd.s32 s2, s5  }
0x64: {  	[tilespmem:s0], [sflag:$0x5] =	stream.linear.gather [hbm4b:s4+s3], $0x80, $0x38;
	[tilespmem:$0x18C00] =	vst v63  }
0x65: {  	v21 =	vld [tilespmem:s17+$0x0];
	_ =	sdelay $0x4  }
0x66: {  	v21 =	vshll.u32 v21, $0x4  }
0x67: {  	(v2sf) =	vpush v21, $0x0  }
0x68: {  	(v2sf) =	vpush v21, $0x1  }
0x69: {  	(v2sf) =	vpush v21, $0x2;
	_ =	sdelay $0x1  }
0x6a: {  	(v2sf) =	vpush v21, $0x4  }
.Ltmp2:
0x6b: {  	(pc) =	sbr.rel @p0 .LBB2_2-.Ltmp2, $3  }
0x6c: {  	(v2sf) =	vpush v21, $0x3  }
0x6d: {  	(v2sf) =	vpush v21, $0x5;
	_ =	sdelay $0x1  }
0x6e: {  	s0 =	sshra.s32 s10, $0x2;
	(v2sf) =	vpush v21, $0x6  }
0x6f: {  	_ =	sdelay $0x4  }
0x70: {  	s1 =	spop (v2sf)  }
0x71: {  	s1 =	sand.u32 $0x1FFFFFF0, s1  }
0x72: {  	s5 =	sadd.s32 $0x7A00, s0;
	(v2sf) =	vpush v21, $0x7;
	s4 =	spop (v2sf);
	s1 =	sadd.s32 s2, s1  }
0x73: {  	[tilespmem:s5], [sflag:$0x5] =	stream.linear.gather [hbm4b:s1+s3], $0x80, $0x38;
	[tilespmem:$0x18C00] =	vst v63  }
0x74: {  	s4 =	sand.u32 $0x1FFFFFF0, s4;
	s9 =	spop (v2sf);
	s5 =	sadd.s32 $0x7A80, s0  }
0x75: {  	s4 =	sadd.s32 s2, s4;
	s10 =	sand.u32 $0x1FFFFFF0, s9;
	s12 =	spop (v2sf)  }
0x76: {  	[tilespmem:s5], [sflag:$0x5] =	stream.linear.gather [hbm4b:s4+s3], $0x80, $0x38;
	[tilespmem:$0x18C00] =	vst v63  }
0x77: {  	s11 =	sadd.s32 $0x7B00, s0;
	s1 =	sadd.s32 s2, s10;
	s17 =	spop (v2sf);
	(v2sf) =	vpush v21, $0x8  }
0x78: {  	[tilespmem:s11], [sflag:$0x5] =	stream.linear.gather [hbm4b:s1+s3], $0x80, $0x38;
	[tilespmem:$0x18C00] =	vst v63  }
0x79: {  	s1 =	sand.u32 $0x1FFFFFF0, s17;
	(v2sf) =	vpush v21, $0x9  }
0x7a: {  	s18 =	sadd.s32 $0x7B80, s0;
	s19 =	sand.u32 $0x1FFFFFF0, s12;
	s1 =	sadd.s32 s2, s1  }
0x7b: {  	(v2sf) =	vpush v21, $0xA;
	[tilespmem:s18], [sflag:$0x5] =	stream.linear.gather [hbm4b:s1+s3], $0x80, $0x38;
	[tilespmem:$0x18C00] =	vst v63  }
0x7c: {  	s20 =	sadd.s32 $0x7C00, s0;
	s22 =	spop (v2sf);
	s1 =	sadd.s32 s2, s19  }
0x7d: {  	[tilespmem:s20], [sflag:$0x5] =	stream.linear.gather [hbm4b:s1+s3], $0x80, $0x38;
	[tilespmem:$0x18C00] =	vst v63  }
0x7e: {  	s1 =	sand.u32 $0x1FFFFFF0, s22  }
0x7f: {  	s23 =	sadd.s32 $0x7C80, s0;
	s24 =	spop (v2sf);
	s1 =	sadd.s32 s2, s1  }
0x80: {  	[tilespmem:s23], [sflag:$0x5] =	stream.linear.gather [hbm4b:s1+s3], $0x80, $0x38;
	[tilespmem:$0x18C00] =	vst v63  }
0x81: {  	s28 =	spop (v2sf);
	(v2sf) =	vpush v21, $0xB  }
0x82: {  	s1 =	sand.u32 $0x1FFFFFF0, s24  }
0x83: {  	s25 =	sadd.s32 $0x7D00, s0;
	s1 =	sadd.s32 s2, s1  }
0x84: {  	[tilespmem:s25], [sflag:$0x5] =	stream.linear.gather [hbm4b:s1+s3], $0x80, $0x38;
	[tilespmem:$0x18C00] =	vst v63  }
0x85: {  	s1 =	sand.u32 $0x1FFFFFF0, s28  }
0x86: {  	s29 =	sadd.s32 $0x7D80, s0;
	s1 =	sadd.s32 s2, s1;
	s30 =	spop (v2sf);
	(v2sf) =	vpush v21, $0xC  }
0x87: {  	[tilespmem:s29], [sflag:$0x5] =	stream.linear.gather [hbm4b:s1+s3], $0x80, $0x38;
	[tilespmem:$0x18C00] =	vst v63  }
0x88: {  	s4 =	spop (v2sf);
	(v2sf) =	vpush v21, $0xD  }
0x89: {  	s1 =	sand.u32 $0x1FFFFFF0, s30  }
0x8a: {  	s31 =	sadd.s32 $0x7E00, s0;
	s1 =	sadd.s32 s2, s1;
	s9 =	spop (v2sf)  }
0x8b: {  	(v2sf) =	vpush v21, $0xE;
	[tilespmem:s31], [sflag:$0x5] =	stream.linear.gather [hbm4b:s1+s3], $0x80, $0x38;
	[tilespmem:$0x18C00] =	vst v63  }
0x8c: {  	s1 =	sand.u32 $0x1FFFFFF0, s4  }
0x8d: {  	s5 =	sadd.s32 $0x7E80, s0;
	s1 =	sadd.s32 s2, s1  }
0x8e: {  	[tilespmem:s5], [sflag:$0x5] =	stream.linear.gather [hbm4b:s1+s3], $0x80, $0x38;
	[tilespmem:$0x18C00] =	vst v63  }
0x8f: {  	s1 =	sand.u32 $0x1FFFFFF0, s9  }
0x90: {  	s10 =	sadd.s32 $0x7F00, s0;
	s1 =	sadd.s32 s2, s1;
	s11 =	spop (v2sf);
	(v2sf) =	vpush v21, $0xF  }
0x91: {  	[tilespmem:s10], [sflag:$0x5] =	stream.linear.gather [hbm4b:s1+s3], $0x80, $0x38;
	[tilespmem:$0x18C00] =	vst v63  }
0x92: {  	s1 =	sand.u32 $0x1FFFFFF0, s11  }
0x93: {  	s12 =	sadd.s32 $0x7F80, s0;
	s1 =	sadd.s32 s2, s1  }
0x94: {  	[tilespmem:s12], [sflag:$0x5] =	stream.linear.gather [hbm4b:s1+s3], $0x80, $0x38;
	[tilespmem:$0x18C00] =	vst v63  }
0x95: {  	s17 =	spop (v2sf)  }
0x96: {  	s1 =	sand.u32 $0x1FFFFFF0, s17  }
0x97: {  	s18 =	sadd.s32 $0x8000, s0;
	s19 =	spop (v2sf);
	s1 =	sadd.s32 s2, s1  }
0x98: {  	[tilespmem:s18], [sflag:$0x5] =	stream.linear.gather [hbm4b:s1+s3], $0x80, $0x38;
	[tilespmem:$0x18C00] =	vst v63  }
0x99: {  	s1 =	sand.u32 $0x1FFFFFF0, s19  }
0x9a: {  	s20 =	sadd.s32 $0x8080, s0;
	s22 =	spop (v2sf);
	s1 =	sadd.s32 s2, s1  }
0x9b: {  	[tilespmem:s20], [sflag:$0x5] =	stream.linear.gather [hbm4b:s1+s3], $0x80, $0x38;
	[tilespmem:$0x18C00] =	vst v63  }
0x9c: {  	s1 =	sand.u32 $0x1FFFFFF0, s22  }
0x9d: {  	s23 =	sadd.s32 $0x8100, s0;
	s1 =	sadd.s32 s2, s1  }
0x9e: {  	[tilespmem:s23], [sflag:$0x5] =	stream.linear.gather [hbm4b:s1+s3], $0x80, $0x38;
	[tilespmem:$0x18C00] =	vst v63  }
0x9f: {  	s24 =	spop (v2sf)  }
0xa0: {  	s1 =	sand.u32 $0x1FFFFFF0, s24  }
0xa1: {  	s25 =	sadd.s32 $0x8180, s0;
	s1 =	sadd.s32 s2, s1  }
0xa2: {  	[tilespmem:s25], [sflag:$0x5] =	stream.linear.gather [hbm4b:s1+s3], $0x80, $0x38;
	[tilespmem:$0x18C00] =	vst v63  }
0xa3: {  	s28 =	simm.s32 $0x0;
	s29 =	rddreg [dreg:$0x8];
	s30 =	simm.s32 $0x17A00  }
0xa4: {  	[tilespmem:s30], [sflag:$0x3] =	stream.linear.gather [hbm4b:s29+s28], $0x800, $0x38;
	[tilespmem:$0x18C00] =	vst v63  }
0xa5: {  	s0 =	simm.s32 $0x10;
	s31 =	simm.s32 $0x150  }
0xa6: {  	[tilespmem:s21], [sflag:$0x2] =	stream.indirect.gather [hbm4b:s2+s0], $0x80, s31, s0, $0xb8;
	[tilespmem:$0x18C00] =	vst v63  }
0xa7: {  	s4 =	simm.s32 $0x160;
	s5 =	simm.s32 $0xDA00  }
0xa8: {  	[tilespmem:s5], [sflag:$0x2] =	stream.indirect.gather [hbm4b:s2+s0], $0x80, s4, s0, $0xb8;
	[tilespmem:$0x18C00] =	vst v63  }
0xa9: {  	s9 =	simm.s32 $0x170;
	s10 =	simm.s32 $0xE200  }
0xaa: {  	[tilespmem:s10], [sflag:$0x2] =	stream.indirect.gather [hbm4b:s2+s0], $0x80, s9, s0, $0xb8;
	[tilespmem:$0x18C00] =	vst v63  }
0xab: {  	s11 =	simm.s32 $0x180;
	s12 =	simm.s32 $0xEA00  }
0xac: {  	[tilespmem:s12], [sflag:$0x2] =	stream.indirect.gather [hbm4b:s2+s0], $0x80, s11, s0, $0xb8;
	[tilespmem:$0x18C00] =	vst v63  }
0xad: {  	s17 =	simm.s32 $0x190;
	s18 =	simm.s32 $0xF200  }
0xae: {  	[tilespmem:s18], [sflag:$0x2] =	stream.indirect.gather [hbm4b:s2+s0], $0x80, s17, s0, $0xb8;
	[tilespmem:$0x18C00] =	vst v63  }
0xaf: {  	s19 =	simm.s32 $0x1A0;
	s20 =	simm.s32 $0xFA00  }
0xb0: {  	[tilespmem:s20], [sflag:$0x2] =	stream.indirect.gather [hbm4b:s2+s0], $0x80, s19, s0, $0xb8;
	[tilespmem:$0x18C00] =	vst v63  }
0xb1: {  	s22 =	simm.s32 $0x1B0;
	s23 =	simm.s32 $0x10200  }
0xb2: {  	[tilespmem:s23], [sflag:$0x2] =	stream.indirect.gather [hbm4b:s2+s0], $0x80, s22, s0, $0xb8;
	[tilespmem:$0x18C00] =	vst v63  }
0xb3: {  	s24 =	simm.s32 $0x1C0;
	s25 =	simm.s32 $0x10A00  }
0xb4: {  	[tilespmem:s25], [sflag:$0x2] =	stream.indirect.gather [hbm4b:s2+s0], $0x80, s24, s0, $0xb8;
	[tilespmem:$0x18C00] =	vst v63  }
0xb5: {  	s28 =	simm.s32 $0x1D0;
	s29 =	simm.s32 $0x11200  }
0xb6: {  	[tilespmem:s29], [sflag:$0x2] =	stream.indirect.gather [hbm4b:s2+s0], $0x80, s28, s0, $0xb8;
	[tilespmem:$0x18C00] =	vst v63  }
0xb7: {  	s30 =	simm.s32 $0x1E0;
	s31 =	simm.s32 $0x11A00;
	s17 =	simm.s32 $0x1F0  }
0xb8: {  	[tilespmem:s31], [sflag:$0x2] =	stream.indirect.gather [hbm4b:s2+s0], $0x80, s30, s0, $0xb8;
	[tilespmem:$0x18C00] =	vst v63  }
0xb9: {  	v21 =	vld [tilespmem:s17+$0x0];
	_ =	sdelay $0x4  }
0xba: {  	v21 =	vshll.u32 v21, $0x4  }
0xbb: {  	(v2sf) =	vpush v21, $0x0  }
0xbc: {  	(v2sf) =	vpush v21, $0x1  }
0xbd: {  	(v2sf) =	vpush v21, $0x2;
	_ =	sdelay $0x1  }
0xbe: {  	(v2sf) =	vpush v21, $0x4;
	_ =	sdelay $0x1  }
0xbf: {  	(v2sf) =	vpush v21, $0x3  }
0xc0: {  	(v2sf) =	vpush v21, $0x5  }
0xc1: {  	s1 =	simm.s32 $0x2000;
	s0 =	simm.s32 $0x0;
	(v2sf) =	vpush v21, $0x6  }
.LBB2_4:
0xc2: {  	p0 =	sne.s32 s1, $0x14000  }
0xc3: {  	s5 =	sadd.s32 $0x12280, s0;
	s9 =	sadd.s32 $0x12780, s0;
	s10 =	smov.u32 s1  }
0xc4: {  	s1 =	sadd.s32 $0x2000, s1;
	s22 =	sadd.s32 $0x12580, s0;
	s11 =	sadd.s32 $0x12800, s0;
	(v2sf) =	vpush v21, $0x7  }
0xc5: {  	s18 =	sadd.s32 $0x12480, s0;
	s4 =	sadd.s32 $0x12600, s0;
	s19 =	sadd.s32 $0x12880, s0  }
0xc6: {  	s20 =	sadd.s32 $0x12200, s0;
	s24 =	sadd.s32 $0x12400, s0;
	(v2sf) =	vpush v21, $0x8  }
0xc7: {  	s25 =	sadd.s32 $0x12500, s0;
	s17 =	sadd.s32 $0x10, s17  }
0xc8: {  	s28 =	sadd.s32 $0x12300, s0;
	s12 =	sadd.s32 $0x12700, s0;
	s23 =	spop (v2sf);
	(v2sf) =	vpush v21, $0x9  }
0xc9: {  	s29 =	sand.u32 $0x1FFFFFF0, s23;
	s23 =	sadd.s32 $0x12680, s0;
	s30 =	spop (v2sf)  }
0xca: {  	s29 =	sadd.s32 s2, s29;
	s30 =	sand.u32 $0x1FFFFFF0, s30;
	s31 =	spop (v2sf);
	(v2sf) =	vpush v21, $0xA  }
0xcb: {  	[tilespmem:s20], [sflag:$0x6] =	stream.linear.gather [hbm4b:s29+s3], $0x80, $0x38;
	[tilespmem:$0x18C00] =	vst v63  }
0xcc: {  	s20 =	sadd.s32 s2, s30;
	s29 =	sadd.s32 $0x12380, s0;
	s30 =	spop (v2sf);
	(v2sf) =	vpush v21, $0xB  }
0xcd: {  	[tilespmem:s5], [sflag:$0x6] =	stream.linear.gather [hbm4b:s20+s3], $0x80, $0x38;
	[tilespmem:$0x18C00] =	vst v63  }
0xce: {  	s5 =	sand.u32 $0x1FFFFFF0, s31;
	s20 =	sand.u32 $0x1FFFFFF0, s30;
	s30 =	spop (v2sf);
	(v2sf) =	vpush v21, $0xC  }
0xcf: {  	s5 =	sadd.s32 s2, s5;
	s30 =	sand.u32 $0x1FFFFFF0, s30;
	s31 =	spop (v2sf)  }
0xd0: {  	[tilespmem:s28], [sflag:$0x6] =	stream.linear.gather [hbm4b:s5+s3], $0x80, $0x38;
	(v2sf) =	vpush v21, $0xD;
	[tilespmem:$0x18C00] =	vst v63  }
0xd1: {  	s5 =	sadd.s32 s2, s30;
	s28 =	sand.u32 $0x1FFFFFF0, s31;
	s30 =	spop (v2sf)  }
0xd2: {  	[tilespmem:s29], [sflag:$0x6] =	stream.linear.gather [hbm4b:s5+s3], $0x80, $0x38;
	(v2sf) =	vpush v21, $0xE;
	[tilespmem:$0x18C00] =	vst v63  }
0xd3: {  	s5 =	sadd.s32 s2, s20;
	s20 =	sand.u32 $0x1FFFFFF0, s30;
	s29 =	spop (v2sf)  }
0xd4: {  	[tilespmem:s24], [sflag:$0x6] =	stream.linear.gather [hbm4b:s5+s3], $0x80, $0x38;
	(v2sf) =	vpush v21, $0xF;
	[tilespmem:$0x18C00] =	vst v63  }
0xd5: {  	s5 =	sadd.s32 s2, s28;
	s24 =	sand.u32 $0x1FFFFFF0, s29;
	s28 =	spop (v2sf)  }
0xd6: {  	[tilespmem:s18], [sflag:$0x6] =	stream.linear.gather [hbm4b:s5+s3], $0x80, $0x38;
	[tilespmem:$0x18C00] =	vst v63  }
0xd7: {  	s5 =	sadd.s32 s2, s20;
	s18 =	sand.u32 $0x1FFFFFF0, s28;
	s20 =	spop (v2sf)  }
0xd8: {  	[tilespmem:s25], [sflag:$0x6] =	stream.linear.gather [hbm4b:s5+s3], $0x80, $0x38;
	[tilespmem:$0x18C00] =	vst v63  }
0xd9: {  	s5 =	sadd.s32 s2, s24;
	s20 =	sand.u32 $0x1FFFFFF0, s20;
	s24 =	spop (v2sf)  }
0xda: {  	[tilespmem:s22], [sflag:$0x6] =	stream.linear.gather [hbm4b:s5+s3], $0x80, $0x38;
	[tilespmem:$0x18C00] =	vst v63  }
0xdb: {  	s5 =	sadd.s32 s2, s18;
	s18 =	sand.u32 $0x1FFFFFF0, s24;
	s22 =	spop (v2sf)  }
0xdc: {  	[tilespmem:s4], [sflag:$0x6] =	stream.linear.gather [hbm4b:s5+s3], $0x80, $0x38;
	[tilespmem:$0x18C00] =	vst v63  }
0xdd: {  	s4 =	sadd.s32 s2, s20;
	s5 =	sand.u32 $0x1FFFFFF0, s22;
	s20 =	spop (v2sf)  }
0xde: {  	[tilespmem:s23], [sflag:$0x6] =	stream.linear.gather [hbm4b:s4+s3], $0x80, $0x38;
	[tilespmem:$0x18C00] =	vst v63  }
0xdf: {  	s4 =	sadd.s32 s2, s18;
	s18 =	sand.u32 $0x1FFFFFF0, s20;
	s20 =	spop (v2sf)  }
0xe0: {  	[tilespmem:s12], [sflag:$0x6] =	stream.linear.gather [hbm4b:s4+s3], $0x80, $0x38;
	[tilespmem:$0x18C00] =	vst v63  }
0xe1: {  	s4 =	sadd.s32 s2, s5;
	s5 =	sand.u32 $0x1FFFFFF0, s20;
	s12 =	spop (v2sf)  }
0xe2: {  	[tilespmem:s9], [sflag:$0x6] =	stream.linear.gather [hbm4b:s4+s3], $0x80, $0x38;
	[tilespmem:$0x18C00] =	vst v63  }
0xe3: {  	s4 =	sadd.s32 s2, s18;
	s9 =	sand.u32 $0x1FFFFFF0, s12;
	s12 =	spop (v2sf)  }
0xe4: {  	[tilespmem:s11], [sflag:$0x6] =	stream.linear.gather [hbm4b:s4+s3], $0x80, $0x38;
	[tilespmem:$0x18C00] =	vst v63  }
0xe5: {  	s4 =	sadd.s32 s2, s5;
	s5 =	sand.u32 $0x1FFFFFF0, s12  }
0xe6: {  	[tilespmem:s19], [sflag:$0x6] =	stream.linear.gather [hbm4b:s4+s3], $0x80, $0x38;
	[tilespmem:$0x18C00] =	vst v63  }
0xe7: {  	s9 =	sadd.s32 s2, s9;
	s4 =	sadd.s32 $0x12900, s0  }
0xe8: {  	[tilespmem:s4], [sflag:$0x6] =	stream.linear.gather [hbm4b:s9+s3], $0x80, $0x38;
	[tilespmem:$0x18C00] =	vst v63  }
0xe9: {  	s0 =	sadd.s32 $0x12980, s0;
	s4 =	sadd.s32 s2, s5  }
0xea: {  	[tilespmem:s0], [sflag:$0x6] =	stream.linear.gather [hbm4b:s4+s3], $0x80, $0x38;
	[tilespmem:$0x18C00] =	vst v63  }
0xeb: {  	v21 =	vld [tilespmem:s17+$0x0];
	_ =	sdelay $0x4  }
0xec: {  	v21 =	vshll.u32 v21, $0x4  }
0xed: {  	(v2sf) =	vpush v21, $0x0  }
0xee: {  	(v2sf) =	vpush v21, $0x1  }
0xef: {  	(v2sf) =	vpush v21, $0x2;
	_ =	sdelay $0x1  }
0xf0: {  	(v2sf) =	vpush v21, $0x4  }
.Ltmp3:
0xf1: {  	(pc) =	sbr.rel @p0 .LBB2_4-.Ltmp3, $3  }
0xf2: {  	(v2sf) =	vpush v21, $0x3  }
0xf3: {  	(v2sf) =	vpush v21, $0x5;
	_ =	sdelay $0x1  }
0xf4: {  	s0 =	sshra.s32 s10, $0x2;
	(v2sf) =	vpush v21, $0x6  }
0xf5: {  	_ =	sdelay $0x1  }
0xf6: {  	s5 =	sadd.s32 $0x12280, s0;
	s9 =	sadd.s32 $0x12780, s0  }
0xf7: {  	s10 =	sadd.s32 $0x12580, s0;
	s1 =	sadd.s32 $0x12800, s0;
	(v2sf) =	vpush v21, $0x7;
	s11 =	sadd.s32 $0x12480, s0  }
0xf8: {  	s12 =	sadd.s32 $0x12600, s0;
	s4 =	sadd.s32 $0x12880, s0;
	s17 =	sadd.s32 $0x12200, s0  }
0xf9: {  	s18 =	sadd.s32 $0x12400, s0;
	s19 =	sadd.s32 $0x12500, s0;
	(v2sf) =	vpush v21, $0x8;
	s20 =	spop (v2sf)  }
0xfa: {  	s22 =	sadd.s32 $0x12300, s0;
	s20 =	sand.u32 $0x1FFFFFF0, s20;
	s23 =	spop (v2sf)  }
0xfb: {  	(v2sf) =	vpush v21, $0x9;
	s20 =	sadd.s32 s2, s20;
	s23 =	sand.u32 $0x1FFFFFF0, s23;
	s24 =	spop (v2sf)  }
0xfc: {  	[tilespmem:s17], [sflag:$0x6] =	stream.linear.gather [hbm4b:s20+s3], $0x80, $0x38;
	[tilespmem:$0x18C00] =	vst v63  }
0xfd: {  	(v2sf) =	vpush v21, $0xA;
	s25 =	sadd.s32 s2, s23;
	s29 =	sand.u32 $0x1FFFFFF0, s24;
	s28 =	spop (v2sf)  }
0xfe: {  	[tilespmem:s5], [sflag:$0x6] =	stream.linear.gather [hbm4b:s25+s3], $0x80, $0x38;
	[tilespmem:$0x18C00] =	vst v63  }
0xff: {  	s17 =	sadd.s32 $0x12700, s0;
	(v2sf) =	vpush v21, $0xB;
	s20 =	sadd.s32 s2, s29;
	s31 =	spop (v2sf)  }
0x100: {  	s5 =	sadd.s32 $0x12680, s0;
	s25 =	sadd.s32 $0x12380, s0;
	s24 =	sand.u32 $0x1FFFFFF0, s31  }
0x101: {  	(v2sf) =	vpush v21, $0xC;
	[tilespmem:s22], [sflag:$0x6] =	stream.linear.gather [hbm4b:s20+s3], $0x80, $0x38;
	[tilespmem:$0x18C00] =	vst v63  }
0x102: {  	s28 =	sand.u32 $0x1FFFFFF0, s28;
	s29 =	spop (v2sf);
	s31 =	sadd.s32 s2, s24  }
0x103: {  	(v2sf) =	vpush v21, $0xD;
	[tilespmem:s25], [sflag:$0x6] =	stream.linear.gather [hbm4b:s31+s3], $0x80, $0x38;
	[tilespmem:$0x18C00] =	vst v63  }
0x104: {  	s20 =	sadd.s32 s2, s28;
	s22 =	sand.u32 $0x1FFFFFF0, s29;
	s24 =	spop (v2sf)  }
0x105: {  	(v2sf) =	vpush v21, $0xE;
	[tilespmem:s18], [sflag:$0x6] =	stream.linear.gather [hbm4b:s20+s3], $0x80, $0x38;
	[tilespmem:$0x18C00] =	vst v63  }
0x106: {  	s22 =	sadd.s32 s2, s22;
	s25 =	sand.u32 $0x1FFFFFF0, s24;
	s28 =	spop (v2sf)  }
0x107: {  	[tilespmem:s11], [sflag:$0x6] =	stream.linear.gather [hbm4b:s22+s3], $0x80, $0x38;
	[tilespmem:$0x18C00] =	vst v63  }
0x108: {  	s29 =	sand.u32 $0x1FFFFFF0, s28;
	s31 =	spop (v2sf);
	s18 =	sadd.s32 s2, s25  }
0x109: {  	(v2sf) =	vpush v21, $0xF;
	[tilespmem:s19], [sflag:$0x6] =	stream.linear.gather [hbm4b:s18+s3], $0x80, $0x38;
	[tilespmem:$0x18C00] =	vst v63  }
0x10a: {  	s22 =	sand.u32 $0x1FFFFFF0, s31;
	s11 =	sadd.s32 s2, s29;
	s23 =	spop (v2sf)  }
0x10b: {  	[tilespmem:s10], [sflag:$0x6] =	stream.linear.gather [hbm4b:s11+s3], $0x80, $0x38;
	[tilespmem:$0x18C00] =	vst v63  }
0x10c: {  	s18 =	sadd.s32 s2, s22;
	s24 =	sand.u32 $0x1FFFFFF0, s23;
	s25 =	spop (v2sf)  }
0x10d: {  	[tilespmem:s12], [sflag:$0x6] =	stream.linear.gather [hbm4b:s18+s3], $0x80, $0x38;
	[tilespmem:$0x18C00] =	vst v63  }
0x10e: {  	s11 =	sand.u32 $0x1FFFFFF0, s25;
	s10 =	sadd.s32 s2, s24;
	s28 =	spop (v2sf)  }
0x10f: {  	[tilespmem:s5], [sflag:$0x6] =	stream.linear.gather [hbm4b:s10+s3], $0x80, $0x38;
	[tilespmem:$0x18C00] =	vst v63  }
0x110: {  	s11 =	sadd.s32 s2, s11;
	s29 =	sand.u32 $0x1FFFFFF0, s28;
	s31 =	spop (v2sf)  }
0x111: {  	[tilespmem:s17], [sflag:$0x6] =	stream.linear.gather [hbm4b:s11+s3], $0x80, $0x38;
	[tilespmem:$0x18C00] =	vst v63  }
0x112: {  	s5 =	sadd.s32 s2, s29;
	s10 =	sand.u32 $0x1FFFFFF0, s31;
	s12 =	spop (v2sf)  }
0x113: {  	[tilespmem:s9], [sflag:$0x6] =	stream.linear.gather [hbm4b:s5+s3], $0x80, $0x38;
	[tilespmem:$0x18C00] =	vst v63  }
0x114: {  	s17 =	sand.u32 $0x1FFFFFF0, s12;
	s10 =	sadd.s32 s2, s10;
	s18 =	spop (v2sf)  }
0x115: {  	[tilespmem:s1], [sflag:$0x6] =	stream.linear.gather [hbm4b:s10+s3], $0x80, $0x38;
	[tilespmem:$0x18C00] =	vst v63  }
0x116: {  	s30 =	simm.s32 $0x0;
	s19 =	sand.u32 $0x1FFFFFF0, s18;
	s5 =	sadd.s32 s2, s17  }
0x117: {  	[tilespmem:s4], [sflag:$0x6] =	stream.linear.gather [hbm4b:s5+s3], $0x80, $0x38;
	[tilespmem:$0x18C00] =	vst v63  }
0x118: {  	s23 =	sadd.s32 $0x12900, s0;
	s20 =	spop (v2sf);
	s1 =	sadd.s32 s2, s19  }
0x119: {  	[tilespmem:s23], [sflag:$0x6] =	stream.linear.gather [hbm4b:s1+s3], $0x80, $0x38;
	[tilespmem:$0x18C00] =	vst v63  }
.Ltmp4:
0x11a: {  	s24 =	sadd.s32 $0x12980, s0;
	s22 =	sand.u32 $0x1FFFFFF0, s20;
	(pc) =	sbr.rel .LBB2_6-.Ltmp4, $4  }
0x11b: {  	s28 =	simm.s32 $0x0;
	s29 =	rddreg [dreg:$0xa];
	s25 =	sadd.s32 s2, s22  }
0x11c: {  	[tilespmem:s24], [sflag:$0x6] =	stream.linear.gather [hbm4b:s25+s3], $0x80, $0x38;
	[tilespmem:$0x18C00] =	vst v63  }
0x11d: {  	s31 =	simm.s32 $0x18200;
	s10 =	simm.s32 $0x340;
	s25 =	simm.s32 $0x490  }
0x11e: {  	[tilespmem:s31], [sflag:$0x4] =	stream.linear.gather [hbm4b:s29+s28], $0x800, $0x38;
	[tilespmem:$0x18C00] =	vst v63  }
.LBB2_18:
0x11f: {  	[tilespmem:$0x18A00] =	vst v22  }
0x120: {  	[tilespmem:$0x18A80] =	vst v23  }
0x121: {  	[tilespmem:$0x18A90] =	vst v24  }
0x122: {  	[tilespmem:$0x18AA0] =	vst v25  }
0x123: {  	[tilespmem:$0x18AB0] =	vst v26  }
0x124: {  	[tilespmem:$0x18AC0] =	vst v27  }
0x125: {  	[tilespmem:$0x18AD0] =	vst v28  }
0x126: {  	[tilespmem:$0x18AE0] =	vst v29  }
0x127: {  	[tilespmem:$0x18AF0] =	vst v30  }
0x128: {  	[tilespmem:$0x18B00] =	vst v31  }
0x129: {  	[tilespmem:$0x18B10] =	vst v32  }
0x12a: {  	[tilespmem:$0x18B20] =	vst v33  }
0x12b: {  	[tilespmem:$0x18B30] =	vst v34  }
0x12c: {  	[tilespmem:$0x18B40] =	vst v36  }
0x12d: {  	[tilespmem:$0x18B50] =	vst v40  }
0x12e: {  	[tilespmem:$0x18B60] =	vst v41  }
0x12f: {  	s0 =	sor.u32 $0x1, s19;
	[tilespmem:$0x18B70] =	vst v38  }
0x130: {  	[tilespmem:$0x18B80] =	vst v39;
	s1 =	sshll.u32 s0, $0x4  }
0x131: {  	[tilespmem:$0x18B90] =	vst v37;
	s1 =	sadd.s32 s7, s1  }
0x132: {  	[tilespmem:$0x18BA0] =	vst v35;
	s1 =	sshrl.u32 s1, $0x3  }
0x133: {  	[tilespmem:$0x18BB0] =	vst v21;
	s4 =	simm.s32 $0x18A00;
	s0 =	sadd.s32 s13, s0;
	s1 =	sadd.s32 s6, s1  }
0x134: {  	[hbm4b:s1+s3] =	stream.linear.scatter [tilespmem:s4], [sflag:$0x7], $0x10, $0x38;
	[tilespmem:$0x18C00] =	vst v63  }
0x135: {  	s30 =	sadd.s32 $0x1, s30;
	s0 =	smul.u32 $0x28, s0;
	_ =	swait.ge [sflag:s14], $0x10  }
0x136: {  	s31 =	simm.s32 $0x18A80;
	p0 =	sne.s32 s30, $0x10;
	[sflag:s14] =	ssyncset.done $0x0  }
.Ltmp5:
0x137: {  	s0 =	sadd.s32 s8, s0;
	[sflag:s14] =	ssyncadd.s32 $0xFFFFFFF0;
	(pc) =	sbr.rel @!p0 .LBB2_19-.Ltmp5, $4  }
0x138: {  	[hbm4b:s0+s3] =	stream.linear.scatter [tilespmem:s31], [sflag:$0x7], $0x140, $0x38;
	[tilespmem:$0x18C00] =	vst v63  }
0x139: {  	_ =	swait.ge [sflag:s14], $0x140  }
0x13a: {  	[sflag:s14] =	ssyncset.done $0x0  }
0x13b: {  	s10 =	sadd.s32 $0x2A0, s10;
	s25 =	sadd.s32 $0x2A0, s25;
	[sflag:s14] =	ssyncadd.s32 $0xFFFFFEC0  }
.LBB2_6:
0x13c: {  	_ =	swait.ge [sflag:s16], $0x800  }
0x13d: {  	[sflag:s16] =	ssyncset.done $0x0  }
0x13e: {  	[sflag:s16] =	ssyncadd.s32 $0xFFFFF800  }
0x13f: {  	_ =	swait.ge [sflag:s16], $0x800  }
0x140: {  	[sflag:s16] =	ssyncset.done $0x0  }
0x141: {  	[sflag:s16] =	ssyncadd.s32 $0xFFFFF800  }
0x142: {  	_ =	swait.ge [sflag:s16], $0x800  }
0x143: {  	[sflag:s16] =	ssyncset.done $0x0  }
0x144: {  	[sflag:s16] =	ssyncadd.s32 $0xFFFFF800  }
0x145: {  	_ =	swait.ge [sflag:s16], $0x800  }
0x146: {  	[sflag:s16] =	ssyncset.done $0x0  }
0x147: {  	[sflag:s16] =	ssyncadd.s32 $0xFFFFF800  }
0x148: {  	_ =	swait.ge [sflag:s16], $0x800  }
0x149: {  	[sflag:s16] =	ssyncset.done $0x0  }
0x14a: {  	[sflag:s16] =	ssyncadd.s32 $0xFFFFF800  }
0x14b: {  	_ =	swait.ge [sflag:s16], $0x800  }
0x14c: {  	[sflag:s16] =	ssyncset.done $0x0  }
0x14d: {  	[sflag:s16] =	ssyncadd.s32 $0xFFFFF800  }
0x14e: {  	_ =	swait.ge [sflag:s16], $0x800  }
0x14f: {  	[sflag:s16] =	ssyncset.done $0x0  }
0x150: {  	[sflag:s16] =	ssyncadd.s32 $0xFFFFF800  }
0x151: {  	_ =	swait.ge [sflag:s16], $0x800  }
0x152: {  	[sflag:s16] =	ssyncset.done $0x0  }
0x153: {  	[sflag:s16] =	ssyncadd.s32 $0xFFFFF800  }
0x154: {  	_ =	swait.ge [sflag:s16], $0x800  }
0x155: {  	[sflag:s16] =	ssyncset.done $0x0  }
0x156: {  	s0 =	simm.s32 $0x0;
	[sflag:s16] =	ssyncadd.s32 $0xFFFFF800  }
0x157: {  	v21 =	vmov s0;
	_ =	swait.ge [sflag:s16], $0x800  }
0x158: {  	v21 =	vand.u32 $0x7F, v21;
	[sflag:s16] =	ssyncset.done $0x0  }
0x159: {  	s23 =	simm.s32 $0x5;
	v22 =	vbroadcast v21, $0x0;
	[sflag:s16] =	ssyncadd.s32 $0xFFFFF800  }
0x15a: {  	_ =	swait.ge [sflag:s23], $0x5800  }
0x15b: {  	v21 =	vor.u32 v13, v22;
	[sflag:s23] =	ssyncset.done $0x0  }
0x15c: {  	s24 =	simm.s32 $0x3;
	[sflag:s23] =	ssyncadd.s32 $0xFFFFA800  }
0x15d: {  	v23 =	vor.u32 v62, v22;
	_ =	swait.ge [sflag:s24], $0x800  }
0x15e: {  	v24 =	vor.u32 v63, v22;
	[sflag:s24] =	ssyncset.done $0x0  }
0x15f: {  	v25 =	vor.u32 v14, v22;
	[sflag:s24] =	ssyncadd.s32 $0xFFFFF800  }
0x160: {  	s28 =	simm.s32 $0x17A00;
	v26 =	vor.u32 v17, v22;
	v27 =	vld.idx.msk [tilespmem:v21+s15+$0x0], $0xffff  }
0x161: {  	v29 =	vor.u32 v16, v22;
	v28 =	vld [tilespmem:s28+$0x0]  }
0x162: {  	v30 =	vor.u32 v15, v22;
	v23 =	vld.idx.msk [tilespmem:v23+s15+$0x0], $0xffff  }
0x163: {  	v31 =	vor.u32 v61, v22;
	v24 =	vld.idx.msk [tilespmem:v24+s15+$0x0], $0xffff  }
0x164: {  	v32 =	vor.u32 v1, v22;
	v25 =	vld.idx.msk [tilespmem:v25+s15+$0x0], $0xffff  }
0x165: {  	v33 =	vor.u32 v2, v22;
	v26 =	vld.idx.msk [tilespmem:v26+s15+$0x0], $0xffff  }
0x166: {  	v35 =	vor.u32 v3, v22;
	v29 =	vld.idx.msk [tilespmem:v29+s15+$0x0], $0xffff  }
0x167: {  	s29 =	simm.s32 $0x1;
	v36 =	vor.u32 v4, v22;
	v30 =	vld.idx.msk [tilespmem:v30+s15+$0x0], $0xffff  }
0x168: {  	v43 =	vmov s29;
	v37 =	vor.u32 v5, v22;
	v31 =	vld.idx.msk [tilespmem:v31+s15+$0x0], $0xffff  }
0x169: {  	v43 =	vand.u32 $0x7F, v43;
	v38 =	vor.u32 v6, v22;
	v32 =	vld.idx.msk [tilespmem:v32+s15+$0x0], $0xffff  }
0x16a: {  	v43 =	vbroadcast v43, $0x0;
	v39 =	vor.u32 v7, v22;
	v33 =	vld.idx.msk [tilespmem:v33+s15+$0x0], $0xffff  }
0x16b: {  	v40 =	vor.u32 v8, v22;
	v41 =	vor.u32 v9, v22;
	v21 =	vor.u32 v19, v22;
	v35 =	vld.idx.msk [tilespmem:v35+s15+$0x0], $0xffff  }
0x16c: {  	v42 =	vor.u32 v10, v22;
	v44 =	vor.u32 v11, v22;
	v45 =	vor.u32 v13, v43;
	v36 =	vld.idx.msk [tilespmem:v36+s15+$0x0], $0xffff  }
0x16d: {  	v46 =	vor.u32 v63, v43;
	v47 =	vor.u32 v14, v43;
	v49 =	vor.u32 v17, v43;
	v37 =	vld.idx.msk [tilespmem:v37+s15+$0x0], $0xffff  }
0x16e: {  	v55 =	vor.u32 v16, v43;
	v56 =	vor.u32 v15, v43;
	v58 =	vor.u32 v61, v43;
	v38 =	vld.idx.msk [tilespmem:v38+s15+$0x0], $0xffff  }
0x16f: {  	v61 =	vor.u32 v1, v43;
	v39 =	vld.idx.msk [tilespmem:v39+s15+$0x0], $0xffff;
	v27 =	vmul.f32 v27, v28;
	v23 =	vmul.f32 v23, v28  }
0x170: {  	v50 =	vor.u32 v5, v43;
	v34 =	vld.idx.msk [tilespmem:v21+s15+$0x0], $0xffff;
	v24 =	vmul.f32 v24, v28;
	v25 =	vmul.f32 v25, v28  }
0x171: {  	v48 =	vor.u32 v7, v43;
	v40 =	vld.idx.msk [tilespmem:v40+s15+$0x0], $0xffff;
	v26 =	vmul.f32 v26, v28;
	v29 =	vmul.f32 v29, v28  }
0x172: {  	v22 =	vor.u32 v12, v22;
	v42 =	vld.idx.msk [tilespmem:v42+s15+$0x0], $0xffff;
	v33 =	vmul.f32 v33, v28;
	v35 =	vmul.f32 v35, v28  }
0x173: {  	v20 =	vmovc v63;
	v44 =	vld.idx.msk [tilespmem:v44+s15+$0x0], $0xffff;
	v21 =	vimm.f32 $0.0e+00;
	v36 =	vmul.f32 v36, v28;
	v37 =	vmul.f32 v37, v28  }
0x174: {  	v45 =	vld.idx.msk [tilespmem:v45+s15+$0x0], $0xffff;
	v63 =	vmul.f32 v39, v28;
	v60 =	vadd.f32 v26, v21;
	v26 =	vmul.f32 v30, v28  }
0x175: {  	s19 =	simm.s32 $0x17A10;
	v57 =	vld.idx.msk [tilespmem:v46+s15+$0x0], $0xffff;
	v27 =	vadd.f32 v27, v21;
	v0 =	vadd.f32 v24, v21;
	v34 =	vmul.f32 v34, v28  }
0x176: {  	v52 =	vmul.f32 v40, v28;
	v59 =	vadd.f32 v25, v21;
	v30 =	vadd.f32 v26, v21;
	v26 =	vld [tilespmem:s19+$0x0]  }
0x177: {  	v25 =	vadd.f32 v34, v21;
	v34 =	vld.idx.msk [tilespmem:v41+s15+$0x0], $0xffff;
	v41 =	vmul.f32 v31, v28;
	v31 =	vor.u32 v62, v43  }
0x178: {  	v22 =	vld.idx.msk [tilespmem:v22+s15+$0x0], $0xffff;
	v53 =	vmul.f32 v42, v28;
	v54 =	vadd.f32 v23, v21;
	v29 =	vadd.f32 v29, v21  }
0x179: {  	v24 =	vmul.f32 v32, v28;
	[tilespmem:$0x1FED0] =	vst v0;
	v0 =	vor.u32 v3, v43;
	v3 =	vld.idx.msk [tilespmem:v47+s15+$0x0], $0xffff  }
0x17a: {  	v18 =	vmov v62;
	v39 =	vadd.f32 v33, v21;
	[tilespmem:$0x1FEE0] =	vst v59;
	v47 =	vor.u32 v9, v43;
	v9 =	vld.idx.msk [tilespmem:v55+s15+$0x0], $0xffff  }
0x17b: {  	v59 =	vmul.f32 v44, v28;
	v44 =	vor.u32 v8, v43;
	v8 =	vmul.f32 v57, v26;
	v57 =	vld.idx.msk [tilespmem:v56+s15+$0x0], $0xffff  }
0x17c: {  	v23 =	vor.u32 v19, v43;
	v40 =	vadd.f32 v35, v21;
	v37 =	vadd.f32 v37, v21;
	v31 =	vld.idx.msk [tilespmem:v31+s15+$0x0], $0xffff  }
0x17d: {  	v35 =	vadd.f32 v52, v21;
	[tilespmem:$0x1FEF0] =	vst v60;
	v60 =	vor.u32 v2, v43;
	v51 =	vmul.f32 v22, v28;
	v56 =	vld [tilespmem:$0x1FEE0]  }
0x17e: {  	v2 =	vor.u32 v4, v43;
	v62 =	vmul.f32 v38, v28;
	v4 =	vmul.f32 v34, v28;
	v28 =	vld.idx.msk [tilespmem:v49+s15+$0x0], $0xffff  }
0x17f: {  	v33 =	vadd.f32 v53, v21;
	v55 =	vld [tilespmem:$0x1FED0];
	v38 =	vadd.f32 v24, v21;
	v5 =	vmul.f32 v45, v26  }
0x180: {  	v15 =	vmovc v13;
	v46 =	vor.u32 v6, v43;
	v42 =	vadd.f32 v41, v21;
	v34 =	vadd.f32 v63, v21;
	v63 =	vld [tilespmem:$0x1FEF0]  }
0x181: {  	v24 =	vmul.f32 v3, v26;
	v22 =	vmul.f32 v31, v26;
	v31 =	vadd.f32 v5, v27;
	v27 =	vld.idx.msk [tilespmem:v23+s15+$0x0], $0xffff  }
0x182: {  	s31 =	simm.s32 $0x2;
	v45 =	vor.u32 v11, v43;
	v41 =	vadd.f32 v36, v21;
	v36 =	vadd.f32 v62, v21;
	v52 =	vld.idx.msk [tilespmem:v60+s15+$0x0], $0xffff  }
0x183: {  	v16 =	vmovc v17;
	v17 =	vmovc v14;
	v53 =	vld.idx.msk [tilespmem:v0+s15+$0x0], $0xffff;
	v60 =	vmov s31;
	v24 =	vadd.f32 v24, v56;
	v28 =	vmul.f32 v28, v26  }
0x184: {  	v49 =	vor.u32 v10, v43;
	v56 =	vld.idx.msk [tilespmem:v61+s15+$0x0], $0xffff;
	v32 =	vadd.f32 v4, v21;
	v23 =	vadd.f32 v8, v55  }
0x185: {  	v43 =	vor.u32 v12, v43;
	v55 =	vld.idx.msk [tilespmem:v58+s15+$0x0], $0xffff;
	v22 =	vadd.f32 v22, v54;
	v28 =	vadd.f32 v28, v63  }
0x186: {  	s1 =	simm.s32 $0x3;
	v54 =	vld.idx.msk [tilespmem:v2+s15+$0x0], $0xffff;
	v58 =	vmul.f32 v27, v26;
	v27 =	vadd.f32 v59, v21;
	v59 =	vmul.f32 v9, v26  }
.LBB2_7:
0x187: {  	v63 =	vld.idx.msk [tilespmem:v44+s15+$0x0], $0xffff  }
0x188: {  	v3 =	vld.idx.msk [tilespmem:v47+s15+$0x0], $0xffff  }
0x189: {  	v4 =	vld [tilespmem:$0x1FFF0]  }
0x18a: {  	v5 =	vld [tilespmem:$0x1FFE0]  }
0x18b: {  	v6 =	vld [tilespmem:$0x1FF10]  }
0x18c: {  	v7 =	vld.idx.msk [tilespmem:v49+s15+$0x0], $0xffff  }
0x18d: {  	v8 =	vld [tilespmem:$0x1FFA0]  }
0x18e: {  	v9 =	vld [tilespmem:$0x1FF70]  }
0x18f: {  	v10 =	vld [tilespmem:$0x1FFB0]  }
0x190: {  	v11 =	vld.idx.msk [tilespmem:v45+s15+$0x0], $0xffff  }
0x191: {  	v13 =	vld [tilespmem:$0x1FF40]  }
0x192: {  	v12 =	vld [tilespmem:$0x1FF50]  }
0x193: {  	v60 =	vand.u32 $0x7F, v60;
	v14 =	vld [tilespmem:$0x1FF80]  }
0x194: {  	v49 =	vld [tilespmem:$0x1FF30];
	v60 =	vbroadcast v60, $0x0  }
0x195: {  	v25 =	vadd.f32 v58, v25;
	v58 =	vld.idx.msk [tilespmem:v50+s15+$0x0], $0xffff;
	v57 =	vmul.f32 v57, v26  }
0x196: {  	v62 =	vor.u32 v15, v60;
	v50 =	vor.u32 v13, v60;
	v13 =	vld [tilespmem:$0x1FFC0]  }
0x197: {  	v30 =	vadd.f32 v57, v30;
	v57 =	vld.idx.msk [tilespmem:v48+s15+$0x0], $0xffff  }
0x198: {  	v48 =	vor.u32 v14, v60;
	v14 =	vld [tilespmem:$0x1FFD0]  }
0x199: {  	v21 =	vadd.f32 v51, v21;
	v45 =	vld [tilespmem:$0x1FF60];
	v29 =	vadd.f32 v59, v29;
	v51 =	vor.u32 v18, v60  }
0x19a: {  	v59 =	vld.idx.msk [tilespmem:v46+s15+$0x0], $0xffff;
	v61 =	vor.u32 v20, v60;
	v0 =	vor.u32 v17, v60;
	v1 =	vor.u32 v16, v60  }
0x19b: {  	v2 =	vor.u32 v19, v60;
	v55 =	vmul.f32 v55, v26;
	v56 =	vmul.f32 v56, v26;
	v62 =	vld.idx.msk [tilespmem:v62+s15+$0x0], $0xffff  }
0x19c: {  	v54 =	vmul.f32 v54, v26;
	v4 =	vor.u32 v4, v60;
	v46 =	vor.u32 v13, v60;
	v13 =	vld.idx.msk [tilespmem:v43+s15+$0x0], $0xffff  }
0x19d: {  	v5 =	vor.u32 v5, v60;
	v6 =	vor.u32 v6, v60;
	v44 =	vor.u32 v14, v60;
	v14 =	vld [tilespmem:$0x1FF90]  }
0x19e: {  	v8 =	vor.u32 v8, v60;
	v9 =	vor.u32 v9, v60;
	v10 =	vor.u32 v10, v60;
	v43 =	vld [tilespmem:$0x1FF20]  }
0x19f: {  	v12 =	vor.u32 v12, v60;
	v49 =	vor.u32 v49, v60;
	v3 =	vmul.f32 v3, v26;
	v0 =	vld.idx.msk [tilespmem:v0+s15+$0x0], $0xffff  }
0x1a0: {  	v45 =	vor.u32 v45, v60;
	v7 =	vmul.f32 v7, v26;
	v11 =	vmul.f32 v11, v26;
	v1 =	vld.idx.msk [tilespmem:v1+s15+$0x0], $0xffff  }
0x1a1: {  	s19 =	sadd.s32 $0x10, s19;
	v42 =	vadd.f32 v55, v42;
	v38 =	vadd.f32 v56, v38;
	v55 =	vmul.f32 v58, v26;
	v2 =	vld.idx.msk [tilespmem:v2+s15+$0x0], $0xffff  }
0x1a2: {  	v56 =	vmul.f32 v59, v26;
	v41 =	vadd.f32 v54, v41;
	v47 =	vor.u32 v14, v60;
	v14 =	vld [tilespmem:s19+$0x0]  }
0x1a3: {  	v32 =	vadd.f32 v3, v32;
	v58 =	vmul.f32 v57, v26;
	v43 =	vor.u32 v43, v60;
	v60 =	vld.idx.msk [tilespmem:v51+s15+$0x0], $0xffff  }
0x1a4: {  	v33 =	vadd.f32 v7, v33;
	v51 =	vmul.f32 v52, v26;
	v52 =	vmul.f32 v53, v26;
	v53 =	vld.idx.msk [tilespmem:v61+s15+$0x0], $0xffff  }
0x1a5: {  	v27 =	vadd.f32 v11, v27;
	v37 =	vadd.f32 v55, v37;
	v4 =	vld.idx.msk [tilespmem:v4+s15+$0x0], $0xffff  }
0x1a6: {  	v36 =	vadd.f32 v56, v36;
	v55 =	vld.idx.msk [tilespmem:v6+s15+$0x0], $0xffff;
	v34 =	vadd.f32 v58, v34  }
0x1a7: {  	p0 =	sne.s32 s1, $0x7F;
	v56 =	vld.idx.msk [tilespmem:v8+s15+$0x0], $0xffff;
	v61 =	vmul.f32 v63, v26;
	v39 =	vadd.f32 v51, v39;
	v51 =	vmul.f32 v13, v26  }
.Ltmp6:
0x1a8: {  	v54 =	vld.idx.msk [tilespmem:v12+s15+$0x0], $0xffff;
	v40 =	vadd.f32 v52, v40;
	v62 =	vmul.f32 v62, v14;
	v13 =	vmul.f32 v60, v14;
	(pc) =	sbr.rel @p0 .LBB2_7-.Ltmp6, $4  }
0x1a9: {  	v57 =	vld.idx.msk [tilespmem:v5+s15+$0x0], $0xffff;
	v35 =	vadd.f32 v61, v35;
	v63 =	vmul.f32 v53, v14;
	v0 =	vmul.f32 v0, v14  }
0x1aa: {  	v52 =	vld.idx.msk [tilespmem:v9+s15+$0x0], $0xffff;
	v1 =	vmul.f32 v1, v14;
	v58 =	vmul.f32 v2, v14;
	v31 =	vadd.f32 v62, v31  }
0x1ab: {  	v53 =	vld.idx.msk [tilespmem:v10+s15+$0x0], $0xffff;
	v60 =	vmov s1;
	v22 =	vadd.f32 v13, v22;
	v23 =	vadd.f32 v63, v23  }
0x1ac: {  	s1 =	sadd.s32 $0x1, s1;
	v59 =	vmul.f32 v4, v14;
	v26 =	vmovc v14;
	v24 =	vadd.f32 v0, v24;
	v28 =	vadd.f32 v1, v28  }
0x1ad: {  	_ =	sdelay $0x3  }
0x1ae: {  	v1 =	vld.idx.msk [tilespmem:v50+s15+$0x0], $0xffff  }
0x1af: {  	v2 =	vld.idx.msk [tilespmem:v46+s15+$0x0], $0xffff  }
0x1b0: {  	v3 =	vld.idx.msk [tilespmem:v48+s15+$0x0], $0xffff  }
0x1b1: {  	v5 =	vld.idx.msk [tilespmem:v44+s15+$0x0], $0xffff  }
0x1b2: {  	v6 =	vld.idx.msk [tilespmem:v47+s15+$0x0], $0xffff  }
0x1b3: {  	v9 =	vld.idx.msk [tilespmem:v49+s15+$0x0], $0xffff  }
0x1b4: {  	v13 =	vld.idx.msk [tilespmem:v45+s15+$0x0], $0xffff  }
0x1b5: {  	v0 =	vand.u32 $0x7F, v60;
	v43 =	vld.idx.msk [tilespmem:v43+s15+$0x0], $0xffff  }
0x1b6: {  	v14 =	vmul.f32 v55, v26;
	s0 =	sadd.s32 $0x10, s19;
	v55 =	vld [tilespmem:$0x1FFB0];
	v0 =	vbroadcast v0, $0x0  }
0x1b7: {  	v44 =	vld [tilespmem:s0+$0x0]  }
0x1b8: {  	v60 =	vmovc v15;
	v10 =	vadd.f32 v58, v25;
	v7 =	vmul.f32 v57, v26;
	v4 =	vor.u32 v15, v0;
	v15 =	vld [tilespmem:$0x1FFF0]  }
0x1b9: {  	v11 =	vadd.f32 v59, v29;
	v29 =	vmul.f32 v56, v26;
	v25 =	vor.u32 v17, v0;
	v17 =	vld [tilespmem:$0x1FFA0]  }
0x1ba: {  	v56 =	vmovc v16;
	v7 =	vadd.f32 v7, v30;
	v30 =	vadd.f32 v51, v21;
	v21 =	vor.u32 v16, v0;
	v16 =	vld [tilespmem:$0x1FF70]  }
0x1bb: {  	v62 =	vmov v18;
	v8 =	vor.u32 v18, v0;
	v18 =	vld [tilespmem:$0x1FFC0]  }
0x1bc: {  	v50 =	vmov v19;
	v58 =	vmul.f32 v52, v26;
	v57 =	vor.u32 v19, v0;
	v19 =	vld [tilespmem:$0x1FF80]  }
0x1bd: {  	v63 =	vmovc v20;
	v12 =	vor.u32 v20, v0;
	v61 =	vmul.f32 v53, v26;
	v53 =	vmul.f32 v54, v26;
	v20 =	vld [tilespmem:$0x1FFD0]  }
0x1be: {  	v39 =	vadd.f32 v58, v39;
	v58 =	vld [tilespmem:$0x1FF60]  }
0x1bf: {  	v41 =	vadd.f32 v53, v41;
	v53 =	vld [tilespmem:$0x1FF20]  }
0x1c0: {  	v51 =	vmov v15;
	v59 =	vor.u32 v15, v0;
	v15 =	vld [tilespmem:$0x1FFE0]  }
0x1c1: {  	v4 =	vld.idx.msk [tilespmem:v4+s15+$0x0], $0xffff  }
0x1c2: {  	v8 =	vld.idx.msk [tilespmem:v8+s15+$0x0], $0xffff  }
0x1c3: {  	v12 =	vld.idx.msk [tilespmem:v12+s15+$0x0], $0xffff  }
0x1c4: {  	v25 =	vld.idx.msk [tilespmem:v25+s15+$0x0], $0xffff  }
0x1c5: {  	v38 =	vadd.f32 v29, v38;
	v52 =	vmov v15;
	v29 =	vor.u32 v15, v0;
	v15 =	vld [tilespmem:$0x1FF10]  }
0x1c6: {  	v54 =	vor.u32 v55, v0;
	v49 =	vld.idx.msk [tilespmem:v21+s15+$0x0], $0xffff  }
0x1c7: {  	v3 =	vmul.f32 v3, v26;
	v45 =	vld.idx.msk [tilespmem:v57+s15+$0x0], $0xffff  }
0x1c8: {  	v46 =	vld.idx.msk [tilespmem:v59+s15+$0x0], $0xffff  }
0x1c9: {  	v1 =	vmul.f32 v1, v26;
	v3 =	vadd.f32 v3, v34;
	v34 =	vor.u32 v18, v0;
	v59 =	vld [tilespmem:$0x1FF50]  }
0x1ca: {  	v14 =	vadd.f32 v14, v42;
	v48 =	vor.u32 v16, v0;
	v42 =	vor.u32 v15, v0;
	v15 =	vld [tilespmem:$0x1FF40]  }
0x1cb: {  	v2 =	vmul.f32 v2, v26;
	v5 =	vmul.f32 v5, v26;
	v1 =	vadd.f32 v1, v37;
	v37 =	vld.idx.msk [tilespmem:v54+s15+$0x0], $0xffff  }
0x1cc: {  	v40 =	vadd.f32 v61, v40;
	v6 =	vmul.f32 v6, v26;
	v9 =	vmul.f32 v9, v26;
	v54 =	vld [tilespmem:$0x1FF90]  }
0x1cd: {  	v47 =	vor.u32 v17, v0;
	v57 =	vld [tilespmem:$0x1FF30];
	v4 =	vmul.f32 v4, v44;
	v8 =	vmul.f32 v8, v44  }
0x1ce: {  	v13 =	vmul.f32 v13, v26;
	v2 =	vadd.f32 v2, v36;
	v34 =	vld.idx.msk [tilespmem:v34+s15+$0x0], $0xffff;
	v61 =	vor.u32 v59, v0  }
0x1cf: {  	v21 =	vadd.f32 v4, v31;
	v22 =	vadd.f32 v8, v22;
	v8 =	vld.idx.msk [tilespmem:v48+s15+$0x0], $0xffff;
	v31 =	vor.u32 v15, v0  }
0x1d0: {  	v5 =	vadd.f32 v5, v35;
	v6 =	vadd.f32 v6, v32;
	v35 =	vor.u32 v19, v0;
	v29 =	vld.idx.msk [tilespmem:v29+s15+$0x0], $0xffff  }
0x1d1: {  	v9 =	vadd.f32 v9, v33;
	v25 =	vmul.f32 v25, v44;
	v48 =	vor.u32 v54, v0;
	v36 =	vld.idx.msk [tilespmem:v42+s15+$0x0], $0xffff  }
0x1d2: {  	v13 =	vadd.f32 v13, v27;
	v12 =	vmul.f32 v12, v44;
	v42 =	vld.idx.msk [tilespmem:v47+s15+$0x0], $0xffff;
	v47 =	vor.u32 v20, v0  }
0x1d3: {  	v24 =	vadd.f32 v25, v24;
	v25 =	vmul.f32 v49, v44;
	v4 =	vld.idx.msk [tilespmem:v61+s15+$0x0], $0xffff;
	v61 =	vor.u32 v57, v0  }
0x1d4: {  	v45 =	vmul.f32 v45, v44;
	v37 =	vmul.f32 v37, v44;
	v33 =	vld.idx.msk [tilespmem:v31+s15+$0x0], $0xffff;
	v31 =	vor.u32 v58, v0  }
0x1d5: {  	v35 =	vld.idx.msk [tilespmem:v35+s15+$0x0], $0xffff;
	v25 =	vadd.f32 v25, v28;
	v46 =	vmul.f32 v46, v44;
	v0 =	vor.u32 v53, v0  }
0x1d6: {  	v28 =	vmul.f32 v29, v44;
	v29 =	vmul.f32 v43, v26;
	v26 =	vadd.f32 v45, v10;
	v10 =	vld.idx.msk [tilespmem:v48+s15+$0x0], $0xffff  }
0x1d7: {  	v23 =	vadd.f32 v12, v23;
	v32 =	vadd.f32 v37, v40;
	v47 =	vld.idx.msk [tilespmem:v47+s15+$0x0], $0xffff  }
0x1d8: {  	v27 =	vadd.f32 v46, v11;
	v8 =	vmul.f32 v8, v44;
	v46 =	vmul.f32 v36, v44;
	v49 =	vld.idx.msk [tilespmem:v61+s15+$0x0], $0xffff  }
0x1d9: {  	v45 =	vmul.f32 v34, v44;
	v28 =	vadd.f32 v28, v7;
	v48 =	vmul.f32 v42, v44;
	v61 =	vld.idx.msk [tilespmem:v31+s15+$0x0], $0xffff  }
0x1da: {  	v36 =	vadd.f32 v29, v30;
	v29 =	vadd.f32 v46, v14;
	v46 =	vmul.f32 v35, v44;
	v0 =	vld.idx.msk [tilespmem:v0+s15+$0x0], $0xffff  }
0x1db: {  	v4 =	vmul.f32 v4, v44;
	v30 =	vadd.f32 v48, v38;
	v48 =	vmul.f32 v10, v44  }
0x1dc: {  	p0 =	seq.s32 s30, $0xF;
	v35 =	vadd.f32 v45, v2;
	v37 =	vadd.f32 v46, v3;
	v47 =	vmul.f32 v47, v44  }
.Ltmp7:
0x1dd: {  	v31 =	vadd.f32 v8, v39;
	v43 =	vmul.f32 v33, v44;
	v49 =	vmul.f32 v49, v44;
	(pc) =	sbr.rel @p0 .LBB2_12-.Ltmp7, $4  }
0x1de: {  	v33 =	vadd.f32 v4, v41;
	v39 =	vadd.f32 v48, v6  }
0x1df: {  	v45 =	vmovc v16;
	v34 =	vadd.f32 v43, v1;
	v61 =	vmul.f32 v61, v44;
	v0 =	vmul.f32 v0, v44  }
0x1e0: {  	v46 =	vmovc v15;
	v48 =	vmovc v19;
	v38 =	vadd.f32 v47, v5;
	v40 =	vadd.f32 v49, v9;
	v47 =	vmov v18  }
0x1e1: {  	s19 =	sshll.u32 s30, $0x1;
	v49 =	vmovc v20;
	v44 =	vmovc v17;
	v17 =	vmov v60;
	v41 =	vadd.f32 v61, v13;
	v36 =	vadd.f32 v0, v36  }
0x1e2: {  	s28 =	sadd.s32 $0x2, s19  }
0x1e3: {  	s0 =	smul.u32 $0x540, s28;
	_ =	sdelay $0x1  }
0x1e4: {  	s4 =	simm.s32 $0x10;
	s0 =	sshra.s32 s0, $0x2  }
0x1e5: {  	[tilespmem:s15], [sflag:$0x1] =	stream.indirect.gather [hbm4b:s2+s4], $0x80, s0, s4, $0xb8;
	[tilespmem:$0x18C00] =	vst v63  }
0x1e6: {  	s5 =	simm.s32 $0x3200;
	s1 =	sadd.s32 $0x10, s0  }
0x1e7: {  	[tilespmem:s5], [sflag:$0x1] =	stream.indirect.gather [hbm4b:s2+s4], $0x80, s1, s4, $0xb8;
	[tilespmem:$0x18C00] =	vst v63  }
0x1e8: {  	s8 =	simm.s32 $0x3A00;
	s7 =	sadd.s32 $0x20, s0  }
0x1e9: {  	[tilespmem:s8], [sflag:$0x1] =	stream.indirect.gather [hbm4b:s2+s4], $0x80, s7, s4, $0xb8;
	[tilespmem:$0x18C00] =	vst v63  }
0x1ea: {  	s11 =	simm.s32 $0x4200;
	s9 =	sadd.s32 $0x30, s0  }
0x1eb: {  	[tilespmem:s11], [sflag:$0x1] =	stream.indirect.gather [hbm4b:s2+s4], $0x80, s9, s4, $0xb8;
	[tilespmem:$0x18C00] =	vst v63  }
0x1ec: {  	s13 =	simm.s32 $0x4A00;
	s12 =	sadd.s32 $0x40, s0  }
0x1ed: {  	[tilespmem:s13], [sflag:$0x1] =	stream.indirect.gather [hbm4b:s2+s4], $0x80, s12, s4, $0xb8;
	[tilespmem:$0x18C00] =	vst v63  }
0x1ee: {  	s17 =	simm.s32 $0x5200;
	s14 =	sadd.s32 $0x50, s0  }
0x1ef: {  	[tilespmem:s17], [sflag:$0x1] =	stream.indirect.gather [hbm4b:s2+s4], $0x80, s14, s4, $0xb8;
	[tilespmem:$0x18C00] =	vst v63  }
0x1f0: {  	s20 =	simm.s32 $0x5A00;
	s18 =	sadd.s32 $0x60, s0  }
0x1f1: {  	[tilespmem:s20], [sflag:$0x1] =	stream.indirect.gather [hbm4b:s2+s4], $0x80, s18, s4, $0xb8;
	[tilespmem:$0x18C00] =	vst v63  }
0x1f2: {  	s23 =	simm.s32 $0x6200;
	s22 =	sadd.s32 $0x70, s0  }
0x1f3: {  	[tilespmem:s23], [sflag:$0x1] =	stream.indirect.gather [hbm4b:s2+s4], $0x80, s22, s4, $0xb8;
	[tilespmem:$0x18C00] =	vst v63  }
0x1f4: {  	s29 =	simm.s32 $0x6A00;
	s24 =	sadd.s32 $0x80, s0  }
0x1f5: {  	[tilespmem:s29], [sflag:$0x1] =	stream.indirect.gather [hbm4b:s2+s4], $0x80, s24, s4, $0xb8;
	[tilespmem:$0x18C00] =	vst v63  }
0x1f6: {  	s31 =	simm.s32 $0x7200;
	s0 =	sadd.s32 $0x90, s0  }
0x1f7: {  	[tilespmem:s31], [sflag:$0x1] =	stream.indirect.gather [hbm4b:s2+s4], $0x80, s0, s4, $0xb8;
	[tilespmem:$0x18C00] =	vst v63  }
0x1f8: {  	v0 =	vld [tilespmem:s10+$0x0];
	_ =	sdelay $0x4  }
0x1f9: {  	v42 =	vshll.u32 v0, $0x4  }
0x1fa: {  	(v2sf) =	vpush v42, $0x0  }
0x1fb: {  	(v2sf) =	vpush v42, $0x1  }
0x1fc: {  	(v2sf) =	vpush v42, $0x2;
	_ =	sdelay $0x1  }
0x1fd: {  	(v2sf) =	vpush v42, $0x4;
	_ =	sdelay $0x1  }
0x1fe: {  	(v2sf) =	vpush v42, $0x3  }
0x1ff: {  	(v2sf) =	vpush v42, $0x5  }
0x200: {  	s1 =	simm.s32 $0x2000;
	s17 =	smov.u32 s10;
	s23 =	simm.s32 $0x0;
	(v2sf) =	vpush v42, $0x6  }
.LBB2_10:
0x201: {  	p1 =	sne.s32 s1, $0x14000  }
0x202: {  	s5 =	sadd.s32 $0x7A80, s23;
	s0 =	sadd.s32 $0x7F80, s23;
	s11 =	smov.u32 s1  }
0x203: {  	s1 =	sadd.s32 $0x2000, s1;
	s24 =	sadd.s32 $0x7D80, s23;
	s12 =	sadd.s32 $0x8000, s23;
	(v2sf) =	vpush v42, $0x7  }
0x204: {  	s20 =	sadd.s32 $0x7C80, s23;
	s22 =	sadd.s32 $0x7E00, s23;
	s9 =	sadd.s32 $0x8080, s23  }
0x205: {  	s29 =	sadd.s32 $0x7A00, s23;
	s31 =	sadd.s32 $0x7C00, s23;
	(v2sf) =	vpush v42, $0x8  }
0x206: {  	s6 =	sadd.s32 $0x7D00, s23;
	s17 =	sadd.s32 $0x10, s17  }
0x207: {  	s7 =	sadd.s32 $0x7B00, s23;
	s4 =	sadd.s32 $0x7F00, s23;
	s18 =	spop (v2sf);
	(v2sf) =	vpush v42, $0x9  }
0x208: {  	s8 =	sand.u32 $0x1FFFFFF0, s18;
	s18 =	sadd.s32 $0x7E80, s23;
	s14 =	spop (v2sf)  }
0x209: {  	s8 =	sadd.s32 s2, s8;
	s14 =	sand.u32 $0x1FFFFFF0, s14;
	s13 =	spop (v2sf);
	(v2sf) =	vpush v42, $0xA  }
0x20a: {  	[tilespmem:s29], [sflag:$0x5] =	stream.linear.gather [hbm4b:s8+s3], $0x80, $0x38;
	[tilespmem:$0x18C00] =	vst v63  }
0x20b: {  	s8 =	sadd.s32 s2, s14;
	s14 =	sadd.s32 $0x7B80, s23;
	s29 =	spop (v2sf);
	(v2sf) =	vpush v42, $0xB  }
0x20c: {  	[tilespmem:s5], [sflag:$0x5] =	stream.linear.gather [hbm4b:s8+s3], $0x80, $0x38;
	[tilespmem:$0x18C00] =	vst v63  }
0x20d: {  	s5 =	sand.u32 $0x1FFFFFF0, s13;
	s8 =	sand.u32 $0x1FFFFFF0, s29;
	s13 =	spop (v2sf);
	(v2sf) =	vpush v42, $0xC  }
0x20e: {  	s5 =	sadd.s32 s2, s5;
	s13 =	sand.u32 $0x1FFFFFF0, s13;
	s29 =	spop (v2sf)  }
0x20f: {  	[tilespmem:s7], [sflag:$0x5] =	stream.linear.gather [hbm4b:s5+s3], $0x80, $0x38;
	(v2sf) =	vpush v42, $0xD;
	[tilespmem:$0x18C00] =	vst v63  }
0x210: {  	s5 =	sadd.s32 s2, s13;
	s7 =	sand.u32 $0x1FFFFFF0, s29;
	s13 =	spop (v2sf)  }
0x211: {  	[tilespmem:s14], [sflag:$0x5] =	stream.linear.gather [hbm4b:s5+s3], $0x80, $0x38;
	(v2sf) =	vpush v42, $0xE;
	[tilespmem:$0x18C00] =	vst v63  }
0x212: {  	s5 =	sadd.s32 s2, s8;
	s8 =	sand.u32 $0x1FFFFFF0, s13;
	s13 =	spop (v2sf)  }
0x213: {  	[tilespmem:s31], [sflag:$0x5] =	stream.linear.gather [hbm4b:s5+s3], $0x80, $0x38;
	(v2sf) =	vpush v42, $0xF;
	[tilespmem:$0x18C00] =	vst v63  }
0x214: {  	s5 =	sadd.s32 s2, s7;
	s7 =	sand.u32 $0x1FFFFFF0, s13;
	s13 =	spop (v2sf)  }
0x215: {  	[tilespmem:s20], [sflag:$0x5] =	stream.linear.gather [hbm4b:s5+s3], $0x80, $0x38;
	[tilespmem:$0x18C00] =	vst v63  }
0x216: {  	s5 =	sadd.s32 s2, s8;
	s8 =	sand.u32 $0x1FFFFFF0, s13;
	s13 =	spop (v2sf)  }
0x217: {  	[tilespmem:s6], [sflag:$0x5] =	stream.linear.gather [hbm4b:s5+s3], $0x80, $0x38;
	[tilespmem:$0x18C00] =	vst v63  }
0x218: {  	s5 =	sadd.s32 s2, s7;
	s6 =	sand.u32 $0x1FFFFFF0, s13;
	s7 =	spop (v2sf)  }
0x219: {  	[tilespmem:s24], [sflag:$0x5] =	stream.linear.gather [hbm4b:s5+s3], $0x80, $0x38;
	[tilespmem:$0x18C00] =	vst v63  }
0x21a: {  	s5 =	sadd.s32 s2, s8;
	s7 =	sand.u32 $0x1FFFFFF0, s7;
	s8 =	spop (v2sf)  }
0x21b: {  	[tilespmem:s22], [sflag:$0x5] =	stream.linear.gather [hbm4b:s5+s3], $0x80, $0x38;
	[tilespmem:$0x18C00] =	vst v63  }
0x21c: {  	s5 =	sadd.s32 s2, s6;
	s6 =	sand.u32 $0x1FFFFFF0, s8;
	s8 =	spop (v2sf)  }
0x21d: {  	[tilespmem:s18], [sflag:$0x5] =	stream.linear.gather [hbm4b:s5+s3], $0x80, $0x38;
	[tilespmem:$0x18C00] =	vst v63  }
0x21e: {  	s5 =	sadd.s32 s2, s7;
	s7 =	sand.u32 $0x1FFFFFF0, s8;
	s8 =	spop (v2sf)  }
0x21f: {  	[tilespmem:s4], [sflag:$0x5] =	stream.linear.gather [hbm4b:s5+s3], $0x80, $0x38;
	[tilespmem:$0x18C00] =	vst v63  }
0x220: {  	s4 =	sadd.s32 s2, s6;
	s5 =	sand.u32 $0x1FFFFFF0, s8;
	s6 =	spop (v2sf)  }
0x221: {  	[tilespmem:s0], [sflag:$0x5] =	stream.linear.gather [hbm4b:s4+s3], $0x80, $0x38;
	[tilespmem:$0x18C00] =	vst v63  }
0x222: {  	s0 =	sadd.s32 s2, s7;
	s4 =	sand.u32 $0x1FFFFFF0, s6;
	s6 =	spop (v2sf)  }
0x223: {  	[tilespmem:s12], [sflag:$0x5] =	stream.linear.gather [hbm4b:s0+s3], $0x80, $0x38;
	[tilespmem:$0x18C00] =	vst v63  }
0x224: {  	s0 =	sadd.s32 s2, s5;
	s5 =	sand.u32 $0x1FFFFFF0, s6  }
0x225: {  	[tilespmem:s9], [sflag:$0x5] =	stream.linear.gather [hbm4b:s0+s3], $0x80, $0x38;
	[tilespmem:$0x18C00] =	vst v63  }
0x226: {  	s4 =	sadd.s32 s2, s4;
	s0 =	sadd.s32 $0x8100, s23  }
0x227: {  	[tilespmem:s0], [sflag:$0x5] =	stream.linear.gather [hbm4b:s4+s3], $0x80, $0x38;
	[tilespmem:$0x18C00] =	vst v63  }
0x228: {  	s0 =	sadd.s32 $0x8180, s23;
	s4 =	sadd.s32 s2, s5  }
0x229: {  	[tilespmem:s0], [sflag:$0x5] =	stream.linear.gather [hbm4b:s4+s3], $0x80, $0x38;
	[tilespmem:$0x18C00] =	vst v63  }
0x22a: {  	v0 =	vld [tilespmem:s17+$0x0];
	_ =	sdelay $0x4  }
0x22b: {  	v42 =	vshll.u32 v0, $0x4  }
0x22c: {  	(v2sf) =	vpush v42, $0x0  }
0x22d: {  	(v2sf) =	vpush v42, $0x1  }
0x22e: {  	(v2sf) =	vpush v42, $0x2;
	_ =	sdelay $0x1  }
0x22f: {  	(v2sf) =	vpush v42, $0x4  }
.Ltmp8:
0x230: {  	(pc) =	sbr.rel @p1 .LBB2_10-.Ltmp8, $3  }
0x231: {  	(v2sf) =	vpush v42, $0x3  }
0x232: {  	(v2sf) =	vpush v42, $0x5;
	_ =	sdelay $0x1  }
0x233: {  	s23 =	sshra.s32 s11, $0x2;
	(v2sf) =	vpush v42, $0x6  }
0x234: {  	_ =	sdelay $0x1  }
0x235: {  	(v2sf) =	vpush v42, $0x7  }
0x236: {  	s5 =	sadd.s32 $0x7A80, s23;
	s4 =	sadd.s32 $0x7F80, s23;
	s6 =	sadd.s32 $0x7D80, s23  }
0x237: {  	s0 =	sadd.s32 $0x8000, s23;
	s7 =	sadd.s32 $0x7C80, s23;
	s8 =	sadd.s32 $0x7E00, s23;
	(v2sf) =	vpush v42, $0x8  }
0x238: {  	s1 =	sadd.s32 $0x8080, s23;
	s9 =	sadd.s32 $0x7A00, s23;
	s13 =	spop (v2sf)  }
0x239: {  	s11 =	sadd.s32 $0x7C00, s23;
	s13 =	sand.u32 $0x1FFFFFF0, s13;
	s17 =	spop (v2sf)  }
0x23a: {  	s13 =	sadd.s32 s2, s13;
	s17 =	sand.u32 $0x1FFFFFF0, s17;
	s18 =	spop (v2sf)  }
0x23b: {  	(v2sf) =	vpush v42, $0x9;
	[tilespmem:s9], [sflag:$0x5] =	stream.linear.gather [hbm4b:s13+s3], $0x80, $0x38;
	[tilespmem:$0x18C00] =	vst v63  }
0x23c: {  	s12 =	sadd.s32 $0x7D00, s23;
	s29 =	sadd.s32 s2, s17;
	s31 =	spop (v2sf)  }
0x23d: {  	(v2sf) =	vpush v42, $0xA;
	[tilespmem:s5], [sflag:$0x5] =	stream.linear.gather [hbm4b:s29+s3], $0x80, $0x38;
	[tilespmem:$0x18C00] =	vst v63  }
0x23e: {  	s14 =	sadd.s32 $0x7B00, s23;
	s22 =	sand.u32 $0x1FFFFFF0, s18;
	s24 =	spop (v2sf)  }
0x23f: {  	s20 =	sadd.s32 $0x7B80, s23;
	s13 =	sadd.s32 s2, s22;
	s18 =	sand.u32 $0x1FFFFFF0, s24  }
0x240: {  	(v2sf) =	vpush v42, $0xB;
	[tilespmem:s14], [sflag:$0x5] =	stream.linear.gather [hbm4b:s13+s3], $0x80, $0x38;
	[tilespmem:$0x18C00] =	vst v63  }
0x241: {  	s29 =	sand.u32 $0x1FFFFFF0, s31;
	s31 =	spop (v2sf);
	s22 =	sadd.s32 s2, s18  }
0x242: {  	(v2sf) =	vpush v42, $0xC;
	[tilespmem:s20], [sflag:$0x5] =	stream.linear.gather [hbm4b:s22+s3], $0x80, $0x38;
	[tilespmem:$0x18C00] =	vst v63  }
0x243: {  	s9 =	sadd.s32 $0x7F00, s23;
	s5 =	sadd.s32 $0x7E80, s23;
	s24 =	spop (v2sf)  }
0x244: {  	(v2sf) =	vpush v42, $0xD;
	s13 =	sadd.s32 s2, s29;
	s14 =	sand.u32 $0x1FFFFFF0, s31;
	s31 =	spop (v2sf)  }
0x245: {  	[tilespmem:s11], [sflag:$0x5] =	stream.linear.gather [hbm4b:s13+s3], $0x80, $0x38;
	[tilespmem:$0x18C00] =	vst v63  }
0x246: {  	(v2sf) =	vpush v42, $0xE;
	s14 =	sadd.s32 s2, s14;
	s29 =	sand.u32 $0x1FFFFFF0, s24;
	s18 =	spop (v2sf)  }
0x247: {  	[tilespmem:s7], [sflag:$0x5] =	stream.linear.gather [hbm4b:s14+s3], $0x80, $0x38;
	[tilespmem:$0x18C00] =	vst v63  }
0x248: {  	s17 =	sand.u32 $0x1FFFFFF0, s31;
	s11 =	sadd.s32 s2, s29;
	s20 =	sand.u32 $0x1FFFFFF0, s18  }
0x249: {  	[tilespmem:s12], [sflag:$0x5] =	stream.linear.gather [hbm4b:s11+s3], $0x80, $0x38;
	[tilespmem:$0x18C00] =	vst v63  }
0x24a: {  	(v2sf) =	vpush v42, $0xF;
	s7 =	sadd.s32 s2, s17;
	s11 =	sadd.s32 s2, s20;
	s22 =	spop (v2sf)  }
0x24b: {  	[tilespmem:s6], [sflag:$0x5] =	stream.linear.gather [hbm4b:s7+s3], $0x80, $0x38;
	[tilespmem:$0x18C00] =	vst v63  }
0x24c: {  	s24 =	sand.u32 $0x1FFFFFF0, s22;
	s29 =	spop (v2sf);
	s22 =	sadd.s32 $0x8100, s23  }
0x24d: {  	s7 =	sand.u32 $0x1FFFFFF0, s29;
	s6 =	sadd.s32 s2, s24;
	s24 =	sadd.s32 $0x8180, s23  }
0x24e: {  	[tilespmem:s8], [sflag:$0x5] =	stream.linear.gather [hbm4b:s11+s3], $0x80, $0x38;
	[tilespmem:$0x18C00] =	vst v63  }
0x24f: {  	s29 =	rddreg [dreg:$0x3];
	s31 =	spop (v2sf);
	s7 =	sadd.s32 s2, s7  }
0x250: {  	[tilespmem:s5], [sflag:$0x5] =	stream.linear.gather [hbm4b:s6+s3], $0x80, $0x38;
	[tilespmem:$0x18C00] =	vst v63  }
0x251: {  	s8 =	sand.u32 $0x1FFFFFF0, s31;
	s31 =	simm.s32 $0x17A00;
	s11 =	spop (v2sf)  }
0x252: {  	[tilespmem:s9], [sflag:$0x5] =	stream.linear.gather [hbm4b:s7+s3], $0x80, $0x38;
	[tilespmem:$0x18C00] =	vst v63  }
0x253: {  	s5 =	sadd.s32 s2, s8;
	s6 =	sand.u32 $0x1FFFFFF0, s11;
	s12 =	spop (v2sf)  }
0x254: {  	[tilespmem:s4], [sflag:$0x5] =	stream.linear.gather [hbm4b:s5+s3], $0x80, $0x38;
	[tilespmem:$0x18C00] =	vst v63  }
0x255: {  	s13 =	sand.u32 $0x1FFFFFF0, s12;
	s6 =	sadd.s32 s2, s6;
	s14 =	spop (v2sf)  }
0x256: {  	[tilespmem:s0], [sflag:$0x5] =	stream.linear.gather [hbm4b:s6+s3], $0x80, $0x38;
	[tilespmem:$0x18C00] =	vst v63  }
0x257: {  	s17 =	sand.u32 $0x1FFFFFF0, s14;
	s4 =	sadd.s32 s2, s13;
	s13 =	rddreg [dreg:$0x7]  }
0x258: {  	[tilespmem:s1], [sflag:$0x5] =	stream.linear.gather [hbm4b:s4+s3], $0x80, $0x38;
	[tilespmem:$0x18C00] =	vst v63  }
0x259: {  	s18 =	spop (v2sf);
	s28 =	sadd.s32 s13, s28;
	s0 =	sadd.s32 s2, s17  }
0x25a: {  	[tilespmem:s22], [sflag:$0x5] =	stream.linear.gather [hbm4b:s0+s3], $0x80, $0x38;
	[tilespmem:$0x18C00] =	vst v63  }
0x25b: {  	s8 =	rddreg [dreg:$0x5];
	s20 =	sand.u32 $0x1FFFFFF0, s18;
	s0 =	sshll.u32 s28, $0x8  }
0x25c: {  	s7 =	rddreg [dreg:$0x6];
	s1 =	sadd.s32 s2, s20;
	s0 =	sand.u32 $0x1FFFFE00, s0  }
0x25d: {  	[tilespmem:s24], [sflag:$0x5] =	stream.linear.gather [hbm4b:s1+s3], $0x80, $0x38;
	[tilespmem:$0x18C00] =	vst v63  }
0x25e: {  	s14 =	simm.s32 $0x7;
	s6 =	rddreg [dreg:$0x4];
	s0 =	sadd.s32 s29, s0  }
0x25f: {  	[tilespmem:s31], [sflag:$0x3] =	stream.linear.gather [hbm4b:s0+s3], $0x800, $0x38;
	[tilespmem:$0x18C00] =	vst v63  }
.LBB2_12:
0x260: {  	[tilespmem:$0x18A00] =	vst v22  }
0x261: {  	[tilespmem:$0x18A80] =	vst v23  }
0x262: {  	[tilespmem:$0x18A90] =	vst v24  }
0x263: {  	[tilespmem:$0x18AA0] =	vst v25  }
0x264: {  	[tilespmem:$0x18AB0] =	vst v26  }
0x265: {  	[tilespmem:$0x18AC0] =	vst v27  }
0x266: {  	[tilespmem:$0x18AD0] =	vst v28  }
0x267: {  	[tilespmem:$0x18AE0] =	vst v29  }
0x268: {  	[tilespmem:$0x18AF0] =	vst v30  }
0x269: {  	[tilespmem:$0x18B00] =	vst v31  }
0x26a: {  	[tilespmem:$0x18B10] =	vst v32  }
0x26b: {  	[tilespmem:$0x18B20] =	vst v33  }
0x26c: {  	[tilespmem:$0x18B30] =	vst v34  }
0x26d: {  	[tilespmem:$0x18B40] =	vst v35  }
0x26e: {  	[tilespmem:$0x18B50] =	vst v37  }
0x26f: {  	[tilespmem:$0x18B60] =	vst v38  }
0x270: {  	[tilespmem:$0x18B70] =	vst v39  }
0x271: {  	[tilespmem:$0x18B80] =	vst v40;
	s0 =	sshll.u32 s30, $0x5  }
0x272: {  	[tilespmem:$0x18BB0] =	vst v21;
	s0 =	sadd.s32 s7, s0  }
0x273: {  	s1 =	sadd.s32 s13, s19;
	[tilespmem:$0x18B90] =	vst v41;
	s0 =	sshrl.u32 s0, $0x3  }
0x274: {  	s4 =	simm.s32 $0x0;
	s5 =	simm.s32 $0x18A00;
	[tilespmem:$0x18BA0] =	vst v36;
	s0 =	sadd.s32 s6, s0  }
0x275: {  	[hbm4b:s0+s4] =	stream.linear.scatter [tilespmem:s5], [sflag:$0x7], $0x10, $0x38;
	[tilespmem:$0x18C00] =	vst v63  }
0x276: {  	s20 =	smul.u32 $0x28, s1;
	_ =	swait.ge [sflag:s14], $0x10  }
0x277: {  	[sflag:s14] =	ssyncset.done $0x0  }
0x278: {  	s22 =	simm.s32 $0x18A80;
	s0 =	sadd.s32 s8, s20;
	[sflag:s14] =	ssyncadd.s32 $0xFFFFFFF0  }
0x279: {  	[hbm4b:s0+s4] =	stream.linear.scatter [tilespmem:s22], [sflag:$0x7], $0x140, $0x38;
	[tilespmem:$0x18C00] =	vst v63  }
0x27a: {  	_ =	swait.ge [sflag:s14], $0x140  }
0x27b: {  	[sflag:s14] =	ssyncset.done $0x0  }
0x27c: {  	[sflag:s14] =	ssyncadd.s32 $0xFFFFFEC0  }
0x27d: {  	_ =	swait.ge [sflag:s26], $0x800  }
0x27e: {  	[sflag:s26] =	ssyncset.done $0x0  }
0x27f: {  	[sflag:s26] =	ssyncadd.s32 $0xFFFFF800  }
0x280: {  	_ =	swait.ge [sflag:s26], $0x800  }
0x281: {  	[sflag:s26] =	ssyncset.done $0x0  }
0x282: {  	[sflag:s26] =	ssyncadd.s32 $0xFFFFF800  }
0x283: {  	_ =	swait.ge [sflag:s26], $0x800  }
0x284: {  	[sflag:s26] =	ssyncset.done $0x0  }
0x285: {  	[sflag:s26] =	ssyncadd.s32 $0xFFFFF800  }
0x286: {  	_ =	swait.ge [sflag:s26], $0x800  }
0x287: {  	[sflag:s26] =	ssyncset.done $0x0  }
0x288: {  	[sflag:s26] =	ssyncadd.s32 $0xFFFFF800  }
0x289: {  	_ =	swait.ge [sflag:s26], $0x800  }
0x28a: {  	[sflag:s26] =	ssyncset.done $0x0  }
0x28b: {  	[sflag:s26] =	ssyncadd.s32 $0xFFFFF800  }
0x28c: {  	_ =	swait.ge [sflag:s26], $0x800  }
0x28d: {  	[sflag:s26] =	ssyncset.done $0x0  }
0x28e: {  	[sflag:s26] =	ssyncadd.s32 $0xFFFFF800  }
0x28f: {  	_ =	swait.ge [sflag:s26], $0x800  }
0x290: {  	[sflag:s26] =	ssyncset.done $0x0  }
0x291: {  	[sflag:s26] =	ssyncadd.s32 $0xFFFFF800  }
0x292: {  	_ =	swait.ge [sflag:s26], $0x800  }
0x293: {  	[sflag:s26] =	ssyncset.done $0x0  }
0x294: {  	[sflag:s26] =	ssyncadd.s32 $0xFFFFF800  }
0x295: {  	_ =	swait.ge [sflag:s26], $0x800  }
0x296: {  	[sflag:s26] =	ssyncset.done $0x0  }
0x297: {  	[sflag:s26] =	ssyncadd.s32 $0xFFFFF800  }
0x298: {  	v0 =	vmov s4;
	_ =	swait.ge [sflag:s26], $0x800  }
0x299: {  	v0 =	vand.u32 $0x7F, v0;
	[sflag:s26] =	ssyncset.done $0x0  }
0x29a: {  	s23 =	simm.s32 $0x6;
	v0 =	vbroadcast v0, $0x0;
	[sflag:s26] =	ssyncadd.s32 $0xFFFFF800  }
0x29b: {  	_ =	swait.ge [sflag:s23], $0x5800  }
0x29c: {  	v1 =	vor.u32 v17, v0;
	[sflag:s23] =	ssyncset.done $0x0  }
0x29d: {  	s24 =	simm.s32 $0x4;
	[sflag:s23] =	ssyncadd.s32 $0xFFFFA800  }
0x29e: {  	v2 =	vor.u32 v62, v0;
	_ =	swait.ge [sflag:s24], $0x800  }
0x29f: {  	v3 =	vor.u32 v63, v0;
	[sflag:s24] =	ssyncset.done $0x0;
	v14 =	vld [tilespmem:$0x1FF00]  }
0x2a0: {  	v5 =	vor.u32 v56, v0;
	v61 =	vld [tilespmem:$0x1FF10];
	[sflag:s24] =	ssyncadd.s32 $0xFFFFF800  }
0x2a1: {  	s28 =	simm.s32 $0x18200;
	v6 =	vor.u32 v50, v0;
	v1 =	vld.idx.msk [tilespmem:v1+s21+$0x0], $0xffff  }
0x2a2: {  	v8 =	vor.u32 v51, v0;
	v7 =	vld [tilespmem:s28+$0x0]  }
0x2a3: {  	v9 =	vor.u32 v52, v0;
	v2 =	vld.idx.msk [tilespmem:v2+s21+$0x0], $0xffff  }
0x2a4: {  	v11 =	vor.u32 v44, v0;
	v3 =	vld.idx.msk [tilespmem:v3+s21+$0x0], $0xffff  }
0x2a5: {  	v12 =	vor.u32 v45, v0;
	v5 =	vld.idx.msk [tilespmem:v5+s21+$0x0], $0xffff  }
0x2a6: {  	v13 =	vor.u32 v55, v0;
	v6 =	vld.idx.msk [tilespmem:v6+s21+$0x0], $0xffff  }
0x2a7: {  	v15 =	vor.u32 v59, v0;
	v8 =	vld.idx.msk [tilespmem:v8+s21+$0x0], $0xffff  }
0x2a8: {  	s29 =	simm.s32 $0x1;
	v22 =	vor.u32 v46, v0;
	v9 =	vld.idx.msk [tilespmem:v9+s21+$0x0], $0xffff  }
0x2a9: {  	v28 =	vmov s29;
	v23 =	vor.u32 v47, v0;
	v11 =	vld.idx.msk [tilespmem:v11+s21+$0x0], $0xffff  }
0x2aa: {  	v28 =	vand.u32 $0x7F, v28;
	v24 =	vor.u32 v48, v0;
	v12 =	vld.idx.msk [tilespmem:v12+s21+$0x0], $0xffff  }
0x2ab: {  	v28 =	vbroadcast v28, $0x0;
	v25 =	vor.u32 v49, v0;
	v13 =	vld.idx.msk [tilespmem:v13+s21+$0x0], $0xffff  }
0x2ac: {  	v20 =	vmov v50;
	v39 =	vmov v54;
	v27 =	vor.u32 v57, v0;
	v15 =	vld.idx.msk [tilespmem:v15+s21+$0x0], $0xffff  }
0x2ad: {  	v26 =	vor.u32 v54, v0;
	v31 =	vor.u32 v58, v0;
	v60 =	vor.u32 v17, v28;
	v22 =	vld.idx.msk [tilespmem:v22+s21+$0x0], $0xffff  }
0x2ae: {  	v35 =	vor.u32 v56, v28;
	v36 =	vor.u32 v50, v28;
	v23 =	vld.idx.msk [tilespmem:v23+s21+$0x0], $0xffff;
	v10 =	vor.u32 v61, v0  }
0x2af: {  	v37 =	vor.u32 v51, v28;
	v41 =	vor.u32 v52, v28;
	v52 =	vor.u32 v44, v28;
	v24 =	vld.idx.msk [tilespmem:v24+s21+$0x0], $0xffff  }
0x2b0: {  	v21 =	vimm.f32 $0.0e+00;
	v51 =	vmovc v45;
	v45 =	vmovc v58;
	v50 =	vor.u32 v46, v28;
	v46 =	vor.u32 v47, v28;
	v33 =	vld.idx.msk [tilespmem:v25+s21+$0x0], $0xffff  }
0x2b1: {  	v48 =	vor.u32 v48, v28;
	v44 =	vor.u32 v49, v28;
	v27 =	vld.idx.msk [tilespmem:v27+s21+$0x0], $0xffff;
	v1 =	vmul.f32 v1, v7  }
0x2b2: {  	v47 =	vor.u32 v39, v28;
	v32 =	vld.idx.msk [tilespmem:v60+s21+$0x0], $0xffff;
	v2 =	vmul.f32 v2, v7;
	v3 =	vmul.f32 v3, v7  }
0x2b3: {  	v45 =	vor.u32 v45, v28;
	v5 =	vmul.f32 v5, v7;
	v6 =	vmul.f32 v6, v7;
	v10 =	vld.idx.msk [tilespmem:v10+s21+$0x0], $0xffff  }
0x2b4: {  	v60 =	vmovc v59;
	v59 =	vor.u32 v55, v28;
	v8 =	vmul.f32 v8, v7;
	v43 =	vmul.f32 v9, v7  }
0x2b5: {  	v31 =	vld.idx.msk [tilespmem:v31+s21+$0x0], $0xffff;
	v4 =	vor.u32 v14, v0;
	v12 =	vmul.f32 v12, v7;
	v13 =	vmul.f32 v13, v7  }
0x2b6: {  	s23 =	simm.s32 $0x18210;
	v34 =	vor.u32 v14, v28;
	v9 =	vld.idx.msk [tilespmem:v26+s21+$0x0], $0xffff;
	v15 =	vmul.f32 v15, v7;
	v54 =	vmul.f32 v22, v7  }
0x2b7: {  	v26 =	vld [tilespmem:s23+$0x0];
	v25 =	vadd.f32 v6, v21;
	v6 =	vmul.f32 v11, v7;
	v11 =	vor.u32 v63, v28  }
0x2b8: {  	v18 =	vmovc v56;
	v29 =	vadd.f32 v8, v21;
	v8 =	vmul.f32 v10, v7;
	v10 =	vor.u32 v62, v28  }
0x2b9: {  	v19 =	vmovc v55;
	v16 =	vor.u32 v60, v28;
	v56 =	vmul.f32 v23, v7;
	v58 =	vmul.f32 v24, v7  }
0x2ba: {  	v0 =	vor.u32 v53, v0;
	v33 =	vmul.f32 v33, v7;
	v27 =	vmul.f32 v27, v7;
	v4 =	vld.idx.msk [tilespmem:v4+s21+$0x0], $0xffff  }
0x2bb: {  	v60 =	vmul.f32 v31, v7;
	v30 =	vadd.f32 v43, v21;
	v43 =	vor.u32 v61, v28;
	v23 =	vld.idx.msk [tilespmem:v34+s21+$0x0], $0xffff  }
0x2bc: {  	v1 =	vadd.f32 v1, v21;
	v2 =	vadd.f32 v2, v21;
	v22 =	vmul.f32 v32, v26;
	v11 =	vld.idx.msk [tilespmem:v11+s21+$0x0], $0xffff  }
0x2bd: {  	v40 =	vadd.f32 v3, v21;
	v5 =	vadd.f32 v5, v21;
	v3 =	vor.u32 v51, v28;
	v10 =	vld.idx.msk [tilespmem:v10+s21+$0x0], $0xffff  }
0x2be: {  	v39 =	vadd.f32 v12, v21;
	v9 =	vmul.f32 v9, v7;
	v31 =	vadd.f32 v22, v1;
	v1 =	vld.idx.msk [tilespmem:v35+s21+$0x0], $0xffff  }
0x2bf: {  	v38 =	vadd.f32 v6, v21;
	v6 =	vld.idx.msk [tilespmem:v36+s21+$0x0], $0xffff;
	v36 =	vadd.f32 v56, v21;
	v4 =	vmul.f32 v4, v7  }
0x2c0: {  	v55 =	vld.idx.msk [tilespmem:v43+s21+$0x0], $0xffff;
	v43 =	vor.u32 v53, v28;
	v35 =	vadd.f32 v33, v21;
	v32 =	vadd.f32 v9, v21  }
0x2c1: {  	v0 =	vld.idx.msk [tilespmem:v0+s21+$0x0], $0xffff;
	v4 =	vadd.f32 v4, v21;
	v42 =	vadd.f32 v8, v21;
	v8 =	vmul.f32 v23, v26  }
0x2c2: {  	v33 =	vadd.f32 v27, v21;
	v49 =	vmul.f32 v11, v26;
	v34 =	vmul.f32 v10, v26;
	v10 =	vld.idx.msk [tilespmem:v37+s21+$0x0], $0xffff  }
0x2c3: {  	s31 =	simm.s32 $0x2;
	v56 =	vld.idx.msk [tilespmem:v52+s21+$0x0], $0xffff;
	v27 =	vadd.f32 v60, v21;
	v24 =	vadd.f32 v8, v4;
	v11 =	vmul.f32 v1, v26  }
0x2c4: {  	v52 =	vld.idx.msk [tilespmem:v3+s21+$0x0], $0xffff;
	v60 =	vmov s31;
	v23 =	vadd.f32 v49, v40;
	v40 =	vadd.f32 v13, v21  }
0x2c5: {  	v49 =	vor.u32 v57, v28;
	v57 =	vld.idx.msk [tilespmem:v41+s21+$0x0], $0xffff;
	v41 =	vadd.f32 v15, v21;
	v28 =	vadd.f32 v11, v5  }
0x2c6: {  	v53 =	vld.idx.msk [tilespmem:v59+s21+$0x0], $0xffff;
	v51 =	vmul.f32 v0, v7;
	v37 =	vadd.f32 v54, v21;
	v22 =	vadd.f32 v34, v2  }
0x2c7: {  	s1 =	simm.s32 $0x3;
	v54 =	vld.idx.msk [tilespmem:v16+s21+$0x0], $0xffff;
	v34 =	vadd.f32 v58, v21;
	v58 =	vmul.f32 v6, v26;
	v59 =	vmul.f32 v10, v26  }
.LBB2_13:
0x2c8: {  	v15 =	vld [tilespmem:$0x1FFE0];
	_ =	sdelay $0x1  }
0x2c9: {  	v0 =	vand.u32 $0x7F, v60  }
0x2ca: {  	v0 =	vbroadcast v0, $0x0;
	_ =	sdelay $0x1  }
0x2cb: {  	v3 =	vmul.f32 v55, v26;
	v55 =	vor.u32 v15, v0;
	v15 =	vld [tilespmem:$0x1FFA0];
	_ =	sdelay $0x2  }
0x2cc: {  	v2 =	vld.idx.msk [tilespmem:v50+s21+$0x0], $0xffff  }
0x2cd: {  	v4 =	vld.idx.msk [tilespmem:v46+s21+$0x0], $0xffff  }
0x2ce: {  	v25 =	vadd.f32 v58, v25;
	v58 =	vor.u32 v15, v0;
	v15 =	vld [tilespmem:$0x1FF70]  }
0x2cf: {  	v5 =	vld.idx.msk [tilespmem:v48+s21+$0x0], $0xffff  }
0x2d0: {  	v9 =	vld.idx.msk [tilespmem:v44+s21+$0x0], $0xffff  }
0x2d1: {  	v13 =	vld.idx.msk [tilespmem:v47+s21+$0x0], $0xffff  }
0x2d2: {  	v16 =	vld [tilespmem:$0x1FF80]  }
0x2d3: {  	v29 =	vadd.f32 v59, v29;
	v59 =	vor.u32 v15, v0;
	v15 =	vld [tilespmem:$0x1FF50]  }
0x2d4: {  	v21 =	vadd.f32 v51, v21;
	v51 =	vld.idx.msk [tilespmem:v49+s21+$0x0], $0xffff  }
0x2d5: {  	v49 =	vld [tilespmem:$0x1FF30];
	v1 =	vmul.f32 v57, v26  }
0x2d6: {  	v8 =	vor.u32 v17, v0;
	v10 =	vor.u32 v14, v0;
	v14 =	vld [tilespmem:$0x1FFF0]  }
0x2d7: {  	v7 =	vor.u32 v63, v0;
	v57 =	vld.idx.msk [tilespmem:v45+s21+$0x0], $0xffff;
	v30 =	vadd.f32 v1, v30  }
0x2d8: {  	v1 =	vmul.f32 v56, v26;
	v56 =	vor.u32 v61, v0;
	v61 =	vor.u32 v15, v0;
	v15 =	vld [tilespmem:$0x1FF40]  }
0x2d9: {  	v11 =	vor.u32 v18, v0;
	v45 =	vld [tilespmem:$0x1FF60]  }
0x2da: {  	v48 =	vor.u32 v16, v0;
	v16 =	vld [tilespmem:$0x1FFD0]  }
0x2db: {  	v12 =	vor.u32 v20, v0;
	v8 =	vld.idx.msk [tilespmem:v8+s21+$0x0], $0xffff  }
0x2dc: {  	v60 =	vor.u32 v19, v0;
	v42 =	vadd.f32 v3, v42;
	v3 =	vmul.f32 v52, v26;
	v7 =	vld.idx.msk [tilespmem:v7+s21+$0x0], $0xffff  }
0x2dd: {  	v52 =	vmul.f32 v53, v26;
	v53 =	vmul.f32 v54, v26;
	v50 =	vor.u32 v15, v0;
	v15 =	vld [tilespmem:$0x1FFC0]  }
0x2de: {  	v54 =	vmul.f32 v4, v26;
	v4 =	vmul.f32 v5, v26;
	v5 =	vld.idx.msk [tilespmem:v11+s21+$0x0], $0xffff  }
0x2df: {  	v44 =	vor.u32 v16, v0;
	v16 =	vld [tilespmem:$0x1FF90]  }
0x2e0: {  	v11 =	vld.idx.msk [tilespmem:v12+s21+$0x0], $0xffff  }
0x2e1: {  	v41 =	vadd.f32 v53, v41;
	v53 =	vld.idx.msk [tilespmem:v60+s21+$0x0], $0xffff;
	v14 =	vor.u32 v14, v0  }
0x2e2: {  	v6 =	vor.u32 v62, v0;
	v46 =	vor.u32 v15, v0;
	v15 =	vmov v62;
	v62 =	vld.idx.msk [tilespmem:v43+s21+$0x0], $0xffff  }
0x2e3: {  	s23 =	sadd.s32 $0x10, s23;
	v2 =	vmul.f32 v2, v26;
	v43 =	vld [tilespmem:$0x1FF20]  }
0x2e4: {  	v47 =	vor.u32 v16, v0;
	v16 =	vmov v63;
	v63 =	vld [tilespmem:s23+$0x0]  }
0x2e5: {  	v37 =	vadd.f32 v2, v37;
	v38 =	vadd.f32 v1, v38;
	v10 =	vld.idx.msk [tilespmem:v10+s21+$0x0], $0xffff  }
0x2e6: {  	v49 =	vor.u32 v49, v0;
	v39 =	vadd.f32 v3, v39;
	v40 =	vadd.f32 v52, v40;
	v12 =	vld.idx.msk [tilespmem:v14+s21+$0x0], $0xffff  }
0x2e7: {  	v1 =	vmul.f32 v51, v26;
	v36 =	vadd.f32 v54, v36;
	v2 =	vmul.f32 v57, v26;
	v57 =	vld.idx.msk [tilespmem:v55+s21+$0x0], $0xffff  }
0x2e8: {  	v34 =	vadd.f32 v4, v34;
	v45 =	vor.u32 v45, v0;
	v43 =	vor.u32 v43, v0;
	v0 =	vld.idx.msk [tilespmem:v6+s21+$0x0], $0xffff  }
0x2e9: {  	v60 =	vmov s1;
	v33 =	vadd.f32 v1, v33;
	v55 =	vld.idx.msk [tilespmem:v56+s21+$0x0], $0xffff;
	v8 =	vmul.f32 v8, v63  }
0x2ea: {  	p1 =	sne.s32 s1, $0x7F;
	v27 =	vadd.f32 v2, v27;
	v56 =	vld.idx.msk [tilespmem:v58+s21+$0x0], $0xffff;
	v7 =	vmul.f32 v7, v63;
	v58 =	vmul.f32 v11, v63  }
.Ltmp9:
0x2eb: {  	v52 =	vld.idx.msk [tilespmem:v59+s21+$0x0], $0xffff;
	v59 =	vmul.f32 v12, v63;
	v31 =	vadd.f32 v8, v31;
	v8 =	vmul.f32 v10, v63;
	(pc) =	sbr.rel @p1 .LBB2_13-.Ltmp9, $4  }
0x2ec: {  	v23 =	vadd.f32 v7, v23;
	v10 =	vmul.f32 v5, v63;
	v6 =	vmul.f32 v9, v26  }
0x2ed: {  	v14 =	vld [tilespmem:$0x1FF00];
	v24 =	vadd.f32 v8, v24;
	v9 =	vmul.f32 v13, v26;
	v0 =	vmul.f32 v0, v63  }
0x2ee: {  	v28 =	vadd.f32 v10, v28;
	v54 =	vld.idx.msk [tilespmem:v61+s21+$0x0], $0xffff;
	v51 =	vmul.f32 v62, v26;
	v35 =	vadd.f32 v6, v35  }
0x2ef: {  	s1 =	sadd.s32 $0x1, s1;
	v61 =	vld [tilespmem:$0x1FF10];
	v62 =	vmovc v15;
	v26 =	vmovc v63;
	v32 =	vadd.f32 v9, v32;
	v63 =	vmov v16;
	v22 =	vadd.f32 v0, v22  }
0x2f0: {  	_ =	sdelay $0x3  }
0x2f1: {  	v1 =	vld.idx.msk [tilespmem:v50+s21+$0x0], $0xffff  }
0x2f2: {  	v2 =	vld.idx.msk [tilespmem:v46+s21+$0x0], $0xffff  }
0x2f3: {  	v3 =	vld.idx.msk [tilespmem:v48+s21+$0x0], $0xffff  }
0x2f4: {  	v5 =	vld.idx.msk [tilespmem:v44+s21+$0x0], $0xffff  }
0x2f5: {  	v6 =	vld.idx.msk [tilespmem:v47+s21+$0x0], $0xffff  }
0x2f6: {  	v9 =	vld.idx.msk [tilespmem:v49+s21+$0x0], $0xffff  }
0x2f7: {  	v13 =	vld.idx.msk [tilespmem:v45+s21+$0x0], $0xffff  }
0x2f8: {  	v43 =	vld.idx.msk [tilespmem:v43+s21+$0x0], $0xffff  }
0x2f9: {  	v7 =	vmul.f32 v57, v26;
	v57 =	vmul.f32 v53, v26;
	v53 =	vld [tilespmem:$0x1FFA0]  }
0x2fa: {  	v15 =	vmul.f32 v55, v26;
	s0 =	sadd.s32 $0x10, s23;
	v55 =	vmul.f32 v52, v26;
	v52 =	vld [tilespmem:$0x1FF50]  }
0x2fb: {  	v44 =	vld [tilespmem:s0+$0x0]  }
0x2fc: {  	v0 =	vand.u32 $0x7F, v60;
	v7 =	vadd.f32 v7, v30;
	v30 =	vadd.f32 v51, v21;
	v51 =	vld [tilespmem:$0x1FFE0]  }
0x2fd: {  	v0 =	vbroadcast v0, $0x0;
	v40 =	vadd.f32 v57, v40;
	v57 =	vld [tilespmem:$0x1FFC0]  }
0x2fe: {  	v39 =	vadd.f32 v55, v39;
	v55 =	vld [tilespmem:$0x1FF80]  }
0x2ff: {  	v50 =	vmov v20;
	v4 =	vor.u32 v17, v0;
	v60 =	vor.u32 v20, v0;
	v20 =	vld [tilespmem:$0x1FFF0]  }
0x300: {  	v10 =	vadd.f32 v58, v25;
	v8 =	vor.u32 v62, v0;
	v58 =	vmul.f32 v54, v26;
	v54 =	vld [tilespmem:$0x1FF70]  }
0x301: {  	v16 =	vmov v17;
	v11 =	vadd.f32 v59, v29;
	v12 =	vor.u32 v63, v0;
	v17 =	vld [tilespmem:$0x1FF60]  }
0x302: {  	v29 =	vmul.f32 v56, v26;
	v56 =	vmovc v18;
	v25 =	vor.u32 v14, v0;
	v21 =	vor.u32 v18, v0;
	v18 =	vld [tilespmem:$0x1FF20]  }
0x303: {  	v41 =	vadd.f32 v58, v41;
	v58 =	vld [tilespmem:$0x1FFD0]  }
0x304: {  	v4 =	vld.idx.msk [tilespmem:v4+s21+$0x0], $0xffff  }
0x305: {  	v8 =	vld.idx.msk [tilespmem:v8+s21+$0x0], $0xffff  }
0x306: {  	v59 =	vor.u32 v61, v0;
	v12 =	vld.idx.msk [tilespmem:v12+s21+$0x0], $0xffff  }
0x307: {  	v25 =	vld.idx.msk [tilespmem:v25+s21+$0x0], $0xffff  }
0x308: {  	v1 =	vmul.f32 v1, v26;
	v49 =	vld.idx.msk [tilespmem:v21+s21+$0x0], $0xffff;
	v48 =	vor.u32 v54, v0  }
0x309: {  	v38 =	vadd.f32 v29, v38;
	v2 =	vmul.f32 v2, v26;
	v45 =	vld.idx.msk [tilespmem:v60+s21+$0x0], $0xffff  }
0x30a: {  	v47 =	vor.u32 v53, v0;
	v1 =	vadd.f32 v1, v37;
	v37 =	vor.u32 v19, v0;
	v60 =	vmovc v19;
	v19 =	vld [tilespmem:$0x1FF40]  }
0x30b: {  	v29 =	vor.u32 v51, v0;
	v2 =	vadd.f32 v2, v36;
	v36 =	vld.idx.msk [tilespmem:v59+s21+$0x0], $0xffff;
	v8 =	vmul.f32 v8, v44  }
0x30c: {  	v3 =	vmul.f32 v3, v26;
	v59 =	vld [tilespmem:$0x1FF30]  }
0x30d: {  	v5 =	vmul.f32 v5, v26;
	v46 =	vor.u32 v20, v0;
	v22 =	vadd.f32 v8, v22;
	v8 =	vld.idx.msk [tilespmem:v48+s21+$0x0], $0xffff  }
0x30e: {  	v3 =	vadd.f32 v3, v34;
	v34 =	vor.u32 v57, v0;
	v4 =	vmul.f32 v4, v44;
	v48 =	vld [tilespmem:$0x1FF90]  }
0x30f: {  	v15 =	vadd.f32 v15, v42;
	v5 =	vadd.f32 v5, v35;
	v35 =	vor.u32 v55, v0;
	v42 =	vld.idx.msk [tilespmem:v47+s21+$0x0], $0xffff  }
0x310: {  	v6 =	vmul.f32 v6, v26;
	v29 =	vld.idx.msk [tilespmem:v29+s21+$0x0], $0xffff;
	v21 =	vadd.f32 v4, v31;
	v31 =	vor.u32 v19, v0  }
0x311: {  	v9 =	vmul.f32 v9, v26;
	v37 =	vld.idx.msk [tilespmem:v37+s21+$0x0], $0xffff;
	v12 =	vmul.f32 v12, v44;
	v4 =	vor.u32 v52, v0  }
0x312: {  	v13 =	vmul.f32 v13, v26;
	v47 =	vor.u32 v58, v0;
	v46 =	vld.idx.msk [tilespmem:v46+s21+$0x0], $0xffff;
	v25 =	vmul.f32 v25, v44  }
0x313: {  	v6 =	vadd.f32 v6, v32;
	v34 =	vld.idx.msk [tilespmem:v34+s21+$0x0], $0xffff;
	v23 =	vadd.f32 v12, v23;
	v12 =	vor.u32 v48, v0  }
0x314: {  	v35 =	vld.idx.msk [tilespmem:v35+s21+$0x0], $0xffff;
	v32 =	vor.u32 v59, v0;
	v24 =	vadd.f32 v25, v24;
	v25 =	vmul.f32 v49, v44  }
0x315: {  	v9 =	vadd.f32 v9, v33;
	v45 =	vmul.f32 v45, v44;
	v33 =	vld.idx.msk [tilespmem:v31+s21+$0x0], $0xffff;
	v31 =	vor.u32 v17, v0  }
0x316: {  	v25 =	vadd.f32 v25, v28;
	v28 =	vmul.f32 v29, v44;
	v4 =	vld.idx.msk [tilespmem:v4+s21+$0x0], $0xffff;
	v0 =	vor.u32 v18, v0  }
0x317: {  	v13 =	vadd.f32 v13, v27;
	v47 =	vld.idx.msk [tilespmem:v47+s21+$0x0], $0xffff;
	v29 =	vmul.f32 v43, v26;
	v46 =	vmul.f32 v46, v44  }
0x318: {  	v26 =	vadd.f32 v45, v10;
	v28 =	vadd.f32 v28, v7;
	v7 =	vmul.f32 v36, v44;
	v10 =	vld.idx.msk [tilespmem:v12+s21+$0x0], $0xffff  }
0x319: {  	v49 =	vmul.f32 v37, v44;
	v27 =	vadd.f32 v46, v11;
	v11 =	vmul.f32 v42, v44;
	v12 =	vld.idx.msk [tilespmem:v32+s21+$0x0], $0xffff  }
0x31a: {  	v45 =	vadd.f32 v29, v30;
	v8 =	vmul.f32 v8, v44;
	v29 =	vadd.f32 v7, v15;
	v46 =	vld.idx.msk [tilespmem:v31+s21+$0x0], $0xffff  }
0x31b: {  	v30 =	vadd.f32 v11, v38;
	v0 =	vld.idx.msk [tilespmem:v0+s21+$0x0], $0xffff;
	v4 =	vmul.f32 v4, v44;
	v7 =	vmul.f32 v33, v44  }
0x31c: {  	v31 =	vadd.f32 v8, v39;
	v32 =	vadd.f32 v49, v40;
	v8 =	vmul.f32 v35, v44  }
0x31d: {  	v15 =	vmovc v51;
	v33 =	vadd.f32 v4, v41;
	v4 =	vmul.f32 v34, v44;
	v34 =	vadd.f32 v7, v1  }
0x31e: {  	v11 =	vmovc v17;
	v1 =	vmul.f32 v47, v44;
	v40 =	vadd.f32 v8, v3;
	v7 =	vmul.f32 v10, v44  }
.Ltmp10:
0x31f: {  	v17 =	vmovc v56;
	v36 =	vadd.f32 v4, v2;
	v2 =	vmul.f32 v12, v44;
	v4 =	vmul.f32 v46, v44;
	(pc) =	sbr.rel @p0 .LBB2_18-.Ltmp10, $4  }
0x320: {  	v3 =	vmovc v60;
	v41 =	vadd.f32 v1, v5;
	v5 =	vmovc v19;
	v8 =	vmov v58;
	v0 =	vmul.f32 v0, v44  }
0x321: {  	v19 =	vmovc v50;
	v10 =	vmovc v59;
	v12 =	vmov v18;
	v38 =	vadd.f32 v7, v6;
	v39 =	vadd.f32 v2, v9  }
0x322: {  	v1 =	vmovc v53;
	v37 =	vadd.f32 v4, v13;
	v35 =	vadd.f32 v0, v45;
	v6 =	vmovc v57;
	v9 =	vmov v48  }
0x323: {  	v13 =	vmovc v16;
	v16 =	vmovc v20;
	v2 =	vmov v54;
	v4 =	vmov v52;
	v7 =	vmov v55  }
0x324: {  	s28 =	sadd.s32 $0x3, s19  }
0x325: {  	s0 =	smul.u32 $0x540, s28;
	_ =	sdelay $0x1  }
0x326: {  	s4 =	simm.s32 $0x10;
	s0 =	sshra.s32 s0, $0x2  }
0x327: {  	[tilespmem:s21], [sflag:$0x2] =	stream.indirect.gather [hbm4b:s2+s4], $0x80, s0, s4, $0xb8;
	[tilespmem:$0x18C00] =	vst v63  }
0x328: {  	s5 =	simm.s32 $0xDA00;
	s1 =	sadd.s32 $0x10, s0  }
0x329: {  	[tilespmem:s5], [sflag:$0x2] =	stream.indirect.gather [hbm4b:s2+s4], $0x80, s1, s4, $0xb8;
	[tilespmem:$0x18C00] =	vst v63  }
0x32a: {  	s8 =	simm.s32 $0xE200;
	s7 =	sadd.s32 $0x20, s0  }
0x32b: {  	[tilespmem:s8], [sflag:$0x2] =	stream.indirect.gather [hbm4b:s2+s4], $0x80, s7, s4, $0xb8;
	[tilespmem:$0x18C00] =	vst v63  }
0x32c: {  	s11 =	simm.s32 $0xEA00;
	s9 =	sadd.s32 $0x30, s0  }
0x32d: {  	[tilespmem:s11], [sflag:$0x2] =	stream.indirect.gather [hbm4b:s2+s4], $0x80, s9, s4, $0xb8;
	[tilespmem:$0x18C00] =	vst v63  }
0x32e: {  	s13 =	simm.s32 $0xF200;
	s12 =	sadd.s32 $0x40, s0  }
0x32f: {  	[tilespmem:s13], [sflag:$0x2] =	stream.indirect.gather [hbm4b:s2+s4], $0x80, s12, s4, $0xb8;
	[tilespmem:$0x18C00] =	vst v63  }
0x330: {  	s17 =	simm.s32 $0xFA00;
	s14 =	sadd.s32 $0x50, s0  }
0x331: {  	[tilespmem:s17], [sflag:$0x2] =	stream.indirect.gather [hbm4b:s2+s4], $0x80, s14, s4, $0xb8;
	[tilespmem:$0x18C00] =	vst v63  }
0x332: {  	s20 =	simm.s32 $0x10200;
	s18 =	sadd.s32 $0x60, s0  }
0x333: {  	[tilespmem:s20], [sflag:$0x2] =	stream.indirect.gather [hbm4b:s2+s4], $0x80, s18, s4, $0xb8;
	[tilespmem:$0x18C00] =	vst v63  }
0x334: {  	s23 =	simm.s32 $0x10A00;
	s22 =	sadd.s32 $0x70, s0  }
0x335: {  	[tilespmem:s23], [sflag:$0x2] =	stream.indirect.gather [hbm4b:s2+s4], $0x80, s22, s4, $0xb8;
	[tilespmem:$0x18C00] =	vst v63  }
0x336: {  	s29 =	simm.s32 $0x11200;
	s24 =	sadd.s32 $0x80, s0  }
0x337: {  	[tilespmem:s29], [sflag:$0x2] =	stream.indirect.gather [hbm4b:s2+s4], $0x80, s24, s4, $0xb8;
	[tilespmem:$0x18C00] =	vst v63  }
0x338: {  	s31 =	simm.s32 $0x11A00;
	s0 =	sadd.s32 $0x90, s0  }
0x339: {  	[tilespmem:s31], [sflag:$0x2] =	stream.indirect.gather [hbm4b:s2+s4], $0x80, s0, s4, $0xb8;
	[tilespmem:$0x18C00] =	vst v63  }
0x33a: {  	v0 =	vld [tilespmem:s25+$0x0];
	_ =	sdelay $0x4  }
0x33b: {  	v42 =	vshll.u32 v0, $0x4  }
0x33c: {  	(v2sf) =	vpush v42, $0x0  }
0x33d: {  	(v2sf) =	vpush v42, $0x1  }
0x33e: {  	(v2sf) =	vpush v42, $0x2;
	_ =	sdelay $0x1  }
0x33f: {  	(v2sf) =	vpush v42, $0x4;
	_ =	sdelay $0x1  }
0x340: {  	(v2sf) =	vpush v42, $0x3  }
0x341: {  	(v2sf) =	vpush v42, $0x5  }
0x342: {  	s1 =	simm.s32 $0x2000;
	s17 =	smov.u32 s25;
	s23 =	simm.s32 $0x0;
	(v2sf) =	vpush v42, $0x6  }
.LBB2_16:
0x343: {  	p0 =	sne.s32 s1, $0x14000  }
0x344: {  	s5 =	sadd.s32 $0x12280, s23;
	s0 =	sadd.s32 $0x12780, s23;
	s11 =	smov.u32 s1  }
0x345: {  	s1 =	sadd.s32 $0x2000, s1;
	s24 =	sadd.s32 $0x12580, s23;
	s9 =	sadd.s32 $0x12800, s23;
	(v2sf) =	vpush v42, $0x7  }
0x346: {  	s20 =	sadd.s32 $0x12480, s23;
	s22 =	sadd.s32 $0x12600, s23;
	s12 =	sadd.s32 $0x12880, s23  }
0x347: {  	s6 =	sadd.s32 $0x12200, s23;
	s7 =	sadd.s32 $0x12400, s23;
	(v2sf) =	vpush v42, $0x8  }
0x348: {  	s8 =	sadd.s32 $0x12500, s23;
	s17 =	sadd.s32 $0x10, s17  }
0x349: {  	s13 =	sadd.s32 $0x12300, s23;
	s4 =	sadd.s32 $0x12700, s23;
	s14 =	spop (v2sf);
	(v2sf) =	vpush v42, $0x9  }
0x34a: {  	s18 =	sadd.s32 $0x12680, s23;
	s14 =	sand.u32 $0x1FFFFFF0, s14;
	s29 =	spop (v2sf)  }
0x34b: {  	s14 =	sadd.s32 s2, s14;
	s29 =	sand.u32 $0x1FFFFFF0, s29;
	s31 =	spop (v2sf);
	(v2sf) =	vpush v42, $0xA  }
0x34c: {  	[tilespmem:s6], [sflag:$0x6] =	stream.linear.gather [hbm4b:s14+s3], $0x80, $0x38;
	[tilespmem:$0x18C00] =	vst v63  }
0x34d: {  	s6 =	sadd.s32 s2, s29;
	s14 =	sadd.s32 $0x12380, s23;
	s29 =	spop (v2sf);
	(v2sf) =	vpush v42, $0xB  }
0x34e: {  	[tilespmem:s5], [sflag:$0x6] =	stream.linear.gather [hbm4b:s6+s3], $0x80, $0x38;
	[tilespmem:$0x18C00] =	vst v63  }
0x34f: {  	s5 =	sand.u32 $0x1FFFFFF0, s31;
	s6 =	sand.u32 $0x1FFFFFF0, s29;
	s29 =	spop (v2sf);
	(v2sf) =	vpush v42, $0xC  }
0x350: {  	s5 =	sadd.s32 s2, s5;
	s29 =	sand.u32 $0x1FFFFFF0, s29;
	s31 =	spop (v2sf)  }
0x351: {  	[tilespmem:s13], [sflag:$0x6] =	stream.linear.gather [hbm4b:s5+s3], $0x80, $0x38;
	(v2sf) =	vpush v42, $0xD;
	[tilespmem:$0x18C00] =	vst v63  }
0x352: {  	s5 =	sadd.s32 s2, s29;
	s13 =	sand.u32 $0x1FFFFFF0, s31;
	s29 =	spop (v2sf)  }
0x353: {  	[tilespmem:s14], [sflag:$0x6] =	stream.linear.gather [hbm4b:s5+s3], $0x80, $0x38;
	(v2sf) =	vpush v42, $0xE;
	[tilespmem:$0x18C00] =	vst v63  }
0x354: {  	s5 =	sadd.s32 s2, s6;
	s6 =	sand.u32 $0x1FFFFFF0, s29;
	s14 =	spop (v2sf)  }
0x355: {  	[tilespmem:s7], [sflag:$0x6] =	stream.linear.gather [hbm4b:s5+s3], $0x80, $0x38;
	(v2sf) =	vpush v42, $0xF;
	[tilespmem:$0x18C00] =	vst v63  }
0x356: {  	s5 =	sadd.s32 s2, s13;
	s7 =	sand.u32 $0x1FFFFFF0, s14;
	s13 =	spop (v2sf)  }
0x357: {  	[tilespmem:s20], [sflag:$0x6] =	stream.linear.gather [hbm4b:s5+s3], $0x80, $0x38;
	[tilespmem:$0x18C00] =	vst v63  }
0x358: {  	s5 =	sadd.s32 s2, s6;
	s6 =	sand.u32 $0x1FFFFFF0, s13;
	s13 =	spop (v2sf)  }
0x359: {  	[tilespmem:s8], [sflag:$0x6] =	stream.linear.gather [hbm4b:s5+s3], $0x80, $0x38;
	[tilespmem:$0x18C00] =	vst v63  }
0x35a: {  	s5 =	sadd.s32 s2, s7;
	s7 =	sand.u32 $0x1FFFFFF0, s13;
	s8 =	spop (v2sf)  }
0x35b: {  	[tilespmem:s24], [sflag:$0x6] =	stream.linear.gather [hbm4b:s5+s3], $0x80, $0x38;
	[tilespmem:$0x18C00] =	vst v63  }
0x35c: {  	s5 =	sadd.s32 s2, s6;
	s6 =	sand.u32 $0x1FFFFFF0, s8;
	s8 =	spop (v2sf)  }
0x35d: {  	[tilespmem:s22], [sflag:$0x6] =	stream.linear.gather [hbm4b:s5+s3], $0x80, $0x38;
	[tilespmem:$0x18C00] =	vst v63  }
0x35e: {  	s5 =	sadd.s32 s2, s7;
	s7 =	sand.u32 $0x1FFFFFF0, s8;
	s8 =	spop (v2sf)  }
0x35f: {  	[tilespmem:s18], [sflag:$0x6] =	stream.linear.gather [hbm4b:s5+s3], $0x80, $0x38;
	[tilespmem:$0x18C00] =	vst v63  }
0x360: {  	s5 =	sadd.s32 s2, s6;
	s6 =	sand.u32 $0x1FFFFFF0, s8;
	s8 =	spop (v2sf)  }
0x361: {  	[tilespmem:s4], [sflag:$0x6] =	stream.linear.gather [hbm4b:s5+s3], $0x80, $0x38;
	[tilespmem:$0x18C00] =	vst v63  }
0x362: {  	s4 =	sadd.s32 s2, s7;
	s5 =	sand.u32 $0x1FFFFFF0, s8;
	s7 =	spop (v2sf)  }
0x363: {  	[tilespmem:s0], [sflag:$0x6] =	stream.linear.gather [hbm4b:s4+s3], $0x80, $0x38;
	[tilespmem:$0x18C00] =	vst v63  }
0x364: {  	s0 =	sadd.s32 s2, s6;
	s4 =	sand.u32 $0x1FFFFFF0, s7;
	s6 =	spop (v2sf)  }
0x365: {  	[tilespmem:s9], [sflag:$0x6] =	stream.linear.gather [hbm4b:s0+s3], $0x80, $0x38;
	[tilespmem:$0x18C00] =	vst v63  }
0x366: {  	s0 =	sadd.s32 s2, s5;
	s5 =	sand.u32 $0x1FFFFFF0, s6  }
0x367: {  	[tilespmem:s12], [sflag:$0x6] =	stream.linear.gather [hbm4b:s0+s3], $0x80, $0x38;
	[tilespmem:$0x18C00] =	vst v63  }
0x368: {  	s4 =	sadd.s32 s2, s4;
	s0 =	sadd.s32 $0x12900, s23  }
0x369: {  	[tilespmem:s0], [sflag:$0x6] =	stream.linear.gather [hbm4b:s4+s3], $0x80, $0x38;
	[tilespmem:$0x18C00] =	vst v63  }
0x36a: {  	s0 =	sadd.s32 $0x12980, s23;
	s4 =	sadd.s32 s2, s5  }
0x36b: {  	[tilespmem:s0], [sflag:$0x6] =	stream.linear.gather [hbm4b:s4+s3], $0x80, $0x38;
	[tilespmem:$0x18C00] =	vst v63  }
0x36c: {  	v0 =	vld [tilespmem:s17+$0x0];
	_ =	sdelay $0x4  }
0x36d: {  	v42 =	vshll.u32 v0, $0x4  }
0x36e: {  	(v2sf) =	vpush v42, $0x0  }
0x36f: {  	(v2sf) =	vpush v42, $0x1  }
0x370: {  	(v2sf) =	vpush v42, $0x2;
	_ =	sdelay $0x1  }
0x371: {  	(v2sf) =	vpush v42, $0x4  }
.Ltmp11:
0x372: {  	(pc) =	sbr.rel @p0 .LBB2_16-.Ltmp11, $3  }
0x373: {  	(v2sf) =	vpush v42, $0x3  }
0x374: {  	(v2sf) =	vpush v42, $0x5;
	_ =	sdelay $0x1  }
0x375: {  	s23 =	sshra.s32 s11, $0x2;
	(v2sf) =	vpush v42, $0x6  }
0x376: {  	_ =	sdelay $0x1  }
0x377: {  	s5 =	sadd.s32 $0x12280, s23  }
0x378: {  	s4 =	sadd.s32 $0x12780, s23;
	s6 =	sadd.s32 $0x12580, s23;
	s0 =	sadd.s32 $0x12800, s23;
	(v2sf) =	vpush v42, $0x7  }
0x379: {  	s7 =	sadd.s32 $0x12480, s23;
	s8 =	sadd.s32 $0x12600, s23;
	s1 =	sadd.s32 $0x12880, s23  }
0x37a: {  	s9 =	sadd.s32 $0x12200, s23;
	s11 =	sadd.s32 $0x12400, s23;
	(v2sf) =	vpush v42, $0x8;
	s13 =	spop (v2sf)  }
0x37b: {  	s12 =	sadd.s32 $0x12500, s23;
	s13 =	sand.u32 $0x1FFFFFF0, s13;
	s17 =	spop (v2sf)  }
0x37c: {  	(v2sf) =	vpush v42, $0x9;
	s13 =	sadd.s32 s2, s13;
	s17 =	sand.u32 $0x1FFFFFF0, s17;
	s18 =	spop (v2sf)  }
0x37d: {  	[tilespmem:s9], [sflag:$0x6] =	stream.linear.gather [hbm4b:s13+s3], $0x80, $0x38;
	[tilespmem:$0x18C00] =	vst v63  }
0x37e: {  	s14 =	sadd.s32 $0x12300, s23;
	(v2sf) =	vpush v42, $0xA;
	s29 =	sadd.s32 s2, s17;
	s31 =	spop (v2sf)  }
0x37f: {  	[tilespmem:s5], [sflag:$0x6] =	stream.linear.gather [hbm4b:s29+s3], $0x80, $0x38;
	[tilespmem:$0x18C00] =	vst v63  }
0x380: {  	s20 =	sadd.s32 $0x12380, s23;
	s22 =	sand.u32 $0x1FFFFFF0, s18;
	s24 =	spop (v2sf)  }
0x381: {  	s9 =	sadd.s32 $0x12700, s23;
	(v2sf) =	vpush v42, $0xB;
	s13 =	sadd.s32 s2, s22;
	s18 =	sand.u32 $0x1FFFFFF0, s24  }
0x382: {  	[tilespmem:s14], [sflag:$0x6] =	stream.linear.gather [hbm4b:s13+s3], $0x80, $0x38;
	[tilespmem:$0x18C00] =	vst v63  }
0x383: {  	s29 =	sand.u32 $0x1FFFFFF0, s31;
	s31 =	spop (v2sf);
	s22 =	sadd.s32 s2, s18  }
0x384: {  	(v2sf) =	vpush v42, $0xC;
	[tilespmem:s20], [sflag:$0x6] =	stream.linear.gather [hbm4b:s22+s3], $0x80, $0x38;
	[tilespmem:$0x18C00] =	vst v63  }
0x385: {  	s13 =	sadd.s32 s2, s29;
	s14 =	sand.u32 $0x1FFFFFF0, s31;
	s24 =	spop (v2sf)  }
0x386: {  	(v2sf) =	vpush v42, $0xD;
	[tilespmem:s11], [sflag:$0x6] =	stream.linear.gather [hbm4b:s13+s3], $0x80, $0x38;
	[tilespmem:$0x18C00] =	vst v63  }
0x387: {  	s14 =	sadd.s32 s2, s14;
	s29 =	sand.u32 $0x1FFFFFF0, s24;
	s31 =	spop (v2sf)  }
0x388: {  	(v2sf) =	vpush v42, $0xE;
	[tilespmem:s7], [sflag:$0x6] =	stream.linear.gather [hbm4b:s14+s3], $0x80, $0x38;
	[tilespmem:$0x18C00] =	vst v63  }
0x389: {  	s17 =	sand.u32 $0x1FFFFFF0, s31;
	s18 =	spop (v2sf);
	s11 =	sadd.s32 s2, s29  }
0x38a: {  	[tilespmem:s12], [sflag:$0x6] =	stream.linear.gather [hbm4b:s11+s3], $0x80, $0x38;
	[tilespmem:$0x18C00] =	vst v63  }
0x38b: {  	s20 =	sand.u32 $0x1FFFFFF0, s18;
	s7 =	sadd.s32 s2, s17;
	s22 =	spop (v2sf)  }
0x38c: {  	(v2sf) =	vpush v42, $0xF;
	[tilespmem:s6], [sflag:$0x6] =	stream.linear.gather [hbm4b:s7+s3], $0x80, $0x38;
	[tilespmem:$0x18C00] =	vst v63  }
0x38d: {  	s5 =	sadd.s32 $0x12680, s23;
	s11 =	sadd.s32 s2, s20;
	s29 =	spop (v2sf)  }
0x38e: {  	s24 =	sand.u32 $0x1FFFFFF0, s22;
	s22 =	sadd.s32 $0x12900, s23;
	s7 =	sand.u32 $0x1FFFFFF0, s29  }
0x38f: {  	[tilespmem:s8], [sflag:$0x6] =	stream.linear.gather [hbm4b:s11+s3], $0x80, $0x38;
	[tilespmem:$0x18C00] =	vst v63  }
0x390: {  	s6 =	sadd.s32 s2, s24;
	s24 =	sadd.s32 $0x12980, s23;
	s31 =	spop (v2sf)  }
0x391: {  	s29 =	rddreg [dreg:$0x3];
	s7 =	sadd.s32 s2, s7;
	s8 =	sand.u32 $0x1FFFFFF0, s31  }
0x392: {  	[tilespmem:s5], [sflag:$0x6] =	stream.linear.gather [hbm4b:s6+s3], $0x80, $0x38;
	[tilespmem:$0x18C00] =	vst v63  }
0x393: {  	s31 =	simm.s32 $0x18200;
	s11 =	spop (v2sf);
	s5 =	sadd.s32 s2, s8  }
0x394: {  	[tilespmem:s9], [sflag:$0x6] =	stream.linear.gather [hbm4b:s7+s3], $0x80, $0x38;
	[tilespmem:$0x18C00] =	vst v63  }
0x395: {  	s8 =	rddreg [dreg:$0x5];
	s6 =	sand.u32 $0x1FFFFFF0, s11;
	s12 =	spop (v2sf)  }
0x396: {  	[tilespmem:s4], [sflag:$0x6] =	stream.linear.gather [hbm4b:s5+s3], $0x80, $0x38;
	[tilespmem:$0x18C00] =	vst v63  }
0x397: {  	s13 =	sand.u32 $0x1FFFFFF0, s12;
	s6 =	sadd.s32 s2, s6;
	s14 =	spop (v2sf)  }
0x398: {  	[tilespmem:s0], [sflag:$0x6] =	stream.linear.gather [hbm4b:s6+s3], $0x80, $0x38;
	[tilespmem:$0x18C00] =	vst v63  }
0x399: {  	s17 =	sand.u32 $0x1FFFFFF0, s14;
	s4 =	sadd.s32 s2, s13;
	s13 =	rddreg [dreg:$0x7]  }
0x39a: {  	[tilespmem:s1], [sflag:$0x6] =	stream.linear.gather [hbm4b:s4+s3], $0x80, $0x38;
	[tilespmem:$0x18C00] =	vst v63  }
0x39b: {  	s18 =	spop (v2sf);
	s28 =	sadd.s32 s13, s28;
	s0 =	sadd.s32 s2, s17  }
0x39c: {  	[tilespmem:s22], [sflag:$0x6] =	stream.linear.gather [hbm4b:s0+s3], $0x80, $0x38;
	[tilespmem:$0x18C00] =	vst v63  }
.Ltmp12:
0x39d: {  	s20 =	sand.u32 $0x1FFFFFF0, s18;
	s0 =	sshll.u32 s28, $0x8;
	(pc) =	sbr.rel .LBB2_18-.Ltmp12, $4  }
0x39e: {  	s7 =	rddreg [dreg:$0x6];
	s1 =	sadd.s32 s2, s20;
	s0 =	sand.u32 $0x1FFFFF00, s0  }
0x39f: {  	[tilespmem:s24], [sflag:$0x6] =	stream.linear.gather [hbm4b:s1+s3], $0x80, $0x38;
	[tilespmem:$0x18C00] =	vst v63  }
0x3a0: {  	s14 =	simm.s32 $0x7;
	s6 =	rddreg [dreg:$0x4];
	s0 =	sadd.s32 s29, s0  }
0x3a1: {  	[tilespmem:s31], [sflag:$0x4] =	stream.linear.gather [hbm4b:s0+s3], $0x800, $0x38;
	[tilespmem:$0x18C00] =	vst v63  }
.LBB2_20:
0x3a2: {  	_ =	sfence.sel $0x180000  }
0x3a3: {  	[bflag:$0x0] =	sbarrier.arrive $0xFFFF  }
0x3a4: {  	_ =	strace $0x90000047  }
0x3a5: {  	s0 =	stileid.u32;
	[bflag:$0x2] =	sbarrier.arrive $0xFFFF  }
0x3a6: {  	p0 =	sne.s32 s0, $0x0;
	s0 =	rddreg [dreg:$0x2]  }
0x3a7: {  	s0 =	sadd.s32 @!p0 $0x100000, s0  }
0x3a8: {  	[sflag:s0] =	ssyncadd.tile.s32 @!p0 $0x1;
	_ =	shalt  }
.Lfunc_end2:
_tile_overlayer_lowered:
.L_overlay_start_2:
0x3a9: {  	(tag) =	ssettag $0x2  }
0x3aa: {  	s0 =	rddreg [dreg:$0x0];
	s2 =	stileid.u32  }
0x3ab: {  	s1 =	rddreg [dreg:$0x1];
	p0 =	sne.s32 s2, $0x0  }
0x3ac: {  	s3 =	rddreg [dreg:$0x2];
	[bflag:$0x3] =	sbarrier.arrive $0xFFFF;
	s2 =	simm.s32 @!p0 $0x1C07  }
0x3ad: {  	[timem:s3], [sflag:s2] =	dma.local @!p0 [hbm:s0], s1  }
0x3ae: {  	s0 =	simm.s32 @!p0 $0x7  }
0x3af: {  	_ =	swait.ge @!p0 [sflag:s0], s1  }
0x3b0: {  	s1 =	ssub.s32 @!p0 $0x0, s1;
	[sflag:s0] =	ssyncset.done @!p0 $0x0  }
0x3b1: {  	[sflag:s0] =	ssyncadd.s32 @!p0 s1  }
0x3b2: {  	[bflag:$0x3] =	sbarrier.arrive $0xFFFF  }
0x3b3: {  	_ =	shalt  }

</sc_bundles>
